<compile_context>
chip_gen: v7x
topology: tpu7x:2x2x1
jax: 0.10.2.dev20260603
libtpu: 0.0.44.dev20260713+nightly
codegen_flags: <defaults>
</compile_context>

<pallas_src>
import functools

import jax
import jax.numpy as jnp
from jax import lax
from jax.experimental import pallas as pl
from jax.experimental.pallas import tpu as pltpu
from jax.experimental.pallas import tpu_sc as plsc

NC = 2
NS = 16
L = 16

N_NODES = 10000
D = 128
DH = D // NC
NP = 10240
NPR = NP // L
N_EDGES = 320000
CH = 128
NCH = 160
EPT = CH * NCH
EP = NS * EPT
RPS = NP // NS
HRS = NPR // NS
NB = 4

_mesh = plsc.VectorSubcoreMesh(core_axis_name="c", subcore_axis_name="s")


def _rsqrt16(d):
    i = plsc.bitcast(d, jnp.int32)
    i = 0x5F3759DF - lax.shift_right_logical(i, 1)
    y = plsc.bitcast(i, jnp.float32)
    for _ in range(3):
        y = y * (1.5 - 0.5 * d * y * y)
    return y


@functools.partial(
    pl.kernel,
    out_type=[
        jax.ShapeDtypeStruct((NC, NP, DH), jnp.float32),
        jax.ShapeDtypeStruct((NP, DH), jnp.float32),
        jax.ShapeDtypeStruct((NP, DH), jnp.float32),
        jax.ShapeDtypeStruct((NC, NPR, L), jnp.float32),
    ],
    mesh=_mesh,
    scratch_types=[
        pltpu.VMEM((NCH, CH), jnp.int32),
        pltpu.VMEM((NCH, CH), jnp.int32),
        pltpu.VMEM((CH, DH), jnp.float32),
        pltpu.VMEM((CH, DH), jnp.float32),
        pltpu.VMEM((CH, DH), jnp.float32),
        pltpu.VMEM((CH, DH), jnp.float32),
        pltpu.VMEM((NPR, L), jnp.float32),
        pltpu.VMEM((HRS, L), jnp.float32),
        pltpu.VMEM((HRS, L), jnp.float32),
        pltpu.VMEM((5, CH), jnp.int32),
        pltpu.VMEM_SHARED((NP, DH), jnp.float32),
        pltpu.VMEM_SHARED((NPR, L), jnp.float32),
        pltpu.VMEM_SHARED((NPR, L), jnp.float32),
        pltpu.SemaphoreType.DMA,
        pltpu.SemaphoreType.DMA,
        pltpu.SemaphoreType.DMA,
        pltpu.SemaphoreType.DMA,
    ],
    compiler_params=pltpu.CompilerParams(needs_layout_passes=False,
                                         use_tc_tiling_on_sc=False),
)
def _sc_fused(x_lo_hbm, x_hi_hbm, src_hbm, dst_hbm, z1_hbm, z2_hbm,
              out_hbm, xs_lo_hbm, xs_hi_hbm, hd_hbm,
              src_v, dst_v, rows0, rows1, rows2, rows3,
              hist_v, deg_v, nsrc_v, idxio,
              acc, hs_s, hd_s, sem0, sem1, sem2, sem3):
    cid = lax.axis_index("c")
    sid = lax.axis_index("s")
    rb = sid * RPS
    hb = sid * HRS
    rows = (rows0, rows1, rows2, rows3)
    sems = (sem0, sem1, sem2, sem3)
    one = jnp.ones((L,), jnp.float32)

    c0 = pltpu.async_copy(z2_hbm, acc.at[pl.ds(rb, RPS)], sem0)
    c1 = pltpu.async_copy(src_hbm.at[sid], src_v, sem1)
    c2 = pltpu.async_copy(dst_hbm.at[sid], dst_v, sem2)
    c3 = pltpu.async_copy(z1_hbm, hist_v, sem3)
    c4 = pltpu.async_copy(z1_hbm.at[pl.ds(hb, HRS)],
                          hs_s.at[pl.ds(hb, HRS)], sem0)
    c5 = pltpu.async_copy(z1_hbm.at[pl.ds(hb, HRS)],
                          hd_s.at[pl.ds(hb, HRS)], sem1)
    for j in range(5):
        for k in range(CH // L):
            idxio[j, pl.ds(k * L, L)] = (
                lax.iota(jnp.int32, L) + (j * CH + k * L))
    c0.wait()
    c1.wait()
    c2.wait()
    c3.wait()
    c4.wait()
    c5.wait()

    @pl.loop(0, EPT // L, unroll=8)
    def _hist_src(i):
        o = pl.multiple_of(i * L, L)
        c = o // CH
        k = o - c * CH
        v = src_v[c, pl.ds(k, L)]
        plsc.addupdate_scatter(
            hist_v, [lax.shift_right_logical(v, 4), v & (L - 1)], one)

    plsc.subcore_barrier()
    for j in range(5):
        pltpu.sync_copy(hist_v.at[pl.ds(j * CH, CH)],
                        hs_s.at[idxio.at[j]], add=True)
    pltpu.sync_copy(z1_hbm, hist_v)

    @pl.loop(0, EPT // L // 2, unroll=8)
    def _hist_dst(i):
        o = pl.multiple_of(i * L, L) + cid * (EPT // 2)
        c = o // CH
        k = o - c * CH
        v = dst_v[c, pl.ds(k, L)]
        plsc.addupdate_scatter(
            hist_v, [lax.shift_right_logical(v, 4), v & (L - 1)], one)

    plsc.subcore_barrier()
    for j in range(5):
        pltpu.sync_copy(hist_v.at[pl.ds(j * CH, CH)],
                        hd_s.at[idxio.at[j]], add=True)
    plsc.subcore_barrier()

    pltpu.sync_copy(hs_s.at[pl.ds(hb, HRS)], deg_v)
    for j in range(HRS):
        nsrc_v[j] = _rsqrt16(jnp.maximum(deg_v[j], 1.0))
    pltpu.sync_copy(hd_s.at[pl.ds(hb, HRS)], hd_hbm.at[cid, pl.ds(hb, HRS)])

    def _half(x_hbm, xs_hbm):
        pltpu.async_copy(x_hbm.at[pl.ds(rb, CH)], rows[0], sems[0])
        for p in range(5):
            b = p % 2
            buf = rows[b]
            pltpu.make_async_copy(
                x_hbm.at[pl.ds(rb + p * CH, CH)], buf, sems[b]).wait()
            if p >= 1:
                pltpu.make_async_copy(
                    rows[1 - b], xs_hbm.at[pl.ds(rb + (p - 1) * CH, CH)],
                    sems[2 + (1 - b)]).wait()
            if p + 1 < 5:
                pltpu.async_copy(x_hbm.at[pl.ds(rb + (p + 1) * CH, CH)],
                                 rows[1 - b], sems[1 - b])

            @pl.loop(0, CH)
            def _scale(r):
                g = p * CH + r
                nv = plsc.load_gather(
                    nsrc_v, [jnp.full((L,), lax.shift_right_logical(g, 4),
                                      jnp.int32),
                             jnp.full((L,), g & (L - 1), jnp.int32)])
                for k in range(DH // L):
                    buf[r, pl.ds(k * L, L)] = buf[r, pl.ds(k * L, L)] * nv

            pltpu.async_copy(buf, xs_hbm.at[pl.ds(rb + p * CH, CH)],
                             sems[2 + b])
        pltpu.make_async_copy(
            rows[0], xs_hbm.at[pl.ds(rb + 4 * CH, CH)], sems[2]).wait()

        plsc.subcore_barrier()

        for j in range(NB):
            pltpu.async_copy(xs_hbm.at[src_v.at[j]], rows[j], sems[j])

        @pl.loop(0, NCH // NB)
        def _chunks(i):
            cc = i * NB
            for j in range(NB):
                pltpu.make_async_copy(
                    xs_hbm.at[src_v.at[cc + j]], rows[j], sems[j]).wait()
                pltpu.async_copy(
                    rows[j], acc.at[dst_v.at[cc + j]], sems[j], add=True)
            for j in range(NB):
                pltpu.make_async_copy(
                    rows[j], acc.at[dst_v.at[cc + j]], sems[j]).wait()

                @pl.when(cc + NB + j < NCH)
                def _():
                    pltpu.async_copy(
                        xs_hbm.at[src_v.at[cc + NB + j]], rows[j], sems[j])

    @pl.when(cid == 0)
    def _lo():
        _half(x_lo_hbm, xs_lo_hbm)

    @pl.when(cid == 1)
    def _hi():
        _half(x_hi_hbm, xs_hi_hbm)

    plsc.subcore_barrier()
    pltpu.sync_copy(acc.at[pl.ds(rb, RPS)], out_hbm.at[cid, pl.ds(rb, RPS)])


def _final_body(p_ref, hd_ref, w_ref, b_ref, o_ref):
    s = jnp.concatenate([p_ref[0], p_ref[1]], axis=-1)
    d = hd_ref[0] + hd_ref[1]
    nrm = lax.rsqrt(jnp.maximum(d, 1.0))
    h = jnp.dot(s, w_ref[...], preferred_element_type=jnp.float32,
                precision=lax.Precision.HIGHEST)
    o_ref[...] = h * nrm[:, None] + b_ref[0][None, :]


_BLKO = 1024
_tc_final = pl.pallas_call(
    _final_body,
    grid=(pl.cdiv(N_NODES, _BLKO),),
    in_specs=[
        pl.BlockSpec((NC, _BLKO, DH), lambda i: (0, i, 0)),
        pl.BlockSpec((NC, _BLKO), lambda i: (0, i)),
        pl.BlockSpec((D, D), lambda i: (0, 0)),
        pl.BlockSpec((1, D), lambda i: (0, 0)),
    ],
    out_specs=pl.BlockSpec((_BLKO, D), lambda i: (i, 0)),
    out_shape=jax.ShapeDtypeStruct((N_NODES, D), jnp.float32),
)


def kernel(x, edge_index, W, b):
    src = edge_index[0]
    dst = edge_index[1]
    pad = jnp.full((EP - N_EDGES,), N_NODES, dtype=jnp.int32)
    src_p = jnp.concatenate([src, pad]).reshape(NS, NCH, CH)
    dst_p = jnp.concatenate([dst, pad]).reshape(NS, NCH, CH)

    x_p = jnp.concatenate([x, jnp.zeros((NP - N_NODES, D), x.dtype)])
    z1 = jnp.zeros((NPR, L), jnp.float32)
    z2 = jnp.zeros((RPS, DH), jnp.float32)

    parts, _, _, hd = _sc_fused(x_p[:, :DH], x_p[:, DH:], src_p, dst_p,
                                z1, z2)

    return _tc_final(parts, hd.reshape(NC, NP), W, b.reshape(1, D))

# --- scband reference (transcript-rebuilt; emitter-appended) ---
"""Pipeline reference for scband-last-layer-4node-81123342287378 (READ-ONLY COPY).

The authoritative reference and input builder live on the scoring server;
editing this copy changes nothing except your own understanding.
"""

import jax, jax.numpy as jnp
import numpy as np

N_NODES = 10000
N_EDGES = 320000
D_IN = 128
D_OUT = 128


def setup_inputs(seed: int = 0) -> dict:
    key = jax.random.key(seed)
    k1, k2, k3 = jax.random.split(key, 3)
    x = jax.random.normal(k1, (N_NODES, D_IN), dtype=jnp.float32)
    edge_index = jax.random.randint(k2, (2, N_EDGES), 0, N_NODES, dtype=jnp.int32)
    W = jax.random.normal(k3, (D_IN, D_OUT), dtype=jnp.float32) * 0.05
    b = jnp.zeros((D_OUT,), dtype=jnp.float32)
    return {"x": x, "edge_index": edge_index, "W": W, "b": b}


def reference(x, edge_index, W, b):
    # DGL GraphConv with norm='both': out = D_dst^{-1/2} A D_src^{-1/2} (X W) + b
    N = x.shape[0]
    src = edge_index[0]
    dst = edge_index[1]
    ones = jnp.ones((src.shape[0],), dtype=jnp.float32)
    deg_out = jnp.zeros((N,), dtype=jnp.float32).at[src].add(ones)
    deg_in = jnp.zeros((N,), dtype=jnp.float32).at[dst].add(ones)
    norm_src = jax.lax.rsqrt(jnp.clip(deg_out, 1.0))
    norm_dst = jax.lax.rsqrt(jnp.clip(deg_in, 1.0))
    # in_feats == out_feats: multiply weight first (mult_W_first path in DGL)
    h = x @ W
    msg = jnp.take(h, src, axis=0) * norm_src[src][:, None]
    agg = jnp.zeros((N, h.shape[1]), dtype=h.dtype).at[dst].add(msg)
    out = agg * norm_dst[:, None] + b
    return out

if __name__ == "__main__":
    import jax
    _d = setup_inputs()
    print(jax.jit(kernel)(*tuple(_d.values())))

</pallas_src>

<mosaic_0001>
#map = affine_map<(d0, d1) -> (0, 0)>
#map1 = affine_map<(d0, d1) -> (0, 0, 0)>
module attributes {stable_mosaic.version = 14 : i64} {
  func.func @_sc_fused(%arg0: i32, %arg1: i32, %arg2: memref<10240x64xf32, #tpu.memory_space<hbm>>, %arg3: memref<10240x64xf32, #tpu.memory_space<hbm>>, %arg4: memref<16x160x128xi32, #tpu.memory_space<hbm>>, %arg5: memref<16x160x128xi32, #tpu.memory_space<hbm>>, %arg6: memref<640x16xf32, #tpu.memory_space<hbm>>, %arg7: memref<640x64xf32, #tpu.memory_space<hbm>>, %arg8: memref<2x10240x64xf32, #tpu.memory_space<hbm>>, %arg9: memref<10240x64xf32, #tpu.memory_space<hbm>>, %arg10: memref<10240x64xf32, #tpu.memory_space<hbm>>, %arg11: memref<2x640x16xf32, #tpu.memory_space<hbm>>, %arg12: memref<160x128xi32, #tpu.memory_space<vmem>>, %arg13: memref<160x128xi32, #tpu.memory_space<vmem>>, %arg14: memref<128x64xf32, #tpu.memory_space<vmem>>, %arg15: memref<128x64xf32, #tpu.memory_space<vmem>>, %arg16: memref<128x64xf32, #tpu.memory_space<vmem>>, %arg17: memref<128x64xf32, #tpu.memory_space<vmem>>, %arg18: memref<640x16xf32, #tpu.memory_space<vmem>>, %arg19: memref<40x16xf32, #tpu.memory_space<vmem>>, %arg20: memref<40x16xf32, #tpu.memory_space<vmem>>, %arg21: memref<5x128xi32, #tpu.memory_space<vmem>>, %arg22: memref<10240x64xf32, #tpu.memory_space<vmem_shared>>, %arg23: memref<640x16xf32, #tpu.memory_space<vmem_shared>>, %arg24: memref<640x16xf32, #tpu.memory_space<vmem_shared>>, %arg25: memref<!tpu.dma_semaphore, #tpu.memory_space<semaphore_mem>>, %arg26: memref<!tpu.dma_semaphore, #tpu.memory_space<semaphore_mem>>, %arg27: memref<!tpu.dma_semaphore, #tpu.memory_space<semaphore_mem>>, %arg28: memref<!tpu.dma_semaphore, #tpu.memory_space<semaphore_mem>>) attributes {dimension_semantics = [#tpu.dimension_semantics<core_parallel>, #tpu.dimension_semantics<subcore_parallel>], iteration_bounds = array<i64: 2, 16>, scalar_prefetch = 0 : i64, scratch_operands = 17 : i64, tpu.core_type = #tpu.core_type<sc_vector_subcore>, window_params = [{transform_indices = #map}, {transform_indices = #map}, {transform_indices = #map1}, {transform_indices = #map1}, {transform_indices = #map}, {transform_indices = #map}, {transform_indices = #map1}, {transform_indices = #map}, {transform_indices = #map}, {transform_indices = #map1}]} {
    %mul3A = arith.constant 640 : i32
    %mul3A_0 = arith.muli %arg1, %mul3A : i32
    %mul3A_1 = arith.constant 40 : i32
    %mul3A_2 = arith.muli %arg1, %mul3A_1 : i32
    %broadcast_in_dim3A = arith.constant 1.000000e+00 : f32
    %broadcast_in_dim3A_3 = vector.broadcast %broadcast_in_dim3A : f32 to vector<16xf32>
    %dma_start3A = arith.constant 0 : i32
    %dma_start3A_4 = tpu.memref_slice %arg22[%mul3A_0, %dma_start3A] : memref<10240x64xf32, #tpu.memory_space<vmem_shared>> -> memref<640x64xf32, #tpu.memory_space<vmem_shared>>
    tpu.enqueue_dma source(%arg7 : memref<640x64xf32, #tpu.memory_space<hbm>>) target(%dma_start3A_4 : memref<640x64xf32, #tpu.memory_space<vmem_shared>>) target_semaphore(%arg25 : memref<!tpu.dma_semaphore, #tpu.memory_space<semaphore_mem>>)
    %dma_start3A_5 = arith.constant 0 : i32
    %dma_start3A_6 = arith.constant 0 : i32
    %dma_start3A_7 = tpu.memref_slice %arg4[%arg1, %dma_start3A_5, %dma_start3A_6] : memref<16x160x128xi32, #tpu.memory_space<hbm>> -> memref<1x160x128xi32, #tpu.memory_space<hbm>>
    %dma_start3A_8 = tpu.memref_squeeze %dma_start3A_7 : memref<1x160x128xi32, #tpu.memory_space<hbm>> -> memref<160x128xi32, #tpu.memory_space<hbm>>
    %dma_start3A_9 = arith.constant 0 : i32
    %dma_start3A_10 = arith.constant 0 : i32
    %dma_start3A_11 = tpu.memref_slice %arg4[%arg1, %dma_start3A_9, %dma_start3A_10] : memref<16x160x128xi32, #tpu.memory_space<hbm>> -> memref<1x160x128xi32, #tpu.memory_space<hbm>>
    %dma_start3A_12 = tpu.memref_squeeze %dma_start3A_11 : memref<1x160x128xi32, #tpu.memory_space<hbm>> -> memref<160x128xi32, #tpu.memory_space<hbm>>
    tpu.enqueue_dma source(%dma_start3A_12 : memref<160x128xi32, #tpu.memory_space<hbm>>) target(%arg12 : memref<160x128xi32, #tpu.memory_space<vmem>>) target_semaphore(%arg26 : memref<!tpu.dma_semaphore, #tpu.memory_space<semaphore_mem>>)
    %dma_start3A_13 = arith.constant 0 : i32
    %dma_start3A_14 = arith.constant 0 : i32
    %dma_start3A_15 = tpu.memref_slice %arg5[%arg1, %dma_start3A_13, %dma_start3A_14] : memref<16x160x128xi32, #tpu.memory_space<hbm>> -> memref<1x160x128xi32, #tpu.memory_space<hbm>>
    %dma_start3A_16 = tpu.memref_squeeze %dma_start3A_15 : memref<1x160x128xi32, #tpu.memory_space<hbm>> -> memref<160x128xi32, #tpu.memory_space<hbm>>
    %dma_start3A_17 = arith.constant 0 : i32
    %dma_start3A_18 = arith.constant 0 : i32
    %dma_start3A_19 = tpu.memref_slice %arg5[%arg1, %dma_start3A_17, %dma_start3A_18] : memref<16x160x128xi32, #tpu.memory_space<hbm>> -> memref<1x160x128xi32, #tpu.memory_space<hbm>>
    %dma_start3A_20 = tpu.memref_squeeze %dma_start3A_19 : memref<1x160x128xi32, #tpu.memory_space<hbm>> -> memref<160x128xi32, #tpu.memory_space<hbm>>
    tpu.enqueue_dma source(%dma_start3A_20 : memref<160x128xi32, #tpu.memory_space<hbm>>) target(%arg13 : memref<160x128xi32, #tpu.memory_space<vmem>>) target_semaphore(%arg27 : memref<!tpu.dma_semaphore, #tpu.memory_space<semaphore_mem>>)
    tpu.enqueue_dma source(%arg6 : memref<640x16xf32, #tpu.memory_space<hbm>>) target(%arg18 : memref<640x16xf32, #tpu.memory_space<vmem>>) target_semaphore(%arg28 : memref<!tpu.dma_semaphore, #tpu.memory_space<semaphore_mem>>)
    %dma_start3A_21 = arith.constant 0 : i32
    %dma_start3A_22 = tpu.memref_slice %arg23[%mul3A_2, %dma_start3A_21] : memref<640x16xf32, #tpu.memory_space<vmem_shared>> -> memref<40x16xf32, #tpu.memory_space<vmem_shared>>
    %dma_start3A_23 = arith.constant 0 : i32
    %dma_start3A_24 = tpu.memref_slice %arg6[%mul3A_2, %dma_start3A_23] : memref<640x16xf32, #tpu.memory_space<hbm>> -> memref<40x16xf32, #tpu.memory_space<hbm>>
    tpu.enqueue_dma source(%dma_start3A_24 : memref<40x16xf32, #tpu.memory_space<hbm>>) target(%dma_start3A_22 : memref<40x16xf32, #tpu.memory_space<vmem_shared>>) target_semaphore(%arg25 : memref<!tpu.dma_semaphore, #tpu.memory_space<semaphore_mem>>)
    %dma_start3A_25 = arith.constant 0 : i32
    %dma_start3A_26 = tpu.memref_slice %arg24[%mul3A_2, %dma_start3A_25] : memref<640x16xf32, #tpu.memory_space<vmem_shared>> -> memref<40x16xf32, #tpu.memory_space<vmem_shared>>
    %dma_start3A_27 = arith.constant 0 : i32
    %dma_start3A_28 = tpu.memref_slice %arg6[%mul3A_2, %dma_start3A_27] : memref<640x16xf32, #tpu.memory_space<hbm>> -> memref<40x16xf32, #tpu.memory_space<hbm>>
    tpu.enqueue_dma source(%dma_start3A_28 : memref<40x16xf32, #tpu.memory_space<hbm>>) target(%dma_start3A_26 : memref<40x16xf32, #tpu.memory_space<vmem_shared>>) target_semaphore(%arg26 : memref<!tpu.dma_semaphore, #tpu.memory_space<semaphore_mem>>)
    %iota3A = tpu.iota {dimensions = array<i32: 0>} : vector<16xi32>
    %add3A = arith.constant 0 : i32
    %add3A_29 = vector.broadcast %add3A : i32 to vector<16xi32>
    %add3A_30 = arith.addi %iota3A, %add3A_29 : vector<16xi32>
    %swap3A = arith.constant 0 : i32
    %swap3A_31 = arith.index_cast %swap3A : i32 to index
    %swap3A_32 = arith.constant 0 : index
    %swap3A_33 = tpu.vector_load %arg21[%swap3A_31, %swap3A_32] {strides = array<i32>} : memref<5x128xi32, #tpu.memory_space<vmem>>, vector<16xi32>,
    tpu.vector_store %arg21[%swap3A_31, %swap3A_32], %add3A_30 {strides = array<i32>} : memref<5x128xi32, #tpu.memory_space<vmem>>, vector<16xi32>,
    %iota3A_34 = tpu.iota {dimensions = array<i32: 0>} : vector<16xi32>
    %add3A_35 = arith.constant 16 : i32
    %add3A_36 = vector.broadcast %add3A_35 : i32 to vector<16xi32>
    %add3A_37 = arith.addi %iota3A_34, %add3A_36 : vector<16xi32>
    %swap3A_38 = arith.constant 0 : i32
    %swap3A_39 = arith.index_cast %swap3A_38 : i32 to index
    %swap3A_40 = arith.constant 16 : index
    %swap3A_41 = tpu.vector_load %arg21[%swap3A_39, %swap3A_40] {strides = array<i32>} : memref<5x128xi32, #tpu.memory_space<vmem>>, vector<16xi32>,
    tpu.vector_store %arg21[%swap3A_39, %swap3A_40], %add3A_37 {strides = array<i32>} : memref<5x128xi32, #tpu.memory_space<vmem>>, vector<16xi32>,
    %iota3A_42 = tpu.iota {dimensions = array<i32: 0>} : vector<16xi32>
    %add3A_43 = arith.constant 32 : i32
    %add3A_44 = vector.broadcast %add3A_43 : i32 to vector<16xi32>
    %add3A_45 = arith.addi %iota3A_42, %add3A_44 : vector<16xi32>
    %swap3A_46 = arith.constant 0 : i32
    %swap3A_47 = arith.index_cast %swap3A_46 : i32 to index
    %swap3A_48 = arith.constant 32 : index
    %swap3A_49 = tpu.vector_load %arg21[%swap3A_47, %swap3A_48] {strides = array<i32>} : memref<5x128xi32, #tpu.memory_space<vmem>>, vector<16xi32>,
    tpu.vector_store %arg21[%swap3A_47, %swap3A_48], %add3A_45 {strides = array<i32>} : memref<5x128xi32, #tpu.memory_space<vmem>>, vector<16xi32>,
    %iota3A_50 = tpu.iota {dimensions = array<i32: 0>} : vector<16xi32>
    %add3A_51 = arith.constant 48 : i32
    %add3A_52 = vector.broadcast %add3A_51 : i32 to vector<16xi32>
    %add3A_53 = arith.addi %iota3A_50, %add3A_52 : vector<16xi32>
    %swap3A_54 = arith.constant 0 : i32
    %swap3A_55 = arith.index_cast %swap3A_54 : i32 to index
    %swap3A_56 = arith.constant 48 : index
    %swap3A_57 = tpu.vector_load %arg21[%swap3A_55, %swap3A_56] {strides = array<i32>} : memref<5x128xi32, #tpu.memory_space<vmem>>, vector<16xi32>,
    tpu.vector_store %arg21[%swap3A_55, %swap3A_56], %add3A_53 {strides = array<i32>} : memref<5x128xi32, #tpu.memory_space<vmem>>, vector<16xi32>,
    %iota3A_58 = tpu.iota {dimensions = array<i32: 0>} : vector<16xi32>
    %add3A_59 = arith.constant 64 : i32
    %add3A_60 = vector.broadcast %add3A_59 : i32 to vector<16xi32>
    %add3A_61 = arith.addi %iota3A_58, %add3A_60 : vector<16xi32>
    %swap3A_62 = arith.constant 0 : i32
    %swap3A_63 = arith.index_cast %swap3A_62 : i32 to index
    %swap3A_64 = arith.constant 64 : index
    %swap3A_65 = tpu.vector_load %arg21[%swap3A_63, %swap3A_64] {strides = array<i32>} : memref<5x128xi32, #tpu.memory_space<vmem>>, vector<16xi32>,
    tpu.vector_store %arg21[%swap3A_63, %swap3A_64], %add3A_61 {strides = array<i32>} : memref<5x128xi32, #tpu.memory_space<vmem>>, vector<16xi32>,
    %iota3A_66 = tpu.iota {dimensions = array<i32: 0>} : vector<16xi32>
    %add3A_67 = arith.constant 80 : i32
    %add3A_68 = vector.broadcast %add3A_67 : i32 to vector<16xi32>
    %add3A_69 = arith.addi %iota3A_66, %add3A_68 : vector<16xi32>
    %swap3A_70 = arith.constant 0 : i32
    %swap3A_71 = arith.index_cast %swap3A_70 : i32 to index
    %swap3A_72 = arith.constant 80 : index
    %swap3A_73 = tpu.vector_load %arg21[%swap3A_71, %swap3A_72] {strides = array<i32>} : memref<5x128xi32, #tpu.memory_space<vmem>>, vector<16xi32>,
    tpu.vector_store %arg21[%swap3A_71, %swap3A_72], %add3A_69 {strides = array<i32>} : memref<5x128xi32, #tpu.memory_space<vmem>>, vector<16xi32>,
    %iota3A_74 = tpu.iota {dimensions = array<i32: 0>} : vector<16xi32>
    %add3A_75 = arith.constant 96 : i32
    %add3A_76 = vector.broadcast %add3A_75 : i32 to vector<16xi32>
    %add3A_77 = arith.addi %iota3A_74, %add3A_76 : vector<16xi32>
    %swap3A_78 = arith.constant 0 : i32
    %swap3A_79 = arith.index_cast %swap3A_78 : i32 to index
    %swap3A_80 = arith.constant 96 : index
    %swap3A_81 = tpu.vector_load %arg21[%swap3A_79, %swap3A_80] {strides = array<i32>} : memref<5x128xi32, #tpu.memory_space<vmem>>, vector<16xi32>,
    tpu.vector_store %arg21[%swap3A_79, %swap3A_80], %add3A_77 {strides = array<i32>} : memref<5x128xi32, #tpu.memory_space<vmem>>, vector<16xi32>,
    %iota3A_82 = tpu.iota {dimensions = array<i32: 0>} : vector<16xi32>
    %add3A_83 = arith.constant 112 : i32
    %add3A_84 = vector.broadcast %add3A_83 : i32 to vector<16xi32>
    %add3A_85 = arith.addi %iota3A_82, %add3A_84 : vector<16xi32>
    %swap3A_86 = arith.constant 0 : i32
    %swap3A_87 = arith.index_cast %swap3A_86 : i32 to index
    %swap3A_88 = arith.constant 112 : index
    %swap3A_89 = tpu.vector_load %arg21[%swap3A_87, %swap3A_88] {strides = array<i32>} : memref<5x128xi32, #tpu.memory_space<vmem>>, vector<16xi32>,
    tpu.vector_store %arg21[%swap3A_87, %swap3A_88], %add3A_85 {strides = array<i32>} : memref<5x128xi32, #tpu.memory_space<vmem>>, vector<16xi32>,
    %iota3A_90 = tpu.iota {dimensions = array<i32: 0>} : vector<16xi32>
    %add3A_91 = arith.constant 128 : i32
    %add3A_92 = vector.broadcast %add3A_91 : i32 to vector<16xi32>
    %add3A_93 = arith.addi %iota3A_90, %add3A_92 : vector<16xi32>
    %swap3A_94 = arith.constant 1 : i32
    %swap3A_95 = arith.index_cast %swap3A_94 : i32 to index
    %swap3A_96 = arith.constant 0 : index
    %swap3A_97 = tpu.vector_load %arg21[%swap3A_95, %swap3A_96] {strides = array<i32>} : memref<5x128xi32, #tpu.memory_space<vmem>>, vector<16xi32>,
    tpu.vector_store %arg21[%swap3A_95, %swap3A_96], %add3A_93 {strides = array<i32>} : memref<5x128xi32, #tpu.memory_space<vmem>>, vector<16xi32>,
    %iota3A_98 = tpu.iota {dimensions = array<i32: 0>} : vector<16xi32>
    %add3A_99 = arith.constant 144 : i32
    %add3A_100 = vector.broadcast %add3A_99 : i32 to vector<16xi32>
    %add3A_101 = arith.addi %iota3A_98, %add3A_100 : vector<16xi32>
    %swap3A_102 = arith.constant 1 : i32
    %swap3A_103 = arith.index_cast %swap3A_102 : i32 to index
    %swap3A_104 = arith.constant 16 : index
    %swap3A_105 = tpu.vector_load %arg21[%swap3A_103, %swap3A_104] {strides = array<i32>} : memref<5x128xi32, #tpu.memory_space<vmem>>, vector<16xi32>,
    tpu.vector_store %arg21[%swap3A_103, %swap3A_104], %add3A_101 {strides = array<i32>} : memref<5x128xi32, #tpu.memory_space<vmem>>, vector<16xi32>,
    %iota3A_106 = tpu.iota {dimensions = array<i32: 0>} : vector<16xi32>
    %add3A_107 = arith.constant 160 : i32
    %add3A_108 = vector.broadcast %add3A_107 : i32 to vector<16xi32>
    %add3A_109 = arith.addi %iota3A_106, %add3A_108 : vector<16xi32>
    %swap3A_110 = arith.constant 1 : i32
    %swap3A_111 = arith.index_cast %swap3A_110 : i32 to index
    %swap3A_112 = arith.constant 32 : index
    %swap3A_113 = tpu.vector_load %arg21[%swap3A_111, %swap3A_112] {strides = array<i32>} : memref<5x128xi32, #tpu.memory_space<vmem>>, vector<16xi32>,
    tpu.vector_store %arg21[%swap3A_111, %swap3A_112], %add3A_109 {strides = array<i32>} : memref<5x128xi32, #tpu.memory_space<vmem>>, vector<16xi32>,
    %iota3A_114 = tpu.iota {dimensions = array<i32: 0>} : vector<16xi32>
    %add3A_115 = arith.constant 176 : i32
    %add3A_116 = vector.broadcast %add3A_115 : i32 to vector<16xi32>
    %add3A_117 = arith.addi %iota3A_114, %add3A_116 : vector<16xi32>
    %swap3A_118 = arith.constant 1 : i32
    %swap3A_119 = arith.index_cast %swap3A_118 : i32 to index
    %swap3A_120 = arith.constant 48 : index
    %swap3A_121 = tpu.vector_load %arg21[%swap3A_119, %swap3A_120] {strides = array<i32>} : memref<5x128xi32, #tpu.memory_space<vmem>>, vector<16xi32>,
    tpu.vector_store %arg21[%swap3A_119, %swap3A_120], %add3A_117 {strides = array<i32>} : memref<5x128xi32, #tpu.memory_space<vmem>>, vector<16xi32>,
    %iota3A_122 = tpu.iota {dimensions = array<i32: 0>} : vector<16xi32>
    %add3A_123 = arith.constant 192 : i32
    %add3A_124 = vector.broadcast %add3A_123 : i32 to vector<16xi32>
    %add3A_125 = arith.addi %iota3A_122, %add3A_124 : vector<16xi32>
    %swap3A_126 = arith.constant 1 : i32
    %swap3A_127 = arith.index_cast %swap3A_126 : i32 to index
    %swap3A_128 = arith.constant 64 : index
    %swap3A_129 = tpu.vector_load %arg21[%swap3A_127, %swap3A_128] {strides = array<i32>} : memref<5x128xi32, #tpu.memory_space<vmem>>, vector<16xi32>,
    tpu.vector_store %arg21[%swap3A_127, %swap3A_128], %add3A_125 {strides = array<i32>} : memref<5x128xi32, #tpu.memory_space<vmem>>, vector<16xi32>,
    %iota3A_130 = tpu.iota {dimensions = array<i32: 0>} : vector<16xi32>
    %add3A_131 = arith.constant 208 : i32
    %add3A_132 = vector.broadcast %add3A_131 : i32 to vector<16xi32>
    %add3A_133 = arith.addi %iota3A_130, %add3A_132 : vector<16xi32>
    %swap3A_134 = arith.constant 1 : i32
    %swap3A_135 = arith.index_cast %swap3A_134 : i32 to index
    %swap3A_136 = arith.constant 80 : index
    %swap3A_137 = tpu.vector_load %arg21[%swap3A_135, %swap3A_136] {strides = array<i32>} : memref<5x128xi32, #tpu.memory_space<vmem>>, vector<16xi32>,
    tpu.vector_store %arg21[%swap3A_135, %swap3A_136], %add3A_133 {strides = array<i32>} : memref<5x128xi32, #tpu.memory_space<vmem>>, vector<16xi32>,
    %iota3A_138 = tpu.iota {dimensions = array<i32: 0>} : vector<16xi32>
    %add3A_139 = arith.constant 224 : i32
    %add3A_140 = vector.broadcast %add3A_139 : i32 to vector<16xi32>
    %add3A_141 = arith.addi %iota3A_138, %add3A_140 : vector<16xi32>
    %swap3A_142 = arith.constant 1 : i32
    %swap3A_143 = arith.index_cast %swap3A_142 : i32 to index
    %swap3A_144 = arith.constant 96 : index
    %swap3A_145 = tpu.vector_load %arg21[%swap3A_143, %swap3A_144] {strides = array<i32>} : memref<5x128xi32, #tpu.memory_space<vmem>>, vector<16xi32>,
    tpu.vector_store %arg21[%swap3A_143, %swap3A_144], %add3A_141 {strides = array<i32>} : memref<5x128xi32, #tpu.memory_space<vmem>>, vector<16xi32>,
    %iota3A_146 = tpu.iota {dimensions = array<i32: 0>} : vector<16xi32>
    %add3A_147 = arith.constant 240 : i32
    %add3A_148 = vector.broadcast %add3A_147 : i32 to vector<16xi32>
    %add3A_149 = arith.addi %iota3A_146, %add3A_148 : vector<16xi32>
    %swap3A_150 = arith.constant 1 : i32
    %swap3A_151 = arith.index_cast %swap3A_150 : i32 to index
    %swap3A_152 = arith.constant 112 : index
    %swap3A_153 = tpu.vector_load %arg21[%swap3A_151, %swap3A_152] {strides = array<i32>} : memref<5x128xi32, #tpu.memory_space<vmem>>, vector<16xi32>,
    tpu.vector_store %arg21[%swap3A_151, %swap3A_152], %add3A_149 {strides = array<i32>} : memref<5x128xi32, #tpu.memory_space<vmem>>, vector<16xi32>,
    %iota3A_154 = tpu.iota {dimensions = array<i32: 0>} : vector<16xi32>
    %add3A_155 = arith.constant 256 : i32
    %add3A_156 = vector.broadcast %add3A_155 : i32 to vector<16xi32>
    %add3A_157 = arith.addi %iota3A_154, %add3A_156 : vector<16xi32>
    %swap3A_158 = arith.constant 2 : i32
    %swap3A_159 = arith.index_cast %swap3A_158 : i32 to index
    %swap3A_160 = arith.constant 0 : index
    %swap3A_161 = tpu.vector_load %arg21[%swap3A_159, %swap3A_160] {strides = array<i32>} : memref<5x128xi32, #tpu.memory_space<vmem>>, vector<16xi32>,
    tpu.vector_store %arg21[%swap3A_159, %swap3A_160], %add3A_157 {strides = array<i32>} : memref<5x128xi32, #tpu.memory_space<vmem>>, vector<16xi32>,
    %iota3A_162 = tpu.iota {dimensions = array<i32: 0>} : vector<16xi32>
    %add3A_163 = arith.constant 272 : i32
    %add3A_164 = vector.broadcast %add3A_163 : i32 to vector<16xi32>
    %add3A_165 = arith.addi %iota3A_162, %add3A_164 : vector<16xi32>
    %swap3A_166 = arith.constant 2 : i32
    %swap3A_167 = arith.index_cast %swap3A_166 : i32 to index
    %swap3A_168 = arith.constant 16 : index
    %swap3A_169 = tpu.vector_load %arg21[%swap3A_167, %swap3A_168] {strides = array<i32>} : memref<5x128xi32, #tpu.memory_space<vmem>>, vector<16xi32>,
    tpu.vector_store %arg21[%swap3A_167, %swap3A_168], %add3A_165 {strides = array<i32>} : memref<5x128xi32, #tpu.memory_space<vmem>>, vector<16xi32>,
    %iota3A_170 = tpu.iota {dimensions = array<i32: 0>} : vector<16xi32>
    %add3A_171 = arith.constant 288 : i32
    %add3A_172 = vector.broadcast %add3A_171 : i32 to vector<16xi32>
    %add3A_173 = arith.addi %iota3A_170, %add3A_172 : vector<16xi32>
    %swap3A_174 = arith.constant 2 : i32
    %swap3A_175 = arith.index_cast %swap3A_174 : i32 to index
    %swap3A_176 = arith.constant 32 : index
    %swap3A_177 = tpu.vector_load %arg21[%swap3A_175, %swap3A_176] {strides = array<i32>} : memref<5x128xi32, #tpu.memory_space<vmem>>, vector<16xi32>,
    tpu.vector_store %arg21[%swap3A_175, %swap3A_176], %add3A_173 {strides = array<i32>} : memref<5x128xi32, #tpu.memory_space<vmem>>, vector<16xi32>,
    %iota3A_178 = tpu.iota {dimensions = array<i32: 0>} : vector<16xi32>
    %add3A_179 = arith.constant 304 : i32
    %add3A_180 = vector.broadcast %add3A_179 : i32 to vector<16xi32>
    %add3A_181 = arith.addi %iota3A_178, %add3A_180 : vector<16xi32>
    %swap3A_182 = arith.constant 2 : i32
    %swap3A_183 = arith.index_cast %swap3A_182 : i32 to index
    %swap3A_184 = arith.constant 48 : index
    %swap3A_185 = tpu.vector_load %arg21[%swap3A_183, %swap3A_184] {strides = array<i32>} : memref<5x128xi32, #tpu.memory_space<vmem>>, vector<16xi32>,
    tpu.vector_store %arg21[%swap3A_183, %swap3A_184], %add3A_181 {strides = array<i32>} : memref<5x128xi32, #tpu.memory_space<vmem>>, vector<16xi32>,
    %iota3A_186 = tpu.iota {dimensions = array<i32: 0>} : vector<16xi32>
    %add3A_187 = arith.constant 320 : i32
    %add3A_188 = vector.broadcast %add3A_187 : i32 to vector<16xi32>
    %add3A_189 = arith.addi %iota3A_186, %add3A_188 : vector<16xi32>
    %swap3A_190 = arith.constant 2 : i32
    %swap3A_191 = arith.index_cast %swap3A_190 : i32 to index
    %swap3A_192 = arith.constant 64 : index
    %swap3A_193 = tpu.vector_load %arg21[%swap3A_191, %swap3A_192] {strides = array<i32>} : memref<5x128xi32, #tpu.memory_space<vmem>>, vector<16xi32>,
    tpu.vector_store %arg21[%swap3A_191, %swap3A_192], %add3A_189 {strides = array<i32>} : memref<5x128xi32, #tpu.memory_space<vmem>>, vector<16xi32>,
    %iota3A_194 = tpu.iota {dimensions = array<i32: 0>} : vector<16xi32>
    %add3A_195 = arith.constant 336 : i32
    %add3A_196 = vector.broadcast %add3A_195 : i32 to vector<16xi32>
    %add3A_197 = arith.addi %iota3A_194, %add3A_196 : vector<16xi32>
    %swap3A_198 = arith.constant 2 : i32
    %swap3A_199 = arith.index_cast %swap3A_198 : i32 to index
    %swap3A_200 = arith.constant 80 : index
    %swap3A_201 = tpu.vector_load %arg21[%swap3A_199, %swap3A_200] {strides = array<i32>} : memref<5x128xi32, #tpu.memory_space<vmem>>, vector<16xi32>,
    tpu.vector_store %arg21[%swap3A_199, %swap3A_200], %add3A_197 {strides = array<i32>} : memref<5x128xi32, #tpu.memory_space<vmem>>, vector<16xi32>,
    %iota3A_202 = tpu.iota {dimensions = array<i32: 0>} : vector<16xi32>
    %add3A_203 = arith.constant 352 : i32
    %add3A_204 = vector.broadcast %add3A_203 : i32 to vector<16xi32>
    %add3A_205 = arith.addi %iota3A_202, %add3A_204 : vector<16xi32>
    %swap3A_206 = arith.constant 2 : i32
    %swap3A_207 = arith.index_cast %swap3A_206 : i32 to index
    %swap3A_208 = arith.constant 96 : index
    %swap3A_209 = tpu.vector_load %arg21[%swap3A_207, %swap3A_208] {strides = array<i32>} : memref<5x128xi32, #tpu.memory_space<vmem>>, vector<16xi32>,
    tpu.vector_store %arg21[%swap3A_207, %swap3A_208], %add3A_205 {strides = array<i32>} : memref<5x128xi32, #tpu.memory_space<vmem>>, vector<16xi32>,
    %iota3A_210 = tpu.iota {dimensions = array<i32: 0>} : vector<16xi32>
    %add3A_211 = arith.constant 368 : i32
    %add3A_212 = vector.broadcast %add3A_211 : i32 to vector<16xi32>
    %add3A_213 = arith.addi %iota3A_210, %add3A_212 : vector<16xi32>
    %swap3A_214 = arith.constant 2 : i32
    %swap3A_215 = arith.index_cast %swap3A_214 : i32 to index
    %swap3A_216 = arith.constant 112 : index
    %swap3A_217 = tpu.vector_load %arg21[%swap3A_215, %swap3A_216] {strides = array<i32>} : memref<5x128xi32, #tpu.memory_space<vmem>>, vector<16xi32>,
    tpu.vector_store %arg21[%swap3A_215, %swap3A_216], %add3A_213 {strides = array<i32>} : memref<5x128xi32, #tpu.memory_space<vmem>>, vector<16xi32>,
    %iota3A_218 = tpu.iota {dimensions = array<i32: 0>} : vector<16xi32>
    %add3A_219 = arith.constant 384 : i32
    %add3A_220 = vector.broadcast %add3A_219 : i32 to vector<16xi32>
    %add3A_221 = arith.addi %iota3A_218, %add3A_220 : vector<16xi32>
    %swap3A_222 = arith.constant 3 : i32
    %swap3A_223 = arith.index_cast %swap3A_222 : i32 to index
    %swap3A_224 = arith.constant 0 : index
    %swap3A_225 = tpu.vector_load %arg21[%swap3A_223, %swap3A_224] {strides = array<i32>} : memref<5x128xi32, #tpu.memory_space<vmem>>, vector<16xi32>,
    tpu.vector_store %arg21[%swap3A_223, %swap3A_224], %add3A_221 {strides = array<i32>} : memref<5x128xi32, #tpu.memory_space<vmem>>, vector<16xi32>,
    %iota3A_226 = tpu.iota {dimensions = array<i32: 0>} : vector<16xi32>
    %add3A_227 = arith.constant 400 : i32
    %add3A_228 = vector.broadcast %add3A_227 : i32 to vector<16xi32>
    %add3A_229 = arith.addi %iota3A_226, %add3A_228 : vector<16xi32>
    %swap3A_230 = arith.constant 3 : i32
    %swap3A_231 = arith.index_cast %swap3A_230 : i32 to index
    %swap3A_232 = arith.constant 16 : index
    %swap3A_233 = tpu.vector_load %arg21[%swap3A_231, %swap3A_232] {strides = array<i32>} : memref<5x128xi32, #tpu.memory_space<vmem>>, vector<16xi32>,
    tpu.vector_store %arg21[%swap3A_231, %swap3A_232], %add3A_229 {strides = array<i32>} : memref<5x128xi32, #tpu.memory_space<vmem>>, vector<16xi32>,
    %iota3A_234 = tpu.iota {dimensions = array<i32: 0>} : vector<16xi32>
    %add3A_235 = arith.constant 416 : i32
    %add3A_236 = vector.broadcast %add3A_235 : i32 to vector<16xi32>
    %add3A_237 = arith.addi %iota3A_234, %add3A_236 : vector<16xi32>
    %swap3A_238 = arith.constant 3 : i32
    %swap3A_239 = arith.index_cast %swap3A_238 : i32 to index
    %swap3A_240 = arith.constant 32 : index
    %swap3A_241 = tpu.vector_load %arg21[%swap3A_239, %swap3A_240] {strides = array<i32>} : memref<5x128xi32, #tpu.memory_space<vmem>>, vector<16xi32>,
    tpu.vector_store %arg21[%swap3A_239, %swap3A_240], %add3A_237 {strides = array<i32>} : memref<5x128xi32, #tpu.memory_space<vmem>>, vector<16xi32>,
    %iota3A_242 = tpu.iota {dimensions = array<i32: 0>} : vector<16xi32>
    %add3A_243 = arith.constant 432 : i32
    %add3A_244 = vector.broadcast %add3A_243 : i32 to vector<16xi32>
    %add3A_245 = arith.addi %iota3A_242, %add3A_244 : vector<16xi32>
    %swap3A_246 = arith.constant 3 : i32
    %swap3A_247 = arith.index_cast %swap3A_246 : i32 to index
    %swap3A_248 = arith.constant 48 : index
    %swap3A_249 = tpu.vector_load %arg21[%swap3A_247, %swap3A_248] {strides = array<i32>} : memref<5x128xi32, #tpu.memory_space<vmem>>, vector<16xi32>,
    tpu.vector_store %arg21[%swap3A_247, %swap3A_248], %add3A_245 {strides = array<i32>} : memref<5x128xi32, #tpu.memory_space<vmem>>, vector<16xi32>,
    %iota3A_250 = tpu.iota {dimensions = array<i32: 0>} : vector<16xi32>
    %add3A_251 = arith.constant 448 : i32
    %add3A_252 = vector.broadcast %add3A_251 : i32 to vector<16xi32>
    %add3A_253 = arith.addi %iota3A_250, %add3A_252 : vector<16xi32>
    %swap3A_254 = arith.constant 3 : i32
    %swap3A_255 = arith.index_cast %swap3A_254 : i32 to index
    %swap3A_256 = arith.constant 64 : index
    %swap3A_257 = tpu.vector_load %arg21[%swap3A_255, %swap3A_256] {strides = array<i32>} : memref<5x128xi32, #tpu.memory_space<vmem>>, vector<16xi32>,
    tpu.vector_store %arg21[%swap3A_255, %swap3A_256], %add3A_253 {strides = array<i32>} : memref<5x128xi32, #tpu.memory_space<vmem>>, vector<16xi32>,
    %iota3A_258 = tpu.iota {dimensions = array<i32: 0>} : vector<16xi32>
    %add3A_259 = arith.constant 464 : i32
    %add3A_260 = vector.broadcast %add3A_259 : i32 to vector<16xi32>
    %add3A_261 = arith.addi %iota3A_258, %add3A_260 : vector<16xi32>
    %swap3A_262 = arith.constant 3 : i32
    %swap3A_263 = arith.index_cast %swap3A_262 : i32 to index
    %swap3A_264 = arith.constant 80 : index
    %swap3A_265 = tpu.vector_load %arg21[%swap3A_263, %swap3A_264] {strides = array<i32>} : memref<5x128xi32, #tpu.memory_space<vmem>>, vector<16xi32>,
    tpu.vector_store %arg21[%swap3A_263, %swap3A_264], %add3A_261 {strides = array<i32>} : memref<5x128xi32, #tpu.memory_space<vmem>>, vector<16xi32>,
    %iota3A_266 = tpu.iota {dimensions = array<i32: 0>} : vector<16xi32>
    %add3A_267 = arith.constant 480 : i32
    %add3A_268 = vector.broadcast %add3A_267 : i32 to vector<16xi32>
    %add3A_269 = arith.addi %iota3A_266, %add3A_268 : vector<16xi32>
    %swap3A_270 = arith.constant 3 : i32
    %swap3A_271 = arith.index_cast %swap3A_270 : i32 to index
    %swap3A_272 = arith.constant 96 : index
    %swap3A_273 = tpu.vector_load %arg21[%swap3A_271, %swap3A_272] {strides = array<i32>} : memref<5x128xi32, #tpu.memory_space<vmem>>, vector<16xi32>,
    tpu.vector_store %arg21[%swap3A_271, %swap3A_272], %add3A_269 {strides = array<i32>} : memref<5x128xi32, #tpu.memory_space<vmem>>, vector<16xi32>,
    %iota3A_274 = tpu.iota {dimensions = array<i32: 0>} : vector<16xi32>
    %add3A_275 = arith.constant 496 : i32
    %add3A_276 = vector.broadcast %add3A_275 : i32 to vector<16xi32>
    %add3A_277 = arith.addi %iota3A_274, %add3A_276 : vector<16xi32>
    %swap3A_278 = arith.constant 3 : i32
    %swap3A_279 = arith.index_cast %swap3A_278 : i32 to index
    %swap3A_280 = arith.constant 112 : index
    %swap3A_281 = tpu.vector_load %arg21[%swap3A_279, %swap3A_280] {strides = array<i32>} : memref<5x128xi32, #tpu.memory_space<vmem>>, vector<16xi32>,
    tpu.vector_store %arg21[%swap3A_279, %swap3A_280], %add3A_277 {strides = array<i32>} : memref<5x128xi32, #tpu.memory_space<vmem>>, vector<16xi32>,
    %iota3A_282 = tpu.iota {dimensions = array<i32: 0>} : vector<16xi32>
    %add3A_283 = arith.constant 512 : i32
    %add3A_284 = vector.broadcast %add3A_283 : i32 to vector<16xi32>
    %add3A_285 = arith.addi %iota3A_282, %add3A_284 : vector<16xi32>
    %swap3A_286 = arith.constant 4 : i32
    %swap3A_287 = arith.index_cast %swap3A_286 : i32 to index
    %swap3A_288 = arith.constant 0 : index
    %swap3A_289 = tpu.vector_load %arg21[%swap3A_287, %swap3A_288] {strides = array<i32>} : memref<5x128xi32, #tpu.memory_space<vmem>>, vector<16xi32>,
    tpu.vector_store %arg21[%swap3A_287, %swap3A_288], %add3A_285 {strides = array<i32>} : memref<5x128xi32, #tpu.memory_space<vmem>>, vector<16xi32>,
    %iota3A_290 = tpu.iota {dimensions = array<i32: 0>} : vector<16xi32>
    %add3A_291 = arith.constant 528 : i32
    %add3A_292 = vector.broadcast %add3A_291 : i32 to vector<16xi32>
    %add3A_293 = arith.addi %iota3A_290, %add3A_292 : vector<16xi32>
    %swap3A_294 = arith.constant 4 : i32
    %swap3A_295 = arith.index_cast %swap3A_294 : i32 to index
    %swap3A_296 = arith.constant 16 : index
    %swap3A_297 = tpu.vector_load %arg21[%swap3A_295, %swap3A_296] {strides = array<i32>} : memref<5x128xi32, #tpu.memory_space<vmem>>, vector<16xi32>,
    tpu.vector_store %arg21[%swap3A_295, %swap3A_296], %add3A_293 {strides = array<i32>} : memref<5x128xi32, #tpu.memory_space<vmem>>, vector<16xi32>,
    %iota3A_298 = tpu.iota {dimensions = array<i32: 0>} : vector<16xi32>
    %add3A_299 = arith.constant 544 : i32
    %add3A_300 = vector.broadcast %add3A_299 : i32 to vector<16xi32>
    %add3A_301 = arith.addi %iota3A_298, %add3A_300 : vector<16xi32>
    %swap3A_302 = arith.constant 4 : i32
    %swap3A_303 = arith.index_cast %swap3A_302 : i32 to index
    %swap3A_304 = arith.constant 32 : index
    %swap3A_305 = tpu.vector_load %arg21[%swap3A_303, %swap3A_304] {strides = array<i32>} : memref<5x128xi32, #tpu.memory_space<vmem>>, vector<16xi32>,
    tpu.vector_store %arg21[%swap3A_303, %swap3A_304], %add3A_301 {strides = array<i32>} : memref<5x128xi32, #tpu.memory_space<vmem>>, vector<16xi32>,
    %iota3A_306 = tpu.iota {dimensions = array<i32: 0>} : vector<16xi32>
    %add3A_307 = arith.constant 560 : i32
    %add3A_308 = vector.broadcast %add3A_307 : i32 to vector<16xi32>
    %add3A_309 = arith.addi %iota3A_306, %add3A_308 : vector<16xi32>
    %swap3A_310 = arith.constant 4 : i32
    %swap3A_311 = arith.index_cast %swap3A_310 : i32 to index
    %swap3A_312 = arith.constant 48 : index
    %swap3A_313 = tpu.vector_load %arg21[%swap3A_311, %swap3A_312] {strides = array<i32>} : memref<5x128xi32, #tpu.memory_space<vmem>>, vector<16xi32>,
    tpu.vector_store %arg21[%swap3A_311, %swap3A_312], %add3A_309 {strides = array<i32>} : memref<5x128xi32, #tpu.memory_space<vmem>>, vector<16xi32>,
    %iota3A_314 = tpu.iota {dimensions = array<i32: 0>} : vector<16xi32>
    %add3A_315 = arith.constant 576 : i32
    %add3A_316 = vector.broadcast %add3A_315 : i32 to vector<16xi32>
    %add3A_317 = arith.addi %iota3A_314, %add3A_316 : vector<16xi32>
    %swap3A_318 = arith.constant 4 : i32
    %swap3A_319 = arith.index_cast %swap3A_318 : i32 to index
    %swap3A_320 = arith.constant 64 : index
    %swap3A_321 = tpu.vector_load %arg21[%swap3A_319, %swap3A_320] {strides = array<i32>} : memref<5x128xi32, #tpu.memory_space<vmem>>, vector<16xi32>,
    tpu.vector_store %arg21[%swap3A_319, %swap3A_320], %add3A_317 {strides = array<i32>} : memref<5x128xi32, #tpu.memory_space<vmem>>, vector<16xi32>,
    %iota3A_322 = tpu.iota {dimensions = array<i32: 0>} : vector<16xi32>
    %add3A_323 = arith.constant 592 : i32
    %add3A_324 = vector.broadcast %add3A_323 : i32 to vector<16xi32>
    %add3A_325 = arith.addi %iota3A_322, %add3A_324 : vector<16xi32>
    %swap3A_326 = arith.constant 4 : i32
    %swap3A_327 = arith.index_cast %swap3A_326 : i32 to index
    %swap3A_328 = arith.constant 80 : index
    %swap3A_329 = tpu.vector_load %arg21[%swap3A_327, %swap3A_328] {strides = array<i32>} : memref<5x128xi32, #tpu.memory_space<vmem>>, vector<16xi32>,
    tpu.vector_store %arg21[%swap3A_327, %swap3A_328], %add3A_325 {strides = array<i32>} : memref<5x128xi32, #tpu.memory_space<vmem>>, vector<16xi32>,
    %iota3A_330 = tpu.iota {dimensions = array<i32: 0>} : vector<16xi32>
    %add3A_331 = arith.constant 608 : i32
    %add3A_332 = vector.broadcast %add3A_331 : i32 to vector<16xi32>
    %add3A_333 = arith.addi %iota3A_330, %add3A_332 : vector<16xi32>
    %swap3A_334 = arith.constant 4 : i32
    %swap3A_335 = arith.index_cast %swap3A_334 : i32 to index
    %swap3A_336 = arith.constant 96 : index
    %swap3A_337 = tpu.vector_load %arg21[%swap3A_335, %swap3A_336] {strides = array<i32>} : memref<5x128xi32, #tpu.memory_space<vmem>>, vector<16xi32>,
    tpu.vector_store %arg21[%swap3A_335, %swap3A_336], %add3A_333 {strides = array<i32>} : memref<5x128xi32, #tpu.memory_space<vmem>>, vector<16xi32>,
    %iota3A_338 = tpu.iota {dimensions = array<i32: 0>} : vector<16xi32>
    %add3A_339 = arith.constant 624 : i32
    %add3A_340 = vector.broadcast %add3A_339 : i32 to vector<16xi32>
    %add3A_341 = arith.addi %iota3A_338, %add3A_340 : vector<16xi32>
    %swap3A_342 = arith.constant 4 : i32
    %swap3A_343 = arith.index_cast %swap3A_342 : i32 to index
    %swap3A_344 = arith.constant 112 : index
    %swap3A_345 = tpu.vector_load %arg21[%swap3A_343, %swap3A_344] {strides = array<i32>} : memref<5x128xi32, #tpu.memory_space<vmem>>, vector<16xi32>,
    tpu.vector_store %arg21[%swap3A_343, %swap3A_344], %add3A_341 {strides = array<i32>} : memref<5x128xi32, #tpu.memory_space<vmem>>, vector<16xi32>,
    %dma_wait3A = arith.constant 0 : i32
    %dma_wait3A_346 = tpu.memref_slice %arg22[%mul3A_0, %dma_wait3A] : memref<10240x64xf32, #tpu.memory_space<vmem_shared>> -> memref<640x64xf32, #tpu.memory_space<vmem_shared>>
    tpu.wait_dma2 semaphore(%arg25 : memref<!tpu.dma_semaphore, #tpu.memory_space<semaphore_mem>>) src(%arg7 : memref<640x64xf32, #tpu.memory_space<hbm>>) dst(%dma_wait3A_346 : memref<640x64xf32, #tpu.memory_space<vmem_shared>>)
    %dma_wait3A_347 = arith.constant 0 : i32
    %dma_wait3A_348 = arith.constant 0 : i32
    %dma_wait3A_349 = tpu.memref_slice %arg4[%arg1, %dma_wait3A_347, %dma_wait3A_348] : memref<16x160x128xi32, #tpu.memory_space<hbm>> -> memref<1x160x128xi32, #tpu.memory_space<hbm>>
    %dma_wait3A_350 = tpu.memref_squeeze %dma_wait3A_349 : memref<1x160x128xi32, #tpu.memory_space<hbm>> -> memref<160x128xi32, #tpu.memory_space<hbm>>
    %dma_wait3A_351 = arith.constant 0 : i32
    %dma_wait3A_352 = arith.constant 0 : i32
    %dma_wait3A_353 = tpu.memref_slice %arg4[%arg1, %dma_wait3A_351, %dma_wait3A_352] : memref<16x160x128xi32, #tpu.memory_space<hbm>> -> memref<1x160x128xi32, #tpu.memory_space<hbm>>
    %dma_wait3A_354 = tpu.memref_squeeze %dma_wait3A_353 : memref<1x160x128xi32, #tpu.memory_space<hbm>> -> memref<160x128xi32, #tpu.memory_space<hbm>>
    tpu.wait_dma2 semaphore(%arg26 : memref<!tpu.dma_semaphore, #tpu.memory_space<semaphore_mem>>) src(%dma_wait3A_354 : memref<160x128xi32, #tpu.memory_space<hbm>>) dst(%arg12 : memref<160x128xi32, #tpu.memory_space<vmem>>)
    %dma_wait3A_355 = arith.constant 0 : i32
    %dma_wait3A_356 = arith.constant 0 : i32
    %dma_wait3A_357 = tpu.memref_slice %arg5[%arg1, %dma_wait3A_355, %dma_wait3A_356] : memref<16x160x128xi32, #tpu.memory_space<hbm>> -> memref<1x160x128xi32, #tpu.memory_space<hbm>>
    %dma_wait3A_358 = tpu.memref_squeeze %dma_wait3A_357 : memref<1x160x128xi32, #tpu.memory_space<hbm>> -> memref<160x128xi32, #tpu.memory_space<hbm>>
    %dma_wait3A_359 = arith.constant 0 : i32
    %dma_wait3A_360 = arith.constant 0 : i32
    %dma_wait3A_361 = tpu.memref_slice %arg5[%arg1, %dma_wait3A_359, %dma_wait3A_360] : memref<16x160x128xi32, #tpu.memory_space<hbm>> -> memref<1x160x128xi32, #tpu.memory_space<hbm>>
    %dma_wait3A_362 = tpu.memref_squeeze %dma_wait3A_361 : memref<1x160x128xi32, #tpu.memory_space<hbm>> -> memref<160x128xi32, #tpu.memory_space<hbm>>
    tpu.wait_dma2 semaphore(%arg27 : memref<!tpu.dma_semaphore, #tpu.memory_space<semaphore_mem>>) src(%dma_wait3A_362 : memref<160x128xi32, #tpu.memory_space<hbm>>) dst(%arg13 : memref<160x128xi32, #tpu.memory_space<vmem>>)
    tpu.wait_dma2 semaphore(%arg28 : memref<!tpu.dma_semaphore, #tpu.memory_space<semaphore_mem>>) src(%arg6 : memref<640x16xf32, #tpu.memory_space<hbm>>) dst(%arg18 : memref<640x16xf32, #tpu.memory_space<vmem>>)
    %dma_wait3A_363 = arith.constant 0 : i32
    %dma_wait3A_364 = tpu.memref_slice %arg23[%mul3A_2, %dma_wait3A_363] : memref<640x16xf32, #tpu.memory_space<vmem_shared>> -> memref<40x16xf32, #tpu.memory_space<vmem_shared>>
    %dma_wait3A_365 = arith.constant 0 : i32
    %dma_wait3A_366 = tpu.memref_slice %arg6[%mul3A_2, %dma_wait3A_365] : memref<640x16xf32, #tpu.memory_space<hbm>> -> memref<40x16xf32, #tpu.memory_space<hbm>>
    tpu.wait_dma2 semaphore(%arg25 : memref<!tpu.dma_semaphore, #tpu.memory_space<semaphore_mem>>) src(%dma_wait3A_366 : memref<40x16xf32, #tpu.memory_space<hbm>>) dst(%dma_wait3A_364 : memref<40x16xf32, #tpu.memory_space<vmem_shared>>)
    %dma_wait3A_367 = arith.constant 0 : i32
    %dma_wait3A_368 = tpu.memref_slice %arg24[%mul3A_2, %dma_wait3A_367] : memref<640x16xf32, #tpu.memory_space<vmem_shared>> -> memref<40x16xf32, #tpu.memory_space<vmem_shared>>
    %dma_wait3A_369 = arith.constant 0 : i32
    %dma_wait3A_370 = tpu.memref_slice %arg6[%mul3A_2, %dma_wait3A_369] : memref<640x16xf32, #tpu.memory_space<hbm>> -> memref<40x16xf32, #tpu.memory_space<hbm>>
    tpu.wait_dma2 semaphore(%arg26 : memref<!tpu.dma_semaphore, #tpu.memory_space<semaphore_mem>>) src(%dma_wait3A_370 : memref<40x16xf32, #tpu.memory_space<hbm>>) dst(%dma_wait3A_368 : memref<40x16xf32, #tpu.memory_space<vmem_shared>>)
    %scan3A = arith.constant 0 : i32
    %scan3A_371 = arith.constant 1280 : i32
    %scan3A_372 = arith.addi %scan3A, %scan3A_371 : i32
    %scan3A_373 = arith.constant 8 : i32
    scf.for %scan3A_2234 = %scan3A to %scan3A_372 step %scan3A_373  : i32 {
      %mul3A_2235 = arith.constant 1 : i32
      %mul3A_2236 = arith.muli %scan3A_2234, %mul3A_2235 : i32
      %add3A_2237 = arith.constant 0 : i32
      %add3A_2238 = arith.addi %add3A_2237, %mul3A_2236 : i32
      %mul3A_2239 = arith.constant 16 : i32
      %mul3A_2240 = arith.muli %add3A_2238, %mul3A_2239 : i32
      %multiple_of3A = tpu.assume_multiple %mul3A_2240, 16 : i32
      %jit3A = arith.constant 128 : i32
      %div3A = arith.divsi %multiple_of3A, %jit3A : i32
      %sign3A = arith.constant 0 : i32
      %sign3A_2241 = arith.cmpi sgt, %multiple_of3A, %sign3A : i32
      %sign3A_2242 = arith.extui %sign3A_2241 : i1 to i32
      %sign3A_2243 = arith.constant 0 : i32
      %sign3A_2244 = arith.cmpi slt, %multiple_of3A, %sign3A_2243 : i32
      %sign3A_2245 = arith.extui %sign3A_2244 : i1 to i32
      %sign3A_2246 = arith.subi %sign3A_2242, %sign3A_2245 : i32
      %sign3A_2247 = arith.constant 0 : i32
      %sign3A_2248 = arith.cmpi sgt, %jit3A, %sign3A_2247 : i32
      %sign3A_2249 = arith.extui %sign3A_2248 : i1 to i32
      %sign3A_2250 = arith.constant 0 : i32
      %sign3A_2251 = arith.cmpi slt, %jit3A, %sign3A_2250 : i32
      %sign3A_2252 = arith.extui %sign3A_2251 : i1 to i32
      %sign3A_2253 = arith.subi %sign3A_2249, %sign3A_2252 : i32
      %ne3A = arith.cmpi ne, %sign3A_2246, %sign3A_2253 : i32
      %rem3A = arith.remsi %multiple_of3A, %jit3A : i32
      %ne3A_2254 = arith.constant 0 : i32
      %ne3A_2255 = arith.cmpi ne, %rem3A, %ne3A_2254 : i32
      %and3A = arith.andi %ne3A, %ne3A_2255 : i1
      %sub3A_2256 = arith.constant 1 : i32
      %sub3A_2257 = arith.subi %div3A, %sub3A_2256 : i32
      %select_n3A = arith.select %and3A, %sub3A_2257, %div3A : i32
      %mul3A_2258 = arith.constant 128 : i32
      %mul3A_2259 = arith.muli %select_n3A, %mul3A_2258 : i32
      %sub3A_2260 = arith.subi %multiple_of3A, %mul3A_2259 : i32
      %get3A_2261 = arith.index_cast %select_n3A : i32 to index
      %get3A_2262 = arith.index_cast %sub3A_2260 : i32 to index
      %get3A_2263 = tpu.vector_load %arg12[%get3A_2261, %get3A_2262] {strides = array<i32>} : memref<160x128xi32, #tpu.memory_space<vmem>>, vector<16xi32>,
      %shift_right_logical3A_2264 = arith.constant 4 : i32
      %shift_right_logical3A_2265 = vector.broadcast %shift_right_logical3A_2264 : i32 to vector<16xi32>
      %shift_right_logical3A_2266 = arith.shrui %get3A_2263, %shift_right_logical3A_2265 : vector<16xi32>
      %and3A_2267 = arith.constant 15 : i32
      %and3A_2268 = vector.broadcast %and3A_2267 : i32 to vector<16xi32>
      %and3A_2269 = arith.andi %get3A_2263, %and3A_2268 : vector<16xi32>
      tpu.vector_store_idx %arg18[%shift_right_logical3A_2266, %and3A_2269], %broadcast_in_dim3A_3 {add = true} : memref<640x16xf32, #tpu.memory_space<vmem>>[vector<16xi32>, vector<16xi32>], vector<16xf32>,
      %scan3A_2270 = arith.constant 1 : i32
      %scan3A_2271 = arith.addi %scan3A_2234, %scan3A_2270 : i32
      %mul3A_2272 = arith.constant 1 : i32
      %mul3A_2273 = arith.muli %scan3A_2271, %mul3A_2272 : i32
      %add3A_2274 = arith.constant 0 : i32
      %add3A_2275 = arith.addi %add3A_2274, %mul3A_2273 : i32
      %mul3A_2276 = arith.constant 16 : i32
      %mul3A_2277 = arith.muli %add3A_2275, %mul3A_2276 : i32
      %multiple_of3A_2278 = tpu.assume_multiple %mul3A_2277, 16 : i32
      %jit3A_2279 = arith.constant 128 : i32
      %div3A_2280 = arith.divsi %multiple_of3A_2278, %jit3A_2279 : i32
      %sign3A_2281 = arith.constant 0 : i32
      %sign3A_2282 = arith.cmpi sgt, %multiple_of3A_2278, %sign3A_2281 : i32
      %sign3A_2283 = arith.extui %sign3A_2282 : i1 to i32
      %sign3A_2284 = arith.constant 0 : i32
      %sign3A_2285 = arith.cmpi slt, %multiple_of3A_2278, %sign3A_2284 : i32
      %sign3A_2286 = arith.extui %sign3A_2285 : i1 to i32
      %sign3A_2287 = arith.subi %sign3A_2283, %sign3A_2286 : i32
      %sign3A_2288 = arith.constant 0 : i32
      %sign3A_2289 = arith.cmpi sgt, %jit3A_2279, %sign3A_2288 : i32
      %sign3A_2290 = arith.extui %sign3A_2289 : i1 to i32
      %sign3A_2291 = arith.constant 0 : i32
      %sign3A_2292 = arith.cmpi slt, %jit3A_2279, %sign3A_2291 : i32
      %sign3A_2293 = arith.extui %sign3A_2292 : i1 to i32
      %sign3A_2294 = arith.subi %sign3A_2290, %sign3A_2293 : i32
      %ne3A_2295 = arith.cmpi ne, %sign3A_2287, %sign3A_2294 : i32
      %rem3A_2296 = arith.remsi %multiple_of3A_2278, %jit3A_2279 : i32
      %ne3A_2297 = arith.constant 0 : i32
      %ne3A_2298 = arith.cmpi ne, %rem3A_2296, %ne3A_2297 : i32
      %and3A_2299 = arith.andi %ne3A_2295, %ne3A_2298 : i1
      %sub3A_2300 = arith.constant 1 : i32
      %sub3A_2301 = arith.subi %div3A_2280, %sub3A_2300 : i32
      %select_n3A_2302 = arith.select %and3A_2299, %sub3A_2301, %div3A_2280 : i32
      %mul3A_2303 = arith.constant 128 : i32
      %mul3A_2304 = arith.muli %select_n3A_2302, %mul3A_2303 : i32
      %sub3A_2305 = arith.subi %multiple_of3A_2278, %mul3A_2304 : i32
      %get3A_2306 = arith.index_cast %select_n3A_2302 : i32 to index
      %get3A_2307 = arith.index_cast %sub3A_2305 : i32 to index
      %get3A_2308 = tpu.vector_load %arg12[%get3A_2306, %get3A_2307] {strides = array<i32>} : memref<160x128xi32, #tpu.memory_space<vmem>>, vector<16xi32>,
      %shift_right_logical3A_2309 = arith.constant 4 : i32
      %shift_right_logical3A_2310 = vector.broadcast %shift_right_logical3A_2309 : i32 to vector<16xi32>
      %shift_right_logical3A_2311 = arith.shrui %get3A_2308, %shift_right_logical3A_2310 : vector<16xi32>
      %and3A_2312 = arith.constant 15 : i32
      %and3A_2313 = vector.broadcast %and3A_2312 : i32 to vector<16xi32>
      %and3A_2314 = arith.andi %get3A_2308, %and3A_2313 : vector<16xi32>
      tpu.vector_store_idx %arg18[%shift_right_logical3A_2311, %and3A_2314], %broadcast_in_dim3A_3 {add = true} : memref<640x16xf32, #tpu.memory_space<vmem>>[vector<16xi32>, vector<16xi32>], vector<16xf32>,
      %scan3A_2315 = arith.constant 2 : i32
      %scan3A_2316 = arith.addi %scan3A_2234, %scan3A_2315 : i32
      %mul3A_2317 = arith.constant 1 : i32
      %mul3A_2318 = arith.muli %scan3A_2316, %mul3A_2317 : i32
      %add3A_2319 = arith.constant 0 : i32
      %add3A_2320 = arith.addi %add3A_2319, %mul3A_2318 : i32
      %mul3A_2321 = arith.constant 16 : i32
      %mul3A_2322 = arith.muli %add3A_2320, %mul3A_2321 : i32
      %multiple_of3A_2323 = tpu.assume_multiple %mul3A_2322, 16 : i32
      %jit3A_2324 = arith.constant 128 : i32
      %div3A_2325 = arith.divsi %multiple_of3A_2323, %jit3A_2324 : i32
      %sign3A_2326 = arith.constant 0 : i32
      %sign3A_2327 = arith.cmpi sgt, %multiple_of3A_2323, %sign3A_2326 : i32
      %sign3A_2328 = arith.extui %sign3A_2327 : i1 to i32
      %sign3A_2329 = arith.constant 0 : i32
      %sign3A_2330 = arith.cmpi slt, %multiple_of3A_2323, %sign3A_2329 : i32
      %sign3A_2331 = arith.extui %sign3A_2330 : i1 to i32
      %sign3A_2332 = arith.subi %sign3A_2328, %sign3A_2331 : i32
      %sign3A_2333 = arith.constant 0 : i32
      %sign3A_2334 = arith.cmpi sgt, %jit3A_2324, %sign3A_2333 : i32
      %sign3A_2335 = arith.extui %sign3A_2334 : i1 to i32
      %sign3A_2336 = arith.constant 0 : i32
      %sign3A_2337 = arith.cmpi slt, %jit3A_2324, %sign3A_2336 : i32
      %sign3A_2338 = arith.extui %sign3A_2337 : i1 to i32
      %sign3A_2339 = arith.subi %sign3A_2335, %sign3A_2338 : i32
      %ne3A_2340 = arith.cmpi ne, %sign3A_2332, %sign3A_2339 : i32
      %rem3A_2341 = arith.remsi %multiple_of3A_2323, %jit3A_2324 : i32
      %ne3A_2342 = arith.constant 0 : i32
      %ne3A_2343 = arith.cmpi ne, %rem3A_2341, %ne3A_2342 : i32
      %and3A_2344 = arith.andi %ne3A_2340, %ne3A_2343 : i1
      %sub3A_2345 = arith.constant 1 : i32
      %sub3A_2346 = arith.subi %div3A_2325, %sub3A_2345 : i32
      %select_n3A_2347 = arith.select %and3A_2344, %sub3A_2346, %div3A_2325 : i32
      %mul3A_2348 = arith.constant 128 : i32
      %mul3A_2349 = arith.muli %select_n3A_2347, %mul3A_2348 : i32
      %sub3A_2350 = arith.subi %multiple_of3A_2323, %mul3A_2349 : i32
      %get3A_2351 = arith.index_cast %select_n3A_2347 : i32 to index
      %get3A_2352 = arith.index_cast %sub3A_2350 : i32 to index
      %get3A_2353 = tpu.vector_load %arg12[%get3A_2351, %get3A_2352] {strides = array<i32>} : memref<160x128xi32, #tpu.memory_space<vmem>>, vector<16xi32>,
      %shift_right_logical3A_2354 = arith.constant 4 : i32
      %shift_right_logical3A_2355 = vector.broadcast %shift_right_logical3A_2354 : i32 to vector<16xi32>
      %shift_right_logical3A_2356 = arith.shrui %get3A_2353, %shift_right_logical3A_2355 : vector<16xi32>
      %and3A_2357 = arith.constant 15 : i32
      %and3A_2358 = vector.broadcast %and3A_2357 : i32 to vector<16xi32>
      %and3A_2359 = arith.andi %get3A_2353, %and3A_2358 : vector<16xi32>
      tpu.vector_store_idx %arg18[%shift_right_logical3A_2356, %and3A_2359], %broadcast_in_dim3A_3 {add = true} : memref<640x16xf32, #tpu.memory_space<vmem>>[vector<16xi32>, vector<16xi32>], vector<16xf32>,
      %scan3A_2360 = arith.constant 3 : i32
      %scan3A_2361 = arith.addi %scan3A_2234, %scan3A_2360 : i32
      %mul3A_2362 = arith.constant 1 : i32
      %mul3A_2363 = arith.muli %scan3A_2361, %mul3A_2362 : i32
      %add3A_2364 = arith.constant 0 : i32
      %add3A_2365 = arith.addi %add3A_2364, %mul3A_2363 : i32
      %mul3A_2366 = arith.constant 16 : i32
      %mul3A_2367 = arith.muli %add3A_2365, %mul3A_2366 : i32
      %multiple_of3A_2368 = tpu.assume_multiple %mul3A_2367, 16 : i32
      %jit3A_2369 = arith.constant 128 : i32
      %div3A_2370 = arith.divsi %multiple_of3A_2368, %jit3A_2369 : i32
      %sign3A_2371 = arith.constant 0 : i32
      %sign3A_2372 = arith.cmpi sgt, %multiple_of3A_2368, %sign3A_2371 : i32
      %sign3A_2373 = arith.extui %sign3A_2372 : i1 to i32
      %sign3A_2374 = arith.constant 0 : i32
      %sign3A_2375 = arith.cmpi slt, %multiple_of3A_2368, %sign3A_2374 : i32
      %sign3A_2376 = arith.extui %sign3A_2375 : i1 to i32
      %sign3A_2377 = arith.subi %sign3A_2373, %sign3A_2376 : i32
      %sign3A_2378 = arith.constant 0 : i32
      %sign3A_2379 = arith.cmpi sgt, %jit3A_2369, %sign3A_2378 : i32
      %sign3A_2380 = arith.extui %sign3A_2379 : i1 to i32
      %sign3A_2381 = arith.constant 0 : i32
      %sign3A_2382 = arith.cmpi slt, %jit3A_2369, %sign3A_2381 : i32
      %sign3A_2383 = arith.extui %sign3A_2382 : i1 to i32
      %sign3A_2384 = arith.subi %sign3A_2380, %sign3A_2383 : i32
      %ne3A_2385 = arith.cmpi ne, %sign3A_2377, %sign3A_2384 : i32
      %rem3A_2386 = arith.remsi %multiple_of3A_2368, %jit3A_2369 : i32
      %ne3A_2387 = arith.constant 0 : i32
      %ne3A_2388 = arith.cmpi ne, %rem3A_2386, %ne3A_2387 : i32
      %and3A_2389 = arith.andi %ne3A_2385, %ne3A_2388 : i1
      %sub3A_2390 = arith.constant 1 : i32
      %sub3A_2391 = arith.subi %div3A_2370, %sub3A_2390 : i32
      %select_n3A_2392 = arith.select %and3A_2389, %sub3A_2391, %div3A_2370 : i32
      %mul3A_2393 = arith.constant 128 : i32
      %mul3A_2394 = arith.muli %select_n3A_2392, %mul3A_2393 : i32
      %sub3A_2395 = arith.subi %multiple_of3A_2368, %mul3A_2394 : i32
      %get3A_2396 = arith.index_cast %select_n3A_2392 : i32 to index
      %get3A_2397 = arith.index_cast %sub3A_2395 : i32 to index
      %get3A_2398 = tpu.vector_load %arg12[%get3A_2396, %get3A_2397] {strides = array<i32>} : memref<160x128xi32, #tpu.memory_space<vmem>>, vector<16xi32>,
      %shift_right_logical3A_2399 = arith.constant 4 : i32
      %shift_right_logical3A_2400 = vector.broadcast %shift_right_logical3A_2399 : i32 to vector<16xi32>
      %shift_right_logical3A_2401 = arith.shrui %get3A_2398, %shift_right_logical3A_2400 : vector<16xi32>
      %and3A_2402 = arith.constant 15 : i32
      %and3A_2403 = vector.broadcast %and3A_2402 : i32 to vector<16xi32>
      %and3A_2404 = arith.andi %get3A_2398, %and3A_2403 : vector<16xi32>
      tpu.vector_store_idx %arg18[%shift_right_logical3A_2401, %and3A_2404], %broadcast_in_dim3A_3 {add = true} : memref<640x16xf32, #tpu.memory_space<vmem>>[vector<16xi32>, vector<16xi32>], vector<16xf32>,
      %scan3A_2405 = arith.constant 4 : i32
      %scan3A_2406 = arith.addi %scan3A_2234, %scan3A_2405 : i32
      %mul3A_2407 = arith.constant 1 : i32
      %mul3A_2408 = arith.muli %scan3A_2406, %mul3A_2407 : i32
      %add3A_2409 = arith.constant 0 : i32
      %add3A_2410 = arith.addi %add3A_2409, %mul3A_2408 : i32
      %mul3A_2411 = arith.constant 16 : i32
      %mul3A_2412 = arith.muli %add3A_2410, %mul3A_2411 : i32
      %multiple_of3A_2413 = tpu.assume_multiple %mul3A_2412, 16 : i32
      %jit3A_2414 = arith.constant 128 : i32
      %div3A_2415 = arith.divsi %multiple_of3A_2413, %jit3A_2414 : i32
      %sign3A_2416 = arith.constant 0 : i32
      %sign3A_2417 = arith.cmpi sgt, %multiple_of3A_2413, %sign3A_2416 : i32
      %sign3A_2418 = arith.extui %sign3A_2417 : i1 to i32
      %sign3A_2419 = arith.constant 0 : i32
      %sign3A_2420 = arith.cmpi slt, %multiple_of3A_2413, %sign3A_2419 : i32
      %sign3A_2421 = arith.extui %sign3A_2420 : i1 to i32
      %sign3A_2422 = arith.subi %sign3A_2418, %sign3A_2421 : i32
      %sign3A_2423 = arith.constant 0 : i32
      %sign3A_2424 = arith.cmpi sgt, %jit3A_2414, %sign3A_2423 : i32
      %sign3A_2425 = arith.extui %sign3A_2424 : i1 to i32
      %sign3A_2426 = arith.constant 0 : i32
      %sign3A_2427 = arith.cmpi slt, %jit3A_2414, %sign3A_2426 : i32
      %sign3A_2428 = arith.extui %sign3A_2427 : i1 to i32
      %sign3A_2429 = arith.subi %sign3A_2425, %sign3A_2428 : i32
      %ne3A_2430 = arith.cmpi ne, %sign3A_2422, %sign3A_2429 : i32
      %rem3A_2431 = arith.remsi %multiple_of3A_2413, %jit3A_2414 : i32
      %ne3A_2432 = arith.constant 0 : i32
      %ne3A_2433 = arith.cmpi ne, %rem3A_2431, %ne3A_2432 : i32
      %and3A_2434 = arith.andi %ne3A_2430, %ne3A_2433 : i1
      %sub3A_2435 = arith.constant 1 : i32
      %sub3A_2436 = arith.subi %div3A_2415, %sub3A_2435 : i32
      %select_n3A_2437 = arith.select %and3A_2434, %sub3A_2436, %div3A_2415 : i32
      %mul3A_2438 = arith.constant 128 : i32
      %mul3A_2439 = arith.muli %select_n3A_2437, %mul3A_2438 : i32
      %sub3A_2440 = arith.subi %multiple_of3A_2413, %mul3A_2439 : i32
      %get3A_2441 = arith.index_cast %select_n3A_2437 : i32 to index
      %get3A_2442 = arith.index_cast %sub3A_2440 : i32 to index
      %get3A_2443 = tpu.vector_load %arg12[%get3A_2441, %get3A_2442] {strides = array<i32>} : memref<160x128xi32, #tpu.memory_space<vmem>>, vector<16xi32>,
      %shift_right_logical3A_2444 = arith.constant 4 : i32
      %shift_right_logical3A_2445 = vector.broadcast %shift_right_logical3A_2444 : i32 to vector<16xi32>
      %shift_right_logical3A_2446 = arith.shrui %get3A_2443, %shift_right_logical3A_2445 : vector<16xi32>
      %and3A_2447 = arith.constant 15 : i32
      %and3A_2448 = vector.broadcast %and3A_2447 : i32 to vector<16xi32>
      %and3A_2449 = arith.andi %get3A_2443, %and3A_2448 : vector<16xi32>
      tpu.vector_store_idx %arg18[%shift_right_logical3A_2446, %and3A_2449], %broadcast_in_dim3A_3 {add = true} : memref<640x16xf32, #tpu.memory_space<vmem>>[vector<16xi32>, vector<16xi32>], vector<16xf32>,
      %scan3A_2450 = arith.constant 5 : i32
      %scan3A_2451 = arith.addi %scan3A_2234, %scan3A_2450 : i32
      %mul3A_2452 = arith.constant 1 : i32
      %mul3A_2453 = arith.muli %scan3A_2451, %mul3A_2452 : i32
      %add3A_2454 = arith.constant 0 : i32
      %add3A_2455 = arith.addi %add3A_2454, %mul3A_2453 : i32
      %mul3A_2456 = arith.constant 16 : i32
      %mul3A_2457 = arith.muli %add3A_2455, %mul3A_2456 : i32
      %multiple_of3A_2458 = tpu.assume_multiple %mul3A_2457, 16 : i32
      %jit3A_2459 = arith.constant 128 : i32
      %div3A_2460 = arith.divsi %multiple_of3A_2458, %jit3A_2459 : i32
      %sign3A_2461 = arith.constant 0 : i32
      %sign3A_2462 = arith.cmpi sgt, %multiple_of3A_2458, %sign3A_2461 : i32
      %sign3A_2463 = arith.extui %sign3A_2462 : i1 to i32
      %sign3A_2464 = arith.constant 0 : i32
      %sign3A_2465 = arith.cmpi slt, %multiple_of3A_2458, %sign3A_2464 : i32
      %sign3A_2466 = arith.extui %sign3A_2465 : i1 to i32
      %sign3A_2467 = arith.subi %sign3A_2463, %sign3A_2466 : i32
      %sign3A_2468 = arith.constant 0 : i32
      %sign3A_2469 = arith.cmpi sgt, %jit3A_2459, %sign3A_2468 : i32
      %sign3A_2470 = arith.extui %sign3A_2469 : i1 to i32
      %sign3A_2471 = arith.constant 0 : i32
      %sign3A_2472 = arith.cmpi slt, %jit3A_2459, %sign3A_2471 : i32
      %sign3A_2473 = arith.extui %sign3A_2472 : i1 to i32
      %sign3A_2474 = arith.subi %sign3A_2470, %sign3A_2473 : i32
      %ne3A_2475 = arith.cmpi ne, %sign3A_2467, %sign3A_2474 : i32
      %rem3A_2476 = arith.remsi %multiple_of3A_2458, %jit3A_2459 : i32
      %ne3A_2477 = arith.constant 0 : i32
      %ne3A_2478 = arith.cmpi ne, %rem3A_2476, %ne3A_2477 : i32
      %and3A_2479 = arith.andi %ne3A_2475, %ne3A_2478 : i1
      %sub3A_2480 = arith.constant 1 : i32
      %sub3A_2481 = arith.subi %div3A_2460, %sub3A_2480 : i32
      %select_n3A_2482 = arith.select %and3A_2479, %sub3A_2481, %div3A_2460 : i32
      %mul3A_2483 = arith.constant 128 : i32
      %mul3A_2484 = arith.muli %select_n3A_2482, %mul3A_2483 : i32
      %sub3A_2485 = arith.subi %multiple_of3A_2458, %mul3A_2484 : i32
      %get3A_2486 = arith.index_cast %select_n3A_2482 : i32 to index
      %get3A_2487 = arith.index_cast %sub3A_2485 : i32 to index
      %get3A_2488 = tpu.vector_load %arg12[%get3A_2486, %get3A_2487] {strides = array<i32>} : memref<160x128xi32, #tpu.memory_space<vmem>>, vector<16xi32>,
      %shift_right_logical3A_2489 = arith.constant 4 : i32
      %shift_right_logical3A_2490 = vector.broadcast %shift_right_logical3A_2489 : i32 to vector<16xi32>
      %shift_right_logical3A_2491 = arith.shrui %get3A_2488, %shift_right_logical3A_2490 : vector<16xi32>
      %and3A_2492 = arith.constant 15 : i32
      %and3A_2493 = vector.broadcast %and3A_2492 : i32 to vector<16xi32>
      %and3A_2494 = arith.andi %get3A_2488, %and3A_2493 : vector<16xi32>
      tpu.vector_store_idx %arg18[%shift_right_logical3A_2491, %and3A_2494], %broadcast_in_dim3A_3 {add = true} : memref<640x16xf32, #tpu.memory_space<vmem>>[vector<16xi32>, vector<16xi32>], vector<16xf32>,
      %scan3A_2495 = arith.constant 6 : i32
      %scan3A_2496 = arith.addi %scan3A_2234, %scan3A_2495 : i32
      %mul3A_2497 = arith.constant 1 : i32
      %mul3A_2498 = arith.muli %scan3A_2496, %mul3A_2497 : i32
      %add3A_2499 = arith.constant 0 : i32
      %add3A_2500 = arith.addi %add3A_2499, %mul3A_2498 : i32
      %mul3A_2501 = arith.constant 16 : i32
      %mul3A_2502 = arith.muli %add3A_2500, %mul3A_2501 : i32
      %multiple_of3A_2503 = tpu.assume_multiple %mul3A_2502, 16 : i32
      %jit3A_2504 = arith.constant 128 : i32
      %div3A_2505 = arith.divsi %multiple_of3A_2503, %jit3A_2504 : i32
      %sign3A_2506 = arith.constant 0 : i32
      %sign3A_2507 = arith.cmpi sgt, %multiple_of3A_2503, %sign3A_2506 : i32
      %sign3A_2508 = arith.extui %sign3A_2507 : i1 to i32
      %sign3A_2509 = arith.constant 0 : i32
      %sign3A_2510 = arith.cmpi slt, %multiple_of3A_2503, %sign3A_2509 : i32
      %sign3A_2511 = arith.extui %sign3A_2510 : i1 to i32
      %sign3A_2512 = arith.subi %sign3A_2508, %sign3A_2511 : i32
      %sign3A_2513 = arith.constant 0 : i32
      %sign3A_2514 = arith.cmpi sgt, %jit3A_2504, %sign3A_2513 : i32
      %sign3A_2515 = arith.extui %sign3A_2514 : i1 to i32
      %sign3A_2516 = arith.constant 0 : i32
      %sign3A_2517 = arith.cmpi slt, %jit3A_2504, %sign3A_2516 : i32
      %sign3A_2518 = arith.extui %sign3A_2517 : i1 to i32
      %sign3A_2519 = arith.subi %sign3A_2515, %sign3A_2518 : i32
      %ne3A_2520 = arith.cmpi ne, %sign3A_2512, %sign3A_2519 : i32
      %rem3A_2521 = arith.remsi %multiple_of3A_2503, %jit3A_2504 : i32
      %ne3A_2522 = arith.constant 0 : i32
      %ne3A_2523 = arith.cmpi ne, %rem3A_2521, %ne3A_2522 : i32
      %and3A_2524 = arith.andi %ne3A_2520, %ne3A_2523 : i1
      %sub3A_2525 = arith.constant 1 : i32
      %sub3A_2526 = arith.subi %div3A_2505, %sub3A_2525 : i32
      %select_n3A_2527 = arith.select %and3A_2524, %sub3A_2526, %div3A_2505 : i32
      %mul3A_2528 = arith.constant 128 : i32
      %mul3A_2529 = arith.muli %select_n3A_2527, %mul3A_2528 : i32
      %sub3A_2530 = arith.subi %multiple_of3A_2503, %mul3A_2529 : i32
      %get3A_2531 = arith.index_cast %select_n3A_2527 : i32 to index
      %get3A_2532 = arith.index_cast %sub3A_2530 : i32 to index
      %get3A_2533 = tpu.vector_load %arg12[%get3A_2531, %get3A_2532] {strides = array<i32>} : memref<160x128xi32, #tpu.memory_space<vmem>>, vector<16xi32>,
      %shift_right_logical3A_2534 = arith.constant 4 : i32
      %shift_right_logical3A_2535 = vector.broadcast %shift_right_logical3A_2534 : i32 to vector<16xi32>
      %shift_right_logical3A_2536 = arith.shrui %get3A_2533, %shift_right_logical3A_2535 : vector<16xi32>
      %and3A_2537 = arith.constant 15 : i32
      %and3A_2538 = vector.broadcast %and3A_2537 : i32 to vector<16xi32>
      %and3A_2539 = arith.andi %get3A_2533, %and3A_2538 : vector<16xi32>
      tpu.vector_store_idx %arg18[%shift_right_logical3A_2536, %and3A_2539], %broadcast_in_dim3A_3 {add = true} : memref<640x16xf32, #tpu.memory_space<vmem>>[vector<16xi32>, vector<16xi32>], vector<16xf32>,
      %scan3A_2540 = arith.constant 7 : i32
      %scan3A_2541 = arith.addi %scan3A_2234, %scan3A_2540 : i32
      %mul3A_2542 = arith.constant 1 : i32
      %mul3A_2543 = arith.muli %scan3A_2541, %mul3A_2542 : i32
      %add3A_2544 = arith.constant 0 : i32
      %add3A_2545 = arith.addi %add3A_2544, %mul3A_2543 : i32
      %mul3A_2546 = arith.constant 16 : i32
      %mul3A_2547 = arith.muli %add3A_2545, %mul3A_2546 : i32
      %multiple_of3A_2548 = tpu.assume_multiple %mul3A_2547, 16 : i32
      %jit3A_2549 = arith.constant 128 : i32
      %div3A_2550 = arith.divsi %multiple_of3A_2548, %jit3A_2549 : i32
      %sign3A_2551 = arith.constant 0 : i32
      %sign3A_2552 = arith.cmpi sgt, %multiple_of3A_2548, %sign3A_2551 : i32
      %sign3A_2553 = arith.extui %sign3A_2552 : i1 to i32
      %sign3A_2554 = arith.constant 0 : i32
      %sign3A_2555 = arith.cmpi slt, %multiple_of3A_2548, %sign3A_2554 : i32
      %sign3A_2556 = arith.extui %sign3A_2555 : i1 to i32
      %sign3A_2557 = arith.subi %sign3A_2553, %sign3A_2556 : i32
      %sign3A_2558 = arith.constant 0 : i32
      %sign3A_2559 = arith.cmpi sgt, %jit3A_2549, %sign3A_2558 : i32
      %sign3A_2560 = arith.extui %sign3A_2559 : i1 to i32
      %sign3A_2561 = arith.constant 0 : i32
      %sign3A_2562 = arith.cmpi slt, %jit3A_2549, %sign3A_2561 : i32
      %sign3A_2563 = arith.extui %sign3A_2562 : i1 to i32
      %sign3A_2564 = arith.subi %sign3A_2560, %sign3A_2563 : i32
      %ne3A_2565 = arith.cmpi ne, %sign3A_2557, %sign3A_2564 : i32
      %rem3A_2566 = arith.remsi %multiple_of3A_2548, %jit3A_2549 : i32
      %ne3A_2567 = arith.constant 0 : i32
      %ne3A_2568 = arith.cmpi ne, %rem3A_2566, %ne3A_2567 : i32
      %and3A_2569 = arith.andi %ne3A_2565, %ne3A_2568 : i1
      %sub3A_2570 = arith.constant 1 : i32
      %sub3A_2571 = arith.subi %div3A_2550, %sub3A_2570 : i32
      %select_n3A_2572 = arith.select %and3A_2569, %sub3A_2571, %div3A_2550 : i32
      %mul3A_2573 = arith.constant 128 : i32
      %mul3A_2574 = arith.muli %select_n3A_2572, %mul3A_2573 : i32
      %sub3A_2575 = arith.subi %multiple_of3A_2548, %mul3A_2574 : i32
      %get3A_2576 = arith.index_cast %select_n3A_2572 : i32 to index
      %get3A_2577 = arith.index_cast %sub3A_2575 : i32 to index
      %get3A_2578 = tpu.vector_load %arg12[%get3A_2576, %get3A_2577] {strides = array<i32>} : memref<160x128xi32, #tpu.memory_space<vmem>>, vector<16xi32>,
      %shift_right_logical3A_2579 = arith.constant 4 : i32
      %shift_right_logical3A_2580 = vector.broadcast %shift_right_logical3A_2579 : i32 to vector<16xi32>
      %shift_right_logical3A_2581 = arith.shrui %get3A_2578, %shift_right_logical3A_2580 : vector<16xi32>
      %and3A_2582 = arith.constant 15 : i32
      %and3A_2583 = vector.broadcast %and3A_2582 : i32 to vector<16xi32>
      %and3A_2584 = arith.andi %get3A_2578, %and3A_2583 : vector<16xi32>
      tpu.vector_store_idx %arg18[%shift_right_logical3A_2581, %and3A_2584], %broadcast_in_dim3A_3 {add = true} : memref<640x16xf32, #tpu.memory_space<vmem>>[vector<16xi32>, vector<16xi32>], vector<16xf32>,
    }
    %scan3A_374 = arith.constant 1280 : i32
    %barrier3A = arith.constant 0 : index
    tpu.barrier barrier_id(%barrier3A)
    %run_scoped3A = arith.constant 0 : i32
    "tpu.region"() ({
      %run_scoped3A_2234 = tpu.sem_alloc : memref<!tpu.dma_semaphore, #tpu.memory_space<semaphore_mem>>
      %dma_start3A_2235 = arith.constant 0 : i32
      %dma_start3A_2236 = arith.constant 0 : i32
      %dma_start3A_2237 = tpu.memref_slice %arg18[%dma_start3A_2235, %dma_start3A_2236] : memref<640x16xf32, #tpu.memory_space<vmem>> -> memref<128x16xf32, #tpu.memory_space<vmem>>
      %dma_start3A_2238 = arith.constant 0 : i32
      %dma_start3A_2239 = tpu.memref_slice %arg21[%run_scoped3A, %dma_start3A_2238] : memref<5x128xi32, #tpu.memory_space<vmem>> -> memref<1x128xi32, #tpu.memory_space<vmem>>
      %dma_start3A_2240 = tpu.memref_squeeze %dma_start3A_2239 : memref<1x128xi32, #tpu.memory_space<vmem>> -> memref<128xi32, #tpu.memory_space<vmem>>
      %dma_start3A_2241 = arith.constant 0 : i32
      %dma_start3A_2242 = arith.constant 0 : i32
      %dma_start3A_2243 = tpu.memref_slice %arg23[%dma_start3A_2241, %dma_start3A_2242] : memref<640x16xf32, #tpu.memory_space<vmem_shared>> -> memref<640x16xf32, #tpu.memory_space<vmem_shared>>
      tpu.enqueue_indirect_dma source(%dma_start3A_2237 : memref<128x16xf32, #tpu.memory_space<vmem>>) target(%dma_start3A_2243 : memref<640x16xf32, #tpu.memory_space<vmem_shared>>) offsets(%dma_start3A_2240 : memref<128xi32, #tpu.memory_space<vmem>>) semaphore(%run_scoped3A_2234 : memref<!tpu.dma_semaphore, #tpu.memory_space<semaphore_mem>>) {add = true}
      %dma_wait3A_2244 = arith.constant 0 : i32
      %dma_wait3A_2245 = arith.constant 0 : i32
      %dma_wait3A_2246 = tpu.memref_slice %arg18[%dma_wait3A_2244, %dma_wait3A_2245] : memref<640x16xf32, #tpu.memory_space<vmem>> -> memref<128x16xf32, #tpu.memory_space<vmem>>
      %dma_wait3A_2247 = arith.constant 0 : i32
      %dma_wait3A_2248 = tpu.memref_slice %arg21[%run_scoped3A, %dma_wait3A_2247] : memref<5x128xi32, #tpu.memory_space<vmem>> -> memref<1x128xi32, #tpu.memory_space<vmem>>
      %dma_wait3A_2249 = tpu.memref_squeeze %dma_wait3A_2248 : memref<1x128xi32, #tpu.memory_space<vmem>> -> memref<128xi32, #tpu.memory_space<vmem>>
      %dma_wait3A_2250 = arith.constant 0 : i32
      %dma_wait3A_2251 = arith.constant 0 : i32
      %dma_wait3A_2252 = tpu.memref_slice %arg23[%dma_wait3A_2250, %dma_wait3A_2251] : memref<640x16xf32, #tpu.memory_space<vmem_shared>> -> memref<640x16xf32, #tpu.memory_space<vmem_shared>>
      tpu.wait_indirect_dma semaphore(%run_scoped3A_2234 : memref<!tpu.dma_semaphore, #tpu.memory_space<semaphore_mem>>) src(%dma_wait3A_2246 : memref<128x16xf32, #tpu.memory_space<vmem>>) dst(%dma_wait3A_2252 : memref<640x16xf32, #tpu.memory_space<vmem_shared>>)
      tpu.yield
    }) : () -> ()
    %run_scoped3A_375 = arith.constant 1 : i32
    "tpu.region"() ({
      %run_scoped3A_2234 = tpu.sem_alloc : memref<!tpu.dma_semaphore, #tpu.memory_space<semaphore_mem>>
      %dma_start3A_2235 = arith.constant 128 : i32
      %dma_start3A_2236 = arith.constant 0 : i32
      %dma_start3A_2237 = tpu.memref_slice %arg18[%dma_start3A_2235, %dma_start3A_2236] : memref<640x16xf32, #tpu.memory_space<vmem>> -> memref<128x16xf32, #tpu.memory_space<vmem>>
      %dma_start3A_2238 = arith.constant 0 : i32
      %dma_start3A_2239 = tpu.memref_slice %arg21[%run_scoped3A_375, %dma_start3A_2238] : memref<5x128xi32, #tpu.memory_space<vmem>> -> memref<1x128xi32, #tpu.memory_space<vmem>>
      %dma_start3A_2240 = tpu.memref_squeeze %dma_start3A_2239 : memref<1x128xi32, #tpu.memory_space<vmem>> -> memref<128xi32, #tpu.memory_space<vmem>>
      %dma_start3A_2241 = arith.constant 0 : i32
      %dma_start3A_2242 = arith.constant 0 : i32
      %dma_start3A_2243 = tpu.memref_slice %arg23[%dma_start3A_2241, %dma_start3A_2242] : memref<640x16xf32, #tpu.memory_space<vmem_shared>> -> memref<640x16xf32, #tpu.memory_space<vmem_shared>>
      tpu.enqueue_indirect_dma source(%dma_start3A_2237 : memref<128x16xf32, #tpu.memory_space<vmem>>) target(%dma_start3A_2243 : memref<640x16xf32, #tpu.memory_space<vmem_shared>>) offsets(%dma_start3A_2240 : memref<128xi32, #tpu.memory_space<vmem>>) semaphore(%run_scoped3A_2234 : memref<!tpu.dma_semaphore, #tpu.memory_space<semaphore_mem>>) {add = true}
      %dma_wait3A_2244 = arith.constant 128 : i32
      %dma_wait3A_2245 = arith.constant 0 : i32
      %dma_wait3A_2246 = tpu.memref_slice %arg18[%dma_wait3A_2244, %dma_wait3A_2245] : memref<640x16xf32, #tpu.memory_space<vmem>> -> memref<128x16xf32, #tpu.memory_space<vmem>>
      %dma_wait3A_2247 = arith.constant 0 : i32
      %dma_wait3A_2248 = tpu.memref_slice %arg21[%run_scoped3A_375, %dma_wait3A_2247] : memref<5x128xi32, #tpu.memory_space<vmem>> -> memref<1x128xi32, #tpu.memory_space<vmem>>
      %dma_wait3A_2249 = tpu.memref_squeeze %dma_wait3A_2248 : memref<1x128xi32, #tpu.memory_space<vmem>> -> memref<128xi32, #tpu.memory_space<vmem>>
      %dma_wait3A_2250 = arith.constant 0 : i32
      %dma_wait3A_2251 = arith.constant 0 : i32
      %dma_wait3A_2252 = tpu.memref_slice %arg23[%dma_wait3A_2250, %dma_wait3A_2251] : memref<640x16xf32, #tpu.memory_space<vmem_shared>> -> memref<640x16xf32, #tpu.memory_space<vmem_shared>>
      tpu.wait_indirect_dma semaphore(%run_scoped3A_2234 : memref<!tpu.dma_semaphore, #tpu.memory_space<semaphore_mem>>) src(%dma_wait3A_2246 : memref<128x16xf32, #tpu.memory_space<vmem>>) dst(%dma_wait3A_2252 : memref<640x16xf32, #tpu.memory_space<vmem_shared>>)
      tpu.yield
    }) : () -> ()
    %run_scoped3A_376 = arith.constant 2 : i32
    "tpu.region"() ({
      %run_scoped3A_2234 = tpu.sem_alloc : memref<!tpu.dma_semaphore, #tpu.memory_space<semaphore_mem>>
      %dma_start3A_2235 = arith.constant 256 : i32
      %dma_start3A_2236 = arith.constant 0 : i32
      %dma_start3A_2237 = tpu.memref_slice %arg18[%dma_start3A_2235, %dma_start3A_2236] : memref<640x16xf32, #tpu.memory_space<vmem>> -> memref<128x16xf32, #tpu.memory_space<vmem>>
      %dma_start3A_2238 = arith.constant 0 : i32
      %dma_start3A_2239 = tpu.memref_slice %arg21[%run_scoped3A_376, %dma_start3A_2238] : memref<5x128xi32, #tpu.memory_space<vmem>> -> memref<1x128xi32, #tpu.memory_space<vmem>>
      %dma_start3A_2240 = tpu.memref_squeeze %dma_start3A_2239 : memref<1x128xi32, #tpu.memory_space<vmem>> -> memref<128xi32, #tpu.memory_space<vmem>>
      %dma_start3A_2241 = arith.constant 0 : i32
      %dma_start3A_2242 = arith.constant 0 : i32
      %dma_start3A_2243 = tpu.memref_slice %arg23[%dma_start3A_2241, %dma_start3A_2242] : memref<640x16xf32, #tpu.memory_space<vmem_shared>> -> memref<640x16xf32, #tpu.memory_space<vmem_shared>>
      tpu.enqueue_indirect_dma source(%dma_start3A_2237 : memref<128x16xf32, #tpu.memory_space<vmem>>) target(%dma_start3A_2243 : memref<640x16xf32, #tpu.memory_space<vmem_shared>>) offsets(%dma_start3A_2240 : memref<128xi32, #tpu.memory_space<vmem>>) semaphore(%run_scoped3A_2234 : memref<!tpu.dma_semaphore, #tpu.memory_space<semaphore_mem>>) {add = true}
      %dma_wait3A_2244 = arith.constant 256 : i32
      %dma_wait3A_2245 = arith.constant 0 : i32
      %dma_wait3A_2246 = tpu.memref_slice %arg18[%dma_wait3A_2244, %dma_wait3A_2245] : memref<640x16xf32, #tpu.memory_space<vmem>> -> memref<128x16xf32, #tpu.memory_space<vmem>>
      %dma_wait3A_2247 = arith.constant 0 : i32
      %dma_wait3A_2248 = tpu.memref_slice %arg21[%run_scoped3A_376, %dma_wait3A_2247] : memref<5x128xi32, #tpu.memory_space<vmem>> -> memref<1x128xi32, #tpu.memory_space<vmem>>
      %dma_wait3A_2249 = tpu.memref_squeeze %dma_wait3A_2248 : memref<1x128xi32, #tpu.memory_space<vmem>> -> memref<128xi32, #tpu.memory_space<vmem>>
      %dma_wait3A_2250 = arith.constant 0 : i32
      %dma_wait3A_2251 = arith.constant 0 : i32
      %dma_wait3A_2252 = tpu.memref_slice %arg23[%dma_wait3A_2250, %dma_wait3A_2251] : memref<640x16xf32, #tpu.memory_space<vmem_shared>> -> memref<640x16xf32, #tpu.memory_space<vmem_shared>>
      tpu.wait_indirect_dma semaphore(%run_scoped3A_2234 : memref<!tpu.dma_semaphore, #tpu.memory_space<semaphore_mem>>) src(%dma_wait3A_2246 : memref<128x16xf32, #tpu.memory_space<vmem>>) dst(%dma_wait3A_2252 : memref<640x16xf32, #tpu.memory_space<vmem_shared>>)
      tpu.yield
    }) : () -> ()
    %run_scoped3A_377 = arith.constant 3 : i32
    "tpu.region"() ({
      %run_scoped3A_2234 = tpu.sem_alloc : memref<!tpu.dma_semaphore, #tpu.memory_space<semaphore_mem>>
      %dma_start3A_2235 = arith.constant 384 : i32
      %dma_start3A_2236 = arith.constant 0 : i32
      %dma_start3A_2237 = tpu.memref_slice %arg18[%dma_start3A_2235, %dma_start3A_2236] : memref<640x16xf32, #tpu.memory_space<vmem>> -> memref<128x16xf32, #tpu.memory_space<vmem>>
      %dma_start3A_2238 = arith.constant 0 : i32
      %dma_start3A_2239 = tpu.memref_slice %arg21[%run_scoped3A_377, %dma_start3A_2238] : memref<5x128xi32, #tpu.memory_space<vmem>> -> memref<1x128xi32, #tpu.memory_space<vmem>>
      %dma_start3A_2240 = tpu.memref_squeeze %dma_start3A_2239 : memref<1x128xi32, #tpu.memory_space<vmem>> -> memref<128xi32, #tpu.memory_space<vmem>>
      %dma_start3A_2241 = arith.constant 0 : i32
      %dma_start3A_2242 = arith.constant 0 : i32
      %dma_start3A_2243 = tpu.memref_slice %arg23[%dma_start3A_2241, %dma_start3A_2242] : memref<640x16xf32, #tpu.memory_space<vmem_shared>> -> memref<640x16xf32, #tpu.memory_space<vmem_shared>>
      tpu.enqueue_indirect_dma source(%dma_start3A_2237 : memref<128x16xf32, #tpu.memory_space<vmem>>) target(%dma_start3A_2243 : memref<640x16xf32, #tpu.memory_space<vmem_shared>>) offsets(%dma_start3A_2240 : memref<128xi32, #tpu.memory_space<vmem>>) semaphore(%run_scoped3A_2234 : memref<!tpu.dma_semaphore, #tpu.memory_space<semaphore_mem>>) {add = true}
      %dma_wait3A_2244 = arith.constant 384 : i32
      %dma_wait3A_2245 = arith.constant 0 : i32
      %dma_wait3A_2246 = tpu.memref_slice %arg18[%dma_wait3A_2244, %dma_wait3A_2245] : memref<640x16xf32, #tpu.memory_space<vmem>> -> memref<128x16xf32, #tpu.memory_space<vmem>>
      %dma_wait3A_2247 = arith.constant 0 : i32
      %dma_wait3A_2248 = tpu.memref_slice %arg21[%run_scoped3A_377, %dma_wait3A_2247] : memref<5x128xi32, #tpu.memory_space<vmem>> -> memref<1x128xi32, #tpu.memory_space<vmem>>
      %dma_wait3A_2249 = tpu.memref_squeeze %dma_wait3A_2248 : memref<1x128xi32, #tpu.memory_space<vmem>> -> memref<128xi32, #tpu.memory_space<vmem>>
      %dma_wait3A_2250 = arith.constant 0 : i32
      %dma_wait3A_2251 = arith.constant 0 : i32
      %dma_wait3A_2252 = tpu.memref_slice %arg23[%dma_wait3A_2250, %dma_wait3A_2251] : memref<640x16xf32, #tpu.memory_space<vmem_shared>> -> memref<640x16xf32, #tpu.memory_space<vmem_shared>>
      tpu.wait_indirect_dma semaphore(%run_scoped3A_2234 : memref<!tpu.dma_semaphore, #tpu.memory_space<semaphore_mem>>) src(%dma_wait3A_2246 : memref<128x16xf32, #tpu.memory_space<vmem>>) dst(%dma_wait3A_2252 : memref<640x16xf32, #tpu.memory_space<vmem_shared>>)
      tpu.yield
    }) : () -> ()
    %run_scoped3A_378 = arith.constant 4 : i32
    "tpu.region"() ({
      %run_scoped3A_2234 = tpu.sem_alloc : memref<!tpu.dma_semaphore, #tpu.memory_space<semaphore_mem>>
      %dma_start3A_2235 = arith.constant 512 : i32
      %dma_start3A_2236 = arith.constant 0 : i32
      %dma_start3A_2237 = tpu.memref_slice %arg18[%dma_start3A_2235, %dma_start3A_2236] : memref<640x16xf32, #tpu.memory_space<vmem>> -> memref<128x16xf32, #tpu.memory_space<vmem>>
      %dma_start3A_2238 = arith.constant 0 : i32
      %dma_start3A_2239 = tpu.memref_slice %arg21[%run_scoped3A_378, %dma_start3A_2238] : memref<5x128xi32, #tpu.memory_space<vmem>> -> memref<1x128xi32, #tpu.memory_space<vmem>>
      %dma_start3A_2240 = tpu.memref_squeeze %dma_start3A_2239 : memref<1x128xi32, #tpu.memory_space<vmem>> -> memref<128xi32, #tpu.memory_space<vmem>>
      %dma_start3A_2241 = arith.constant 0 : i32
      %dma_start3A_2242 = arith.constant 0 : i32
      %dma_start3A_2243 = tpu.memref_slice %arg23[%dma_start3A_2241, %dma_start3A_2242] : memref<640x16xf32, #tpu.memory_space<vmem_shared>> -> memref<640x16xf32, #tpu.memory_space<vmem_shared>>
      tpu.enqueue_indirect_dma source(%dma_start3A_2237 : memref<128x16xf32, #tpu.memory_space<vmem>>) target(%dma_start3A_2243 : memref<640x16xf32, #tpu.memory_space<vmem_shared>>) offsets(%dma_start3A_2240 : memref<128xi32, #tpu.memory_space<vmem>>) semaphore(%run_scoped3A_2234 : memref<!tpu.dma_semaphore, #tpu.memory_space<semaphore_mem>>) {add = true}
      %dma_wait3A_2244 = arith.constant 512 : i32
      %dma_wait3A_2245 = arith.constant 0 : i32
      %dma_wait3A_2246 = tpu.memref_slice %arg18[%dma_wait3A_2244, %dma_wait3A_2245] : memref<640x16xf32, #tpu.memory_space<vmem>> -> memref<128x16xf32, #tpu.memory_space<vmem>>
      %dma_wait3A_2247 = arith.constant 0 : i32
      %dma_wait3A_2248 = tpu.memref_slice %arg21[%run_scoped3A_378, %dma_wait3A_2247] : memref<5x128xi32, #tpu.memory_space<vmem>> -> memref<1x128xi32, #tpu.memory_space<vmem>>
      %dma_wait3A_2249 = tpu.memref_squeeze %dma_wait3A_2248 : memref<1x128xi32, #tpu.memory_space<vmem>> -> memref<128xi32, #tpu.memory_space<vmem>>
      %dma_wait3A_2250 = arith.constant 0 : i32
      %dma_wait3A_2251 = arith.constant 0 : i32
      %dma_wait3A_2252 = tpu.memref_slice %arg23[%dma_wait3A_2250, %dma_wait3A_2251] : memref<640x16xf32, #tpu.memory_space<vmem_shared>> -> memref<640x16xf32, #tpu.memory_space<vmem_shared>>
      tpu.wait_indirect_dma semaphore(%run_scoped3A_2234 : memref<!tpu.dma_semaphore, #tpu.memory_space<semaphore_mem>>) src(%dma_wait3A_2246 : memref<128x16xf32, #tpu.memory_space<vmem>>) dst(%dma_wait3A_2252 : memref<640x16xf32, #tpu.memory_space<vmem_shared>>)
      tpu.yield
    }) : () -> ()
    "tpu.region"() ({
      %run_scoped3A_2234 = tpu.sem_alloc : memref<!tpu.dma_semaphore, #tpu.memory_space<semaphore_mem>>
      tpu.enqueue_dma source(%arg6 : memref<640x16xf32, #tpu.memory_space<hbm>>) target(%arg18 : memref<640x16xf32, #tpu.memory_space<vmem>>) target_semaphore(%run_scoped3A_2234 : memref<!tpu.dma_semaphore, #tpu.memory_space<semaphore_mem>>)
      tpu.wait_dma2 semaphore(%run_scoped3A_2234 : memref<!tpu.dma_semaphore, #tpu.memory_space<semaphore_mem>>) src(%arg6 : memref<640x16xf32, #tpu.memory_space<hbm>>) dst(%arg18 : memref<640x16xf32, #tpu.memory_space<vmem>>)
      tpu.yield
    }) : () -> ()
    %scan3A_379 = arith.constant 0 : i32
    %scan3A_380 = arith.constant 640 : i32
    %scan3A_381 = arith.addi %scan3A_379, %scan3A_380 : i32
    %scan3A_382 = arith.constant 8 : i32
    scf.for %scan3A_2234 = %scan3A_379 to %scan3A_381 step %scan3A_382  : i32 {
      %mul3A_2235 = arith.constant 1 : i32
      %mul3A_2236 = arith.muli %scan3A_2234, %mul3A_2235 : i32
      %add3A_2237 = arith.constant 0 : i32
      %add3A_2238 = arith.addi %add3A_2237, %mul3A_2236 : i32
      %mul3A_2239 = arith.constant 16 : i32
      %mul3A_2240 = arith.muli %add3A_2238, %mul3A_2239 : i32
      %multiple_of3A = tpu.assume_multiple %mul3A_2240, 16 : i32
      %mul3A_2241 = arith.constant 10240 : i32
      %mul3A_2242 = arith.muli %arg0, %mul3A_2241 : i32
      %add3A_2243 = arith.addi %multiple_of3A, %mul3A_2242 : i32
      %jit3A = arith.constant 128 : i32
      %div3A = arith.divsi %add3A_2243, %jit3A : i32
      %sign3A = arith.constant 0 : i32
      %sign3A_2244 = arith.cmpi sgt, %add3A_2243, %sign3A : i32
      %sign3A_2245 = arith.extui %sign3A_2244 : i1 to i32
      %sign3A_2246 = arith.constant 0 : i32
      %sign3A_2247 = arith.cmpi slt, %add3A_2243, %sign3A_2246 : i32
      %sign3A_2248 = arith.extui %sign3A_2247 : i1 to i32
      %sign3A_2249 = arith.subi %sign3A_2245, %sign3A_2248 : i32
      %sign3A_2250 = arith.constant 0 : i32
      %sign3A_2251 = arith.cmpi sgt, %jit3A, %sign3A_2250 : i32
      %sign3A_2252 = arith.extui %sign3A_2251 : i1 to i32
      %sign3A_2253 = arith.constant 0 : i32
      %sign3A_2254 = arith.cmpi slt, %jit3A, %sign3A_2253 : i32
      %sign3A_2255 = arith.extui %sign3A_2254 : i1 to i32
      %sign3A_2256 = arith.subi %sign3A_2252, %sign3A_2255 : i32
      %ne3A = arith.cmpi ne, %sign3A_2249, %sign3A_2256 : i32
      %rem3A = arith.remsi %add3A_2243, %jit3A : i32
      %ne3A_2257 = arith.constant 0 : i32
      %ne3A_2258 = arith.cmpi ne, %rem3A, %ne3A_2257 : i32
      %and3A = arith.andi %ne3A, %ne3A_2258 : i1
      %sub3A_2259 = arith.constant 1 : i32
      %sub3A_2260 = arith.subi %div3A, %sub3A_2259 : i32
      %select_n3A = arith.select %and3A, %sub3A_2260, %div3A : i32
      %mul3A_2261 = arith.constant 128 : i32
      %mul3A_2262 = arith.muli %select_n3A, %mul3A_2261 : i32
      %sub3A_2263 = arith.subi %add3A_2243, %mul3A_2262 : i32
      %get3A_2264 = arith.index_cast %select_n3A : i32 to index
      %get3A_2265 = arith.index_cast %sub3A_2263 : i32 to index
      %get3A_2266 = tpu.vector_load %arg13[%get3A_2264, %get3A_2265] {strides = array<i32>} : memref<160x128xi32, #tpu.memory_space<vmem>>, vector<16xi32>,
      %shift_right_logical3A_2267 = arith.constant 4 : i32
      %shift_right_logical3A_2268 = vector.broadcast %shift_right_logical3A_2267 : i32 to vector<16xi32>
      %shift_right_logical3A_2269 = arith.shrui %get3A_2266, %shift_right_logical3A_2268 : vector<16xi32>
      %and3A_2270 = arith.constant 15 : i32
      %and3A_2271 = vector.broadcast %and3A_2270 : i32 to vector<16xi32>
      %and3A_2272 = arith.andi %get3A_2266, %and3A_2271 : vector<16xi32>
      tpu.vector_store_idx %arg18[%shift_right_logical3A_2269, %and3A_2272], %broadcast_in_dim3A_3 {add = true} : memref<640x16xf32, #tpu.memory_space<vmem>>[vector<16xi32>, vector<16xi32>], vector<16xf32>,
      %scan3A_2273 = arith.constant 1 : i32
      %scan3A_2274 = arith.addi %scan3A_2234, %scan3A_2273 : i32
      %mul3A_2275 = arith.constant 1 : i32
      %mul3A_2276 = arith.muli %scan3A_2274, %mul3A_2275 : i32
      %add3A_2277 = arith.constant 0 : i32
      %add3A_2278 = arith.addi %add3A_2277, %mul3A_2276 : i32
      %mul3A_2279 = arith.constant 16 : i32
      %mul3A_2280 = arith.muli %add3A_2278, %mul3A_2279 : i32
      %multiple_of3A_2281 = tpu.assume_multiple %mul3A_2280, 16 : i32
      %mul3A_2282 = arith.constant 10240 : i32
      %mul3A_2283 = arith.muli %arg0, %mul3A_2282 : i32
      %add3A_2284 = arith.addi %multiple_of3A_2281, %mul3A_2283 : i32
      %jit3A_2285 = arith.constant 128 : i32
      %div3A_2286 = arith.divsi %add3A_2284, %jit3A_2285 : i32
      %sign3A_2287 = arith.constant 0 : i32
      %sign3A_2288 = arith.cmpi sgt, %add3A_2284, %sign3A_2287 : i32
      %sign3A_2289 = arith.extui %sign3A_2288 : i1 to i32
      %sign3A_2290 = arith.constant 0 : i32
      %sign3A_2291 = arith.cmpi slt, %add3A_2284, %sign3A_2290 : i32
      %sign3A_2292 = arith.extui %sign3A_2291 : i1 to i32
      %sign3A_2293 = arith.subi %sign3A_2289, %sign3A_2292 : i32
      %sign3A_2294 = arith.constant 0 : i32
      %sign3A_2295 = arith.cmpi sgt, %jit3A_2285, %sign3A_2294 : i32
      %sign3A_2296 = arith.extui %sign3A_2295 : i1 to i32
      %sign3A_2297 = arith.constant 0 : i32
      %sign3A_2298 = arith.cmpi slt, %jit3A_2285, %sign3A_2297 : i32
      %sign3A_2299 = arith.extui %sign3A_2298 : i1 to i32
      %sign3A_2300 = arith.subi %sign3A_2296, %sign3A_2299 : i32
      %ne3A_2301 = arith.cmpi ne, %sign3A_2293, %sign3A_2300 : i32
      %rem3A_2302 = arith.remsi %add3A_2284, %jit3A_2285 : i32
      %ne3A_2303 = arith.constant 0 : i32
      %ne3A_2304 = arith.cmpi ne, %rem3A_2302, %ne3A_2303 : i32
      %and3A_2305 = arith.andi %ne3A_2301, %ne3A_2304 : i1
      %sub3A_2306 = arith.constant 1 : i32
      %sub3A_2307 = arith.subi %div3A_2286, %sub3A_2306 : i32
      %select_n3A_2308 = arith.select %and3A_2305, %sub3A_2307, %div3A_2286 : i32
      %mul3A_2309 = arith.constant 128 : i32
      %mul3A_2310 = arith.muli %select_n3A_2308, %mul3A_2309 : i32
      %sub3A_2311 = arith.subi %add3A_2284, %mul3A_2310 : i32
      %get3A_2312 = arith.index_cast %select_n3A_2308 : i32 to index
      %get3A_2313 = arith.index_cast %sub3A_2311 : i32 to index
      %get3A_2314 = tpu.vector_load %arg13[%get3A_2312, %get3A_2313] {strides = array<i32>} : memref<160x128xi32, #tpu.memory_space<vmem>>, vector<16xi32>,
      %shift_right_logical3A_2315 = arith.constant 4 : i32
      %shift_right_logical3A_2316 = vector.broadcast %shift_right_logical3A_2315 : i32 to vector<16xi32>
      %shift_right_logical3A_2317 = arith.shrui %get3A_2314, %shift_right_logical3A_2316 : vector<16xi32>
      %and3A_2318 = arith.constant 15 : i32
      %and3A_2319 = vector.broadcast %and3A_2318 : i32 to vector<16xi32>
      %and3A_2320 = arith.andi %get3A_2314, %and3A_2319 : vector<16xi32>
      tpu.vector_store_idx %arg18[%shift_right_logical3A_2317, %and3A_2320], %broadcast_in_dim3A_3 {add = true} : memref<640x16xf32, #tpu.memory_space<vmem>>[vector<16xi32>, vector<16xi32>], vector<16xf32>,
      %scan3A_2321 = arith.constant 2 : i32
      %scan3A_2322 = arith.addi %scan3A_2234, %scan3A_2321 : i32
      %mul3A_2323 = arith.constant 1 : i32
      %mul3A_2324 = arith.muli %scan3A_2322, %mul3A_2323 : i32
      %add3A_2325 = arith.constant 0 : i32
      %add3A_2326 = arith.addi %add3A_2325, %mul3A_2324 : i32
      %mul3A_2327 = arith.constant 16 : i32
      %mul3A_2328 = arith.muli %add3A_2326, %mul3A_2327 : i32
      %multiple_of3A_2329 = tpu.assume_multiple %mul3A_2328, 16 : i32
      %mul3A_2330 = arith.constant 10240 : i32
      %mul3A_2331 = arith.muli %arg0, %mul3A_2330 : i32
      %add3A_2332 = arith.addi %multiple_of3A_2329, %mul3A_2331 : i32
      %jit3A_2333 = arith.constant 128 : i32
      %div3A_2334 = arith.divsi %add3A_2332, %jit3A_2333 : i32
      %sign3A_2335 = arith.constant 0 : i32
      %sign3A_2336 = arith.cmpi sgt, %add3A_2332, %sign3A_2335 : i32
      %sign3A_2337 = arith.extui %sign3A_2336 : i1 to i32
      %sign3A_2338 = arith.constant 0 : i32
      %sign3A_2339 = arith.cmpi slt, %add3A_2332, %sign3A_2338 : i32
      %sign3A_2340 = arith.extui %sign3A_2339 : i1 to i32
      %sign3A_2341 = arith.subi %sign3A_2337, %sign3A_2340 : i32
      %sign3A_2342 = arith.constant 0 : i32
      %sign3A_2343 = arith.cmpi sgt, %jit3A_2333, %sign3A_2342 : i32
      %sign3A_2344 = arith.extui %sign3A_2343 : i1 to i32
      %sign3A_2345 = arith.constant 0 : i32
      %sign3A_2346 = arith.cmpi slt, %jit3A_2333, %sign3A_2345 : i32
      %sign3A_2347 = arith.extui %sign3A_2346 : i1 to i32
      %sign3A_2348 = arith.subi %sign3A_2344, %sign3A_2347 : i32
      %ne3A_2349 = arith.cmpi ne, %sign3A_2341, %sign3A_2348 : i32
      %rem3A_2350 = arith.remsi %add3A_2332, %jit3A_2333 : i32
      %ne3A_2351 = arith.constant 0 : i32
      %ne3A_2352 = arith.cmpi ne, %rem3A_2350, %ne3A_2351 : i32
      %and3A_2353 = arith.andi %ne3A_2349, %ne3A_2352 : i1
      %sub3A_2354 = arith.constant 1 : i32
      %sub3A_2355 = arith.subi %div3A_2334, %sub3A_2354 : i32
      %select_n3A_2356 = arith.select %and3A_2353, %sub3A_2355, %div3A_2334 : i32
      %mul3A_2357 = arith.constant 128 : i32
      %mul3A_2358 = arith.muli %select_n3A_2356, %mul3A_2357 : i32
      %sub3A_2359 = arith.subi %add3A_2332, %mul3A_2358 : i32
      %get3A_2360 = arith.index_cast %select_n3A_2356 : i32 to index
      %get3A_2361 = arith.index_cast %sub3A_2359 : i32 to index
      %get3A_2362 = tpu.vector_load %arg13[%get3A_2360, %get3A_2361] {strides = array<i32>} : memref<160x128xi32, #tpu.memory_space<vmem>>, vector<16xi32>,
      %shift_right_logical3A_2363 = arith.constant 4 : i32
      %shift_right_logical3A_2364 = vector.broadcast %shift_right_logical3A_2363 : i32 to vector<16xi32>
      %shift_right_logical3A_2365 = arith.shrui %get3A_2362, %shift_right_logical3A_2364 : vector<16xi32>
      %and3A_2366 = arith.constant 15 : i32
      %and3A_2367 = vector.broadcast %and3A_2366 : i32 to vector<16xi32>
      %and3A_2368 = arith.andi %get3A_2362, %and3A_2367 : vector<16xi32>
      tpu.vector_store_idx %arg18[%shift_right_logical3A_2365, %and3A_2368], %broadcast_in_dim3A_3 {add = true} : memref<640x16xf32, #tpu.memory_space<vmem>>[vector<16xi32>, vector<16xi32>], vector<16xf32>,
      %scan3A_2369 = arith.constant 3 : i32
      %scan3A_2370 = arith.addi %scan3A_2234, %scan3A_2369 : i32
      %mul3A_2371 = arith.constant 1 : i32
      %mul3A_2372 = arith.muli %scan3A_2370, %mul3A_2371 : i32
      %add3A_2373 = arith.constant 0 : i32
      %add3A_2374 = arith.addi %add3A_2373, %mul3A_2372 : i32
      %mul3A_2375 = arith.constant 16 : i32
      %mul3A_2376 = arith.muli %add3A_2374, %mul3A_2375 : i32
      %multiple_of3A_2377 = tpu.assume_multiple %mul3A_2376, 16 : i32
      %mul3A_2378 = arith.constant 10240 : i32
      %mul3A_2379 = arith.muli %arg0, %mul3A_2378 : i32
      %add3A_2380 = arith.addi %multiple_of3A_2377, %mul3A_2379 : i32
      %jit3A_2381 = arith.constant 128 : i32
      %div3A_2382 = arith.divsi %add3A_2380, %jit3A_2381 : i32
      %sign3A_2383 = arith.constant 0 : i32
      %sign3A_2384 = arith.cmpi sgt, %add3A_2380, %sign3A_2383 : i32
      %sign3A_2385 = arith.extui %sign3A_2384 : i1 to i32
      %sign3A_2386 = arith.constant 0 : i32
      %sign3A_2387 = arith.cmpi slt, %add3A_2380, %sign3A_2386 : i32
      %sign3A_2388 = arith.extui %sign3A_2387 : i1 to i32
      %sign3A_2389 = arith.subi %sign3A_2385, %sign3A_2388 : i32
      %sign3A_2390 = arith.constant 0 : i32
      %sign3A_2391 = arith.cmpi sgt, %jit3A_2381, %sign3A_2390 : i32
      %sign3A_2392 = arith.extui %sign3A_2391 : i1 to i32
      %sign3A_2393 = arith.constant 0 : i32
      %sign3A_2394 = arith.cmpi slt, %jit3A_2381, %sign3A_2393 : i32
      %sign3A_2395 = arith.extui %sign3A_2394 : i1 to i32
      %sign3A_2396 = arith.subi %sign3A_2392, %sign3A_2395 : i32
      %ne3A_2397 = arith.cmpi ne, %sign3A_2389, %sign3A_2396 : i32
      %rem3A_2398 = arith.remsi %add3A_2380, %jit3A_2381 : i32
      %ne3A_2399 = arith.constant 0 : i32
      %ne3A_2400 = arith.cmpi ne, %rem3A_2398, %ne3A_2399 : i32
      %and3A_2401 = arith.andi %ne3A_2397, %ne3A_2400 : i1
      %sub3A_2402 = arith.constant 1 : i32
      %sub3A_2403 = arith.subi %div3A_2382, %sub3A_2402 : i32
      %select_n3A_2404 = arith.select %and3A_2401, %sub3A_2403, %div3A_2382 : i32
      %mul3A_2405 = arith.constant 128 : i32
      %mul3A_2406 = arith.muli %select_n3A_2404, %mul3A_2405 : i32
      %sub3A_2407 = arith.subi %add3A_2380, %mul3A_2406 : i32
      %get3A_2408 = arith.index_cast %select_n3A_2404 : i32 to index
      %get3A_2409 = arith.index_cast %sub3A_2407 : i32 to index
      %get3A_2410 = tpu.vector_load %arg13[%get3A_2408, %get3A_2409] {strides = array<i32>} : memref<160x128xi32, #tpu.memory_space<vmem>>, vector<16xi32>,
      %shift_right_logical3A_2411 = arith.constant 4 : i32
      %shift_right_logical3A_2412 = vector.broadcast %shift_right_logical3A_2411 : i32 to vector<16xi32>
      %shift_right_logical3A_2413 = arith.shrui %get3A_2410, %shift_right_logical3A_2412 : vector<16xi32>
      %and3A_2414 = arith.constant 15 : i32
      %and3A_2415 = vector.broadcast %and3A_2414 : i32 to vector<16xi32>
      %and3A_2416 = arith.andi %get3A_2410, %and3A_2415 : vector<16xi32>
      tpu.vector_store_idx %arg18[%shift_right_logical3A_2413, %and3A_2416], %broadcast_in_dim3A_3 {add = true} : memref<640x16xf32, #tpu.memory_space<vmem>>[vector<16xi32>, vector<16xi32>], vector<16xf32>,
      %scan3A_2417 = arith.constant 4 : i32
      %scan3A_2418 = arith.addi %scan3A_2234, %scan3A_2417 : i32
      %mul3A_2419 = arith.constant 1 : i32
      %mul3A_2420 = arith.muli %scan3A_2418, %mul3A_2419 : i32
      %add3A_2421 = arith.constant 0 : i32
      %add3A_2422 = arith.addi %add3A_2421, %mul3A_2420 : i32
      %mul3A_2423 = arith.constant 16 : i32
      %mul3A_2424 = arith.muli %add3A_2422, %mul3A_2423 : i32
      %multiple_of3A_2425 = tpu.assume_multiple %mul3A_2424, 16 : i32
      %mul3A_2426 = arith.constant 10240 : i32
      %mul3A_2427 = arith.muli %arg0, %mul3A_2426 : i32
      %add3A_2428 = arith.addi %multiple_of3A_2425, %mul3A_2427 : i32
      %jit3A_2429 = arith.constant 128 : i32
      %div3A_2430 = arith.divsi %add3A_2428, %jit3A_2429 : i32
      %sign3A_2431 = arith.constant 0 : i32
      %sign3A_2432 = arith.cmpi sgt, %add3A_2428, %sign3A_2431 : i32
      %sign3A_2433 = arith.extui %sign3A_2432 : i1 to i32
      %sign3A_2434 = arith.constant 0 : i32
      %sign3A_2435 = arith.cmpi slt, %add3A_2428, %sign3A_2434 : i32
      %sign3A_2436 = arith.extui %sign3A_2435 : i1 to i32
      %sign3A_2437 = arith.subi %sign3A_2433, %sign3A_2436 : i32
      %sign3A_2438 = arith.constant 0 : i32
      %sign3A_2439 = arith.cmpi sgt, %jit3A_2429, %sign3A_2438 : i32
      %sign3A_2440 = arith.extui %sign3A_2439 : i1 to i32
      %sign3A_2441 = arith.constant 0 : i32
      %sign3A_2442 = arith.cmpi slt, %jit3A_2429, %sign3A_2441 : i32
      %sign3A_2443 = arith.extui %sign3A_2442 : i1 to i32
      %sign3A_2444 = arith.subi %sign3A_2440, %sign3A_2443 : i32
      %ne3A_2445 = arith.cmpi ne, %sign3A_2437, %sign3A_2444 : i32
      %rem3A_2446 = arith.remsi %add3A_2428, %jit3A_2429 : i32
      %ne3A_2447 = arith.constant 0 : i32
      %ne3A_2448 = arith.cmpi ne, %rem3A_2446, %ne3A_2447 : i32
      %and3A_2449 = arith.andi %ne3A_2445, %ne3A_2448 : i1
      %sub3A_2450 = arith.constant 1 : i32
      %sub3A_2451 = arith.subi %div3A_2430, %sub3A_2450 : i32
      %select_n3A_2452 = arith.select %and3A_2449, %sub3A_2451, %div3A_2430 : i32
      %mul3A_2453 = arith.constant 128 : i32
      %mul3A_2454 = arith.muli %select_n3A_2452, %mul3A_2453 : i32
      %sub3A_2455 = arith.subi %add3A_2428, %mul3A_2454 : i32
      %get3A_2456 = arith.index_cast %select_n3A_2452 : i32 to index
      %get3A_2457 = arith.index_cast %sub3A_2455 : i32 to index
      %get3A_2458 = tpu.vector_load %arg13[%get3A_2456, %get3A_2457] {strides = array<i32>} : memref<160x128xi32, #tpu.memory_space<vmem>>, vector<16xi32>,
      %shift_right_logical3A_2459 = arith.constant 4 : i32
      %shift_right_logical3A_2460 = vector.broadcast %shift_right_logical3A_2459 : i32 to vector<16xi32>
      %shift_right_logical3A_2461 = arith.shrui %get3A_2458, %shift_right_logical3A_2460 : vector<16xi32>
      %and3A_2462 = arith.constant 15 : i32
      %and3A_2463 = vector.broadcast %and3A_2462 : i32 to vector<16xi32>
      %and3A_2464 = arith.andi %get3A_2458, %and3A_2463 : vector<16xi32>
      tpu.vector_store_idx %arg18[%shift_right_logical3A_2461, %and3A_2464], %broadcast_in_dim3A_3 {add = true} : memref<640x16xf32, #tpu.memory_space<vmem>>[vector<16xi32>, vector<16xi32>], vector<16xf32>,
      %scan3A_2465 = arith.constant 5 : i32
      %scan3A_2466 = arith.addi %scan3A_2234, %scan3A_2465 : i32
      %mul3A_2467 = arith.constant 1 : i32
      %mul3A_2468 = arith.muli %scan3A_2466, %mul3A_2467 : i32
      %add3A_2469 = arith.constant 0 : i32
      %add3A_2470 = arith.addi %add3A_2469, %mul3A_2468 : i32
      %mul3A_2471 = arith.constant 16 : i32
      %mul3A_2472 = arith.muli %add3A_2470, %mul3A_2471 : i32
      %multiple_of3A_2473 = tpu.assume_multiple %mul3A_2472, 16 : i32
      %mul3A_2474 = arith.constant 10240 : i32
      %mul3A_2475 = arith.muli %arg0, %mul3A_2474 : i32
      %add3A_2476 = arith.addi %multiple_of3A_2473, %mul3A_2475 : i32
      %jit3A_2477 = arith.constant 128 : i32
      %div3A_2478 = arith.divsi %add3A_2476, %jit3A_2477 : i32
      %sign3A_2479 = arith.constant 0 : i32
      %sign3A_2480 = arith.cmpi sgt, %add3A_2476, %sign3A_2479 : i32
      %sign3A_2481 = arith.extui %sign3A_2480 : i1 to i32
      %sign3A_2482 = arith.constant 0 : i32
      %sign3A_2483 = arith.cmpi slt, %add3A_2476, %sign3A_2482 : i32
      %sign3A_2484 = arith.extui %sign3A_2483 : i1 to i32
      %sign3A_2485 = arith.subi %sign3A_2481, %sign3A_2484 : i32
      %sign3A_2486 = arith.constant 0 : i32
      %sign3A_2487 = arith.cmpi sgt, %jit3A_2477, %sign3A_2486 : i32
      %sign3A_2488 = arith.extui %sign3A_2487 : i1 to i32
      %sign3A_2489 = arith.constant 0 : i32
      %sign3A_2490 = arith.cmpi slt, %jit3A_2477, %sign3A_2489 : i32
      %sign3A_2491 = arith.extui %sign3A_2490 : i1 to i32
      %sign3A_2492 = arith.subi %sign3A_2488, %sign3A_2491 : i32
      %ne3A_2493 = arith.cmpi ne, %sign3A_2485, %sign3A_2492 : i32
      %rem3A_2494 = arith.remsi %add3A_2476, %jit3A_2477 : i32
      %ne3A_2495 = arith.constant 0 : i32
      %ne3A_2496 = arith.cmpi ne, %rem3A_2494, %ne3A_2495 : i32
      %and3A_2497 = arith.andi %ne3A_2493, %ne3A_2496 : i1
      %sub3A_2498 = arith.constant 1 : i32
      %sub3A_2499 = arith.subi %div3A_2478, %sub3A_2498 : i32
      %select_n3A_2500 = arith.select %and3A_2497, %sub3A_2499, %div3A_2478 : i32
      %mul3A_2501 = arith.constant 128 : i32
      %mul3A_2502 = arith.muli %select_n3A_2500, %mul3A_2501 : i32
      %sub3A_2503 = arith.subi %add3A_2476, %mul3A_2502 : i32
      %get3A_2504 = arith.index_cast %select_n3A_2500 : i32 to index
      %get3A_2505 = arith.index_cast %sub3A_2503 : i32 to index
      %get3A_2506 = tpu.vector_load %arg13[%get3A_2504, %get3A_2505] {strides = array<i32>} : memref<160x128xi32, #tpu.memory_space<vmem>>, vector<16xi32>,
      %shift_right_logical3A_2507 = arith.constant 4 : i32
      %shift_right_logical3A_2508 = vector.broadcast %shift_right_logical3A_2507 : i32 to vector<16xi32>
      %shift_right_logical3A_2509 = arith.shrui %get3A_2506, %shift_right_logical3A_2508 : vector<16xi32>
      %and3A_2510 = arith.constant 15 : i32
      %and3A_2511 = vector.broadcast %and3A_2510 : i32 to vector<16xi32>
      %and3A_2512 = arith.andi %get3A_2506, %and3A_2511 : vector<16xi32>
      tpu.vector_store_idx %arg18[%shift_right_logical3A_2509, %and3A_2512], %broadcast_in_dim3A_3 {add = true} : memref<640x16xf32, #tpu.memory_space<vmem>>[vector<16xi32>, vector<16xi32>], vector<16xf32>,
      %scan3A_2513 = arith.constant 6 : i32
      %scan3A_2514 = arith.addi %scan3A_2234, %scan3A_2513 : i32
      %mul3A_2515 = arith.constant 1 : i32
      %mul3A_2516 = arith.muli %scan3A_2514, %mul3A_2515 : i32
      %add3A_2517 = arith.constant 0 : i32
      %add3A_2518 = arith.addi %add3A_2517, %mul3A_2516 : i32
      %mul3A_2519 = arith.constant 16 : i32
      %mul3A_2520 = arith.muli %add3A_2518, %mul3A_2519 : i32
      %multiple_of3A_2521 = tpu.assume_multiple %mul3A_2520, 16 : i32
      %mul3A_2522 = arith.constant 10240 : i32
      %mul3A_2523 = arith.muli %arg0, %mul3A_2522 : i32
      %add3A_2524 = arith.addi %multiple_of3A_2521, %mul3A_2523 : i32
      %jit3A_2525 = arith.constant 128 : i32
      %div3A_2526 = arith.divsi %add3A_2524, %jit3A_2525 : i32
      %sign3A_2527 = arith.constant 0 : i32
      %sign3A_2528 = arith.cmpi sgt, %add3A_2524, %sign3A_2527 : i32
      %sign3A_2529 = arith.extui %sign3A_2528 : i1 to i32
      %sign3A_2530 = arith.constant 0 : i32
      %sign3A_2531 = arith.cmpi slt, %add3A_2524, %sign3A_2530 : i32
      %sign3A_2532 = arith.extui %sign3A_2531 : i1 to i32
      %sign3A_2533 = arith.subi %sign3A_2529, %sign3A_2532 : i32
      %sign3A_2534 = arith.constant 0 : i32
      %sign3A_2535 = arith.cmpi sgt, %jit3A_2525, %sign3A_2534 : i32
      %sign3A_2536 = arith.extui %sign3A_2535 : i1 to i32
      %sign3A_2537 = arith.constant 0 : i32
      %sign3A_2538 = arith.cmpi slt, %jit3A_2525, %sign3A_2537 : i32
      %sign3A_2539 = arith.extui %sign3A_2538 : i1 to i32
      %sign3A_2540 = arith.subi %sign3A_2536, %sign3A_2539 : i32
      %ne3A_2541 = arith.cmpi ne, %sign3A_2533, %sign3A_2540 : i32
      %rem3A_2542 = arith.remsi %add3A_2524, %jit3A_2525 : i32
      %ne3A_2543 = arith.constant 0 : i32
      %ne3A_2544 = arith.cmpi ne, %rem3A_2542, %ne3A_2543 : i32
      %and3A_2545 = arith.andi %ne3A_2541, %ne3A_2544 : i1
      %sub3A_2546 = arith.constant 1 : i32
      %sub3A_2547 = arith.subi %div3A_2526, %sub3A_2546 : i32
      %select_n3A_2548 = arith.select %and3A_2545, %sub3A_2547, %div3A_2526 : i32
      %mul3A_2549 = arith.constant 128 : i32
      %mul3A_2550 = arith.muli %select_n3A_2548, %mul3A_2549 : i32
      %sub3A_2551 = arith.subi %add3A_2524, %mul3A_2550 : i32
      %get3A_2552 = arith.index_cast %select_n3A_2548 : i32 to index
      %get3A_2553 = arith.index_cast %sub3A_2551 : i32 to index
      %get3A_2554 = tpu.vector_load %arg13[%get3A_2552, %get3A_2553] {strides = array<i32>} : memref<160x128xi32, #tpu.memory_space<vmem>>, vector<16xi32>,
      %shift_right_logical3A_2555 = arith.constant 4 : i32
      %shift_right_logical3A_2556 = vector.broadcast %shift_right_logical3A_2555 : i32 to vector<16xi32>
      %shift_right_logical3A_2557 = arith.shrui %get3A_2554, %shift_right_logical3A_2556 : vector<16xi32>
      %and3A_2558 = arith.constant 15 : i32
      %and3A_2559 = vector.broadcast %and3A_2558 : i32 to vector<16xi32>
      %and3A_2560 = arith.andi %get3A_2554, %and3A_2559 : vector<16xi32>
      tpu.vector_store_idx %arg18[%shift_right_logical3A_2557, %and3A_2560], %broadcast_in_dim3A_3 {add = true} : memref<640x16xf32, #tpu.memory_space<vmem>>[vector<16xi32>, vector<16xi32>], vector<16xf32>,
      %scan3A_2561 = arith.constant 7 : i32
      %scan3A_2562 = arith.addi %scan3A_2234, %scan3A_2561 : i32
      %mul3A_2563 = arith.constant 1 : i32
      %mul3A_2564 = arith.muli %scan3A_2562, %mul3A_2563 : i32
      %add3A_2565 = arith.constant 0 : i32
      %add3A_2566 = arith.addi %add3A_2565, %mul3A_2564 : i32
      %mul3A_2567 = arith.constant 16 : i32
      %mul3A_2568 = arith.muli %add3A_2566, %mul3A_2567 : i32
      %multiple_of3A_2569 = tpu.assume_multiple %mul3A_2568, 16 : i32
      %mul3A_2570 = arith.constant 10240 : i32
      %mul3A_2571 = arith.muli %arg0, %mul3A_2570 : i32
      %add3A_2572 = arith.addi %multiple_of3A_2569, %mul3A_2571 : i32
      %jit3A_2573 = arith.constant 128 : i32
      %div3A_2574 = arith.divsi %add3A_2572, %jit3A_2573 : i32
      %sign3A_2575 = arith.constant 0 : i32
      %sign3A_2576 = arith.cmpi sgt, %add3A_2572, %sign3A_2575 : i32
      %sign3A_2577 = arith.extui %sign3A_2576 : i1 to i32
      %sign3A_2578 = arith.constant 0 : i32
      %sign3A_2579 = arith.cmpi slt, %add3A_2572, %sign3A_2578 : i32
      %sign3A_2580 = arith.extui %sign3A_2579 : i1 to i32
      %sign3A_2581 = arith.subi %sign3A_2577, %sign3A_2580 : i32
      %sign3A_2582 = arith.constant 0 : i32
      %sign3A_2583 = arith.cmpi sgt, %jit3A_2573, %sign3A_2582 : i32
      %sign3A_2584 = arith.extui %sign3A_2583 : i1 to i32
      %sign3A_2585 = arith.constant 0 : i32
      %sign3A_2586 = arith.cmpi slt, %jit3A_2573, %sign3A_2585 : i32
      %sign3A_2587 = arith.extui %sign3A_2586 : i1 to i32
      %sign3A_2588 = arith.subi %sign3A_2584, %sign3A_2587 : i32
      %ne3A_2589 = arith.cmpi ne, %sign3A_2581, %sign3A_2588 : i32
      %rem3A_2590 = arith.remsi %add3A_2572, %jit3A_2573 : i32
      %ne3A_2591 = arith.constant 0 : i32
      %ne3A_2592 = arith.cmpi ne, %rem3A_2590, %ne3A_2591 : i32
      %and3A_2593 = arith.andi %ne3A_2589, %ne3A_2592 : i1
      %sub3A_2594 = arith.constant 1 : i32
      %sub3A_2595 = arith.subi %div3A_2574, %sub3A_2594 : i32
      %select_n3A_2596 = arith.select %and3A_2593, %sub3A_2595, %div3A_2574 : i32
      %mul3A_2597 = arith.constant 128 : i32
      %mul3A_2598 = arith.muli %select_n3A_2596, %mul3A_2597 : i32
      %sub3A_2599 = arith.subi %add3A_2572, %mul3A_2598 : i32
      %get3A_2600 = arith.index_cast %select_n3A_2596 : i32 to index
      %get3A_2601 = arith.index_cast %sub3A_2599 : i32 to index
      %get3A_2602 = tpu.vector_load %arg13[%get3A_2600, %get3A_2601] {strides = array<i32>} : memref<160x128xi32, #tpu.memory_space<vmem>>, vector<16xi32>,
      %shift_right_logical3A_2603 = arith.constant 4 : i32
      %shift_right_logical3A_2604 = vector.broadcast %shift_right_logical3A_2603 : i32 to vector<16xi32>
      %shift_right_logical3A_2605 = arith.shrui %get3A_2602, %shift_right_logical3A_2604 : vector<16xi32>
      %and3A_2606 = arith.constant 15 : i32
      %and3A_2607 = vector.broadcast %and3A_2606 : i32 to vector<16xi32>
      %and3A_2608 = arith.andi %get3A_2602, %and3A_2607 : vector<16xi32>
      tpu.vector_store_idx %arg18[%shift_right_logical3A_2605, %and3A_2608], %broadcast_in_dim3A_3 {add = true} : memref<640x16xf32, #tpu.memory_space<vmem>>[vector<16xi32>, vector<16xi32>], vector<16xf32>,
    }
    %scan3A_383 = arith.constant 640 : i32
    %barrier3A_384 = arith.constant 0 : index
    tpu.barrier barrier_id(%barrier3A_384)
    %run_scoped3A_385 = arith.constant 0 : i32
    "tpu.region"() ({
      %run_scoped3A_2234 = tpu.sem_alloc : memref<!tpu.dma_semaphore, #tpu.memory_space<semaphore_mem>>
      %dma_start3A_2235 = arith.constant 0 : i32
      %dma_start3A_2236 = arith.constant 0 : i32
      %dma_start3A_2237 = tpu.memref_slice %arg18[%dma_start3A_2235, %dma_start3A_2236] : memref<640x16xf32, #tpu.memory_space<vmem>> -> memref<128x16xf32, #tpu.memory_space<vmem>>
      %dma_start3A_2238 = arith.constant 0 : i32
      %dma_start3A_2239 = tpu.memref_slice %arg21[%run_scoped3A_385, %dma_start3A_2238] : memref<5x128xi32, #tpu.memory_space<vmem>> -> memref<1x128xi32, #tpu.memory_space<vmem>>
      %dma_start3A_2240 = tpu.memref_squeeze %dma_start3A_2239 : memref<1x128xi32, #tpu.memory_space<vmem>> -> memref<128xi32, #tpu.memory_space<vmem>>
      %dma_start3A_2241 = arith.constant 0 : i32
      %dma_start3A_2242 = arith.constant 0 : i32
      %dma_start3A_2243 = tpu.memref_slice %arg24[%dma_start3A_2241, %dma_start3A_2242] : memref<640x16xf32, #tpu.memory_space<vmem_shared>> -> memref<640x16xf32, #tpu.memory_space<vmem_shared>>
      tpu.enqueue_indirect_dma source(%dma_start3A_2237 : memref<128x16xf32, #tpu.memory_space<vmem>>) target(%dma_start3A_2243 : memref<640x16xf32, #tpu.memory_space<vmem_shared>>) offsets(%dma_start3A_2240 : memref<128xi32, #tpu.memory_space<vmem>>) semaphore(%run_scoped3A_2234 : memref<!tpu.dma_semaphore, #tpu.memory_space<semaphore_mem>>) {add = true}
      %dma_wait3A_2244 = arith.constant 0 : i32
      %dma_wait3A_2245 = arith.constant 0 : i32
      %dma_wait3A_2246 = tpu.memref_slice %arg18[%dma_wait3A_2244, %dma_wait3A_2245] : memref<640x16xf32, #tpu.memory_space<vmem>> -> memref<128x16xf32, #tpu.memory_space<vmem>>
      %dma_wait3A_2247 = arith.constant 0 : i32
      %dma_wait3A_2248 = tpu.memref_slice %arg21[%run_scoped3A_385, %dma_wait3A_2247] : memref<5x128xi32, #tpu.memory_space<vmem>> -> memref<1x128xi32, #tpu.memory_space<vmem>>
      %dma_wait3A_2249 = tpu.memref_squeeze %dma_wait3A_2248 : memref<1x128xi32, #tpu.memory_space<vmem>> -> memref<128xi32, #tpu.memory_space<vmem>>
      %dma_wait3A_2250 = arith.constant 0 : i32
      %dma_wait3A_2251 = arith.constant 0 : i32
      %dma_wait3A_2252 = tpu.memref_slice %arg24[%dma_wait3A_2250, %dma_wait3A_2251] : memref<640x16xf32, #tpu.memory_space<vmem_shared>> -> memref<640x16xf32, #tpu.memory_space<vmem_shared>>
      tpu.wait_indirect_dma semaphore(%run_scoped3A_2234 : memref<!tpu.dma_semaphore, #tpu.memory_space<semaphore_mem>>) src(%dma_wait3A_2246 : memref<128x16xf32, #tpu.memory_space<vmem>>) dst(%dma_wait3A_2252 : memref<640x16xf32, #tpu.memory_space<vmem_shared>>)
      tpu.yield
    }) : () -> ()
    %run_scoped3A_386 = arith.constant 1 : i32
    "tpu.region"() ({
      %run_scoped3A_2234 = tpu.sem_alloc : memref<!tpu.dma_semaphore, #tpu.memory_space<semaphore_mem>>
      %dma_start3A_2235 = arith.constant 128 : i32
      %dma_start3A_2236 = arith.constant 0 : i32
      %dma_start3A_2237 = tpu.memref_slice %arg18[%dma_start3A_2235, %dma_start3A_2236] : memref<640x16xf32, #tpu.memory_space<vmem>> -> memref<128x16xf32, #tpu.memory_space<vmem>>
      %dma_start3A_2238 = arith.constant 0 : i32
      %dma_start3A_2239 = tpu.memref_slice %arg21[%run_scoped3A_386, %dma_start3A_2238] : memref<5x128xi32, #tpu.memory_space<vmem>> -> memref<1x128xi32, #tpu.memory_space<vmem>>
      %dma_start3A_2240 = tpu.memref_squeeze %dma_start3A_2239 : memref<1x128xi32, #tpu.memory_space<vmem>> -> memref<128xi32, #tpu.memory_space<vmem>>
      %dma_start3A_2241 = arith.constant 0 : i32
      %dma_start3A_2242 = arith.constant 0 : i32
      %dma_start3A_2243 = tpu.memref_slice %arg24[%dma_start3A_2241, %dma_start3A_2242] : memref<640x16xf32, #tpu.memory_space<vmem_shared>> -> memref<640x16xf32, #tpu.memory_space<vmem_shared>>
      tpu.enqueue_indirect_dma source(%dma_start3A_2237 : memref<128x16xf32, #tpu.memory_space<vmem>>) target(%dma_start3A_2243 : memref<640x16xf32, #tpu.memory_space<vmem_shared>>) offsets(%dma_start3A_2240 : memref<128xi32, #tpu.memory_space<vmem>>) semaphore(%run_scoped3A_2234 : memref<!tpu.dma_semaphore, #tpu.memory_space<semaphore_mem>>) {add = true}
      %dma_wait3A_2244 = arith.constant 128 : i32
      %dma_wait3A_2245 = arith.constant 0 : i32
      %dma_wait3A_2246 = tpu.memref_slice %arg18[%dma_wait3A_2244, %dma_wait3A_2245] : memref<640x16xf32, #tpu.memory_space<vmem>> -> memref<128x16xf32, #tpu.memory_space<vmem>>
      %dma_wait3A_2247 = arith.constant 0 : i32
      %dma_wait3A_2248 = tpu.memref_slice %arg21[%run_scoped3A_386, %dma_wait3A_2247] : memref<5x128xi32, #tpu.memory_space<vmem>> -> memref<1x128xi32, #tpu.memory_space<vmem>>
      %dma_wait3A_2249 = tpu.memref_squeeze %dma_wait3A_2248 : memref<1x128xi32, #tpu.memory_space<vmem>> -> memref<128xi32, #tpu.memory_space<vmem>>
      %dma_wait3A_2250 = arith.constant 0 : i32
      %dma_wait3A_2251 = arith.constant 0 : i32
      %dma_wait3A_2252 = tpu.memref_slice %arg24[%dma_wait3A_2250, %dma_wait3A_2251] : memref<640x16xf32, #tpu.memory_space<vmem_shared>> -> memref<640x16xf32, #tpu.memory_space<vmem_shared>>
      tpu.wait_indirect_dma semaphore(%run_scoped3A_2234 : memref<!tpu.dma_semaphore, #tpu.memory_space<semaphore_mem>>) src(%dma_wait3A_2246 : memref<128x16xf32, #tpu.memory_space<vmem>>) dst(%dma_wait3A_2252 : memref<640x16xf32, #tpu.memory_space<vmem_shared>>)
      tpu.yield
    }) : () -> ()
    %run_scoped3A_387 = arith.constant 2 : i32
    "tpu.region"() ({
      %run_scoped3A_2234 = tpu.sem_alloc : memref<!tpu.dma_semaphore, #tpu.memory_space<semaphore_mem>>
      %dma_start3A_2235 = arith.constant 256 : i32
      %dma_start3A_2236 = arith.constant 0 : i32
      %dma_start3A_2237 = tpu.memref_slice %arg18[%dma_start3A_2235, %dma_start3A_2236] : memref<640x16xf32, #tpu.memory_space<vmem>> -> memref<128x16xf32, #tpu.memory_space<vmem>>
      %dma_start3A_2238 = arith.constant 0 : i32
      %dma_start3A_2239 = tpu.memref_slice %arg21[%run_scoped3A_387, %dma_start3A_2238] : memref<5x128xi32, #tpu.memory_space<vmem>> -> memref<1x128xi32, #tpu.memory_space<vmem>>
      %dma_start3A_2240 = tpu.memref_squeeze %dma_start3A_2239 : memref<1x128xi32, #tpu.memory_space<vmem>> -> memref<128xi32, #tpu.memory_space<vmem>>
      %dma_start3A_2241 = arith.constant 0 : i32
      %dma_start3A_2242 = arith.constant 0 : i32
      %dma_start3A_2243 = tpu.memref_slice %arg24[%dma_start3A_2241, %dma_start3A_2242] : memref<640x16xf32, #tpu.memory_space<vmem_shared>> -> memref<640x16xf32, #tpu.memory_space<vmem_shared>>
      tpu.enqueue_indirect_dma source(%dma_start3A_2237 : memref<128x16xf32, #tpu.memory_space<vmem>>) target(%dma_start3A_2243 : memref<640x16xf32, #tpu.memory_space<vmem_shared>>) offsets(%dma_start3A_2240 : memref<128xi32, #tpu.memory_space<vmem>>) semaphore(%run_scoped3A_2234 : memref<!tpu.dma_semaphore, #tpu.memory_space<semaphore_mem>>) {add = true}
      %dma_wait3A_2244 = arith.constant 256 : i32
      %dma_wait3A_2245 = arith.constant 0 : i32
      %dma_wait3A_2246 = tpu.memref_slice %arg18[%dma_wait3A_2244, %dma_wait3A_2245] : memref<640x16xf32, #tpu.memory_space<vmem>> -> memref<128x16xf32, #tpu.memory_space<vmem>>
      %dma_wait3A_2247 = arith.constant 0 : i32
      %dma_wait3A_2248 = tpu.memref_slice %arg21[%run_scoped3A_387, %dma_wait3A_2247] : memref<5x128xi32, #tpu.memory_space<vmem>> -> memref<1x128xi32, #tpu.memory_space<vmem>>
      %dma_wait3A_2249 = tpu.memref_squeeze %dma_wait3A_2248 : memref<1x128xi32, #tpu.memory_space<vmem>> -> memref<128xi32, #tpu.memory_space<vmem>>
      %dma_wait3A_2250 = arith.constant 0 : i32
      %dma_wait3A_2251 = arith.constant 0 : i32
      %dma_wait3A_2252 = tpu.memref_slice %arg24[%dma_wait3A_2250, %dma_wait3A_2251] : memref<640x16xf32, #tpu.memory_space<vmem_shared>> -> memref<640x16xf32, #tpu.memory_space<vmem_shared>>
      tpu.wait_indirect_dma semaphore(%run_scoped3A_2234 : memref<!tpu.dma_semaphore, #tpu.memory_space<semaphore_mem>>) src(%dma_wait3A_2246 : memref<128x16xf32, #tpu.memory_space<vmem>>) dst(%dma_wait3A_2252 : memref<640x16xf32, #tpu.memory_space<vmem_shared>>)
      tpu.yield
    }) : () -> ()
    %run_scoped3A_388 = arith.constant 3 : i32
    "tpu.region"() ({
      %run_scoped3A_2234 = tpu.sem_alloc : memref<!tpu.dma_semaphore, #tpu.memory_space<semaphore_mem>>
      %dma_start3A_2235 = arith.constant 384 : i32
      %dma_start3A_2236 = arith.constant 0 : i32
      %dma_start3A_2237 = tpu.memref_slice %arg18[%dma_start3A_2235, %dma_start3A_2236] : memref<640x16xf32, #tpu.memory_space<vmem>> -> memref<128x16xf32, #tpu.memory_space<vmem>>
      %dma_start3A_2238 = arith.constant 0 : i32
      %dma_start3A_2239 = tpu.memref_slice %arg21[%run_scoped3A_388, %dma_start3A_2238] : memref<5x128xi32, #tpu.memory_space<vmem>> -> memref<1x128xi32, #tpu.memory_space<vmem>>
      %dma_start3A_2240 = tpu.memref_squeeze %dma_start3A_2239 : memref<1x128xi32, #tpu.memory_space<vmem>> -> memref<128xi32, #tpu.memory_space<vmem>>
      %dma_start3A_2241 = arith.constant 0 : i32
      %dma_start3A_2242 = arith.constant 0 : i32
      %dma_start3A_2243 = tpu.memref_slice %arg24[%dma_start3A_2241, %dma_start3A_2242] : memref<640x16xf32, #tpu.memory_space<vmem_shared>> -> memref<640x16xf32, #tpu.memory_space<vmem_shared>>
      tpu.enqueue_indirect_dma source(%dma_start3A_2237 : memref<128x16xf32, #tpu.memory_space<vmem>>) target(%dma_start3A_2243 : memref<640x16xf32, #tpu.memory_space<vmem_shared>>) offsets(%dma_start3A_2240 : memref<128xi32, #tpu.memory_space<vmem>>) semaphore(%run_scoped3A_2234 : memref<!tpu.dma_semaphore, #tpu.memory_space<semaphore_mem>>) {add = true}
      %dma_wait3A_2244 = arith.constant 384 : i32
      %dma_wait3A_2245 = arith.constant 0 : i32
      %dma_wait3A_2246 = tpu.memref_slice %arg18[%dma_wait3A_2244, %dma_wait3A_2245] : memref<640x16xf32, #tpu.memory_space<vmem>> -> memref<128x16xf32, #tpu.memory_space<vmem>>
      %dma_wait3A_2247 = arith.constant 0 : i32
      %dma_wait3A_2248 = tpu.memref_slice %arg21[%run_scoped3A_388, %dma_wait3A_2247] : memref<5x128xi32, #tpu.memory_space<vmem>> -> memref<1x128xi32, #tpu.memory_space<vmem>>
      %dma_wait3A_2249 = tpu.memref_squeeze %dma_wait3A_2248 : memref<1x128xi32, #tpu.memory_space<vmem>> -> memref<128xi32, #tpu.memory_space<vmem>>
      %dma_wait3A_2250 = arith.constant 0 : i32
      %dma_wait3A_2251 = arith.constant 0 : i32
      %dma_wait3A_2252 = tpu.memref_slice %arg24[%dma_wait3A_2250, %dma_wait3A_2251] : memref<640x16xf32, #tpu.memory_space<vmem_shared>> -> memref<640x16xf32, #tpu.memory_space<vmem_shared>>
      tpu.wait_indirect_dma semaphore(%run_scoped3A_2234 : memref<!tpu.dma_semaphore, #tpu.memory_space<semaphore_mem>>) src(%dma_wait3A_2246 : memref<128x16xf32, #tpu.memory_space<vmem>>) dst(%dma_wait3A_2252 : memref<640x16xf32, #tpu.memory_space<vmem_shared>>)
      tpu.yield
    }) : () -> ()
    %run_scoped3A_389 = arith.constant 4 : i32
    "tpu.region"() ({
      %run_scoped3A_2234 = tpu.sem_alloc : memref<!tpu.dma_semaphore, #tpu.memory_space<semaphore_mem>>
      %dma_start3A_2235 = arith.constant 512 : i32
      %dma_start3A_2236 = arith.constant 0 : i32
      %dma_start3A_2237 = tpu.memref_slice %arg18[%dma_start3A_2235, %dma_start3A_2236] : memref<640x16xf32, #tpu.memory_space<vmem>> -> memref<128x16xf32, #tpu.memory_space<vmem>>
      %dma_start3A_2238 = arith.constant 0 : i32
      %dma_start3A_2239 = tpu.memref_slice %arg21[%run_scoped3A_389, %dma_start3A_2238] : memref<5x128xi32, #tpu.memory_space<vmem>> -> memref<1x128xi32, #tpu.memory_space<vmem>>
      %dma_start3A_2240 = tpu.memref_squeeze %dma_start3A_2239 : memref<1x128xi32, #tpu.memory_space<vmem>> -> memref<128xi32, #tpu.memory_space<vmem>>
      %dma_start3A_2241 = arith.constant 0 : i32
      %dma_start3A_2242 = arith.constant 0 : i32
      %dma_start3A_2243 = tpu.memref_slice %arg24[%dma_start3A_2241, %dma_start3A_2242] : memref<640x16xf32, #tpu.memory_space<vmem_shared>> -> memref<640x16xf32, #tpu.memory_space<vmem_shared>>
      tpu.enqueue_indirect_dma source(%dma_start3A_2237 : memref<128x16xf32, #tpu.memory_space<vmem>>) target(%dma_start3A_2243 : memref<640x16xf32, #tpu.memory_space<vmem_shared>>) offsets(%dma_start3A_2240 : memref<128xi32, #tpu.memory_space<vmem>>) semaphore(%run_scoped3A_2234 : memref<!tpu.dma_semaphore, #tpu.memory_space<semaphore_mem>>) {add = true}
      %dma_wait3A_2244 = arith.constant 512 : i32
      %dma_wait3A_2245 = arith.constant 0 : i32
      %dma_wait3A_2246 = tpu.memref_slice %arg18[%dma_wait3A_2244, %dma_wait3A_2245] : memref<640x16xf32, #tpu.memory_space<vmem>> -> memref<128x16xf32, #tpu.memory_space<vmem>>
      %dma_wait3A_2247 = arith.constant 0 : i32
      %dma_wait3A_2248 = tpu.memref_slice %arg21[%run_scoped3A_389, %dma_wait3A_2247] : memref<5x128xi32, #tpu.memory_space<vmem>> -> memref<1x128xi32, #tpu.memory_space<vmem>>
      %dma_wait3A_2249 = tpu.memref_squeeze %dma_wait3A_2248 : memref<1x128xi32, #tpu.memory_space<vmem>> -> memref<128xi32, #tpu.memory_space<vmem>>
      %dma_wait3A_2250 = arith.constant 0 : i32
      %dma_wait3A_2251 = arith.constant 0 : i32
      %dma_wait3A_2252 = tpu.memref_slice %arg24[%dma_wait3A_2250, %dma_wait3A_2251] : memref<640x16xf32, #tpu.memory_space<vmem_shared>> -> memref<640x16xf32, #tpu.memory_space<vmem_shared>>
      tpu.wait_indirect_dma semaphore(%run_scoped3A_2234 : memref<!tpu.dma_semaphore, #tpu.memory_space<semaphore_mem>>) src(%dma_wait3A_2246 : memref<128x16xf32, #tpu.memory_space<vmem>>) dst(%dma_wait3A_2252 : memref<640x16xf32, #tpu.memory_space<vmem_shared>>)
      tpu.yield
    }) : () -> ()
    %barrier3A_390 = arith.constant 0 : index
    tpu.barrier barrier_id(%barrier3A_390)
    "tpu.region"() ({
      %run_scoped3A_2234 = tpu.sem_alloc : memref<!tpu.dma_semaphore, #tpu.memory_space<semaphore_mem>>
      %dma_start3A_2235 = arith.constant 0 : i32
      %dma_start3A_2236 = tpu.memref_slice %arg23[%mul3A_2, %dma_start3A_2235] : memref<640x16xf32, #tpu.memory_space<vmem_shared>> -> memref<40x16xf32, #tpu.memory_space<vmem_shared>>
      %dma_start3A_2237 = arith.constant 0 : i32
      %dma_start3A_2238 = tpu.memref_slice %arg23[%mul3A_2, %dma_start3A_2237] : memref<640x16xf32, #tpu.memory_space<vmem_shared>> -> memref<40x16xf32, #tpu.memory_space<vmem_shared>>
      tpu.enqueue_dma source(%dma_start3A_2238 : memref<40x16xf32, #tpu.memory_space<vmem_shared>>) target(%arg19 : memref<40x16xf32, #tpu.memory_space<vmem>>) target_semaphore(%run_scoped3A_2234 : memref<!tpu.dma_semaphore, #tpu.memory_space<semaphore_mem>>)
      %dma_wait3A_2239 = arith.constant 0 : i32
      %dma_wait3A_2240 = tpu.memref_slice %arg23[%mul3A_2, %dma_wait3A_2239] : memref<640x16xf32, #tpu.memory_space<vmem_shared>> -> memref<40x16xf32, #tpu.memory_space<vmem_shared>>
      %dma_wait3A_2241 = arith.constant 0 : i32
      %dma_wait3A_2242 = tpu.memref_slice %arg23[%mul3A_2, %dma_wait3A_2241] : memref<640x16xf32, #tpu.memory_space<vmem_shared>> -> memref<40x16xf32, #tpu.memory_space<vmem_shared>>
      tpu.wait_dma2 semaphore(%run_scoped3A_2234 : memref<!tpu.dma_semaphore, #tpu.memory_space<semaphore_mem>>) src(%dma_wait3A_2242 : memref<40x16xf32, #tpu.memory_space<vmem_shared>>) dst(%arg19 : memref<40x16xf32, #tpu.memory_space<vmem>>)
      tpu.yield
    }) : () -> ()
    %get3A = arith.constant 0 : i32
    %get3A_391 = arith.index_cast %get3A : i32 to index
    %get3A_392 = arith.constant 0 : index
    %get3A_393 = tpu.vector_load %arg19[%get3A_391, %get3A_392] {strides = array<i32>} : memref<40x16xf32, #tpu.memory_space<vmem>>, vector<16xf32>,
    %max3A = arith.constant 1.000000e+00 : f32
    %max3A_394 = vector.broadcast %max3A : f32 to vector<16xf32>
    %max3A_395 = arith.maximumf %get3A_393, %max3A_394 : vector<16xf32>
    %bitcast3A = vector.bitcast %max3A_395 : vector<16xf32> to vector<16xi32>
    %shift_right_logical3A = arith.constant 1 : i32
    %shift_right_logical3A_396 = vector.broadcast %shift_right_logical3A : i32 to vector<16xi32>
    %shift_right_logical3A_397 = arith.shrui %bitcast3A, %shift_right_logical3A_396 : vector<16xi32>
    %sub3A = arith.constant 1597463007 : i32
    %sub3A_398 = vector.broadcast %sub3A : i32 to vector<16xi32>
    %sub3A_399 = arith.subi %sub3A_398, %shift_right_logical3A_397 : vector<16xi32>
    %bitcast3A_400 = vector.bitcast %sub3A_399 : vector<16xi32> to vector<16xf32>
    %mul3A_401 = arith.constant 5.000000e-01 : f32
    %mul3A_402 = vector.broadcast %mul3A_401 : f32 to vector<16xf32>
    %mul3A_403 = arith.mulf %mul3A_402, %max3A_395 : vector<16xf32>
    %mul3A_404 = arith.mulf %mul3A_403, %bitcast3A_400 : vector<16xf32>
    %mul3A_405 = arith.mulf %mul3A_404, %bitcast3A_400 : vector<16xf32>
    %sub3A_406 = arith.constant 1.500000e+00 : f32
    %sub3A_407 = vector.broadcast %sub3A_406 : f32 to vector<16xf32>
    %sub3A_408 = arith.subf %sub3A_407, %mul3A_405 : vector<16xf32>
    %mul3A_409 = arith.mulf %bitcast3A_400, %sub3A_408 : vector<16xf32>
    %mul3A_410 = arith.constant 5.000000e-01 : f32
    %mul3A_411 = vector.broadcast %mul3A_410 : f32 to vector<16xf32>
    %mul3A_412 = arith.mulf %mul3A_411, %max3A_395 : vector<16xf32>
    %mul3A_413 = arith.mulf %mul3A_412, %mul3A_409 : vector<16xf32>
    %mul3A_414 = arith.mulf %mul3A_413, %mul3A_409 : vector<16xf32>
    %sub3A_415 = arith.constant 1.500000e+00 : f32
    %sub3A_416 = vector.broadcast %sub3A_415 : f32 to vector<16xf32>
    %sub3A_417 = arith.subf %sub3A_416, %mul3A_414 : vector<16xf32>
    %mul3A_418 = arith.mulf %mul3A_409, %sub3A_417 : vector<16xf32>
    %mul3A_419 = arith.constant 5.000000e-01 : f32
    %mul3A_420 = vector.broadcast %mul3A_419 : f32 to vector<16xf32>
    %mul3A_421 = arith.mulf %mul3A_420, %max3A_395 : vector<16xf32>
    %mul3A_422 = arith.mulf %mul3A_421, %mul3A_418 : vector<16xf32>
    %mul3A_423 = arith.mulf %mul3A_422, %mul3A_418 : vector<16xf32>
    %sub3A_424 = arith.constant 1.500000e+00 : f32
    %sub3A_425 = vector.broadcast %sub3A_424 : f32 to vector<16xf32>
    %sub3A_426 = arith.subf %sub3A_425, %mul3A_423 : vector<16xf32>
    %mul3A_427 = arith.mulf %mul3A_418, %sub3A_426 : vector<16xf32>
    %swap3A_428 = arith.constant 0 : i32
    %swap3A_429 = arith.index_cast %swap3A_428 : i32 to index
    %swap3A_430 = arith.constant 0 : index
    %swap3A_431 = tpu.vector_load %arg20[%swap3A_429, %swap3A_430] {strides = array<i32>} : memref<40x16xf32, #tpu.memory_space<vmem>>, vector<16xf32>,
    tpu.vector_store %arg20[%swap3A_429, %swap3A_430], %mul3A_427 {strides = array<i32>} : memref<40x16xf32, #tpu.memory_space<vmem>>, vector<16xf32>,
    %get3A_432 = arith.constant 1 : i32
    %get3A_433 = arith.index_cast %get3A_432 : i32 to index
    %get3A_434 = arith.constant 0 : index
    %get3A_435 = tpu.vector_load %arg19[%get3A_433, %get3A_434] {strides = array<i32>} : memref<40x16xf32, #tpu.memory_space<vmem>>, vector<16xf32>,
    %max3A_436 = arith.constant 1.000000e+00 : f32
    %max3A_437 = vector.broadcast %max3A_436 : f32 to vector<16xf32>
    %max3A_438 = arith.maximumf %get3A_435, %max3A_437 : vector<16xf32>
    %bitcast3A_439 = vector.bitcast %max3A_438 : vector<16xf32> to vector<16xi32>
    %shift_right_logical3A_440 = arith.constant 1 : i32
    %shift_right_logical3A_441 = vector.broadcast %shift_right_logical3A_440 : i32 to vector<16xi32>
    %shift_right_logical3A_442 = arith.shrui %bitcast3A_439, %shift_right_logical3A_441 : vector<16xi32>
    %sub3A_443 = arith.constant 1597463007 : i32
    %sub3A_444 = vector.broadcast %sub3A_443 : i32 to vector<16xi32>
    %sub3A_445 = arith.subi %sub3A_444, %shift_right_logical3A_442 : vector<16xi32>
    %bitcast3A_446 = vector.bitcast %sub3A_445 : vector<16xi32> to vector<16xf32>
    %mul3A_447 = arith.constant 5.000000e-01 : f32
    %mul3A_448 = vector.broadcast %mul3A_447 : f32 to vector<16xf32>
    %mul3A_449 = arith.mulf %mul3A_448, %max3A_438 : vector<16xf32>
    %mul3A_450 = arith.mulf %mul3A_449, %bitcast3A_446 : vector<16xf32>
    %mul3A_451 = arith.mulf %mul3A_450, %bitcast3A_446 : vector<16xf32>
    %sub3A_452 = arith.constant 1.500000e+00 : f32
    %sub3A_453 = vector.broadcast %sub3A_452 : f32 to vector<16xf32>
    %sub3A_454 = arith.subf %sub3A_453, %mul3A_451 : vector<16xf32>
    %mul3A_455 = arith.mulf %bitcast3A_446, %sub3A_454 : vector<16xf32>
    %mul3A_456 = arith.constant 5.000000e-01 : f32
    %mul3A_457 = vector.broadcast %mul3A_456 : f32 to vector<16xf32>
    %mul3A_458 = arith.mulf %mul3A_457, %max3A_438 : vector<16xf32>
    %mul3A_459 = arith.mulf %mul3A_458, %mul3A_455 : vector<16xf32>
    %mul3A_460 = arith.mulf %mul3A_459, %mul3A_455 : vector<16xf32>
    %sub3A_461 = arith.constant 1.500000e+00 : f32
    %sub3A_462 = vector.broadcast %sub3A_461 : f32 to vector<16xf32>
    %sub3A_463 = arith.subf %sub3A_462, %mul3A_460 : vector<16xf32>
    %mul3A_464 = arith.mulf %mul3A_455, %sub3A_463 : vector<16xf32>
    %mul3A_465 = arith.constant 5.000000e-01 : f32
    %mul3A_466 = vector.broadcast %mul3A_465 : f32 to vector<16xf32>
    %mul3A_467 = arith.mulf %mul3A_466, %max3A_438 : vector<16xf32>
    %mul3A_468 = arith.mulf %mul3A_467, %mul3A_464 : vector<16xf32>
    %mul3A_469 = arith.mulf %mul3A_468, %mul3A_464 : vector<16xf32>
    %sub3A_470 = arith.constant 1.500000e+00 : f32
    %sub3A_471 = vector.broadcast %sub3A_470 : f32 to vector<16xf32>
    %sub3A_472 = arith.subf %sub3A_471, %mul3A_469 : vector<16xf32>
    %mul3A_473 = arith.mulf %mul3A_464, %sub3A_472 : vector<16xf32>
    %swap3A_474 = arith.constant 1 : i32
    %swap3A_475 = arith.index_cast %swap3A_474 : i32 to index
    %swap3A_476 = arith.constant 0 : index
    %swap3A_477 = tpu.vector_load %arg20[%swap3A_475, %swap3A_476] {strides = array<i32>} : memref<40x16xf32, #tpu.memory_space<vmem>>, vector<16xf32>,
    tpu.vector_store %arg20[%swap3A_475, %swap3A_476], %mul3A_473 {strides = array<i32>} : memref<40x16xf32, #tpu.memory_space<vmem>>, vector<16xf32>,
    %get3A_478 = arith.constant 2 : i32
    %get3A_479 = arith.index_cast %get3A_478 : i32 to index
    %get3A_480 = arith.constant 0 : index
    %get3A_481 = tpu.vector_load %arg19[%get3A_479, %get3A_480] {strides = array<i32>} : memref<40x16xf32, #tpu.memory_space<vmem>>, vector<16xf32>,
    %max3A_482 = arith.constant 1.000000e+00 : f32
    %max3A_483 = vector.broadcast %max3A_482 : f32 to vector<16xf32>
    %max3A_484 = arith.maximumf %get3A_481, %max3A_483 : vector<16xf32>
    %bitcast3A_485 = vector.bitcast %max3A_484 : vector<16xf32> to vector<16xi32>
    %shift_right_logical3A_486 = arith.constant 1 : i32
    %shift_right_logical3A_487 = vector.broadcast %shift_right_logical3A_486 : i32 to vector<16xi32>
    %shift_right_logical3A_488 = arith.shrui %bitcast3A_485, %shift_right_logical3A_487 : vector<16xi32>
    %sub3A_489 = arith.constant 1597463007 : i32
    %sub3A_490 = vector.broadcast %sub3A_489 : i32 to vector<16xi32>
    %sub3A_491 = arith.subi %sub3A_490, %shift_right_logical3A_488 : vector<16xi32>
    %bitcast3A_492 = vector.bitcast %sub3A_491 : vector<16xi32> to vector<16xf32>
    %mul3A_493 = arith.constant 5.000000e-01 : f32
    %mul3A_494 = vector.broadcast %mul3A_493 : f32 to vector<16xf32>
    %mul3A_495 = arith.mulf %mul3A_494, %max3A_484 : vector<16xf32>
    %mul3A_496 = arith.mulf %mul3A_495, %bitcast3A_492 : vector<16xf32>
    %mul3A_497 = arith.mulf %mul3A_496, %bitcast3A_492 : vector<16xf32>
    %sub3A_498 = arith.constant 1.500000e+00 : f32
    %sub3A_499 = vector.broadcast %sub3A_498 : f32 to vector<16xf32>
    %sub3A_500 = arith.subf %sub3A_499, %mul3A_497 : vector<16xf32>
    %mul3A_501 = arith.mulf %bitcast3A_492, %sub3A_500 : vector<16xf32>
    %mul3A_502 = arith.constant 5.000000e-01 : f32
    %mul3A_503 = vector.broadcast %mul3A_502 : f32 to vector<16xf32>
    %mul3A_504 = arith.mulf %mul3A_503, %max3A_484 : vector<16xf32>
    %mul3A_505 = arith.mulf %mul3A_504, %mul3A_501 : vector<16xf32>
    %mul3A_506 = arith.mulf %mul3A_505, %mul3A_501 : vector<16xf32>
    %sub3A_507 = arith.constant 1.500000e+00 : f32
    %sub3A_508 = vector.broadcast %sub3A_507 : f32 to vector<16xf32>
    %sub3A_509 = arith.subf %sub3A_508, %mul3A_506 : vector<16xf32>
    %mul3A_510 = arith.mulf %mul3A_501, %sub3A_509 : vector<16xf32>
    %mul3A_511 = arith.constant 5.000000e-01 : f32
    %mul3A_512 = vector.broadcast %mul3A_511 : f32 to vector<16xf32>
    %mul3A_513 = arith.mulf %mul3A_512, %max3A_484 : vector<16xf32>
    %mul3A_514 = arith.mulf %mul3A_513, %mul3A_510 : vector<16xf32>
    %mul3A_515 = arith.mulf %mul3A_514, %mul3A_510 : vector<16xf32>
    %sub3A_516 = arith.constant 1.500000e+00 : f32
    %sub3A_517 = vector.broadcast %sub3A_516 : f32 to vector<16xf32>
    %sub3A_518 = arith.subf %sub3A_517, %mul3A_515 : vector<16xf32>
    %mul3A_519 = arith.mulf %mul3A_510, %sub3A_518 : vector<16xf32>
    %swap3A_520 = arith.constant 2 : i32
    %swap3A_521 = arith.index_cast %swap3A_520 : i32 to index
    %swap3A_522 = arith.constant 0 : index
    %swap3A_523 = tpu.vector_load %arg20[%swap3A_521, %swap3A_522] {strides = array<i32>} : memref<40x16xf32, #tpu.memory_space<vmem>>, vector<16xf32>,
    tpu.vector_store %arg20[%swap3A_521, %swap3A_522], %mul3A_519 {strides = array<i32>} : memref<40x16xf32, #tpu.memory_space<vmem>>, vector<16xf32>,
    %get3A_524 = arith.constant 3 : i32
    %get3A_525 = arith.index_cast %get3A_524 : i32 to index
    %get3A_526 = arith.constant 0 : index
    %get3A_527 = tpu.vector_load %arg19[%get3A_525, %get3A_526] {strides = array<i32>} : memref<40x16xf32, #tpu.memory_space<vmem>>, vector<16xf32>,
    %max3A_528 = arith.constant 1.000000e+00 : f32
    %max3A_529 = vector.broadcast %max3A_528 : f32 to vector<16xf32>
    %max3A_530 = arith.maximumf %get3A_527, %max3A_529 : vector<16xf32>
    %bitcast3A_531 = vector.bitcast %max3A_530 : vector<16xf32> to vector<16xi32>
    %shift_right_logical3A_532 = arith.constant 1 : i32
    %shift_right_logical3A_533 = vector.broadcast %shift_right_logical3A_532 : i32 to vector<16xi32>
    %shift_right_logical3A_534 = arith.shrui %bitcast3A_531, %shift_right_logical3A_533 : vector<16xi32>
    %sub3A_535 = arith.constant 1597463007 : i32
    %sub3A_536 = vector.broadcast %sub3A_535 : i32 to vector<16xi32>
    %sub3A_537 = arith.subi %sub3A_536, %shift_right_logical3A_534 : vector<16xi32>
    %bitcast3A_538 = vector.bitcast %sub3A_537 : vector<16xi32> to vector<16xf32>
    %mul3A_539 = arith.constant 5.000000e-01 : f32
    %mul3A_540 = vector.broadcast %mul3A_539 : f32 to vector<16xf32>
    %mul3A_541 = arith.mulf %mul3A_540, %max3A_530 : vector<16xf32>
    %mul3A_542 = arith.mulf %mul3A_541, %bitcast3A_538 : vector<16xf32>
    %mul3A_543 = arith.mulf %mul3A_542, %bitcast3A_538 : vector<16xf32>
    %sub3A_544 = arith.constant 1.500000e+00 : f32
    %sub3A_545 = vector.broadcast %sub3A_544 : f32 to vector<16xf32>
    %sub3A_546 = arith.subf %sub3A_545, %mul3A_543 : vector<16xf32>
    %mul3A_547 = arith.mulf %bitcast3A_538, %sub3A_546 : vector<16xf32>
    %mul3A_548 = arith.constant 5.000000e-01 : f32
    %mul3A_549 = vector.broadcast %mul3A_548 : f32 to vector<16xf32>
    %mul3A_550 = arith.mulf %mul3A_549, %max3A_530 : vector<16xf32>
    %mul3A_551 = arith.mulf %mul3A_550, %mul3A_547 : vector<16xf32>
    %mul3A_552 = arith.mulf %mul3A_551, %mul3A_547 : vector<16xf32>
    %sub3A_553 = arith.constant 1.500000e+00 : f32
    %sub3A_554 = vector.broadcast %sub3A_553 : f32 to vector<16xf32>
    %sub3A_555 = arith.subf %sub3A_554, %mul3A_552 : vector<16xf32>
    %mul3A_556 = arith.mulf %mul3A_547, %sub3A_555 : vector<16xf32>
    %mul3A_557 = arith.constant 5.000000e-01 : f32
    %mul3A_558 = vector.broadcast %mul3A_557 : f32 to vector<16xf32>
    %mul3A_559 = arith.mulf %mul3A_558, %max3A_530 : vector<16xf32>
    %mul3A_560 = arith.mulf %mul3A_559, %mul3A_556 : vector<16xf32>
    %mul3A_561 = arith.mulf %mul3A_560, %mul3A_556 : vector<16xf32>
    %sub3A_562 = arith.constant 1.500000e+00 : f32
    %sub3A_563 = vector.broadcast %sub3A_562 : f32 to vector<16xf32>
    %sub3A_564 = arith.subf %sub3A_563, %mul3A_561 : vector<16xf32>
    %mul3A_565 = arith.mulf %mul3A_556, %sub3A_564 : vector<16xf32>
    %swap3A_566 = arith.constant 3 : i32
    %swap3A_567 = arith.index_cast %swap3A_566 : i32 to index
    %swap3A_568 = arith.constant 0 : index
    %swap3A_569 = tpu.vector_load %arg20[%swap3A_567, %swap3A_568] {strides = array<i32>} : memref<40x16xf32, #tpu.memory_space<vmem>>, vector<16xf32>,
    tpu.vector_store %arg20[%swap3A_567, %swap3A_568], %mul3A_565 {strides = array<i32>} : memref<40x16xf32, #tpu.memory_space<vmem>>, vector<16xf32>,
    %get3A_570 = arith.constant 4 : i32
    %get3A_571 = arith.index_cast %get3A_570 : i32 to index
    %get3A_572 = arith.constant 0 : index
    %get3A_573 = tpu.vector_load %arg19[%get3A_571, %get3A_572] {strides = array<i32>} : memref<40x16xf32, #tpu.memory_space<vmem>>, vector<16xf32>,
    %max3A_574 = arith.constant 1.000000e+00 : f32
    %max3A_575 = vector.broadcast %max3A_574 : f32 to vector<16xf32>
    %max3A_576 = arith.maximumf %get3A_573, %max3A_575 : vector<16xf32>
    %bitcast3A_577 = vector.bitcast %max3A_576 : vector<16xf32> to vector<16xi32>
    %shift_right_logical3A_578 = arith.constant 1 : i32
    %shift_right_logical3A_579 = vector.broadcast %shift_right_logical3A_578 : i32 to vector<16xi32>
    %shift_right_logical3A_580 = arith.shrui %bitcast3A_577, %shift_right_logical3A_579 : vector<16xi32>
    %sub3A_581 = arith.constant 1597463007 : i32
    %sub3A_582 = vector.broadcast %sub3A_581 : i32 to vector<16xi32>
    %sub3A_583 = arith.subi %sub3A_582, %shift_right_logical3A_580 : vector<16xi32>
    %bitcast3A_584 = vector.bitcast %sub3A_583 : vector<16xi32> to vector<16xf32>
    %mul3A_585 = arith.constant 5.000000e-01 : f32
    %mul3A_586 = vector.broadcast %mul3A_585 : f32 to vector<16xf32>
    %mul3A_587 = arith.mulf %mul3A_586, %max3A_576 : vector<16xf32>
    %mul3A_588 = arith.mulf %mul3A_587, %bitcast3A_584 : vector<16xf32>
    %mul3A_589 = arith.mulf %mul3A_588, %bitcast3A_584 : vector<16xf32>
    %sub3A_590 = arith.constant 1.500000e+00 : f32
    %sub3A_591 = vector.broadcast %sub3A_590 : f32 to vector<16xf32>
    %sub3A_592 = arith.subf %sub3A_591, %mul3A_589 : vector<16xf32>
    %mul3A_593 = arith.mulf %bitcast3A_584, %sub3A_592 : vector<16xf32>
    %mul3A_594 = arith.constant 5.000000e-01 : f32
    %mul3A_595 = vector.broadcast %mul3A_594 : f32 to vector<16xf32>
    %mul3A_596 = arith.mulf %mul3A_595, %max3A_576 : vector<16xf32>
    %mul3A_597 = arith.mulf %mul3A_596, %mul3A_593 : vector<16xf32>
    %mul3A_598 = arith.mulf %mul3A_597, %mul3A_593 : vector<16xf32>
    %sub3A_599 = arith.constant 1.500000e+00 : f32
    %sub3A_600 = vector.broadcast %sub3A_599 : f32 to vector<16xf32>
    %sub3A_601 = arith.subf %sub3A_600, %mul3A_598 : vector<16xf32>
    %mul3A_602 = arith.mulf %mul3A_593, %sub3A_601 : vector<16xf32>
    %mul3A_603 = arith.constant 5.000000e-01 : f32
    %mul3A_604 = vector.broadcast %mul3A_603 : f32 to vector<16xf32>
    %mul3A_605 = arith.mulf %mul3A_604, %max3A_576 : vector<16xf32>
    %mul3A_606 = arith.mulf %mul3A_605, %mul3A_602 : vector<16xf32>
    %mul3A_607 = arith.mulf %mul3A_606, %mul3A_602 : vector<16xf32>
    %sub3A_608 = arith.constant 1.500000e+00 : f32
    %sub3A_609 = vector.broadcast %sub3A_608 : f32 to vector<16xf32>
    %sub3A_610 = arith.subf %sub3A_609, %mul3A_607 : vector<16xf32>
    %mul3A_611 = arith.mulf %mul3A_602, %sub3A_610 : vector<16xf32>
    %swap3A_612 = arith.constant 4 : i32
    %swap3A_613 = arith.index_cast %swap3A_612 : i32 to index
    %swap3A_614 = arith.constant 0 : index
    %swap3A_615 = tpu.vector_load %arg20[%swap3A_613, %swap3A_614] {strides = array<i32>} : memref<40x16xf32, #tpu.memory_space<vmem>>, vector<16xf32>,
    tpu.vector_store %arg20[%swap3A_613, %swap3A_614], %mul3A_611 {strides = array<i32>} : memref<40x16xf32, #tpu.memory_space<vmem>>, vector<16xf32>,
    %get3A_616 = arith.constant 5 : i32
    %get3A_617 = arith.index_cast %get3A_616 : i32 to index
    %get3A_618 = arith.constant 0 : index
    %get3A_619 = tpu.vector_load %arg19[%get3A_617, %get3A_618] {strides = array<i32>} : memref<40x16xf32, #tpu.memory_space<vmem>>, vector<16xf32>,
    %max3A_620 = arith.constant 1.000000e+00 : f32
    %max3A_621 = vector.broadcast %max3A_620 : f32 to vector<16xf32>
    %max3A_622 = arith.maximumf %get3A_619, %max3A_621 : vector<16xf32>
    %bitcast3A_623 = vector.bitcast %max3A_622 : vector<16xf32> to vector<16xi32>
    %shift_right_logical3A_624 = arith.constant 1 : i32
    %shift_right_logical3A_625 = vector.broadcast %shift_right_logical3A_624 : i32 to vector<16xi32>
    %shift_right_logical3A_626 = arith.shrui %bitcast3A_623, %shift_right_logical3A_625 : vector<16xi32>
    %sub3A_627 = arith.constant 1597463007 : i32
    %sub3A_628 = vector.broadcast %sub3A_627 : i32 to vector<16xi32>
    %sub3A_629 = arith.subi %sub3A_628, %shift_right_logical3A_626 : vector<16xi32>
    %bitcast3A_630 = vector.bitcast %sub3A_629 : vector<16xi32> to vector<16xf32>
    %mul3A_631 = arith.constant 5.000000e-01 : f32
    %mul3A_632 = vector.broadcast %mul3A_631 : f32 to vector<16xf32>
    %mul3A_633 = arith.mulf %mul3A_632, %max3A_622 : vector<16xf32>
    %mul3A_634 = arith.mulf %mul3A_633, %bitcast3A_630 : vector<16xf32>
    %mul3A_635 = arith.mulf %mul3A_634, %bitcast3A_630 : vector<16xf32>
    %sub3A_636 = arith.constant 1.500000e+00 : f32
    %sub3A_637 = vector.broadcast %sub3A_636 : f32 to vector<16xf32>
    %sub3A_638 = arith.subf %sub3A_637, %mul3A_635 : vector<16xf32>
    %mul3A_639 = arith.mulf %bitcast3A_630, %sub3A_638 : vector<16xf32>
    %mul3A_640 = arith.constant 5.000000e-01 : f32
    %mul3A_641 = vector.broadcast %mul3A_640 : f32 to vector<16xf32>
    %mul3A_642 = arith.mulf %mul3A_641, %max3A_622 : vector<16xf32>
    %mul3A_643 = arith.mulf %mul3A_642, %mul3A_639 : vector<16xf32>
    %mul3A_644 = arith.mulf %mul3A_643, %mul3A_639 : vector<16xf32>
    %sub3A_645 = arith.constant 1.500000e+00 : f32
    %sub3A_646 = vector.broadcast %sub3A_645 : f32 to vector<16xf32>
    %sub3A_647 = arith.subf %sub3A_646, %mul3A_644 : vector<16xf32>
    %mul3A_648 = arith.mulf %mul3A_639, %sub3A_647 : vector<16xf32>
    %mul3A_649 = arith.constant 5.000000e-01 : f32
    %mul3A_650 = vector.broadcast %mul3A_649 : f32 to vector<16xf32>
    %mul3A_651 = arith.mulf %mul3A_650, %max3A_622 : vector<16xf32>
    %mul3A_652 = arith.mulf %mul3A_651, %mul3A_648 : vector<16xf32>
    %mul3A_653 = arith.mulf %mul3A_652, %mul3A_648 : vector<16xf32>
    %sub3A_654 = arith.constant 1.500000e+00 : f32
    %sub3A_655 = vector.broadcast %sub3A_654 : f32 to vector<16xf32>
    %sub3A_656 = arith.subf %sub3A_655, %mul3A_653 : vector<16xf32>
    %mul3A_657 = arith.mulf %mul3A_648, %sub3A_656 : vector<16xf32>
    %swap3A_658 = arith.constant 5 : i32
    %swap3A_659 = arith.index_cast %swap3A_658 : i32 to index
    %swap3A_660 = arith.constant 0 : index
    %swap3A_661 = tpu.vector_load %arg20[%swap3A_659, %swap3A_660] {strides = array<i32>} : memref<40x16xf32, #tpu.memory_space<vmem>>, vector<16xf32>,
    tpu.vector_store %arg20[%swap3A_659, %swap3A_660], %mul3A_657 {strides = array<i32>} : memref<40x16xf32, #tpu.memory_space<vmem>>, vector<16xf32>,
    %get3A_662 = arith.constant 6 : i32
    %get3A_663 = arith.index_cast %get3A_662 : i32 to index
    %get3A_664 = arith.constant 0 : index
    %get3A_665 = tpu.vector_load %arg19[%get3A_663, %get3A_664] {strides = array<i32>} : memref<40x16xf32, #tpu.memory_space<vmem>>, vector<16xf32>,
    %max3A_666 = arith.constant 1.000000e+00 : f32
    %max3A_667 = vector.broadcast %max3A_666 : f32 to vector<16xf32>
    %max3A_668 = arith.maximumf %get3A_665, %max3A_667 : vector<16xf32>
    %bitcast3A_669 = vector.bitcast %max3A_668 : vector<16xf32> to vector<16xi32>
    %shift_right_logical3A_670 = arith.constant 1 : i32
    %shift_right_logical3A_671 = vector.broadcast %shift_right_logical3A_670 : i32 to vector<16xi32>
    %shift_right_logical3A_672 = arith.shrui %bitcast3A_669, %shift_right_logical3A_671 : vector<16xi32>
    %sub3A_673 = arith.constant 1597463007 : i32
    %sub3A_674 = vector.broadcast %sub3A_673 : i32 to vector<16xi32>
    %sub3A_675 = arith.subi %sub3A_674, %shift_right_logical3A_672 : vector<16xi32>
    %bitcast3A_676 = vector.bitcast %sub3A_675 : vector<16xi32> to vector<16xf32>
    %mul3A_677 = arith.constant 5.000000e-01 : f32
    %mul3A_678 = vector.broadcast %mul3A_677 : f32 to vector<16xf32>
    %mul3A_679 = arith.mulf %mul3A_678, %max3A_668 : vector<16xf32>
    %mul3A_680 = arith.mulf %mul3A_679, %bitcast3A_676 : vector<16xf32>
    %mul3A_681 = arith.mulf %mul3A_680, %bitcast3A_676 : vector<16xf32>
    %sub3A_682 = arith.constant 1.500000e+00 : f32
    %sub3A_683 = vector.broadcast %sub3A_682 : f32 to vector<16xf32>
    %sub3A_684 = arith.subf %sub3A_683, %mul3A_681 : vector<16xf32>
    %mul3A_685 = arith.mulf %bitcast3A_676, %sub3A_684 : vector<16xf32>
    %mul3A_686 = arith.constant 5.000000e-01 : f32
    %mul3A_687 = vector.broadcast %mul3A_686 : f32 to vector<16xf32>
    %mul3A_688 = arith.mulf %mul3A_687, %max3A_668 : vector<16xf32>
    %mul3A_689 = arith.mulf %mul3A_688, %mul3A_685 : vector<16xf32>
    %mul3A_690 = arith.mulf %mul3A_689, %mul3A_685 : vector<16xf32>
    %sub3A_691 = arith.constant 1.500000e+00 : f32
    %sub3A_692 = vector.broadcast %sub3A_691 : f32 to vector<16xf32>
    %sub3A_693 = arith.subf %sub3A_692, %mul3A_690 : vector<16xf32>
    %mul3A_694 = arith.mulf %mul3A_685, %sub3A_693 : vector<16xf32>
    %mul3A_695 = arith.constant 5.000000e-01 : f32
    %mul3A_696 = vector.broadcast %mul3A_695 : f32 to vector<16xf32>
    %mul3A_697 = arith.mulf %mul3A_696, %max3A_668 : vector<16xf32>
    %mul3A_698 = arith.mulf %mul3A_697, %mul3A_694 : vector<16xf32>
    %mul3A_699 = arith.mulf %mul3A_698, %mul3A_694 : vector<16xf32>
    %sub3A_700 = arith.constant 1.500000e+00 : f32
    %sub3A_701 = vector.broadcast %sub3A_700 : f32 to vector<16xf32>
    %sub3A_702 = arith.subf %sub3A_701, %mul3A_699 : vector<16xf32>
    %mul3A_703 = arith.mulf %mul3A_694, %sub3A_702 : vector<16xf32>
    %swap3A_704 = arith.constant 6 : i32
    %swap3A_705 = arith.index_cast %swap3A_704 : i32 to index
    %swap3A_706 = arith.constant 0 : index
    %swap3A_707 = tpu.vector_load %arg20[%swap3A_705, %swap3A_706] {strides = array<i32>} : memref<40x16xf32, #tpu.memory_space<vmem>>, vector<16xf32>,
    tpu.vector_store %arg20[%swap3A_705, %swap3A_706], %mul3A_703 {strides = array<i32>} : memref<40x16xf32, #tpu.memory_space<vmem>>, vector<16xf32>,
    %get3A_708 = arith.constant 7 : i32
    %get3A_709 = arith.index_cast %get3A_708 : i32 to index
    %get3A_710 = arith.constant 0 : index
    %get3A_711 = tpu.vector_load %arg19[%get3A_709, %get3A_710] {strides = array<i32>} : memref<40x16xf32, #tpu.memory_space<vmem>>, vector<16xf32>,
    %max3A_712 = arith.constant 1.000000e+00 : f32
    %max3A_713 = vector.broadcast %max3A_712 : f32 to vector<16xf32>
    %max3A_714 = arith.maximumf %get3A_711, %max3A_713 : vector<16xf32>
    %bitcast3A_715 = vector.bitcast %max3A_714 : vector<16xf32> to vector<16xi32>
    %shift_right_logical3A_716 = arith.constant 1 : i32
    %shift_right_logical3A_717 = vector.broadcast %shift_right_logical3A_716 : i32 to vector<16xi32>
    %shift_right_logical3A_718 = arith.shrui %bitcast3A_715, %shift_right_logical3A_717 : vector<16xi32>
    %sub3A_719 = arith.constant 1597463007 : i32
    %sub3A_720 = vector.broadcast %sub3A_719 : i32 to vector<16xi32>
    %sub3A_721 = arith.subi %sub3A_720, %shift_right_logical3A_718 : vector<16xi32>
    %bitcast3A_722 = vector.bitcast %sub3A_721 : vector<16xi32> to vector<16xf32>
    %mul3A_723 = arith.constant 5.000000e-01 : f32
    %mul3A_724 = vector.broadcast %mul3A_723 : f32 to vector<16xf32>
    %mul3A_725 = arith.mulf %mul3A_724, %max3A_714 : vector<16xf32>
    %mul3A_726 = arith.mulf %mul3A_725, %bitcast3A_722 : vector<16xf32>
    %mul3A_727 = arith.mulf %mul3A_726, %bitcast3A_722 : vector<16xf32>
    %sub3A_728 = arith.constant 1.500000e+00 : f32
    %sub3A_729 = vector.broadcast %sub3A_728 : f32 to vector<16xf32>
    %sub3A_730 = arith.subf %sub3A_729, %mul3A_727 : vector<16xf32>
    %mul3A_731 = arith.mulf %bitcast3A_722, %sub3A_730 : vector<16xf32>
    %mul3A_732 = arith.constant 5.000000e-01 : f32
    %mul3A_733 = vector.broadcast %mul3A_732 : f32 to vector<16xf32>
    %mul3A_734 = arith.mulf %mul3A_733, %max3A_714 : vector<16xf32>
    %mul3A_735 = arith.mulf %mul3A_734, %mul3A_731 : vector<16xf32>
    %mul3A_736 = arith.mulf %mul3A_735, %mul3A_731 : vector<16xf32>
    %sub3A_737 = arith.constant 1.500000e+00 : f32
    %sub3A_738 = vector.broadcast %sub3A_737 : f32 to vector<16xf32>
    %sub3A_739 = arith.subf %sub3A_738, %mul3A_736 : vector<16xf32>
    %mul3A_740 = arith.mulf %mul3A_731, %sub3A_739 : vector<16xf32>
    %mul3A_741 = arith.constant 5.000000e-01 : f32
    %mul3A_742 = vector.broadcast %mul3A_741 : f32 to vector<16xf32>
    %mul3A_743 = arith.mulf %mul3A_742, %max3A_714 : vector<16xf32>
    %mul3A_744 = arith.mulf %mul3A_743, %mul3A_740 : vector<16xf32>
    %mul3A_745 = arith.mulf %mul3A_744, %mul3A_740 : vector<16xf32>
    %sub3A_746 = arith.constant 1.500000e+00 : f32
    %sub3A_747 = vector.broadcast %sub3A_746 : f32 to vector<16xf32>
    %sub3A_748 = arith.subf %sub3A_747, %mul3A_745 : vector<16xf32>
    %mul3A_749 = arith.mulf %mul3A_740, %sub3A_748 : vector<16xf32>
    %swap3A_750 = arith.constant 7 : i32
    %swap3A_751 = arith.index_cast %swap3A_750 : i32 to index
    %swap3A_752 = arith.constant 0 : index
    %swap3A_753 = tpu.vector_load %arg20[%swap3A_751, %swap3A_752] {strides = array<i32>} : memref<40x16xf32, #tpu.memory_space<vmem>>, vector<16xf32>,
    tpu.vector_store %arg20[%swap3A_751, %swap3A_752], %mul3A_749 {strides = array<i32>} : memref<40x16xf32, #tpu.memory_space<vmem>>, vector<16xf32>,
    %get3A_754 = arith.constant 8 : i32
    %get3A_755 = arith.index_cast %get3A_754 : i32 to index
    %get3A_756 = arith.constant 0 : index
    %get3A_757 = tpu.vector_load %arg19[%get3A_755, %get3A_756] {strides = array<i32>} : memref<40x16xf32, #tpu.memory_space<vmem>>, vector<16xf32>,
    %max3A_758 = arith.constant 1.000000e+00 : f32
    %max3A_759 = vector.broadcast %max3A_758 : f32 to vector<16xf32>
    %max3A_760 = arith.maximumf %get3A_757, %max3A_759 : vector<16xf32>
    %bitcast3A_761 = vector.bitcast %max3A_760 : vector<16xf32> to vector<16xi32>
    %shift_right_logical3A_762 = arith.constant 1 : i32
    %shift_right_logical3A_763 = vector.broadcast %shift_right_logical3A_762 : i32 to vector<16xi32>
    %shift_right_logical3A_764 = arith.shrui %bitcast3A_761, %shift_right_logical3A_763 : vector<16xi32>
    %sub3A_765 = arith.constant 1597463007 : i32
    %sub3A_766 = vector.broadcast %sub3A_765 : i32 to vector<16xi32>
    %sub3A_767 = arith.subi %sub3A_766, %shift_right_logical3A_764 : vector<16xi32>
    %bitcast3A_768 = vector.bitcast %sub3A_767 : vector<16xi32> to vector<16xf32>
    %mul3A_769 = arith.constant 5.000000e-01 : f32
    %mul3A_770 = vector.broadcast %mul3A_769 : f32 to vector<16xf32>
    %mul3A_771 = arith.mulf %mul3A_770, %max3A_760 : vector<16xf32>
    %mul3A_772 = arith.mulf %mul3A_771, %bitcast3A_768 : vector<16xf32>
    %mul3A_773 = arith.mulf %mul3A_772, %bitcast3A_768 : vector<16xf32>
    %sub3A_774 = arith.constant 1.500000e+00 : f32
    %sub3A_775 = vector.broadcast %sub3A_774 : f32 to vector<16xf32>
    %sub3A_776 = arith.subf %sub3A_775, %mul3A_773 : vector<16xf32>
    %mul3A_777 = arith.mulf %bitcast3A_768, %sub3A_776 : vector<16xf32>
    %mul3A_778 = arith.constant 5.000000e-01 : f32
    %mul3A_779 = vector.broadcast %mul3A_778 : f32 to vector<16xf32>
    %mul3A_780 = arith.mulf %mul3A_779, %max3A_760 : vector<16xf32>
    %mul3A_781 = arith.mulf %mul3A_780, %mul3A_777 : vector<16xf32>
    %mul3A_782 = arith.mulf %mul3A_781, %mul3A_777 : vector<16xf32>
    %sub3A_783 = arith.constant 1.500000e+00 : f32
    %sub3A_784 = vector.broadcast %sub3A_783 : f32 to vector<16xf32>
    %sub3A_785 = arith.subf %sub3A_784, %mul3A_782 : vector<16xf32>
    %mul3A_786 = arith.mulf %mul3A_777, %sub3A_785 : vector<16xf32>
    %mul3A_787 = arith.constant 5.000000e-01 : f32
    %mul3A_788 = vector.broadcast %mul3A_787 : f32 to vector<16xf32>
    %mul3A_789 = arith.mulf %mul3A_788, %max3A_760 : vector<16xf32>
    %mul3A_790 = arith.mulf %mul3A_789, %mul3A_786 : vector<16xf32>
    %mul3A_791 = arith.mulf %mul3A_790, %mul3A_786 : vector<16xf32>
    %sub3A_792 = arith.constant 1.500000e+00 : f32
    %sub3A_793 = vector.broadcast %sub3A_792 : f32 to vector<16xf32>
    %sub3A_794 = arith.subf %sub3A_793, %mul3A_791 : vector<16xf32>
    %mul3A_795 = arith.mulf %mul3A_786, %sub3A_794 : vector<16xf32>
    %swap3A_796 = arith.constant 8 : i32
    %swap3A_797 = arith.index_cast %swap3A_796 : i32 to index
    %swap3A_798 = arith.constant 0 : index
    %swap3A_799 = tpu.vector_load %arg20[%swap3A_797, %swap3A_798] {strides = array<i32>} : memref<40x16xf32, #tpu.memory_space<vmem>>, vector<16xf32>,
    tpu.vector_store %arg20[%swap3A_797, %swap3A_798], %mul3A_795 {strides = array<i32>} : memref<40x16xf32, #tpu.memory_space<vmem>>, vector<16xf32>,
    %get3A_800 = arith.constant 9 : i32
    %get3A_801 = arith.index_cast %get3A_800 : i32 to index
    %get3A_802 = arith.constant 0 : index
    %get3A_803 = tpu.vector_load %arg19[%get3A_801, %get3A_802] {strides = array<i32>} : memref<40x16xf32, #tpu.memory_space<vmem>>, vector<16xf32>,
    %max3A_804 = arith.constant 1.000000e+00 : f32
    %max3A_805 = vector.broadcast %max3A_804 : f32 to vector<16xf32>
    %max3A_806 = arith.maximumf %get3A_803, %max3A_805 : vector<16xf32>
    %bitcast3A_807 = vector.bitcast %max3A_806 : vector<16xf32> to vector<16xi32>
    %shift_right_logical3A_808 = arith.constant 1 : i32
    %shift_right_logical3A_809 = vector.broadcast %shift_right_logical3A_808 : i32 to vector<16xi32>
    %shift_right_logical3A_810 = arith.shrui %bitcast3A_807, %shift_right_logical3A_809 : vector<16xi32>
    %sub3A_811 = arith.constant 1597463007 : i32
    %sub3A_812 = vector.broadcast %sub3A_811 : i32 to vector<16xi32>
    %sub3A_813 = arith.subi %sub3A_812, %shift_right_logical3A_810 : vector<16xi32>
    %bitcast3A_814 = vector.bitcast %sub3A_813 : vector<16xi32> to vector<16xf32>
    %mul3A_815 = arith.constant 5.000000e-01 : f32
    %mul3A_816 = vector.broadcast %mul3A_815 : f32 to vector<16xf32>
    %mul3A_817 = arith.mulf %mul3A_816, %max3A_806 : vector<16xf32>
    %mul3A_818 = arith.mulf %mul3A_817, %bitcast3A_814 : vector<16xf32>
    %mul3A_819 = arith.mulf %mul3A_818, %bitcast3A_814 : vector<16xf32>
    %sub3A_820 = arith.constant 1.500000e+00 : f32
    %sub3A_821 = vector.broadcast %sub3A_820 : f32 to vector<16xf32>
    %sub3A_822 = arith.subf %sub3A_821, %mul3A_819 : vector<16xf32>
    %mul3A_823 = arith.mulf %bitcast3A_814, %sub3A_822 : vector<16xf32>
    %mul3A_824 = arith.constant 5.000000e-01 : f32
    %mul3A_825 = vector.broadcast %mul3A_824 : f32 to vector<16xf32>
    %mul3A_826 = arith.mulf %mul3A_825, %max3A_806 : vector<16xf32>
    %mul3A_827 = arith.mulf %mul3A_826, %mul3A_823 : vector<16xf32>
    %mul3A_828 = arith.mulf %mul3A_827, %mul3A_823 : vector<16xf32>
    %sub3A_829 = arith.constant 1.500000e+00 : f32
    %sub3A_830 = vector.broadcast %sub3A_829 : f32 to vector<16xf32>
    %sub3A_831 = arith.subf %sub3A_830, %mul3A_828 : vector<16xf32>
    %mul3A_832 = arith.mulf %mul3A_823, %sub3A_831 : vector<16xf32>
    %mul3A_833 = arith.constant 5.000000e-01 : f32
    %mul3A_834 = vector.broadcast %mul3A_833 : f32 to vector<16xf32>
    %mul3A_835 = arith.mulf %mul3A_834, %max3A_806 : vector<16xf32>
    %mul3A_836 = arith.mulf %mul3A_835, %mul3A_832 : vector<16xf32>
    %mul3A_837 = arith.mulf %mul3A_836, %mul3A_832 : vector<16xf32>
    %sub3A_838 = arith.constant 1.500000e+00 : f32
    %sub3A_839 = vector.broadcast %sub3A_838 : f32 to vector<16xf32>
    %sub3A_840 = arith.subf %sub3A_839, %mul3A_837 : vector<16xf32>
    %mul3A_841 = arith.mulf %mul3A_832, %sub3A_840 : vector<16xf32>
    %swap3A_842 = arith.constant 9 : i32
    %swap3A_843 = arith.index_cast %swap3A_842 : i32 to index
    %swap3A_844 = arith.constant 0 : index
    %swap3A_845 = tpu.vector_load %arg20[%swap3A_843, %swap3A_844] {strides = array<i32>} : memref<40x16xf32, #tpu.memory_space<vmem>>, vector<16xf32>,
    tpu.vector_store %arg20[%swap3A_843, %swap3A_844], %mul3A_841 {strides = array<i32>} : memref<40x16xf32, #tpu.memory_space<vmem>>, vector<16xf32>,
    %get3A_846 = arith.constant 10 : i32
    %get3A_847 = arith.index_cast %get3A_846 : i32 to index
    %get3A_848 = arith.constant 0 : index
    %get3A_849 = tpu.vector_load %arg19[%get3A_847, %get3A_848] {strides = array<i32>} : memref<40x16xf32, #tpu.memory_space<vmem>>, vector<16xf32>,
    %max3A_850 = arith.constant 1.000000e+00 : f32
    %max3A_851 = vector.broadcast %max3A_850 : f32 to vector<16xf32>
    %max3A_852 = arith.maximumf %get3A_849, %max3A_851 : vector<16xf32>
    %bitcast3A_853 = vector.bitcast %max3A_852 : vector<16xf32> to vector<16xi32>
    %shift_right_logical3A_854 = arith.constant 1 : i32
    %shift_right_logical3A_855 = vector.broadcast %shift_right_logical3A_854 : i32 to vector<16xi32>
    %shift_right_logical3A_856 = arith.shrui %bitcast3A_853, %shift_right_logical3A_855 : vector<16xi32>
    %sub3A_857 = arith.constant 1597463007 : i32
    %sub3A_858 = vector.broadcast %sub3A_857 : i32 to vector<16xi32>
    %sub3A_859 = arith.subi %sub3A_858, %shift_right_logical3A_856 : vector<16xi32>
    %bitcast3A_860 = vector.bitcast %sub3A_859 : vector<16xi32> to vector<16xf32>
    %mul3A_861 = arith.constant 5.000000e-01 : f32
    %mul3A_862 = vector.broadcast %mul3A_861 : f32 to vector<16xf32>
    %mul3A_863 = arith.mulf %mul3A_862, %max3A_852 : vector<16xf32>
    %mul3A_864 = arith.mulf %mul3A_863, %bitcast3A_860 : vector<16xf32>
    %mul3A_865 = arith.mulf %mul3A_864, %bitcast3A_860 : vector<16xf32>
    %sub3A_866 = arith.constant 1.500000e+00 : f32
    %sub3A_867 = vector.broadcast %sub3A_866 : f32 to vector<16xf32>
    %sub3A_868 = arith.subf %sub3A_867, %mul3A_865 : vector<16xf32>
    %mul3A_869 = arith.mulf %bitcast3A_860, %sub3A_868 : vector<16xf32>
    %mul3A_870 = arith.constant 5.000000e-01 : f32
    %mul3A_871 = vector.broadcast %mul3A_870 : f32 to vector<16xf32>
    %mul3A_872 = arith.mulf %mul3A_871, %max3A_852 : vector<16xf32>
    %mul3A_873 = arith.mulf %mul3A_872, %mul3A_869 : vector<16xf32>
    %mul3A_874 = arith.mulf %mul3A_873, %mul3A_869 : vector<16xf32>
    %sub3A_875 = arith.constant 1.500000e+00 : f32
    %sub3A_876 = vector.broadcast %sub3A_875 : f32 to vector<16xf32>
    %sub3A_877 = arith.subf %sub3A_876, %mul3A_874 : vector<16xf32>
    %mul3A_878 = arith.mulf %mul3A_869, %sub3A_877 : vector<16xf32>
    %mul3A_879 = arith.constant 5.000000e-01 : f32
    %mul3A_880 = vector.broadcast %mul3A_879 : f32 to vector<16xf32>
    %mul3A_881 = arith.mulf %mul3A_880, %max3A_852 : vector<16xf32>
    %mul3A_882 = arith.mulf %mul3A_881, %mul3A_878 : vector<16xf32>
    %mul3A_883 = arith.mulf %mul3A_882, %mul3A_878 : vector<16xf32>
    %sub3A_884 = arith.constant 1.500000e+00 : f32
    %sub3A_885 = vector.broadcast %sub3A_884 : f32 to vector<16xf32>
    %sub3A_886 = arith.subf %sub3A_885, %mul3A_883 : vector<16xf32>
    %mul3A_887 = arith.mulf %mul3A_878, %sub3A_886 : vector<16xf32>
    %swap3A_888 = arith.constant 10 : i32
    %swap3A_889 = arith.index_cast %swap3A_888 : i32 to index
    %swap3A_890 = arith.constant 0 : index
    %swap3A_891 = tpu.vector_load %arg20[%swap3A_889, %swap3A_890] {strides = array<i32>} : memref<40x16xf32, #tpu.memory_space<vmem>>, vector<16xf32>,
    tpu.vector_store %arg20[%swap3A_889, %swap3A_890], %mul3A_887 {strides = array<i32>} : memref<40x16xf32, #tpu.memory_space<vmem>>, vector<16xf32>,
    %get3A_892 = arith.constant 11 : i32
    %get3A_893 = arith.index_cast %get3A_892 : i32 to index
    %get3A_894 = arith.constant 0 : index
    %get3A_895 = tpu.vector_load %arg19[%get3A_893, %get3A_894] {strides = array<i32>} : memref<40x16xf32, #tpu.memory_space<vmem>>, vector<16xf32>,
    %max3A_896 = arith.constant 1.000000e+00 : f32
    %max3A_897 = vector.broadcast %max3A_896 : f32 to vector<16xf32>
    %max3A_898 = arith.maximumf %get3A_895, %max3A_897 : vector<16xf32>
    %bitcast3A_899 = vector.bitcast %max3A_898 : vector<16xf32> to vector<16xi32>
    %shift_right_logical3A_900 = arith.constant 1 : i32
    %shift_right_logical3A_901 = vector.broadcast %shift_right_logical3A_900 : i32 to vector<16xi32>
    %shift_right_logical3A_902 = arith.shrui %bitcast3A_899, %shift_right_logical3A_901 : vector<16xi32>
    %sub3A_903 = arith.constant 1597463007 : i32
    %sub3A_904 = vector.broadcast %sub3A_903 : i32 to vector<16xi32>
    %sub3A_905 = arith.subi %sub3A_904, %shift_right_logical3A_902 : vector<16xi32>
    %bitcast3A_906 = vector.bitcast %sub3A_905 : vector<16xi32> to vector<16xf32>
    %mul3A_907 = arith.constant 5.000000e-01 : f32
    %mul3A_908 = vector.broadcast %mul3A_907 : f32 to vector<16xf32>
    %mul3A_909 = arith.mulf %mul3A_908, %max3A_898 : vector<16xf32>
    %mul3A_910 = arith.mulf %mul3A_909, %bitcast3A_906 : vector<16xf32>
    %mul3A_911 = arith.mulf %mul3A_910, %bitcast3A_906 : vector<16xf32>
    %sub3A_912 = arith.constant 1.500000e+00 : f32
    %sub3A_913 = vector.broadcast %sub3A_912 : f32 to vector<16xf32>
    %sub3A_914 = arith.subf %sub3A_913, %mul3A_911 : vector<16xf32>
    %mul3A_915 = arith.mulf %bitcast3A_906, %sub3A_914 : vector<16xf32>
    %mul3A_916 = arith.constant 5.000000e-01 : f32
    %mul3A_917 = vector.broadcast %mul3A_916 : f32 to vector<16xf32>
    %mul3A_918 = arith.mulf %mul3A_917, %max3A_898 : vector<16xf32>
    %mul3A_919 = arith.mulf %mul3A_918, %mul3A_915 : vector<16xf32>
    %mul3A_920 = arith.mulf %mul3A_919, %mul3A_915 : vector<16xf32>
    %sub3A_921 = arith.constant 1.500000e+00 : f32
    %sub3A_922 = vector.broadcast %sub3A_921 : f32 to vector<16xf32>
    %sub3A_923 = arith.subf %sub3A_922, %mul3A_920 : vector<16xf32>
    %mul3A_924 = arith.mulf %mul3A_915, %sub3A_923 : vector<16xf32>
    %mul3A_925 = arith.constant 5.000000e-01 : f32
    %mul3A_926 = vector.broadcast %mul3A_925 : f32 to vector<16xf32>
    %mul3A_927 = arith.mulf %mul3A_926, %max3A_898 : vector<16xf32>
    %mul3A_928 = arith.mulf %mul3A_927, %mul3A_924 : vector<16xf32>
    %mul3A_929 = arith.mulf %mul3A_928, %mul3A_924 : vector<16xf32>
    %sub3A_930 = arith.constant 1.500000e+00 : f32
    %sub3A_931 = vector.broadcast %sub3A_930 : f32 to vector<16xf32>
    %sub3A_932 = arith.subf %sub3A_931, %mul3A_929 : vector<16xf32>
    %mul3A_933 = arith.mulf %mul3A_924, %sub3A_932 : vector<16xf32>
    %swap3A_934 = arith.constant 11 : i32
    %swap3A_935 = arith.index_cast %swap3A_934 : i32 to index
    %swap3A_936 = arith.constant 0 : index
    %swap3A_937 = tpu.vector_load %arg20[%swap3A_935, %swap3A_936] {strides = array<i32>} : memref<40x16xf32, #tpu.memory_space<vmem>>, vector<16xf32>,
    tpu.vector_store %arg20[%swap3A_935, %swap3A_936], %mul3A_933 {strides = array<i32>} : memref<40x16xf32, #tpu.memory_space<vmem>>, vector<16xf32>,
    %get3A_938 = arith.constant 12 : i32
    %get3A_939 = arith.index_cast %get3A_938 : i32 to index
    %get3A_940 = arith.constant 0 : index
    %get3A_941 = tpu.vector_load %arg19[%get3A_939, %get3A_940] {strides = array<i32>} : memref<40x16xf32, #tpu.memory_space<vmem>>, vector<16xf32>,
    %max3A_942 = arith.constant 1.000000e+00 : f32
    %max3A_943 = vector.broadcast %max3A_942 : f32 to vector<16xf32>
    %max3A_944 = arith.maximumf %get3A_941, %max3A_943 : vector<16xf32>
    %bitcast3A_945 = vector.bitcast %max3A_944 : vector<16xf32> to vector<16xi32>
    %shift_right_logical3A_946 = arith.constant 1 : i32
    %shift_right_logical3A_947 = vector.broadcast %shift_right_logical3A_946 : i32 to vector<16xi32>
    %shift_right_logical3A_948 = arith.shrui %bitcast3A_945, %shift_right_logical3A_947 : vector<16xi32>
    %sub3A_949 = arith.constant 1597463007 : i32
    %sub3A_950 = vector.broadcast %sub3A_949 : i32 to vector<16xi32>
    %sub3A_951 = arith.subi %sub3A_950, %shift_right_logical3A_948 : vector<16xi32>
    %bitcast3A_952 = vector.bitcast %sub3A_951 : vector<16xi32> to vector<16xf32>
    %mul3A_953 = arith.constant 5.000000e-01 : f32
    %mul3A_954 = vector.broadcast %mul3A_953 : f32 to vector<16xf32>
    %mul3A_955 = arith.mulf %mul3A_954, %max3A_944 : vector<16xf32>
    %mul3A_956 = arith.mulf %mul3A_955, %bitcast3A_952 : vector<16xf32>
    %mul3A_957 = arith.mulf %mul3A_956, %bitcast3A_952 : vector<16xf32>
    %sub3A_958 = arith.constant 1.500000e+00 : f32
    %sub3A_959 = vector.broadcast %sub3A_958 : f32 to vector<16xf32>
    %sub3A_960 = arith.subf %sub3A_959, %mul3A_957 : vector<16xf32>
    %mul3A_961 = arith.mulf %bitcast3A_952, %sub3A_960 : vector<16xf32>
    %mul3A_962 = arith.constant 5.000000e-01 : f32
    %mul3A_963 = vector.broadcast %mul3A_962 : f32 to vector<16xf32>
    %mul3A_964 = arith.mulf %mul3A_963, %max3A_944 : vector<16xf32>
    %mul3A_965 = arith.mulf %mul3A_964, %mul3A_961 : vector<16xf32>
    %mul3A_966 = arith.mulf %mul3A_965, %mul3A_961 : vector<16xf32>
    %sub3A_967 = arith.constant 1.500000e+00 : f32
    %sub3A_968 = vector.broadcast %sub3A_967 : f32 to vector<16xf32>
    %sub3A_969 = arith.subf %sub3A_968, %mul3A_966 : vector<16xf32>
    %mul3A_970 = arith.mulf %mul3A_961, %sub3A_969 : vector<16xf32>
    %mul3A_971 = arith.constant 5.000000e-01 : f32
    %mul3A_972 = vector.broadcast %mul3A_971 : f32 to vector<16xf32>
    %mul3A_973 = arith.mulf %mul3A_972, %max3A_944 : vector<16xf32>
    %mul3A_974 = arith.mulf %mul3A_973, %mul3A_970 : vector<16xf32>
    %mul3A_975 = arith.mulf %mul3A_974, %mul3A_970 : vector<16xf32>
    %sub3A_976 = arith.constant 1.500000e+00 : f32
    %sub3A_977 = vector.broadcast %sub3A_976 : f32 to vector<16xf32>
    %sub3A_978 = arith.subf %sub3A_977, %mul3A_975 : vector<16xf32>
    %mul3A_979 = arith.mulf %mul3A_970, %sub3A_978 : vector<16xf32>
    %swap3A_980 = arith.constant 12 : i32
    %swap3A_981 = arith.index_cast %swap3A_980 : i32 to index
    %swap3A_982 = arith.constant 0 : index
    %swap3A_983 = tpu.vector_load %arg20[%swap3A_981, %swap3A_982] {strides = array<i32>} : memref<40x16xf32, #tpu.memory_space<vmem>>, vector<16xf32>,
    tpu.vector_store %arg20[%swap3A_981, %swap3A_982], %mul3A_979 {strides = array<i32>} : memref<40x16xf32, #tpu.memory_space<vmem>>, vector<16xf32>,
    %get3A_984 = arith.constant 13 : i32
    %get3A_985 = arith.index_cast %get3A_984 : i32 to index
    %get3A_986 = arith.constant 0 : index
    %get3A_987 = tpu.vector_load %arg19[%get3A_985, %get3A_986] {strides = array<i32>} : memref<40x16xf32, #tpu.memory_space<vmem>>, vector<16xf32>,
    %max3A_988 = arith.constant 1.000000e+00 : f32
    %max3A_989 = vector.broadcast %max3A_988 : f32 to vector<16xf32>
    %max3A_990 = arith.maximumf %get3A_987, %max3A_989 : vector<16xf32>
    %bitcast3A_991 = vector.bitcast %max3A_990 : vector<16xf32> to vector<16xi32>
    %shift_right_logical3A_992 = arith.constant 1 : i32
    %shift_right_logical3A_993 = vector.broadcast %shift_right_logical3A_992 : i32 to vector<16xi32>
    %shift_right_logical3A_994 = arith.shrui %bitcast3A_991, %shift_right_logical3A_993 : vector<16xi32>
    %sub3A_995 = arith.constant 1597463007 : i32
    %sub3A_996 = vector.broadcast %sub3A_995 : i32 to vector<16xi32>
    %sub3A_997 = arith.subi %sub3A_996, %shift_right_logical3A_994 : vector<16xi32>
    %bitcast3A_998 = vector.bitcast %sub3A_997 : vector<16xi32> to vector<16xf32>
    %mul3A_999 = arith.constant 5.000000e-01 : f32
    %mul3A_1000 = vector.broadcast %mul3A_999 : f32 to vector<16xf32>
    %mul3A_1001 = arith.mulf %mul3A_1000, %max3A_990 : vector<16xf32>
    %mul3A_1002 = arith.mulf %mul3A_1001, %bitcast3A_998 : vector<16xf32>
    %mul3A_1003 = arith.mulf %mul3A_1002, %bitcast3A_998 : vector<16xf32>
    %sub3A_1004 = arith.constant 1.500000e+00 : f32
    %sub3A_1005 = vector.broadcast %sub3A_1004 : f32 to vector<16xf32>
    %sub3A_1006 = arith.subf %sub3A_1005, %mul3A_1003 : vector<16xf32>
    %mul3A_1007 = arith.mulf %bitcast3A_998, %sub3A_1006 : vector<16xf32>
    %mul3A_1008 = arith.constant 5.000000e-01 : f32
    %mul3A_1009 = vector.broadcast %mul3A_1008 : f32 to vector<16xf32>
    %mul3A_1010 = arith.mulf %mul3A_1009, %max3A_990 : vector<16xf32>
    %mul3A_1011 = arith.mulf %mul3A_1010, %mul3A_1007 : vector<16xf32>
    %mul3A_1012 = arith.mulf %mul3A_1011, %mul3A_1007 : vector<16xf32>
    %sub3A_1013 = arith.constant 1.500000e+00 : f32
    %sub3A_1014 = vector.broadcast %sub3A_1013 : f32 to vector<16xf32>
    %sub3A_1015 = arith.subf %sub3A_1014, %mul3A_1012 : vector<16xf32>
    %mul3A_1016 = arith.mulf %mul3A_1007, %sub3A_1015 : vector<16xf32>
    %mul3A_1017 = arith.constant 5.000000e-01 : f32
    %mul3A_1018 = vector.broadcast %mul3A_1017 : f32 to vector<16xf32>
    %mul3A_1019 = arith.mulf %mul3A_1018, %max3A_990 : vector<16xf32>
    %mul3A_1020 = arith.mulf %mul3A_1019, %mul3A_1016 : vector<16xf32>
    %mul3A_1021 = arith.mulf %mul3A_1020, %mul3A_1016 : vector<16xf32>
    %sub3A_1022 = arith.constant 1.500000e+00 : f32
    %sub3A_1023 = vector.broadcast %sub3A_1022 : f32 to vector<16xf32>
    %sub3A_1024 = arith.subf %sub3A_1023, %mul3A_1021 : vector<16xf32>
    %mul3A_1025 = arith.mulf %mul3A_1016, %sub3A_1024 : vector<16xf32>
    %swap3A_1026 = arith.constant 13 : i32
    %swap3A_1027 = arith.index_cast %swap3A_1026 : i32 to index
    %swap3A_1028 = arith.constant 0 : index
    %swap3A_1029 = tpu.vector_load %arg20[%swap3A_1027, %swap3A_1028] {strides = array<i32>} : memref<40x16xf32, #tpu.memory_space<vmem>>, vector<16xf32>,
    tpu.vector_store %arg20[%swap3A_1027, %swap3A_1028], %mul3A_1025 {strides = array<i32>} : memref<40x16xf32, #tpu.memory_space<vmem>>, vector<16xf32>,
    %get3A_1030 = arith.constant 14 : i32
    %get3A_1031 = arith.index_cast %get3A_1030 : i32 to index
    %get3A_1032 = arith.constant 0 : index
    %get3A_1033 = tpu.vector_load %arg19[%get3A_1031, %get3A_1032] {strides = array<i32>} : memref<40x16xf32, #tpu.memory_space<vmem>>, vector<16xf32>,
    %max3A_1034 = arith.constant 1.000000e+00 : f32
    %max3A_1035 = vector.broadcast %max3A_1034 : f32 to vector<16xf32>
    %max3A_1036 = arith.maximumf %get3A_1033, %max3A_1035 : vector<16xf32>
    %bitcast3A_1037 = vector.bitcast %max3A_1036 : vector<16xf32> to vector<16xi32>
    %shift_right_logical3A_1038 = arith.constant 1 : i32
    %shift_right_logical3A_1039 = vector.broadcast %shift_right_logical3A_1038 : i32 to vector<16xi32>
    %shift_right_logical3A_1040 = arith.shrui %bitcast3A_1037, %shift_right_logical3A_1039 : vector<16xi32>
    %sub3A_1041 = arith.constant 1597463007 : i32
    %sub3A_1042 = vector.broadcast %sub3A_1041 : i32 to vector<16xi32>
    %sub3A_1043 = arith.subi %sub3A_1042, %shift_right_logical3A_1040 : vector<16xi32>
    %bitcast3A_1044 = vector.bitcast %sub3A_1043 : vector<16xi32> to vector<16xf32>
    %mul3A_1045 = arith.constant 5.000000e-01 : f32
    %mul3A_1046 = vector.broadcast %mul3A_1045 : f32 to vector<16xf32>
    %mul3A_1047 = arith.mulf %mul3A_1046, %max3A_1036 : vector<16xf32>
    %mul3A_1048 = arith.mulf %mul3A_1047, %bitcast3A_1044 : vector<16xf32>
    %mul3A_1049 = arith.mulf %mul3A_1048, %bitcast3A_1044 : vector<16xf32>
    %sub3A_1050 = arith.constant 1.500000e+00 : f32
    %sub3A_1051 = vector.broadcast %sub3A_1050 : f32 to vector<16xf32>
    %sub3A_1052 = arith.subf %sub3A_1051, %mul3A_1049 : vector<16xf32>
    %mul3A_1053 = arith.mulf %bitcast3A_1044, %sub3A_1052 : vector<16xf32>
    %mul3A_1054 = arith.constant 5.000000e-01 : f32
    %mul3A_1055 = vector.broadcast %mul3A_1054 : f32 to vector<16xf32>
    %mul3A_1056 = arith.mulf %mul3A_1055, %max3A_1036 : vector<16xf32>
    %mul3A_1057 = arith.mulf %mul3A_1056, %mul3A_1053 : vector<16xf32>
    %mul3A_1058 = arith.mulf %mul3A_1057, %mul3A_1053 : vector<16xf32>
    %sub3A_1059 = arith.constant 1.500000e+00 : f32
    %sub3A_1060 = vector.broadcast %sub3A_1059 : f32 to vector<16xf32>
    %sub3A_1061 = arith.subf %sub3A_1060, %mul3A_1058 : vector<16xf32>
    %mul3A_1062 = arith.mulf %mul3A_1053, %sub3A_1061 : vector<16xf32>
    %mul3A_1063 = arith.constant 5.000000e-01 : f32
    %mul3A_1064 = vector.broadcast %mul3A_1063 : f32 to vector<16xf32>
    %mul3A_1065 = arith.mulf %mul3A_1064, %max3A_1036 : vector<16xf32>
    %mul3A_1066 = arith.mulf %mul3A_1065, %mul3A_1062 : vector<16xf32>
    %mul3A_1067 = arith.mulf %mul3A_1066, %mul3A_1062 : vector<16xf32>
    %sub3A_1068 = arith.constant 1.500000e+00 : f32
    %sub3A_1069 = vector.broadcast %sub3A_1068 : f32 to vector<16xf32>
    %sub3A_1070 = arith.subf %sub3A_1069, %mul3A_1067 : vector<16xf32>
    %mul3A_1071 = arith.mulf %mul3A_1062, %sub3A_1070 : vector<16xf32>
    %swap3A_1072 = arith.constant 14 : i32
    %swap3A_1073 = arith.index_cast %swap3A_1072 : i32 to index
    %swap3A_1074 = arith.constant 0 : index
    %swap3A_1075 = tpu.vector_load %arg20[%swap3A_1073, %swap3A_1074] {strides = array<i32>} : memref<40x16xf32, #tpu.memory_space<vmem>>, vector<16xf32>,
    tpu.vector_store %arg20[%swap3A_1073, %swap3A_1074], %mul3A_1071 {strides = array<i32>} : memref<40x16xf32, #tpu.memory_space<vmem>>, vector<16xf32>,
    %get3A_1076 = arith.constant 15 : i32
    %get3A_1077 = arith.index_cast %get3A_1076 : i32 to index
    %get3A_1078 = arith.constant 0 : index
    %get3A_1079 = tpu.vector_load %arg19[%get3A_1077, %get3A_1078] {strides = array<i32>} : memref<40x16xf32, #tpu.memory_space<vmem>>, vector<16xf32>,
    %max3A_1080 = arith.constant 1.000000e+00 : f32
    %max3A_1081 = vector.broadcast %max3A_1080 : f32 to vector<16xf32>
    %max3A_1082 = arith.maximumf %get3A_1079, %max3A_1081 : vector<16xf32>
    %bitcast3A_1083 = vector.bitcast %max3A_1082 : vector<16xf32> to vector<16xi32>
    %shift_right_logical3A_1084 = arith.constant 1 : i32
    %shift_right_logical3A_1085 = vector.broadcast %shift_right_logical3A_1084 : i32 to vector<16xi32>
    %shift_right_logical3A_1086 = arith.shrui %bitcast3A_1083, %shift_right_logical3A_1085 : vector<16xi32>
    %sub3A_1087 = arith.constant 1597463007 : i32
    %sub3A_1088 = vector.broadcast %sub3A_1087 : i32 to vector<16xi32>
    %sub3A_1089 = arith.subi %sub3A_1088, %shift_right_logical3A_1086 : vector<16xi32>
    %bitcast3A_1090 = vector.bitcast %sub3A_1089 : vector<16xi32> to vector<16xf32>
    %mul3A_1091 = arith.constant 5.000000e-01 : f32
    %mul3A_1092 = vector.broadcast %mul3A_1091 : f32 to vector<16xf32>
    %mul3A_1093 = arith.mulf %mul3A_1092, %max3A_1082 : vector<16xf32>
    %mul3A_1094 = arith.mulf %mul3A_1093, %bitcast3A_1090 : vector<16xf32>
    %mul3A_1095 = arith.mulf %mul3A_1094, %bitcast3A_1090 : vector<16xf32>
    %sub3A_1096 = arith.constant 1.500000e+00 : f32
    %sub3A_1097 = vector.broadcast %sub3A_1096 : f32 to vector<16xf32>
    %sub3A_1098 = arith.subf %sub3A_1097, %mul3A_1095 : vector<16xf32>
    %mul3A_1099 = arith.mulf %bitcast3A_1090, %sub3A_1098 : vector<16xf32>
    %mul3A_1100 = arith.constant 5.000000e-01 : f32
    %mul3A_1101 = vector.broadcast %mul3A_1100 : f32 to vector<16xf32>
    %mul3A_1102 = arith.mulf %mul3A_1101, %max3A_1082 : vector<16xf32>
    %mul3A_1103 = arith.mulf %mul3A_1102, %mul3A_1099 : vector<16xf32>
    %mul3A_1104 = arith.mulf %mul3A_1103, %mul3A_1099 : vector<16xf32>
    %sub3A_1105 = arith.constant 1.500000e+00 : f32
    %sub3A_1106 = vector.broadcast %sub3A_1105 : f32 to vector<16xf32>
    %sub3A_1107 = arith.subf %sub3A_1106, %mul3A_1104 : vector<16xf32>
    %mul3A_1108 = arith.mulf %mul3A_1099, %sub3A_1107 : vector<16xf32>
    %mul3A_1109 = arith.constant 5.000000e-01 : f32
    %mul3A_1110 = vector.broadcast %mul3A_1109 : f32 to vector<16xf32>
    %mul3A_1111 = arith.mulf %mul3A_1110, %max3A_1082 : vector<16xf32>
    %mul3A_1112 = arith.mulf %mul3A_1111, %mul3A_1108 : vector<16xf32>
    %mul3A_1113 = arith.mulf %mul3A_1112, %mul3A_1108 : vector<16xf32>
    %sub3A_1114 = arith.constant 1.500000e+00 : f32
    %sub3A_1115 = vector.broadcast %sub3A_1114 : f32 to vector<16xf32>
    %sub3A_1116 = arith.subf %sub3A_1115, %mul3A_1113 : vector<16xf32>
    %mul3A_1117 = arith.mulf %mul3A_1108, %sub3A_1116 : vector<16xf32>
    %swap3A_1118 = arith.constant 15 : i32
    %swap3A_1119 = arith.index_cast %swap3A_1118 : i32 to index
    %swap3A_1120 = arith.constant 0 : index
    %swap3A_1121 = tpu.vector_load %arg20[%swap3A_1119, %swap3A_1120] {strides = array<i32>} : memref<40x16xf32, #tpu.memory_space<vmem>>, vector<16xf32>,
    tpu.vector_store %arg20[%swap3A_1119, %swap3A_1120], %mul3A_1117 {strides = array<i32>} : memref<40x16xf32, #tpu.memory_space<vmem>>, vector<16xf32>,
    %get3A_1122 = arith.constant 16 : i32
    %get3A_1123 = arith.index_cast %get3A_1122 : i32 to index
    %get3A_1124 = arith.constant 0 : index
    %get3A_1125 = tpu.vector_load %arg19[%get3A_1123, %get3A_1124] {strides = array<i32>} : memref<40x16xf32, #tpu.memory_space<vmem>>, vector<16xf32>,
    %max3A_1126 = arith.constant 1.000000e+00 : f32
    %max3A_1127 = vector.broadcast %max3A_1126 : f32 to vector<16xf32>
    %max3A_1128 = arith.maximumf %get3A_1125, %max3A_1127 : vector<16xf32>
    %bitcast3A_1129 = vector.bitcast %max3A_1128 : vector<16xf32> to vector<16xi32>
    %shift_right_logical3A_1130 = arith.constant 1 : i32
    %shift_right_logical3A_1131 = vector.broadcast %shift_right_logical3A_1130 : i32 to vector<16xi32>
    %shift_right_logical3A_1132 = arith.shrui %bitcast3A_1129, %shift_right_logical3A_1131 : vector<16xi32>
    %sub3A_1133 = arith.constant 1597463007 : i32
    %sub3A_1134 = vector.broadcast %sub3A_1133 : i32 to vector<16xi32>
    %sub3A_1135 = arith.subi %sub3A_1134, %shift_right_logical3A_1132 : vector<16xi32>
    %bitcast3A_1136 = vector.bitcast %sub3A_1135 : vector<16xi32> to vector<16xf32>
    %mul3A_1137 = arith.constant 5.000000e-01 : f32
    %mul3A_1138 = vector.broadcast %mul3A_1137 : f32 to vector<16xf32>
    %mul3A_1139 = arith.mulf %mul3A_1138, %max3A_1128 : vector<16xf32>
    %mul3A_1140 = arith.mulf %mul3A_1139, %bitcast3A_1136 : vector<16xf32>
    %mul3A_1141 = arith.mulf %mul3A_1140, %bitcast3A_1136 : vector<16xf32>
    %sub3A_1142 = arith.constant 1.500000e+00 : f32
    %sub3A_1143 = vector.broadcast %sub3A_1142 : f32 to vector<16xf32>
    %sub3A_1144 = arith.subf %sub3A_1143, %mul3A_1141 : vector<16xf32>
    %mul3A_1145 = arith.mulf %bitcast3A_1136, %sub3A_1144 : vector<16xf32>
    %mul3A_1146 = arith.constant 5.000000e-01 : f32
    %mul3A_1147 = vector.broadcast %mul3A_1146 : f32 to vector<16xf32>
    %mul3A_1148 = arith.mulf %mul3A_1147, %max3A_1128 : vector<16xf32>
    %mul3A_1149 = arith.mulf %mul3A_1148, %mul3A_1145 : vector<16xf32>
    %mul3A_1150 = arith.mulf %mul3A_1149, %mul3A_1145 : vector<16xf32>
    %sub3A_1151 = arith.constant 1.500000e+00 : f32
    %sub3A_1152 = vector.broadcast %sub3A_1151 : f32 to vector<16xf32>
    %sub3A_1153 = arith.subf %sub3A_1152, %mul3A_1150 : vector<16xf32>
    %mul3A_1154 = arith.mulf %mul3A_1145, %sub3A_1153 : vector<16xf32>
    %mul3A_1155 = arith.constant 5.000000e-01 : f32
    %mul3A_1156 = vector.broadcast %mul3A_1155 : f32 to vector<16xf32>
    %mul3A_1157 = arith.mulf %mul3A_1156, %max3A_1128 : vector<16xf32>
    %mul3A_1158 = arith.mulf %mul3A_1157, %mul3A_1154 : vector<16xf32>
    %mul3A_1159 = arith.mulf %mul3A_1158, %mul3A_1154 : vector<16xf32>
    %sub3A_1160 = arith.constant 1.500000e+00 : f32
    %sub3A_1161 = vector.broadcast %sub3A_1160 : f32 to vector<16xf32>
    %sub3A_1162 = arith.subf %sub3A_1161, %mul3A_1159 : vector<16xf32>
    %mul3A_1163 = arith.mulf %mul3A_1154, %sub3A_1162 : vector<16xf32>
    %swap3A_1164 = arith.constant 16 : i32
    %swap3A_1165 = arith.index_cast %swap3A_1164 : i32 to index
    %swap3A_1166 = arith.constant 0 : index
    %swap3A_1167 = tpu.vector_load %arg20[%swap3A_1165, %swap3A_1166] {strides = array<i32>} : memref<40x16xf32, #tpu.memory_space<vmem>>, vector<16xf32>,
    tpu.vector_store %arg20[%swap3A_1165, %swap3A_1166], %mul3A_1163 {strides = array<i32>} : memref<40x16xf32, #tpu.memory_space<vmem>>, vector<16xf32>,
    %get3A_1168 = arith.constant 17 : i32
    %get3A_1169 = arith.index_cast %get3A_1168 : i32 to index
    %get3A_1170 = arith.constant 0 : index
    %get3A_1171 = tpu.vector_load %arg19[%get3A_1169, %get3A_1170] {strides = array<i32>} : memref<40x16xf32, #tpu.memory_space<vmem>>, vector<16xf32>,
    %max3A_1172 = arith.constant 1.000000e+00 : f32
    %max3A_1173 = vector.broadcast %max3A_1172 : f32 to vector<16xf32>
    %max3A_1174 = arith.maximumf %get3A_1171, %max3A_1173 : vector<16xf32>
    %bitcast3A_1175 = vector.bitcast %max3A_1174 : vector<16xf32> to vector<16xi32>
    %shift_right_logical3A_1176 = arith.constant 1 : i32
    %shift_right_logical3A_1177 = vector.broadcast %shift_right_logical3A_1176 : i32 to vector<16xi32>
    %shift_right_logical3A_1178 = arith.shrui %bitcast3A_1175, %shift_right_logical3A_1177 : vector<16xi32>
    %sub3A_1179 = arith.constant 1597463007 : i32
    %sub3A_1180 = vector.broadcast %sub3A_1179 : i32 to vector<16xi32>
    %sub3A_1181 = arith.subi %sub3A_1180, %shift_right_logical3A_1178 : vector<16xi32>
    %bitcast3A_1182 = vector.bitcast %sub3A_1181 : vector<16xi32> to vector<16xf32>
    %mul3A_1183 = arith.constant 5.000000e-01 : f32
    %mul3A_1184 = vector.broadcast %mul3A_1183 : f32 to vector<16xf32>
    %mul3A_1185 = arith.mulf %mul3A_1184, %max3A_1174 : vector<16xf32>
    %mul3A_1186 = arith.mulf %mul3A_1185, %bitcast3A_1182 : vector<16xf32>
    %mul3A_1187 = arith.mulf %mul3A_1186, %bitcast3A_1182 : vector<16xf32>
    %sub3A_1188 = arith.constant 1.500000e+00 : f32
    %sub3A_1189 = vector.broadcast %sub3A_1188 : f32 to vector<16xf32>
    %sub3A_1190 = arith.subf %sub3A_1189, %mul3A_1187 : vector<16xf32>
    %mul3A_1191 = arith.mulf %bitcast3A_1182, %sub3A_1190 : vector<16xf32>
    %mul3A_1192 = arith.constant 5.000000e-01 : f32
    %mul3A_1193 = vector.broadcast %mul3A_1192 : f32 to vector<16xf32>
    %mul3A_1194 = arith.mulf %mul3A_1193, %max3A_1174 : vector<16xf32>
    %mul3A_1195 = arith.mulf %mul3A_1194, %mul3A_1191 : vector<16xf32>
    %mul3A_1196 = arith.mulf %mul3A_1195, %mul3A_1191 : vector<16xf32>
    %sub3A_1197 = arith.constant 1.500000e+00 : f32
    %sub3A_1198 = vector.broadcast %sub3A_1197 : f32 to vector<16xf32>
    %sub3A_1199 = arith.subf %sub3A_1198, %mul3A_1196 : vector<16xf32>
    %mul3A_1200 = arith.mulf %mul3A_1191, %sub3A_1199 : vector<16xf32>
    %mul3A_1201 = arith.constant 5.000000e-01 : f32
    %mul3A_1202 = vector.broadcast %mul3A_1201 : f32 to vector<16xf32>
    %mul3A_1203 = arith.mulf %mul3A_1202, %max3A_1174 : vector<16xf32>
    %mul3A_1204 = arith.mulf %mul3A_1203, %mul3A_1200 : vector<16xf32>
    %mul3A_1205 = arith.mulf %mul3A_1204, %mul3A_1200 : vector<16xf32>
    %sub3A_1206 = arith.constant 1.500000e+00 : f32
    %sub3A_1207 = vector.broadcast %sub3A_1206 : f32 to vector<16xf32>
    %sub3A_1208 = arith.subf %sub3A_1207, %mul3A_1205 : vector<16xf32>
    %mul3A_1209 = arith.mulf %mul3A_1200, %sub3A_1208 : vector<16xf32>
    %swap3A_1210 = arith.constant 17 : i32
    %swap3A_1211 = arith.index_cast %swap3A_1210 : i32 to index
    %swap3A_1212 = arith.constant 0 : index
    %swap3A_1213 = tpu.vector_load %arg20[%swap3A_1211, %swap3A_1212] {strides = array<i32>} : memref<40x16xf32, #tpu.memory_space<vmem>>, vector<16xf32>,
    tpu.vector_store %arg20[%swap3A_1211, %swap3A_1212], %mul3A_1209 {strides = array<i32>} : memref<40x16xf32, #tpu.memory_space<vmem>>, vector<16xf32>,
    %get3A_1214 = arith.constant 18 : i32
    %get3A_1215 = arith.index_cast %get3A_1214 : i32 to index
    %get3A_1216 = arith.constant 0 : index
    %get3A_1217 = tpu.vector_load %arg19[%get3A_1215, %get3A_1216] {strides = array<i32>} : memref<40x16xf32, #tpu.memory_space<vmem>>, vector<16xf32>,
    %max3A_1218 = arith.constant 1.000000e+00 : f32
    %max3A_1219 = vector.broadcast %max3A_1218 : f32 to vector<16xf32>
    %max3A_1220 = arith.maximumf %get3A_1217, %max3A_1219 : vector<16xf32>
    %bitcast3A_1221 = vector.bitcast %max3A_1220 : vector<16xf32> to vector<16xi32>
    %shift_right_logical3A_1222 = arith.constant 1 : i32
    %shift_right_logical3A_1223 = vector.broadcast %shift_right_logical3A_1222 : i32 to vector<16xi32>
    %shift_right_logical3A_1224 = arith.shrui %bitcast3A_1221, %shift_right_logical3A_1223 : vector<16xi32>
    %sub3A_1225 = arith.constant 1597463007 : i32
    %sub3A_1226 = vector.broadcast %sub3A_1225 : i32 to vector<16xi32>
    %sub3A_1227 = arith.subi %sub3A_1226, %shift_right_logical3A_1224 : vector<16xi32>
    %bitcast3A_1228 = vector.bitcast %sub3A_1227 : vector<16xi32> to vector<16xf32>
    %mul3A_1229 = arith.constant 5.000000e-01 : f32
    %mul3A_1230 = vector.broadcast %mul3A_1229 : f32 to vector<16xf32>
    %mul3A_1231 = arith.mulf %mul3A_1230, %max3A_1220 : vector<16xf32>
    %mul3A_1232 = arith.mulf %mul3A_1231, %bitcast3A_1228 : vector<16xf32>
    %mul3A_1233 = arith.mulf %mul3A_1232, %bitcast3A_1228 : vector<16xf32>
    %sub3A_1234 = arith.constant 1.500000e+00 : f32
    %sub3A_1235 = vector.broadcast %sub3A_1234 : f32 to vector<16xf32>
    %sub3A_1236 = arith.subf %sub3A_1235, %mul3A_1233 : vector<16xf32>
    %mul3A_1237 = arith.mulf %bitcast3A_1228, %sub3A_1236 : vector<16xf32>
    %mul3A_1238 = arith.constant 5.000000e-01 : f32
    %mul3A_1239 = vector.broadcast %mul3A_1238 : f32 to vector<16xf32>
    %mul3A_1240 = arith.mulf %mul3A_1239, %max3A_1220 : vector<16xf32>
    %mul3A_1241 = arith.mulf %mul3A_1240, %mul3A_1237 : vector<16xf32>
    %mul3A_1242 = arith.mulf %mul3A_1241, %mul3A_1237 : vector<16xf32>
    %sub3A_1243 = arith.constant 1.500000e+00 : f32
    %sub3A_1244 = vector.broadcast %sub3A_1243 : f32 to vector<16xf32>
    %sub3A_1245 = arith.subf %sub3A_1244, %mul3A_1242 : vector<16xf32>
    %mul3A_1246 = arith.mulf %mul3A_1237, %sub3A_1245 : vector<16xf32>
    %mul3A_1247 = arith.constant 5.000000e-01 : f32
    %mul3A_1248 = vector.broadcast %mul3A_1247 : f32 to vector<16xf32>
    %mul3A_1249 = arith.mulf %mul3A_1248, %max3A_1220 : vector<16xf32>
    %mul3A_1250 = arith.mulf %mul3A_1249, %mul3A_1246 : vector<16xf32>
    %mul3A_1251 = arith.mulf %mul3A_1250, %mul3A_1246 : vector<16xf32>
    %sub3A_1252 = arith.constant 1.500000e+00 : f32
    %sub3A_1253 = vector.broadcast %sub3A_1252 : f32 to vector<16xf32>
    %sub3A_1254 = arith.subf %sub3A_1253, %mul3A_1251 : vector<16xf32>
    %mul3A_1255 = arith.mulf %mul3A_1246, %sub3A_1254 : vector<16xf32>
    %swap3A_1256 = arith.constant 18 : i32
    %swap3A_1257 = arith.index_cast %swap3A_1256 : i32 to index
    %swap3A_1258 = arith.constant 0 : index
    %swap3A_1259 = tpu.vector_load %arg20[%swap3A_1257, %swap3A_1258] {strides = array<i32>} : memref<40x16xf32, #tpu.memory_space<vmem>>, vector<16xf32>,
    tpu.vector_store %arg20[%swap3A_1257, %swap3A_1258], %mul3A_1255 {strides = array<i32>} : memref<40x16xf32, #tpu.memory_space<vmem>>, vector<16xf32>,
    %get3A_1260 = arith.constant 19 : i32
    %get3A_1261 = arith.index_cast %get3A_1260 : i32 to index
    %get3A_1262 = arith.constant 0 : index
    %get3A_1263 = tpu.vector_load %arg19[%get3A_1261, %get3A_1262] {strides = array<i32>} : memref<40x16xf32, #tpu.memory_space<vmem>>, vector<16xf32>,
    %max3A_1264 = arith.constant 1.000000e+00 : f32
    %max3A_1265 = vector.broadcast %max3A_1264 : f32 to vector<16xf32>
    %max3A_1266 = arith.maximumf %get3A_1263, %max3A_1265 : vector<16xf32>
    %bitcast3A_1267 = vector.bitcast %max3A_1266 : vector<16xf32> to vector<16xi32>
    %shift_right_logical3A_1268 = arith.constant 1 : i32
    %shift_right_logical3A_1269 = vector.broadcast %shift_right_logical3A_1268 : i32 to vector<16xi32>
    %shift_right_logical3A_1270 = arith.shrui %bitcast3A_1267, %shift_right_logical3A_1269 : vector<16xi32>
    %sub3A_1271 = arith.constant 1597463007 : i32
    %sub3A_1272 = vector.broadcast %sub3A_1271 : i32 to vector<16xi32>
    %sub3A_1273 = arith.subi %sub3A_1272, %shift_right_logical3A_1270 : vector<16xi32>
    %bitcast3A_1274 = vector.bitcast %sub3A_1273 : vector<16xi32> to vector<16xf32>
    %mul3A_1275 = arith.constant 5.000000e-01 : f32
    %mul3A_1276 = vector.broadcast %mul3A_1275 : f32 to vector<16xf32>
    %mul3A_1277 = arith.mulf %mul3A_1276, %max3A_1266 : vector<16xf32>
    %mul3A_1278 = arith.mulf %mul3A_1277, %bitcast3A_1274 : vector<16xf32>
    %mul3A_1279 = arith.mulf %mul3A_1278, %bitcast3A_1274 : vector<16xf32>
    %sub3A_1280 = arith.constant 1.500000e+00 : f32
    %sub3A_1281 = vector.broadcast %sub3A_1280 : f32 to vector<16xf32>
    %sub3A_1282 = arith.subf %sub3A_1281, %mul3A_1279 : vector<16xf32>
    %mul3A_1283 = arith.mulf %bitcast3A_1274, %sub3A_1282 : vector<16xf32>
    %mul3A_1284 = arith.constant 5.000000e-01 : f32
    %mul3A_1285 = vector.broadcast %mul3A_1284 : f32 to vector<16xf32>
    %mul3A_1286 = arith.mulf %mul3A_1285, %max3A_1266 : vector<16xf32>
    %mul3A_1287 = arith.mulf %mul3A_1286, %mul3A_1283 : vector<16xf32>
    %mul3A_1288 = arith.mulf %mul3A_1287, %mul3A_1283 : vector<16xf32>
    %sub3A_1289 = arith.constant 1.500000e+00 : f32
    %sub3A_1290 = vector.broadcast %sub3A_1289 : f32 to vector<16xf32>
    %sub3A_1291 = arith.subf %sub3A_1290, %mul3A_1288 : vector<16xf32>
    %mul3A_1292 = arith.mulf %mul3A_1283, %sub3A_1291 : vector<16xf32>
    %mul3A_1293 = arith.constant 5.000000e-01 : f32
    %mul3A_1294 = vector.broadcast %mul3A_1293 : f32 to vector<16xf32>
    %mul3A_1295 = arith.mulf %mul3A_1294, %max3A_1266 : vector<16xf32>
    %mul3A_1296 = arith.mulf %mul3A_1295, %mul3A_1292 : vector<16xf32>
    %mul3A_1297 = arith.mulf %mul3A_1296, %mul3A_1292 : vector<16xf32>
    %sub3A_1298 = arith.constant 1.500000e+00 : f32
    %sub3A_1299 = vector.broadcast %sub3A_1298 : f32 to vector<16xf32>
    %sub3A_1300 = arith.subf %sub3A_1299, %mul3A_1297 : vector<16xf32>
    %mul3A_1301 = arith.mulf %mul3A_1292, %sub3A_1300 : vector<16xf32>
    %swap3A_1302 = arith.constant 19 : i32
    %swap3A_1303 = arith.index_cast %swap3A_1302 : i32 to index
    %swap3A_1304 = arith.constant 0 : index
    %swap3A_1305 = tpu.vector_load %arg20[%swap3A_1303, %swap3A_1304] {strides = array<i32>} : memref<40x16xf32, #tpu.memory_space<vmem>>, vector<16xf32>,
    tpu.vector_store %arg20[%swap3A_1303, %swap3A_1304], %mul3A_1301 {strides = array<i32>} : memref<40x16xf32, #tpu.memory_space<vmem>>, vector<16xf32>,
    %get3A_1306 = arith.constant 20 : i32
    %get3A_1307 = arith.index_cast %get3A_1306 : i32 to index
    %get3A_1308 = arith.constant 0 : index
    %get3A_1309 = tpu.vector_load %arg19[%get3A_1307, %get3A_1308] {strides = array<i32>} : memref<40x16xf32, #tpu.memory_space<vmem>>, vector<16xf32>,
    %max3A_1310 = arith.constant 1.000000e+00 : f32
    %max3A_1311 = vector.broadcast %max3A_1310 : f32 to vector<16xf32>
    %max3A_1312 = arith.maximumf %get3A_1309, %max3A_1311 : vector<16xf32>
    %bitcast3A_1313 = vector.bitcast %max3A_1312 : vector<16xf32> to vector<16xi32>
    %shift_right_logical3A_1314 = arith.constant 1 : i32
    %shift_right_logical3A_1315 = vector.broadcast %shift_right_logical3A_1314 : i32 to vector<16xi32>
    %shift_right_logical3A_1316 = arith.shrui %bitcast3A_1313, %shift_right_logical3A_1315 : vector<16xi32>
    %sub3A_1317 = arith.constant 1597463007 : i32
    %sub3A_1318 = vector.broadcast %sub3A_1317 : i32 to vector<16xi32>
    %sub3A_1319 = arith.subi %sub3A_1318, %shift_right_logical3A_1316 : vector<16xi32>
    %bitcast3A_1320 = vector.bitcast %sub3A_1319 : vector<16xi32> to vector<16xf32>
    %mul3A_1321 = arith.constant 5.000000e-01 : f32
    %mul3A_1322 = vector.broadcast %mul3A_1321 : f32 to vector<16xf32>
    %mul3A_1323 = arith.mulf %mul3A_1322, %max3A_1312 : vector<16xf32>
    %mul3A_1324 = arith.mulf %mul3A_1323, %bitcast3A_1320 : vector<16xf32>
    %mul3A_1325 = arith.mulf %mul3A_1324, %bitcast3A_1320 : vector<16xf32>
    %sub3A_1326 = arith.constant 1.500000e+00 : f32
    %sub3A_1327 = vector.broadcast %sub3A_1326 : f32 to vector<16xf32>
    %sub3A_1328 = arith.subf %sub3A_1327, %mul3A_1325 : vector<16xf32>
    %mul3A_1329 = arith.mulf %bitcast3A_1320, %sub3A_1328 : vector<16xf32>
    %mul3A_1330 = arith.constant 5.000000e-01 : f32
    %mul3A_1331 = vector.broadcast %mul3A_1330 : f32 to vector<16xf32>
    %mul3A_1332 = arith.mulf %mul3A_1331, %max3A_1312 : vector<16xf32>
    %mul3A_1333 = arith.mulf %mul3A_1332, %mul3A_1329 : vector<16xf32>
    %mul3A_1334 = arith.mulf %mul3A_1333, %mul3A_1329 : vector<16xf32>
    %sub3A_1335 = arith.constant 1.500000e+00 : f32
    %sub3A_1336 = vector.broadcast %sub3A_1335 : f32 to vector<16xf32>
    %sub3A_1337 = arith.subf %sub3A_1336, %mul3A_1334 : vector<16xf32>
    %mul3A_1338 = arith.mulf %mul3A_1329, %sub3A_1337 : vector<16xf32>
    %mul3A_1339 = arith.constant 5.000000e-01 : f32
    %mul3A_1340 = vector.broadcast %mul3A_1339 : f32 to vector<16xf32>
    %mul3A_1341 = arith.mulf %mul3A_1340, %max3A_1312 : vector<16xf32>
    %mul3A_1342 = arith.mulf %mul3A_1341, %mul3A_1338 : vector<16xf32>
    %mul3A_1343 = arith.mulf %mul3A_1342, %mul3A_1338 : vector<16xf32>
    %sub3A_1344 = arith.constant 1.500000e+00 : f32
    %sub3A_1345 = vector.broadcast %sub3A_1344 : f32 to vector<16xf32>
    %sub3A_1346 = arith.subf %sub3A_1345, %mul3A_1343 : vector<16xf32>
    %mul3A_1347 = arith.mulf %mul3A_1338, %sub3A_1346 : vector<16xf32>
    %swap3A_1348 = arith.constant 20 : i32
    %swap3A_1349 = arith.index_cast %swap3A_1348 : i32 to index
    %swap3A_1350 = arith.constant 0 : index
    %swap3A_1351 = tpu.vector_load %arg20[%swap3A_1349, %swap3A_1350] {strides = array<i32>} : memref<40x16xf32, #tpu.memory_space<vmem>>, vector<16xf32>,
    tpu.vector_store %arg20[%swap3A_1349, %swap3A_1350], %mul3A_1347 {strides = array<i32>} : memref<40x16xf32, #tpu.memory_space<vmem>>, vector<16xf32>,
    %get3A_1352 = arith.constant 21 : i32
    %get3A_1353 = arith.index_cast %get3A_1352 : i32 to index
    %get3A_1354 = arith.constant 0 : index
    %get3A_1355 = tpu.vector_load %arg19[%get3A_1353, %get3A_1354] {strides = array<i32>} : memref<40x16xf32, #tpu.memory_space<vmem>>, vector<16xf32>,
    %max3A_1356 = arith.constant 1.000000e+00 : f32
    %max3A_1357 = vector.broadcast %max3A_1356 : f32 to vector<16xf32>
    %max3A_1358 = arith.maximumf %get3A_1355, %max3A_1357 : vector<16xf32>
    %bitcast3A_1359 = vector.bitcast %max3A_1358 : vector<16xf32> to vector<16xi32>
    %shift_right_logical3A_1360 = arith.constant 1 : i32
    %shift_right_logical3A_1361 = vector.broadcast %shift_right_logical3A_1360 : i32 to vector<16xi32>
    %shift_right_logical3A_1362 = arith.shrui %bitcast3A_1359, %shift_right_logical3A_1361 : vector<16xi32>
    %sub3A_1363 = arith.constant 1597463007 : i32
    %sub3A_1364 = vector.broadcast %sub3A_1363 : i32 to vector<16xi32>
    %sub3A_1365 = arith.subi %sub3A_1364, %shift_right_logical3A_1362 : vector<16xi32>
    %bitcast3A_1366 = vector.bitcast %sub3A_1365 : vector<16xi32> to vector<16xf32>
    %mul3A_1367 = arith.constant 5.000000e-01 : f32
    %mul3A_1368 = vector.broadcast %mul3A_1367 : f32 to vector<16xf32>
    %mul3A_1369 = arith.mulf %mul3A_1368, %max3A_1358 : vector<16xf32>
    %mul3A_1370 = arith.mulf %mul3A_1369, %bitcast3A_1366 : vector<16xf32>
    %mul3A_1371 = arith.mulf %mul3A_1370, %bitcast3A_1366 : vector<16xf32>
    %sub3A_1372 = arith.constant 1.500000e+00 : f32
    %sub3A_1373 = vector.broadcast %sub3A_1372 : f32 to vector<16xf32>
    %sub3A_1374 = arith.subf %sub3A_1373, %mul3A_1371 : vector<16xf32>
    %mul3A_1375 = arith.mulf %bitcast3A_1366, %sub3A_1374 : vector<16xf32>
    %mul3A_1376 = arith.constant 5.000000e-01 : f32
    %mul3A_1377 = vector.broadcast %mul3A_1376 : f32 to vector<16xf32>
    %mul3A_1378 = arith.mulf %mul3A_1377, %max3A_1358 : vector<16xf32>
    %mul3A_1379 = arith.mulf %mul3A_1378, %mul3A_1375 : vector<16xf32>
    %mul3A_1380 = arith.mulf %mul3A_1379, %mul3A_1375 : vector<16xf32>
    %sub3A_1381 = arith.constant 1.500000e+00 : f32
    %sub3A_1382 = vector.broadcast %sub3A_1381 : f32 to vector<16xf32>
    %sub3A_1383 = arith.subf %sub3A_1382, %mul3A_1380 : vector<16xf32>
    %mul3A_1384 = arith.mulf %mul3A_1375, %sub3A_1383 : vector<16xf32>
    %mul3A_1385 = arith.constant 5.000000e-01 : f32
    %mul3A_1386 = vector.broadcast %mul3A_1385 : f32 to vector<16xf32>
    %mul3A_1387 = arith.mulf %mul3A_1386, %max3A_1358 : vector<16xf32>
    %mul3A_1388 = arith.mulf %mul3A_1387, %mul3A_1384 : vector<16xf32>
    %mul3A_1389 = arith.mulf %mul3A_1388, %mul3A_1384 : vector<16xf32>
    %sub3A_1390 = arith.constant 1.500000e+00 : f32
    %sub3A_1391 = vector.broadcast %sub3A_1390 : f32 to vector<16xf32>
    %sub3A_1392 = arith.subf %sub3A_1391, %mul3A_1389 : vector<16xf32>
    %mul3A_1393 = arith.mulf %mul3A_1384, %sub3A_1392 : vector<16xf32>
    %swap3A_1394 = arith.constant 21 : i32
    %swap3A_1395 = arith.index_cast %swap3A_1394 : i32 to index
    %swap3A_1396 = arith.constant 0 : index
    %swap3A_1397 = tpu.vector_load %arg20[%swap3A_1395, %swap3A_1396] {strides = array<i32>} : memref<40x16xf32, #tpu.memory_space<vmem>>, vector<16xf32>,
    tpu.vector_store %arg20[%swap3A_1395, %swap3A_1396], %mul3A_1393 {strides = array<i32>} : memref<40x16xf32, #tpu.memory_space<vmem>>, vector<16xf32>,
    %get3A_1398 = arith.constant 22 : i32
    %get3A_1399 = arith.index_cast %get3A_1398 : i32 to index
    %get3A_1400 = arith.constant 0 : index
    %get3A_1401 = tpu.vector_load %arg19[%get3A_1399, %get3A_1400] {strides = array<i32>} : memref<40x16xf32, #tpu.memory_space<vmem>>, vector<16xf32>,
    %max3A_1402 = arith.constant 1.000000e+00 : f32
    %max3A_1403 = vector.broadcast %max3A_1402 : f32 to vector<16xf32>
    %max3A_1404 = arith.maximumf %get3A_1401, %max3A_1403 : vector<16xf32>
    %bitcast3A_1405 = vector.bitcast %max3A_1404 : vector<16xf32> to vector<16xi32>
    %shift_right_logical3A_1406 = arith.constant 1 : i32
    %shift_right_logical3A_1407 = vector.broadcast %shift_right_logical3A_1406 : i32 to vector<16xi32>
    %shift_right_logical3A_1408 = arith.shrui %bitcast3A_1405, %shift_right_logical3A_1407 : vector<16xi32>
    %sub3A_1409 = arith.constant 1597463007 : i32
    %sub3A_1410 = vector.broadcast %sub3A_1409 : i32 to vector<16xi32>
    %sub3A_1411 = arith.subi %sub3A_1410, %shift_right_logical3A_1408 : vector<16xi32>
    %bitcast3A_1412 = vector.bitcast %sub3A_1411 : vector<16xi32> to vector<16xf32>
    %mul3A_1413 = arith.constant 5.000000e-01 : f32
    %mul3A_1414 = vector.broadcast %mul3A_1413 : f32 to vector<16xf32>
    %mul3A_1415 = arith.mulf %mul3A_1414, %max3A_1404 : vector<16xf32>
    %mul3A_1416 = arith.mulf %mul3A_1415, %bitcast3A_1412 : vector<16xf32>
    %mul3A_1417 = arith.mulf %mul3A_1416, %bitcast3A_1412 : vector<16xf32>
    %sub3A_1418 = arith.constant 1.500000e+00 : f32
    %sub3A_1419 = vector.broadcast %sub3A_1418 : f32 to vector<16xf32>
    %sub3A_1420 = arith.subf %sub3A_1419, %mul3A_1417 : vector<16xf32>
    %mul3A_1421 = arith.mulf %bitcast3A_1412, %sub3A_1420 : vector<16xf32>
    %mul3A_1422 = arith.constant 5.000000e-01 : f32
    %mul3A_1423 = vector.broadcast %mul3A_1422 : f32 to vector<16xf32>
    %mul3A_1424 = arith.mulf %mul3A_1423, %max3A_1404 : vector<16xf32>
    %mul3A_1425 = arith.mulf %mul3A_1424, %mul3A_1421 : vector<16xf32>
    %mul3A_1426 = arith.mulf %mul3A_1425, %mul3A_1421 : vector<16xf32>
    %sub3A_1427 = arith.constant 1.500000e+00 : f32
    %sub3A_1428 = vector.broadcast %sub3A_1427 : f32 to vector<16xf32>
    %sub3A_1429 = arith.subf %sub3A_1428, %mul3A_1426 : vector<16xf32>
    %mul3A_1430 = arith.mulf %mul3A_1421, %sub3A_1429 : vector<16xf32>
    %mul3A_1431 = arith.constant 5.000000e-01 : f32
    %mul3A_1432 = vector.broadcast %mul3A_1431 : f32 to vector<16xf32>
    %mul3A_1433 = arith.mulf %mul3A_1432, %max3A_1404 : vector<16xf32>
    %mul3A_1434 = arith.mulf %mul3A_1433, %mul3A_1430 : vector<16xf32>
    %mul3A_1435 = arith.mulf %mul3A_1434, %mul3A_1430 : vector<16xf32>
    %sub3A_1436 = arith.constant 1.500000e+00 : f32
    %sub3A_1437 = vector.broadcast %sub3A_1436 : f32 to vector<16xf32>
    %sub3A_1438 = arith.subf %sub3A_1437, %mul3A_1435 : vector<16xf32>
    %mul3A_1439 = arith.mulf %mul3A_1430, %sub3A_1438 : vector<16xf32>
    %swap3A_1440 = arith.constant 22 : i32
    %swap3A_1441 = arith.index_cast %swap3A_1440 : i32 to index
    %swap3A_1442 = arith.constant 0 : index
    %swap3A_1443 = tpu.vector_load %arg20[%swap3A_1441, %swap3A_1442] {strides = array<i32>} : memref<40x16xf32, #tpu.memory_space<vmem>>, vector<16xf32>,
    tpu.vector_store %arg20[%swap3A_1441, %swap3A_1442], %mul3A_1439 {strides = array<i32>} : memref<40x16xf32, #tpu.memory_space<vmem>>, vector<16xf32>,
    %get3A_1444 = arith.constant 23 : i32
    %get3A_1445 = arith.index_cast %get3A_1444 : i32 to index
    %get3A_1446 = arith.constant 0 : index
    %get3A_1447 = tpu.vector_load %arg19[%get3A_1445, %get3A_1446] {strides = array<i32>} : memref<40x16xf32, #tpu.memory_space<vmem>>, vector<16xf32>,
    %max3A_1448 = arith.constant 1.000000e+00 : f32
    %max3A_1449 = vector.broadcast %max3A_1448 : f32 to vector<16xf32>
    %max3A_1450 = arith.maximumf %get3A_1447, %max3A_1449 : vector<16xf32>
    %bitcast3A_1451 = vector.bitcast %max3A_1450 : vector<16xf32> to vector<16xi32>
    %shift_right_logical3A_1452 = arith.constant 1 : i32
    %shift_right_logical3A_1453 = vector.broadcast %shift_right_logical3A_1452 : i32 to vector<16xi32>
    %shift_right_logical3A_1454 = arith.shrui %bitcast3A_1451, %shift_right_logical3A_1453 : vector<16xi32>
    %sub3A_1455 = arith.constant 1597463007 : i32
    %sub3A_1456 = vector.broadcast %sub3A_1455 : i32 to vector<16xi32>
    %sub3A_1457 = arith.subi %sub3A_1456, %shift_right_logical3A_1454 : vector<16xi32>
    %bitcast3A_1458 = vector.bitcast %sub3A_1457 : vector<16xi32> to vector<16xf32>
    %mul3A_1459 = arith.constant 5.000000e-01 : f32
    %mul3A_1460 = vector.broadcast %mul3A_1459 : f32 to vector<16xf32>
    %mul3A_1461 = arith.mulf %mul3A_1460, %max3A_1450 : vector<16xf32>
    %mul3A_1462 = arith.mulf %mul3A_1461, %bitcast3A_1458 : vector<16xf32>
    %mul3A_1463 = arith.mulf %mul3A_1462, %bitcast3A_1458 : vector<16xf32>
    %sub3A_1464 = arith.constant 1.500000e+00 : f32
    %sub3A_1465 = vector.broadcast %sub3A_1464 : f32 to vector<16xf32>
    %sub3A_1466 = arith.subf %sub3A_1465, %mul3A_1463 : vector<16xf32>
    %mul3A_1467 = arith.mulf %bitcast3A_1458, %sub3A_1466 : vector<16xf32>
    %mul3A_1468 = arith.constant 5.000000e-01 : f32
    %mul3A_1469 = vector.broadcast %mul3A_1468 : f32 to vector<16xf32>
    %mul3A_1470 = arith.mulf %mul3A_1469, %max3A_1450 : vector<16xf32>
    %mul3A_1471 = arith.mulf %mul3A_1470, %mul3A_1467 : vector<16xf32>
    %mul3A_1472 = arith.mulf %mul3A_1471, %mul3A_1467 : vector<16xf32>
    %sub3A_1473 = arith.constant 1.500000e+00 : f32
    %sub3A_1474 = vector.broadcast %sub3A_1473 : f32 to vector<16xf32>
    %sub3A_1475 = arith.subf %sub3A_1474, %mul3A_1472 : vector<16xf32>
    %mul3A_1476 = arith.mulf %mul3A_1467, %sub3A_1475 : vector<16xf32>
    %mul3A_1477 = arith.constant 5.000000e-01 : f32
    %mul3A_1478 = vector.broadcast %mul3A_1477 : f32 to vector<16xf32>
    %mul3A_1479 = arith.mulf %mul3A_1478, %max3A_1450 : vector<16xf32>
    %mul3A_1480 = arith.mulf %mul3A_1479, %mul3A_1476 : vector<16xf32>
    %mul3A_1481 = arith.mulf %mul3A_1480, %mul3A_1476 : vector<16xf32>
    %sub3A_1482 = arith.constant 1.500000e+00 : f32
    %sub3A_1483 = vector.broadcast %sub3A_1482 : f32 to vector<16xf32>
    %sub3A_1484 = arith.subf %sub3A_1483, %mul3A_1481 : vector<16xf32>
    %mul3A_1485 = arith.mulf %mul3A_1476, %sub3A_1484 : vector<16xf32>
    %swap3A_1486 = arith.constant 23 : i32
    %swap3A_1487 = arith.index_cast %swap3A_1486 : i32 to index
    %swap3A_1488 = arith.constant 0 : index
    %swap3A_1489 = tpu.vector_load %arg20[%swap3A_1487, %swap3A_1488] {strides = array<i32>} : memref<40x16xf32, #tpu.memory_space<vmem>>, vector<16xf32>,
    tpu.vector_store %arg20[%swap3A_1487, %swap3A_1488], %mul3A_1485 {strides = array<i32>} : memref<40x16xf32, #tpu.memory_space<vmem>>, vector<16xf32>,
    %get3A_1490 = arith.constant 24 : i32
    %get3A_1491 = arith.index_cast %get3A_1490 : i32 to index
    %get3A_1492 = arith.constant 0 : index
    %get3A_1493 = tpu.vector_load %arg19[%get3A_1491, %get3A_1492] {strides = array<i32>} : memref<40x16xf32, #tpu.memory_space<vmem>>, vector<16xf32>,
    %max3A_1494 = arith.constant 1.000000e+00 : f32
    %max3A_1495 = vector.broadcast %max3A_1494 : f32 to vector<16xf32>
    %max3A_1496 = arith.maximumf %get3A_1493, %max3A_1495 : vector<16xf32>
    %bitcast3A_1497 = vector.bitcast %max3A_1496 : vector<16xf32> to vector<16xi32>
    %shift_right_logical3A_1498 = arith.constant 1 : i32
    %shift_right_logical3A_1499 = vector.broadcast %shift_right_logical3A_1498 : i32 to vector<16xi32>
    %shift_right_logical3A_1500 = arith.shrui %bitcast3A_1497, %shift_right_logical3A_1499 : vector<16xi32>
    %sub3A_1501 = arith.constant 1597463007 : i32
    %sub3A_1502 = vector.broadcast %sub3A_1501 : i32 to vector<16xi32>
    %sub3A_1503 = arith.subi %sub3A_1502, %shift_right_logical3A_1500 : vector<16xi32>
    %bitcast3A_1504 = vector.bitcast %sub3A_1503 : vector<16xi32> to vector<16xf32>
    %mul3A_1505 = arith.constant 5.000000e-01 : f32
    %mul3A_1506 = vector.broadcast %mul3A_1505 : f32 to vector<16xf32>
    %mul3A_1507 = arith.mulf %mul3A_1506, %max3A_1496 : vector<16xf32>
    %mul3A_1508 = arith.mulf %mul3A_1507, %bitcast3A_1504 : vector<16xf32>
    %mul3A_1509 = arith.mulf %mul3A_1508, %bitcast3A_1504 : vector<16xf32>
    %sub3A_1510 = arith.constant 1.500000e+00 : f32
    %sub3A_1511 = vector.broadcast %sub3A_1510 : f32 to vector<16xf32>
    %sub3A_1512 = arith.subf %sub3A_1511, %mul3A_1509 : vector<16xf32>
    %mul3A_1513 = arith.mulf %bitcast3A_1504, %sub3A_1512 : vector<16xf32>
    %mul3A_1514 = arith.constant 5.000000e-01 : f32
    %mul3A_1515 = vector.broadcast %mul3A_1514 : f32 to vector<16xf32>
    %mul3A_1516 = arith.mulf %mul3A_1515, %max3A_1496 : vector<16xf32>
    %mul3A_1517 = arith.mulf %mul3A_1516, %mul3A_1513 : vector<16xf32>
    %mul3A_1518 = arith.mulf %mul3A_1517, %mul3A_1513 : vector<16xf32>
    %sub3A_1519 = arith.constant 1.500000e+00 : f32
    %sub3A_1520 = vector.broadcast %sub3A_1519 : f32 to vector<16xf32>
    %sub3A_1521 = arith.subf %sub3A_1520, %mul3A_1518 : vector<16xf32>
    %mul3A_1522 = arith.mulf %mul3A_1513, %sub3A_1521 : vector<16xf32>
    %mul3A_1523 = arith.constant 5.000000e-01 : f32
    %mul3A_1524 = vector.broadcast %mul3A_1523 : f32 to vector<16xf32>
    %mul3A_1525 = arith.mulf %mul3A_1524, %max3A_1496 : vector<16xf32>
    %mul3A_1526 = arith.mulf %mul3A_1525, %mul3A_1522 : vector<16xf32>
    %mul3A_1527 = arith.mulf %mul3A_1526, %mul3A_1522 : vector<16xf32>
    %sub3A_1528 = arith.constant 1.500000e+00 : f32
    %sub3A_1529 = vector.broadcast %sub3A_1528 : f32 to vector<16xf32>
    %sub3A_1530 = arith.subf %sub3A_1529, %mul3A_1527 : vector<16xf32>
    %mul3A_1531 = arith.mulf %mul3A_1522, %sub3A_1530 : vector<16xf32>
    %swap3A_1532 = arith.constant 24 : i32
    %swap3A_1533 = arith.index_cast %swap3A_1532 : i32 to index
    %swap3A_1534 = arith.constant 0 : index
    %swap3A_1535 = tpu.vector_load %arg20[%swap3A_1533, %swap3A_1534] {strides = array<i32>} : memref<40x16xf32, #tpu.memory_space<vmem>>, vector<16xf32>,
    tpu.vector_store %arg20[%swap3A_1533, %swap3A_1534], %mul3A_1531 {strides = array<i32>} : memref<40x16xf32, #tpu.memory_space<vmem>>, vector<16xf32>,
    %get3A_1536 = arith.constant 25 : i32
    %get3A_1537 = arith.index_cast %get3A_1536 : i32 to index
    %get3A_1538 = arith.constant 0 : index
    %get3A_1539 = tpu.vector_load %arg19[%get3A_1537, %get3A_1538] {strides = array<i32>} : memref<40x16xf32, #tpu.memory_space<vmem>>, vector<16xf32>,
    %max3A_1540 = arith.constant 1.000000e+00 : f32
    %max3A_1541 = vector.broadcast %max3A_1540 : f32 to vector<16xf32>
    %max3A_1542 = arith.maximumf %get3A_1539, %max3A_1541 : vector<16xf32>
    %bitcast3A_1543 = vector.bitcast %max3A_1542 : vector<16xf32> to vector<16xi32>
    %shift_right_logical3A_1544 = arith.constant 1 : i32
    %shift_right_logical3A_1545 = vector.broadcast %shift_right_logical3A_1544 : i32 to vector<16xi32>
    %shift_right_logical3A_1546 = arith.shrui %bitcast3A_1543, %shift_right_logical3A_1545 : vector<16xi32>
    %sub3A_1547 = arith.constant 1597463007 : i32
    %sub3A_1548 = vector.broadcast %sub3A_1547 : i32 to vector<16xi32>
    %sub3A_1549 = arith.subi %sub3A_1548, %shift_right_logical3A_1546 : vector<16xi32>
    %bitcast3A_1550 = vector.bitcast %sub3A_1549 : vector<16xi32> to vector<16xf32>
    %mul3A_1551 = arith.constant 5.000000e-01 : f32
    %mul3A_1552 = vector.broadcast %mul3A_1551 : f32 to vector<16xf32>
    %mul3A_1553 = arith.mulf %mul3A_1552, %max3A_1542 : vector<16xf32>
    %mul3A_1554 = arith.mulf %mul3A_1553, %bitcast3A_1550 : vector<16xf32>
    %mul3A_1555 = arith.mulf %mul3A_1554, %bitcast3A_1550 : vector<16xf32>
    %sub3A_1556 = arith.constant 1.500000e+00 : f32
    %sub3A_1557 = vector.broadcast %sub3A_1556 : f32 to vector<16xf32>
    %sub3A_1558 = arith.subf %sub3A_1557, %mul3A_1555 : vector<16xf32>
    %mul3A_1559 = arith.mulf %bitcast3A_1550, %sub3A_1558 : vector<16xf32>
    %mul3A_1560 = arith.constant 5.000000e-01 : f32
    %mul3A_1561 = vector.broadcast %mul3A_1560 : f32 to vector<16xf32>
    %mul3A_1562 = arith.mulf %mul3A_1561, %max3A_1542 : vector<16xf32>
    %mul3A_1563 = arith.mulf %mul3A_1562, %mul3A_1559 : vector<16xf32>
    %mul3A_1564 = arith.mulf %mul3A_1563, %mul3A_1559 : vector<16xf32>
    %sub3A_1565 = arith.constant 1.500000e+00 : f32
    %sub3A_1566 = vector.broadcast %sub3A_1565 : f32 to vector<16xf32>
    %sub3A_1567 = arith.subf %sub3A_1566, %mul3A_1564 : vector<16xf32>
    %mul3A_1568 = arith.mulf %mul3A_1559, %sub3A_1567 : vector<16xf32>
    %mul3A_1569 = arith.constant 5.000000e-01 : f32
    %mul3A_1570 = vector.broadcast %mul3A_1569 : f32 to vector<16xf32>
    %mul3A_1571 = arith.mulf %mul3A_1570, %max3A_1542 : vector<16xf32>
    %mul3A_1572 = arith.mulf %mul3A_1571, %mul3A_1568 : vector<16xf32>
    %mul3A_1573 = arith.mulf %mul3A_1572, %mul3A_1568 : vector<16xf32>
    %sub3A_1574 = arith.constant 1.500000e+00 : f32
    %sub3A_1575 = vector.broadcast %sub3A_1574 : f32 to vector<16xf32>
    %sub3A_1576 = arith.subf %sub3A_1575, %mul3A_1573 : vector<16xf32>
    %mul3A_1577 = arith.mulf %mul3A_1568, %sub3A_1576 : vector<16xf32>
    %swap3A_1578 = arith.constant 25 : i32
    %swap3A_1579 = arith.index_cast %swap3A_1578 : i32 to index
    %swap3A_1580 = arith.constant 0 : index
    %swap3A_1581 = tpu.vector_load %arg20[%swap3A_1579, %swap3A_1580] {strides = array<i32>} : memref<40x16xf32, #tpu.memory_space<vmem>>, vector<16xf32>,
    tpu.vector_store %arg20[%swap3A_1579, %swap3A_1580], %mul3A_1577 {strides = array<i32>} : memref<40x16xf32, #tpu.memory_space<vmem>>, vector<16xf32>,
    %get3A_1582 = arith.constant 26 : i32
    %get3A_1583 = arith.index_cast %get3A_1582 : i32 to index
    %get3A_1584 = arith.constant 0 : index
    %get3A_1585 = tpu.vector_load %arg19[%get3A_1583, %get3A_1584] {strides = array<i32>} : memref<40x16xf32, #tpu.memory_space<vmem>>, vector<16xf32>,
    %max3A_1586 = arith.constant 1.000000e+00 : f32
    %max3A_1587 = vector.broadcast %max3A_1586 : f32 to vector<16xf32>
    %max3A_1588 = arith.maximumf %get3A_1585, %max3A_1587 : vector<16xf32>
    %bitcast3A_1589 = vector.bitcast %max3A_1588 : vector<16xf32> to vector<16xi32>
    %shift_right_logical3A_1590 = arith.constant 1 : i32
    %shift_right_logical3A_1591 = vector.broadcast %shift_right_logical3A_1590 : i32 to vector<16xi32>
    %shift_right_logical3A_1592 = arith.shrui %bitcast3A_1589, %shift_right_logical3A_1591 : vector<16xi32>
    %sub3A_1593 = arith.constant 1597463007 : i32
    %sub3A_1594 = vector.broadcast %sub3A_1593 : i32 to vector<16xi32>
    %sub3A_1595 = arith.subi %sub3A_1594, %shift_right_logical3A_1592 : vector<16xi32>
    %bitcast3A_1596 = vector.bitcast %sub3A_1595 : vector<16xi32> to vector<16xf32>
    %mul3A_1597 = arith.constant 5.000000e-01 : f32
    %mul3A_1598 = vector.broadcast %mul3A_1597 : f32 to vector<16xf32>
    %mul3A_1599 = arith.mulf %mul3A_1598, %max3A_1588 : vector<16xf32>
    %mul3A_1600 = arith.mulf %mul3A_1599, %bitcast3A_1596 : vector<16xf32>
    %mul3A_1601 = arith.mulf %mul3A_1600, %bitcast3A_1596 : vector<16xf32>
    %sub3A_1602 = arith.constant 1.500000e+00 : f32
    %sub3A_1603 = vector.broadcast %sub3A_1602 : f32 to vector<16xf32>
    %sub3A_1604 = arith.subf %sub3A_1603, %mul3A_1601 : vector<16xf32>
    %mul3A_1605 = arith.mulf %bitcast3A_1596, %sub3A_1604 : vector<16xf32>
    %mul3A_1606 = arith.constant 5.000000e-01 : f32
    %mul3A_1607 = vector.broadcast %mul3A_1606 : f32 to vector<16xf32>
    %mul3A_1608 = arith.mulf %mul3A_1607, %max3A_1588 : vector<16xf32>
    %mul3A_1609 = arith.mulf %mul3A_1608, %mul3A_1605 : vector<16xf32>
    %mul3A_1610 = arith.mulf %mul3A_1609, %mul3A_1605 : vector<16xf32>
    %sub3A_1611 = arith.constant 1.500000e+00 : f32
    %sub3A_1612 = vector.broadcast %sub3A_1611 : f32 to vector<16xf32>
    %sub3A_1613 = arith.subf %sub3A_1612, %mul3A_1610 : vector<16xf32>
    %mul3A_1614 = arith.mulf %mul3A_1605, %sub3A_1613 : vector<16xf32>
    %mul3A_1615 = arith.constant 5.000000e-01 : f32
    %mul3A_1616 = vector.broadcast %mul3A_1615 : f32 to vector<16xf32>
    %mul3A_1617 = arith.mulf %mul3A_1616, %max3A_1588 : vector<16xf32>
    %mul3A_1618 = arith.mulf %mul3A_1617, %mul3A_1614 : vector<16xf32>
    %mul3A_1619 = arith.mulf %mul3A_1618, %mul3A_1614 : vector<16xf32>
    %sub3A_1620 = arith.constant 1.500000e+00 : f32
    %sub3A_1621 = vector.broadcast %sub3A_1620 : f32 to vector<16xf32>
    %sub3A_1622 = arith.subf %sub3A_1621, %mul3A_1619 : vector<16xf32>
    %mul3A_1623 = arith.mulf %mul3A_1614, %sub3A_1622 : vector<16xf32>
    %swap3A_1624 = arith.constant 26 : i32
    %swap3A_1625 = arith.index_cast %swap3A_1624 : i32 to index
    %swap3A_1626 = arith.constant 0 : index
    %swap3A_1627 = tpu.vector_load %arg20[%swap3A_1625, %swap3A_1626] {strides = array<i32>} : memref<40x16xf32, #tpu.memory_space<vmem>>, vector<16xf32>,
    tpu.vector_store %arg20[%swap3A_1625, %swap3A_1626], %mul3A_1623 {strides = array<i32>} : memref<40x16xf32, #tpu.memory_space<vmem>>, vector<16xf32>,
    %get3A_1628 = arith.constant 27 : i32
    %get3A_1629 = arith.index_cast %get3A_1628 : i32 to index
    %get3A_1630 = arith.constant 0 : index
    %get3A_1631 = tpu.vector_load %arg19[%get3A_1629, %get3A_1630] {strides = array<i32>} : memref<40x16xf32, #tpu.memory_space<vmem>>, vector<16xf32>,
    %max3A_1632 = arith.constant 1.000000e+00 : f32
    %max3A_1633 = vector.broadcast %max3A_1632 : f32 to vector<16xf32>
    %max3A_1634 = arith.maximumf %get3A_1631, %max3A_1633 : vector<16xf32>
    %bitcast3A_1635 = vector.bitcast %max3A_1634 : vector<16xf32> to vector<16xi32>
    %shift_right_logical3A_1636 = arith.constant 1 : i32
    %shift_right_logical3A_1637 = vector.broadcast %shift_right_logical3A_1636 : i32 to vector<16xi32>
    %shift_right_logical3A_1638 = arith.shrui %bitcast3A_1635, %shift_right_logical3A_1637 : vector<16xi32>
    %sub3A_1639 = arith.constant 1597463007 : i32
    %sub3A_1640 = vector.broadcast %sub3A_1639 : i32 to vector<16xi32>
    %sub3A_1641 = arith.subi %sub3A_1640, %shift_right_logical3A_1638 : vector<16xi32>
    %bitcast3A_1642 = vector.bitcast %sub3A_1641 : vector<16xi32> to vector<16xf32>
    %mul3A_1643 = arith.constant 5.000000e-01 : f32
    %mul3A_1644 = vector.broadcast %mul3A_1643 : f32 to vector<16xf32>
    %mul3A_1645 = arith.mulf %mul3A_1644, %max3A_1634 : vector<16xf32>
    %mul3A_1646 = arith.mulf %mul3A_1645, %bitcast3A_1642 : vector<16xf32>
    %mul3A_1647 = arith.mulf %mul3A_1646, %bitcast3A_1642 : vector<16xf32>
    %sub3A_1648 = arith.constant 1.500000e+00 : f32
    %sub3A_1649 = vector.broadcast %sub3A_1648 : f32 to vector<16xf32>
    %sub3A_1650 = arith.subf %sub3A_1649, %mul3A_1647 : vector<16xf32>
    %mul3A_1651 = arith.mulf %bitcast3A_1642, %sub3A_1650 : vector<16xf32>
    %mul3A_1652 = arith.constant 5.000000e-01 : f32
    %mul3A_1653 = vector.broadcast %mul3A_1652 : f32 to vector<16xf32>
    %mul3A_1654 = arith.mulf %mul3A_1653, %max3A_1634 : vector<16xf32>
    %mul3A_1655 = arith.mulf %mul3A_1654, %mul3A_1651 : vector<16xf32>
    %mul3A_1656 = arith.mulf %mul3A_1655, %mul3A_1651 : vector<16xf32>
    %sub3A_1657 = arith.constant 1.500000e+00 : f32
    %sub3A_1658 = vector.broadcast %sub3A_1657 : f32 to vector<16xf32>
    %sub3A_1659 = arith.subf %sub3A_1658, %mul3A_1656 : vector<16xf32>
    %mul3A_1660 = arith.mulf %mul3A_1651, %sub3A_1659 : vector<16xf32>
    %mul3A_1661 = arith.constant 5.000000e-01 : f32
    %mul3A_1662 = vector.broadcast %mul3A_1661 : f32 to vector<16xf32>
    %mul3A_1663 = arith.mulf %mul3A_1662, %max3A_1634 : vector<16xf32>
    %mul3A_1664 = arith.mulf %mul3A_1663, %mul3A_1660 : vector<16xf32>
    %mul3A_1665 = arith.mulf %mul3A_1664, %mul3A_1660 : vector<16xf32>
    %sub3A_1666 = arith.constant 1.500000e+00 : f32
    %sub3A_1667 = vector.broadcast %sub3A_1666 : f32 to vector<16xf32>
    %sub3A_1668 = arith.subf %sub3A_1667, %mul3A_1665 : vector<16xf32>
    %mul3A_1669 = arith.mulf %mul3A_1660, %sub3A_1668 : vector<16xf32>
    %swap3A_1670 = arith.constant 27 : i32
    %swap3A_1671 = arith.index_cast %swap3A_1670 : i32 to index
    %swap3A_1672 = arith.constant 0 : index
    %swap3A_1673 = tpu.vector_load %arg20[%swap3A_1671, %swap3A_1672] {strides = array<i32>} : memref<40x16xf32, #tpu.memory_space<vmem>>, vector<16xf32>,
    tpu.vector_store %arg20[%swap3A_1671, %swap3A_1672], %mul3A_1669 {strides = array<i32>} : memref<40x16xf32, #tpu.memory_space<vmem>>, vector<16xf32>,
    %get3A_1674 = arith.constant 28 : i32
    %get3A_1675 = arith.index_cast %get3A_1674 : i32 to index
    %get3A_1676 = arith.constant 0 : index
    %get3A_1677 = tpu.vector_load %arg19[%get3A_1675, %get3A_1676] {strides = array<i32>} : memref<40x16xf32, #tpu.memory_space<vmem>>, vector<16xf32>,
    %max3A_1678 = arith.constant 1.000000e+00 : f32
    %max3A_1679 = vector.broadcast %max3A_1678 : f32 to vector<16xf32>
    %max3A_1680 = arith.maximumf %get3A_1677, %max3A_1679 : vector<16xf32>
    %bitcast3A_1681 = vector.bitcast %max3A_1680 : vector<16xf32> to vector<16xi32>
    %shift_right_logical3A_1682 = arith.constant 1 : i32
    %shift_right_logical3A_1683 = vector.broadcast %shift_right_logical3A_1682 : i32 to vector<16xi32>
    %shift_right_logical3A_1684 = arith.shrui %bitcast3A_1681, %shift_right_logical3A_1683 : vector<16xi32>
    %sub3A_1685 = arith.constant 1597463007 : i32
    %sub3A_1686 = vector.broadcast %sub3A_1685 : i32 to vector<16xi32>
    %sub3A_1687 = arith.subi %sub3A_1686, %shift_right_logical3A_1684 : vector<16xi32>
    %bitcast3A_1688 = vector.bitcast %sub3A_1687 : vector<16xi32> to vector<16xf32>
    %mul3A_1689 = arith.constant 5.000000e-01 : f32
    %mul3A_1690 = vector.broadcast %mul3A_1689 : f32 to vector<16xf32>
    %mul3A_1691 = arith.mulf %mul3A_1690, %max3A_1680 : vector<16xf32>
    %mul3A_1692 = arith.mulf %mul3A_1691, %bitcast3A_1688 : vector<16xf32>
    %mul3A_1693 = arith.mulf %mul3A_1692, %bitcast3A_1688 : vector<16xf32>
    %sub3A_1694 = arith.constant 1.500000e+00 : f32
    %sub3A_1695 = vector.broadcast %sub3A_1694 : f32 to vector<16xf32>
    %sub3A_1696 = arith.subf %sub3A_1695, %mul3A_1693 : vector<16xf32>
    %mul3A_1697 = arith.mulf %bitcast3A_1688, %sub3A_1696 : vector<16xf32>
    %mul3A_1698 = arith.constant 5.000000e-01 : f32
    %mul3A_1699 = vector.broadcast %mul3A_1698 : f32 to vector<16xf32>
    %mul3A_1700 = arith.mulf %mul3A_1699, %max3A_1680 : vector<16xf32>
    %mul3A_1701 = arith.mulf %mul3A_1700, %mul3A_1697 : vector<16xf32>
    %mul3A_1702 = arith.mulf %mul3A_1701, %mul3A_1697 : vector<16xf32>
    %sub3A_1703 = arith.constant 1.500000e+00 : f32
    %sub3A_1704 = vector.broadcast %sub3A_1703 : f32 to vector<16xf32>
    %sub3A_1705 = arith.subf %sub3A_1704, %mul3A_1702 : vector<16xf32>
    %mul3A_1706 = arith.mulf %mul3A_1697, %sub3A_1705 : vector<16xf32>
    %mul3A_1707 = arith.constant 5.000000e-01 : f32
    %mul3A_1708 = vector.broadcast %mul3A_1707 : f32 to vector<16xf32>
    %mul3A_1709 = arith.mulf %mul3A_1708, %max3A_1680 : vector<16xf32>
    %mul3A_1710 = arith.mulf %mul3A_1709, %mul3A_1706 : vector<16xf32>
    %mul3A_1711 = arith.mulf %mul3A_1710, %mul3A_1706 : vector<16xf32>
    %sub3A_1712 = arith.constant 1.500000e+00 : f32
    %sub3A_1713 = vector.broadcast %sub3A_1712 : f32 to vector<16xf32>
    %sub3A_1714 = arith.subf %sub3A_1713, %mul3A_1711 : vector<16xf32>
    %mul3A_1715 = arith.mulf %mul3A_1706, %sub3A_1714 : vector<16xf32>
    %swap3A_1716 = arith.constant 28 : i32
    %swap3A_1717 = arith.index_cast %swap3A_1716 : i32 to index
    %swap3A_1718 = arith.constant 0 : index
    %swap3A_1719 = tpu.vector_load %arg20[%swap3A_1717, %swap3A_1718] {strides = array<i32>} : memref<40x16xf32, #tpu.memory_space<vmem>>, vector<16xf32>,
    tpu.vector_store %arg20[%swap3A_1717, %swap3A_1718], %mul3A_1715 {strides = array<i32>} : memref<40x16xf32, #tpu.memory_space<vmem>>, vector<16xf32>,
    %get3A_1720 = arith.constant 29 : i32
    %get3A_1721 = arith.index_cast %get3A_1720 : i32 to index
    %get3A_1722 = arith.constant 0 : index
    %get3A_1723 = tpu.vector_load %arg19[%get3A_1721, %get3A_1722] {strides = array<i32>} : memref<40x16xf32, #tpu.memory_space<vmem>>, vector<16xf32>,
    %max3A_1724 = arith.constant 1.000000e+00 : f32
    %max3A_1725 = vector.broadcast %max3A_1724 : f32 to vector<16xf32>
    %max3A_1726 = arith.maximumf %get3A_1723, %max3A_1725 : vector<16xf32>
    %bitcast3A_1727 = vector.bitcast %max3A_1726 : vector<16xf32> to vector<16xi32>
    %shift_right_logical3A_1728 = arith.constant 1 : i32
    %shift_right_logical3A_1729 = vector.broadcast %shift_right_logical3A_1728 : i32 to vector<16xi32>
    %shift_right_logical3A_1730 = arith.shrui %bitcast3A_1727, %shift_right_logical3A_1729 : vector<16xi32>
    %sub3A_1731 = arith.constant 1597463007 : i32
    %sub3A_1732 = vector.broadcast %sub3A_1731 : i32 to vector<16xi32>
    %sub3A_1733 = arith.subi %sub3A_1732, %shift_right_logical3A_1730 : vector<16xi32>
    %bitcast3A_1734 = vector.bitcast %sub3A_1733 : vector<16xi32> to vector<16xf32>
    %mul3A_1735 = arith.constant 5.000000e-01 : f32
    %mul3A_1736 = vector.broadcast %mul3A_1735 : f32 to vector<16xf32>
    %mul3A_1737 = arith.mulf %mul3A_1736, %max3A_1726 : vector<16xf32>
    %mul3A_1738 = arith.mulf %mul3A_1737, %bitcast3A_1734 : vector<16xf32>
    %mul3A_1739 = arith.mulf %mul3A_1738, %bitcast3A_1734 : vector<16xf32>
    %sub3A_1740 = arith.constant 1.500000e+00 : f32
    %sub3A_1741 = vector.broadcast %sub3A_1740 : f32 to vector<16xf32>
    %sub3A_1742 = arith.subf %sub3A_1741, %mul3A_1739 : vector<16xf32>
    %mul3A_1743 = arith.mulf %bitcast3A_1734, %sub3A_1742 : vector<16xf32>
    %mul3A_1744 = arith.constant 5.000000e-01 : f32
    %mul3A_1745 = vector.broadcast %mul3A_1744 : f32 to vector<16xf32>
    %mul3A_1746 = arith.mulf %mul3A_1745, %max3A_1726 : vector<16xf32>
    %mul3A_1747 = arith.mulf %mul3A_1746, %mul3A_1743 : vector<16xf32>
    %mul3A_1748 = arith.mulf %mul3A_1747, %mul3A_1743 : vector<16xf32>
    %sub3A_1749 = arith.constant 1.500000e+00 : f32
    %sub3A_1750 = vector.broadcast %sub3A_1749 : f32 to vector<16xf32>
    %sub3A_1751 = arith.subf %sub3A_1750, %mul3A_1748 : vector<16xf32>
    %mul3A_1752 = arith.mulf %mul3A_1743, %sub3A_1751 : vector<16xf32>
    %mul3A_1753 = arith.constant 5.000000e-01 : f32
    %mul3A_1754 = vector.broadcast %mul3A_1753 : f32 to vector<16xf32>
    %mul3A_1755 = arith.mulf %mul3A_1754, %max3A_1726 : vector<16xf32>
    %mul3A_1756 = arith.mulf %mul3A_1755, %mul3A_1752 : vector<16xf32>
    %mul3A_1757 = arith.mulf %mul3A_1756, %mul3A_1752 : vector<16xf32>
    %sub3A_1758 = arith.constant 1.500000e+00 : f32
    %sub3A_1759 = vector.broadcast %sub3A_1758 : f32 to vector<16xf32>
    %sub3A_1760 = arith.subf %sub3A_1759, %mul3A_1757 : vector<16xf32>
    %mul3A_1761 = arith.mulf %mul3A_1752, %sub3A_1760 : vector<16xf32>
    %swap3A_1762 = arith.constant 29 : i32
    %swap3A_1763 = arith.index_cast %swap3A_1762 : i32 to index
    %swap3A_1764 = arith.constant 0 : index
    %swap3A_1765 = tpu.vector_load %arg20[%swap3A_1763, %swap3A_1764] {strides = array<i32>} : memref<40x16xf32, #tpu.memory_space<vmem>>, vector<16xf32>,
    tpu.vector_store %arg20[%swap3A_1763, %swap3A_1764], %mul3A_1761 {strides = array<i32>} : memref<40x16xf32, #tpu.memory_space<vmem>>, vector<16xf32>,
    %get3A_1766 = arith.constant 30 : i32
    %get3A_1767 = arith.index_cast %get3A_1766 : i32 to index
    %get3A_1768 = arith.constant 0 : index
    %get3A_1769 = tpu.vector_load %arg19[%get3A_1767, %get3A_1768] {strides = array<i32>} : memref<40x16xf32, #tpu.memory_space<vmem>>, vector<16xf32>,
    %max3A_1770 = arith.constant 1.000000e+00 : f32
    %max3A_1771 = vector.broadcast %max3A_1770 : f32 to vector<16xf32>
    %max3A_1772 = arith.maximumf %get3A_1769, %max3A_1771 : vector<16xf32>
    %bitcast3A_1773 = vector.bitcast %max3A_1772 : vector<16xf32> to vector<16xi32>
    %shift_right_logical3A_1774 = arith.constant 1 : i32
    %shift_right_logical3A_1775 = vector.broadcast %shift_right_logical3A_1774 : i32 to vector<16xi32>
    %shift_right_logical3A_1776 = arith.shrui %bitcast3A_1773, %shift_right_logical3A_1775 : vector<16xi32>
    %sub3A_1777 = arith.constant 1597463007 : i32
    %sub3A_1778 = vector.broadcast %sub3A_1777 : i32 to vector<16xi32>
    %sub3A_1779 = arith.subi %sub3A_1778, %shift_right_logical3A_1776 : vector<16xi32>
    %bitcast3A_1780 = vector.bitcast %sub3A_1779 : vector<16xi32> to vector<16xf32>
    %mul3A_1781 = arith.constant 5.000000e-01 : f32
    %mul3A_1782 = vector.broadcast %mul3A_1781 : f32 to vector<16xf32>
    %mul3A_1783 = arith.mulf %mul3A_1782, %max3A_1772 : vector<16xf32>
    %mul3A_1784 = arith.mulf %mul3A_1783, %bitcast3A_1780 : vector<16xf32>
    %mul3A_1785 = arith.mulf %mul3A_1784, %bitcast3A_1780 : vector<16xf32>
    %sub3A_1786 = arith.constant 1.500000e+00 : f32
    %sub3A_1787 = vector.broadcast %sub3A_1786 : f32 to vector<16xf32>
    %sub3A_1788 = arith.subf %sub3A_1787, %mul3A_1785 : vector<16xf32>
    %mul3A_1789 = arith.mulf %bitcast3A_1780, %sub3A_1788 : vector<16xf32>
    %mul3A_1790 = arith.constant 5.000000e-01 : f32
    %mul3A_1791 = vector.broadcast %mul3A_1790 : f32 to vector<16xf32>
    %mul3A_1792 = arith.mulf %mul3A_1791, %max3A_1772 : vector<16xf32>
    %mul3A_1793 = arith.mulf %mul3A_1792, %mul3A_1789 : vector<16xf32>
    %mul3A_1794 = arith.mulf %mul3A_1793, %mul3A_1789 : vector<16xf32>
    %sub3A_1795 = arith.constant 1.500000e+00 : f32
    %sub3A_1796 = vector.broadcast %sub3A_1795 : f32 to vector<16xf32>
    %sub3A_1797 = arith.subf %sub3A_1796, %mul3A_1794 : vector<16xf32>
    %mul3A_1798 = arith.mulf %mul3A_1789, %sub3A_1797 : vector<16xf32>
    %mul3A_1799 = arith.constant 5.000000e-01 : f32
    %mul3A_1800 = vector.broadcast %mul3A_1799 : f32 to vector<16xf32>
    %mul3A_1801 = arith.mulf %mul3A_1800, %max3A_1772 : vector<16xf32>
    %mul3A_1802 = arith.mulf %mul3A_1801, %mul3A_1798 : vector<16xf32>
    %mul3A_1803 = arith.mulf %mul3A_1802, %mul3A_1798 : vector<16xf32>
    %sub3A_1804 = arith.constant 1.500000e+00 : f32
    %sub3A_1805 = vector.broadcast %sub3A_1804 : f32 to vector<16xf32>
    %sub3A_1806 = arith.subf %sub3A_1805, %mul3A_1803 : vector<16xf32>
    %mul3A_1807 = arith.mulf %mul3A_1798, %sub3A_1806 : vector<16xf32>
    %swap3A_1808 = arith.constant 30 : i32
    %swap3A_1809 = arith.index_cast %swap3A_1808 : i32 to index
    %swap3A_1810 = arith.constant 0 : index
    %swap3A_1811 = tpu.vector_load %arg20[%swap3A_1809, %swap3A_1810] {strides = array<i32>} : memref<40x16xf32, #tpu.memory_space<vmem>>, vector<16xf32>,
    tpu.vector_store %arg20[%swap3A_1809, %swap3A_1810], %mul3A_1807 {strides = array<i32>} : memref<40x16xf32, #tpu.memory_space<vmem>>, vector<16xf32>,
    %get3A_1812 = arith.constant 31 : i32
    %get3A_1813 = arith.index_cast %get3A_1812 : i32 to index
    %get3A_1814 = arith.constant 0 : index
    %get3A_1815 = tpu.vector_load %arg19[%get3A_1813, %get3A_1814] {strides = array<i32>} : memref<40x16xf32, #tpu.memory_space<vmem>>, vector<16xf32>,
    %max3A_1816 = arith.constant 1.000000e+00 : f32
    %max3A_1817 = vector.broadcast %max3A_1816 : f32 to vector<16xf32>
    %max3A_1818 = arith.maximumf %get3A_1815, %max3A_1817 : vector<16xf32>
    %bitcast3A_1819 = vector.bitcast %max3A_1818 : vector<16xf32> to vector<16xi32>
    %shift_right_logical3A_1820 = arith.constant 1 : i32
    %shift_right_logical3A_1821 = vector.broadcast %shift_right_logical3A_1820 : i32 to vector<16xi32>
    %shift_right_logical3A_1822 = arith.shrui %bitcast3A_1819, %shift_right_logical3A_1821 : vector<16xi32>
    %sub3A_1823 = arith.constant 1597463007 : i32
    %sub3A_1824 = vector.broadcast %sub3A_1823 : i32 to vector<16xi32>
    %sub3A_1825 = arith.subi %sub3A_1824, %shift_right_logical3A_1822 : vector<16xi32>
    %bitcast3A_1826 = vector.bitcast %sub3A_1825 : vector<16xi32> to vector<16xf32>
    %mul3A_1827 = arith.constant 5.000000e-01 : f32
    %mul3A_1828 = vector.broadcast %mul3A_1827 : f32 to vector<16xf32>
    %mul3A_1829 = arith.mulf %mul3A_1828, %max3A_1818 : vector<16xf32>
    %mul3A_1830 = arith.mulf %mul3A_1829, %bitcast3A_1826 : vector<16xf32>
    %mul3A_1831 = arith.mulf %mul3A_1830, %bitcast3A_1826 : vector<16xf32>
    %sub3A_1832 = arith.constant 1.500000e+00 : f32
    %sub3A_1833 = vector.broadcast %sub3A_1832 : f32 to vector<16xf32>
    %sub3A_1834 = arith.subf %sub3A_1833, %mul3A_1831 : vector<16xf32>
    %mul3A_1835 = arith.mulf %bitcast3A_1826, %sub3A_1834 : vector<16xf32>
    %mul3A_1836 = arith.constant 5.000000e-01 : f32
    %mul3A_1837 = vector.broadcast %mul3A_1836 : f32 to vector<16xf32>
    %mul3A_1838 = arith.mulf %mul3A_1837, %max3A_1818 : vector<16xf32>
    %mul3A_1839 = arith.mulf %mul3A_1838, %mul3A_1835 : vector<16xf32>
    %mul3A_1840 = arith.mulf %mul3A_1839, %mul3A_1835 : vector<16xf32>
    %sub3A_1841 = arith.constant 1.500000e+00 : f32
    %sub3A_1842 = vector.broadcast %sub3A_1841 : f32 to vector<16xf32>
    %sub3A_1843 = arith.subf %sub3A_1842, %mul3A_1840 : vector<16xf32>
    %mul3A_1844 = arith.mulf %mul3A_1835, %sub3A_1843 : vector<16xf32>
    %mul3A_1845 = arith.constant 5.000000e-01 : f32
    %mul3A_1846 = vector.broadcast %mul3A_1845 : f32 to vector<16xf32>
    %mul3A_1847 = arith.mulf %mul3A_1846, %max3A_1818 : vector<16xf32>
    %mul3A_1848 = arith.mulf %mul3A_1847, %mul3A_1844 : vector<16xf32>
    %mul3A_1849 = arith.mulf %mul3A_1848, %mul3A_1844 : vector<16xf32>
    %sub3A_1850 = arith.constant 1.500000e+00 : f32
    %sub3A_1851 = vector.broadcast %sub3A_1850 : f32 to vector<16xf32>
    %sub3A_1852 = arith.subf %sub3A_1851, %mul3A_1849 : vector<16xf32>
    %mul3A_1853 = arith.mulf %mul3A_1844, %sub3A_1852 : vector<16xf32>
    %swap3A_1854 = arith.constant 31 : i32
    %swap3A_1855 = arith.index_cast %swap3A_1854 : i32 to index
    %swap3A_1856 = arith.constant 0 : index
    %swap3A_1857 = tpu.vector_load %arg20[%swap3A_1855, %swap3A_1856] {strides = array<i32>} : memref<40x16xf32, #tpu.memory_space<vmem>>, vector<16xf32>,
    tpu.vector_store %arg20[%swap3A_1855, %swap3A_1856], %mul3A_1853 {strides = array<i32>} : memref<40x16xf32, #tpu.memory_space<vmem>>, vector<16xf32>,
    %get3A_1858 = arith.constant 32 : i32
    %get3A_1859 = arith.index_cast %get3A_1858 : i32 to index
    %get3A_1860 = arith.constant 0 : index
    %get3A_1861 = tpu.vector_load %arg19[%get3A_1859, %get3A_1860] {strides = array<i32>} : memref<40x16xf32, #tpu.memory_space<vmem>>, vector<16xf32>,
    %max3A_1862 = arith.constant 1.000000e+00 : f32
    %max3A_1863 = vector.broadcast %max3A_1862 : f32 to vector<16xf32>
    %max3A_1864 = arith.maximumf %get3A_1861, %max3A_1863 : vector<16xf32>
    %bitcast3A_1865 = vector.bitcast %max3A_1864 : vector<16xf32> to vector<16xi32>
    %shift_right_logical3A_1866 = arith.constant 1 : i32
    %shift_right_logical3A_1867 = vector.broadcast %shift_right_logical3A_1866 : i32 to vector<16xi32>
    %shift_right_logical3A_1868 = arith.shrui %bitcast3A_1865, %shift_right_logical3A_1867 : vector<16xi32>
    %sub3A_1869 = arith.constant 1597463007 : i32
    %sub3A_1870 = vector.broadcast %sub3A_1869 : i32 to vector<16xi32>
    %sub3A_1871 = arith.subi %sub3A_1870, %shift_right_logical3A_1868 : vector<16xi32>
    %bitcast3A_1872 = vector.bitcast %sub3A_1871 : vector<16xi32> to vector<16xf32>
    %mul3A_1873 = arith.constant 5.000000e-01 : f32
    %mul3A_1874 = vector.broadcast %mul3A_1873 : f32 to vector<16xf32>
    %mul3A_1875 = arith.mulf %mul3A_1874, %max3A_1864 : vector<16xf32>
    %mul3A_1876 = arith.mulf %mul3A_1875, %bitcast3A_1872 : vector<16xf32>
    %mul3A_1877 = arith.mulf %mul3A_1876, %bitcast3A_1872 : vector<16xf32>
    %sub3A_1878 = arith.constant 1.500000e+00 : f32
    %sub3A_1879 = vector.broadcast %sub3A_1878 : f32 to vector<16xf32>
    %sub3A_1880 = arith.subf %sub3A_1879, %mul3A_1877 : vector<16xf32>
    %mul3A_1881 = arith.mulf %bitcast3A_1872, %sub3A_1880 : vector<16xf32>
    %mul3A_1882 = arith.constant 5.000000e-01 : f32
    %mul3A_1883 = vector.broadcast %mul3A_1882 : f32 to vector<16xf32>
    %mul3A_1884 = arith.mulf %mul3A_1883, %max3A_1864 : vector<16xf32>
    %mul3A_1885 = arith.mulf %mul3A_1884, %mul3A_1881 : vector<16xf32>
    %mul3A_1886 = arith.mulf %mul3A_1885, %mul3A_1881 : vector<16xf32>
    %sub3A_1887 = arith.constant 1.500000e+00 : f32
    %sub3A_1888 = vector.broadcast %sub3A_1887 : f32 to vector<16xf32>
    %sub3A_1889 = arith.subf %sub3A_1888, %mul3A_1886 : vector<16xf32>
    %mul3A_1890 = arith.mulf %mul3A_1881, %sub3A_1889 : vector<16xf32>
    %mul3A_1891 = arith.constant 5.000000e-01 : f32
    %mul3A_1892 = vector.broadcast %mul3A_1891 : f32 to vector<16xf32>
    %mul3A_1893 = arith.mulf %mul3A_1892, %max3A_1864 : vector<16xf32>
    %mul3A_1894 = arith.mulf %mul3A_1893, %mul3A_1890 : vector<16xf32>
    %mul3A_1895 = arith.mulf %mul3A_1894, %mul3A_1890 : vector<16xf32>
    %sub3A_1896 = arith.constant 1.500000e+00 : f32
    %sub3A_1897 = vector.broadcast %sub3A_1896 : f32 to vector<16xf32>
    %sub3A_1898 = arith.subf %sub3A_1897, %mul3A_1895 : vector<16xf32>
    %mul3A_1899 = arith.mulf %mul3A_1890, %sub3A_1898 : vector<16xf32>
    %swap3A_1900 = arith.constant 32 : i32
    %swap3A_1901 = arith.index_cast %swap3A_1900 : i32 to index
    %swap3A_1902 = arith.constant 0 : index
    %swap3A_1903 = tpu.vector_load %arg20[%swap3A_1901, %swap3A_1902] {strides = array<i32>} : memref<40x16xf32, #tpu.memory_space<vmem>>, vector<16xf32>,
    tpu.vector_store %arg20[%swap3A_1901, %swap3A_1902], %mul3A_1899 {strides = array<i32>} : memref<40x16xf32, #tpu.memory_space<vmem>>, vector<16xf32>,
    %get3A_1904 = arith.constant 33 : i32
    %get3A_1905 = arith.index_cast %get3A_1904 : i32 to index
    %get3A_1906 = arith.constant 0 : index
    %get3A_1907 = tpu.vector_load %arg19[%get3A_1905, %get3A_1906] {strides = array<i32>} : memref<40x16xf32, #tpu.memory_space<vmem>>, vector<16xf32>,
    %max3A_1908 = arith.constant 1.000000e+00 : f32
    %max3A_1909 = vector.broadcast %max3A_1908 : f32 to vector<16xf32>
    %max3A_1910 = arith.maximumf %get3A_1907, %max3A_1909 : vector<16xf32>
    %bitcast3A_1911 = vector.bitcast %max3A_1910 : vector<16xf32> to vector<16xi32>
    %shift_right_logical3A_1912 = arith.constant 1 : i32
    %shift_right_logical3A_1913 = vector.broadcast %shift_right_logical3A_1912 : i32 to vector<16xi32>
    %shift_right_logical3A_1914 = arith.shrui %bitcast3A_1911, %shift_right_logical3A_1913 : vector<16xi32>
    %sub3A_1915 = arith.constant 1597463007 : i32
    %sub3A_1916 = vector.broadcast %sub3A_1915 : i32 to vector<16xi32>
    %sub3A_1917 = arith.subi %sub3A_1916, %shift_right_logical3A_1914 : vector<16xi32>
    %bitcast3A_1918 = vector.bitcast %sub3A_1917 : vector<16xi32> to vector<16xf32>
    %mul3A_1919 = arith.constant 5.000000e-01 : f32
    %mul3A_1920 = vector.broadcast %mul3A_1919 : f32 to vector<16xf32>
    %mul3A_1921 = arith.mulf %mul3A_1920, %max3A_1910 : vector<16xf32>
    %mul3A_1922 = arith.mulf %mul3A_1921, %bitcast3A_1918 : vector<16xf32>
    %mul3A_1923 = arith.mulf %mul3A_1922, %bitcast3A_1918 : vector<16xf32>
    %sub3A_1924 = arith.constant 1.500000e+00 : f32
    %sub3A_1925 = vector.broadcast %sub3A_1924 : f32 to vector<16xf32>
    %sub3A_1926 = arith.subf %sub3A_1925, %mul3A_1923 : vector<16xf32>
    %mul3A_1927 = arith.mulf %bitcast3A_1918, %sub3A_1926 : vector<16xf32>
    %mul3A_1928 = arith.constant 5.000000e-01 : f32
    %mul3A_1929 = vector.broadcast %mul3A_1928 : f32 to vector<16xf32>
    %mul3A_1930 = arith.mulf %mul3A_1929, %max3A_1910 : vector<16xf32>
    %mul3A_1931 = arith.mulf %mul3A_1930, %mul3A_1927 : vector<16xf32>
    %mul3A_1932 = arith.mulf %mul3A_1931, %mul3A_1927 : vector<16xf32>
    %sub3A_1933 = arith.constant 1.500000e+00 : f32
    %sub3A_1934 = vector.broadcast %sub3A_1933 : f32 to vector<16xf32>
    %sub3A_1935 = arith.subf %sub3A_1934, %mul3A_1932 : vector<16xf32>
    %mul3A_1936 = arith.mulf %mul3A_1927, %sub3A_1935 : vector<16xf32>
    %mul3A_1937 = arith.constant 5.000000e-01 : f32
    %mul3A_1938 = vector.broadcast %mul3A_1937 : f32 to vector<16xf32>
    %mul3A_1939 = arith.mulf %mul3A_1938, %max3A_1910 : vector<16xf32>
    %mul3A_1940 = arith.mulf %mul3A_1939, %mul3A_1936 : vector<16xf32>
    %mul3A_1941 = arith.mulf %mul3A_1940, %mul3A_1936 : vector<16xf32>
    %sub3A_1942 = arith.constant 1.500000e+00 : f32
    %sub3A_1943 = vector.broadcast %sub3A_1942 : f32 to vector<16xf32>
    %sub3A_1944 = arith.subf %sub3A_1943, %mul3A_1941 : vector<16xf32>
    %mul3A_1945 = arith.mulf %mul3A_1936, %sub3A_1944 : vector<16xf32>
    %swap3A_1946 = arith.constant 33 : i32
    %swap3A_1947 = arith.index_cast %swap3A_1946 : i32 to index
    %swap3A_1948 = arith.constant 0 : index
    %swap3A_1949 = tpu.vector_load %arg20[%swap3A_1947, %swap3A_1948] {strides = array<i32>} : memref<40x16xf32, #tpu.memory_space<vmem>>, vector<16xf32>,
    tpu.vector_store %arg20[%swap3A_1947, %swap3A_1948], %mul3A_1945 {strides = array<i32>} : memref<40x16xf32, #tpu.memory_space<vmem>>, vector<16xf32>,
    %get3A_1950 = arith.constant 34 : i32
    %get3A_1951 = arith.index_cast %get3A_1950 : i32 to index
    %get3A_1952 = arith.constant 0 : index
    %get3A_1953 = tpu.vector_load %arg19[%get3A_1951, %get3A_1952] {strides = array<i32>} : memref<40x16xf32, #tpu.memory_space<vmem>>, vector<16xf32>,
    %max3A_1954 = arith.constant 1.000000e+00 : f32
    %max3A_1955 = vector.broadcast %max3A_1954 : f32 to vector<16xf32>
    %max3A_1956 = arith.maximumf %get3A_1953, %max3A_1955 : vector<16xf32>
    %bitcast3A_1957 = vector.bitcast %max3A_1956 : vector<16xf32> to vector<16xi32>
    %shift_right_logical3A_1958 = arith.constant 1 : i32
    %shift_right_logical3A_1959 = vector.broadcast %shift_right_logical3A_1958 : i32 to vector<16xi32>
    %shift_right_logical3A_1960 = arith.shrui %bitcast3A_1957, %shift_right_logical3A_1959 : vector<16xi32>
    %sub3A_1961 = arith.constant 1597463007 : i32
    %sub3A_1962 = vector.broadcast %sub3A_1961 : i32 to vector<16xi32>
    %sub3A_1963 = arith.subi %sub3A_1962, %shift_right_logical3A_1960 : vector<16xi32>
    %bitcast3A_1964 = vector.bitcast %sub3A_1963 : vector<16xi32> to vector<16xf32>
    %mul3A_1965 = arith.constant 5.000000e-01 : f32
    %mul3A_1966 = vector.broadcast %mul3A_1965 : f32 to vector<16xf32>
    %mul3A_1967 = arith.mulf %mul3A_1966, %max3A_1956 : vector<16xf32>
    %mul3A_1968 = arith.mulf %mul3A_1967, %bitcast3A_1964 : vector<16xf32>
    %mul3A_1969 = arith.mulf %mul3A_1968, %bitcast3A_1964 : vector<16xf32>
    %sub3A_1970 = arith.constant 1.500000e+00 : f32
    %sub3A_1971 = vector.broadcast %sub3A_1970 : f32 to vector<16xf32>
    %sub3A_1972 = arith.subf %sub3A_1971, %mul3A_1969 : vector<16xf32>
    %mul3A_1973 = arith.mulf %bitcast3A_1964, %sub3A_1972 : vector<16xf32>
    %mul3A_1974 = arith.constant 5.000000e-01 : f32
    %mul3A_1975 = vector.broadcast %mul3A_1974 : f32 to vector<16xf32>
    %mul3A_1976 = arith.mulf %mul3A_1975, %max3A_1956 : vector<16xf32>
    %mul3A_1977 = arith.mulf %mul3A_1976, %mul3A_1973 : vector<16xf32>
    %mul3A_1978 = arith.mulf %mul3A_1977, %mul3A_1973 : vector<16xf32>
    %sub3A_1979 = arith.constant 1.500000e+00 : f32
    %sub3A_1980 = vector.broadcast %sub3A_1979 : f32 to vector<16xf32>
    %sub3A_1981 = arith.subf %sub3A_1980, %mul3A_1978 : vector<16xf32>
    %mul3A_1982 = arith.mulf %mul3A_1973, %sub3A_1981 : vector<16xf32>
    %mul3A_1983 = arith.constant 5.000000e-01 : f32
    %mul3A_1984 = vector.broadcast %mul3A_1983 : f32 to vector<16xf32>
    %mul3A_1985 = arith.mulf %mul3A_1984, %max3A_1956 : vector<16xf32>
    %mul3A_1986 = arith.mulf %mul3A_1985, %mul3A_1982 : vector<16xf32>
    %mul3A_1987 = arith.mulf %mul3A_1986, %mul3A_1982 : vector<16xf32>
    %sub3A_1988 = arith.constant 1.500000e+00 : f32
    %sub3A_1989 = vector.broadcast %sub3A_1988 : f32 to vector<16xf32>
    %sub3A_1990 = arith.subf %sub3A_1989, %mul3A_1987 : vector<16xf32>
    %mul3A_1991 = arith.mulf %mul3A_1982, %sub3A_1990 : vector<16xf32>
    %swap3A_1992 = arith.constant 34 : i32
    %swap3A_1993 = arith.index_cast %swap3A_1992 : i32 to index
    %swap3A_1994 = arith.constant 0 : index
    %swap3A_1995 = tpu.vector_load %arg20[%swap3A_1993, %swap3A_1994] {strides = array<i32>} : memref<40x16xf32, #tpu.memory_space<vmem>>, vector<16xf32>,
    tpu.vector_store %arg20[%swap3A_1993, %swap3A_1994], %mul3A_1991 {strides = array<i32>} : memref<40x16xf32, #tpu.memory_space<vmem>>, vector<16xf32>,
    %get3A_1996 = arith.constant 35 : i32
    %get3A_1997 = arith.index_cast %get3A_1996 : i32 to index
    %get3A_1998 = arith.constant 0 : index
    %get3A_1999 = tpu.vector_load %arg19[%get3A_1997, %get3A_1998] {strides = array<i32>} : memref<40x16xf32, #tpu.memory_space<vmem>>, vector<16xf32>,
    %max3A_2000 = arith.constant 1.000000e+00 : f32
    %max3A_2001 = vector.broadcast %max3A_2000 : f32 to vector<16xf32>
    %max3A_2002 = arith.maximumf %get3A_1999, %max3A_2001 : vector<16xf32>
    %bitcast3A_2003 = vector.bitcast %max3A_2002 : vector<16xf32> to vector<16xi32>
    %shift_right_logical3A_2004 = arith.constant 1 : i32
    %shift_right_logical3A_2005 = vector.broadcast %shift_right_logical3A_2004 : i32 to vector<16xi32>
    %shift_right_logical3A_2006 = arith.shrui %bitcast3A_2003, %shift_right_logical3A_2005 : vector<16xi32>
    %sub3A_2007 = arith.constant 1597463007 : i32
    %sub3A_2008 = vector.broadcast %sub3A_2007 : i32 to vector<16xi32>
    %sub3A_2009 = arith.subi %sub3A_2008, %shift_right_logical3A_2006 : vector<16xi32>
    %bitcast3A_2010 = vector.bitcast %sub3A_2009 : vector<16xi32> to vector<16xf32>
    %mul3A_2011 = arith.constant 5.000000e-01 : f32
    %mul3A_2012 = vector.broadcast %mul3A_2011 : f32 to vector<16xf32>
    %mul3A_2013 = arith.mulf %mul3A_2012, %max3A_2002 : vector<16xf32>
    %mul3A_2014 = arith.mulf %mul3A_2013, %bitcast3A_2010 : vector<16xf32>
    %mul3A_2015 = arith.mulf %mul3A_2014, %bitcast3A_2010 : vector<16xf32>
    %sub3A_2016 = arith.constant 1.500000e+00 : f32
    %sub3A_2017 = vector.broadcast %sub3A_2016 : f32 to vector<16xf32>
    %sub3A_2018 = arith.subf %sub3A_2017, %mul3A_2015 : vector<16xf32>
    %mul3A_2019 = arith.mulf %bitcast3A_2010, %sub3A_2018 : vector<16xf32>
    %mul3A_2020 = arith.constant 5.000000e-01 : f32
    %mul3A_2021 = vector.broadcast %mul3A_2020 : f32 to vector<16xf32>
    %mul3A_2022 = arith.mulf %mul3A_2021, %max3A_2002 : vector<16xf32>
    %mul3A_2023 = arith.mulf %mul3A_2022, %mul3A_2019 : vector<16xf32>
    %mul3A_2024 = arith.mulf %mul3A_2023, %mul3A_2019 : vector<16xf32>
    %sub3A_2025 = arith.constant 1.500000e+00 : f32
    %sub3A_2026 = vector.broadcast %sub3A_2025 : f32 to vector<16xf32>
    %sub3A_2027 = arith.subf %sub3A_2026, %mul3A_2024 : vector<16xf32>
    %mul3A_2028 = arith.mulf %mul3A_2019, %sub3A_2027 : vector<16xf32>
    %mul3A_2029 = arith.constant 5.000000e-01 : f32
    %mul3A_2030 = vector.broadcast %mul3A_2029 : f32 to vector<16xf32>
    %mul3A_2031 = arith.mulf %mul3A_2030, %max3A_2002 : vector<16xf32>
    %mul3A_2032 = arith.mulf %mul3A_2031, %mul3A_2028 : vector<16xf32>
    %mul3A_2033 = arith.mulf %mul3A_2032, %mul3A_2028 : vector<16xf32>
    %sub3A_2034 = arith.constant 1.500000e+00 : f32
    %sub3A_2035 = vector.broadcast %sub3A_2034 : f32 to vector<16xf32>
    %sub3A_2036 = arith.subf %sub3A_2035, %mul3A_2033 : vector<16xf32>
    %mul3A_2037 = arith.mulf %mul3A_2028, %sub3A_2036 : vector<16xf32>
    %swap3A_2038 = arith.constant 35 : i32
    %swap3A_2039 = arith.index_cast %swap3A_2038 : i32 to index
    %swap3A_2040 = arith.constant 0 : index
    %swap3A_2041 = tpu.vector_load %arg20[%swap3A_2039, %swap3A_2040] {strides = array<i32>} : memref<40x16xf32, #tpu.memory_space<vmem>>, vector<16xf32>,
    tpu.vector_store %arg20[%swap3A_2039, %swap3A_2040], %mul3A_2037 {strides = array<i32>} : memref<40x16xf32, #tpu.memory_space<vmem>>, vector<16xf32>,
    %get3A_2042 = arith.constant 36 : i32
    %get3A_2043 = arith.index_cast %get3A_2042 : i32 to index
    %get3A_2044 = arith.constant 0 : index
    %get3A_2045 = tpu.vector_load %arg19[%get3A_2043, %get3A_2044] {strides = array<i32>} : memref<40x16xf32, #tpu.memory_space<vmem>>, vector<16xf32>,
    %max3A_2046 = arith.constant 1.000000e+00 : f32
    %max3A_2047 = vector.broadcast %max3A_2046 : f32 to vector<16xf32>
    %max3A_2048 = arith.maximumf %get3A_2045, %max3A_2047 : vector<16xf32>
    %bitcast3A_2049 = vector.bitcast %max3A_2048 : vector<16xf32> to vector<16xi32>
    %shift_right_logical3A_2050 = arith.constant 1 : i32
    %shift_right_logical3A_2051 = vector.broadcast %shift_right_logical3A_2050 : i32 to vector<16xi32>
    %shift_right_logical3A_2052 = arith.shrui %bitcast3A_2049, %shift_right_logical3A_2051 : vector<16xi32>
    %sub3A_2053 = arith.constant 1597463007 : i32
    %sub3A_2054 = vector.broadcast %sub3A_2053 : i32 to vector<16xi32>
    %sub3A_2055 = arith.subi %sub3A_2054, %shift_right_logical3A_2052 : vector<16xi32>
    %bitcast3A_2056 = vector.bitcast %sub3A_2055 : vector<16xi32> to vector<16xf32>
    %mul3A_2057 = arith.constant 5.000000e-01 : f32
    %mul3A_2058 = vector.broadcast %mul3A_2057 : f32 to vector<16xf32>
    %mul3A_2059 = arith.mulf %mul3A_2058, %max3A_2048 : vector<16xf32>
    %mul3A_2060 = arith.mulf %mul3A_2059, %bitcast3A_2056 : vector<16xf32>
    %mul3A_2061 = arith.mulf %mul3A_2060, %bitcast3A_2056 : vector<16xf32>
    %sub3A_2062 = arith.constant 1.500000e+00 : f32
    %sub3A_2063 = vector.broadcast %sub3A_2062 : f32 to vector<16xf32>
    %sub3A_2064 = arith.subf %sub3A_2063, %mul3A_2061 : vector<16xf32>
    %mul3A_2065 = arith.mulf %bitcast3A_2056, %sub3A_2064 : vector<16xf32>
    %mul3A_2066 = arith.constant 5.000000e-01 : f32
    %mul3A_2067 = vector.broadcast %mul3A_2066 : f32 to vector<16xf32>
    %mul3A_2068 = arith.mulf %mul3A_2067, %max3A_2048 : vector<16xf32>
    %mul3A_2069 = arith.mulf %mul3A_2068, %mul3A_2065 : vector<16xf32>
    %mul3A_2070 = arith.mulf %mul3A_2069, %mul3A_2065 : vector<16xf32>
    %sub3A_2071 = arith.constant 1.500000e+00 : f32
    %sub3A_2072 = vector.broadcast %sub3A_2071 : f32 to vector<16xf32>
    %sub3A_2073 = arith.subf %sub3A_2072, %mul3A_2070 : vector<16xf32>
    %mul3A_2074 = arith.mulf %mul3A_2065, %sub3A_2073 : vector<16xf32>
    %mul3A_2075 = arith.constant 5.000000e-01 : f32
    %mul3A_2076 = vector.broadcast %mul3A_2075 : f32 to vector<16xf32>
    %mul3A_2077 = arith.mulf %mul3A_2076, %max3A_2048 : vector<16xf32>
    %mul3A_2078 = arith.mulf %mul3A_2077, %mul3A_2074 : vector<16xf32>
    %mul3A_2079 = arith.mulf %mul3A_2078, %mul3A_2074 : vector<16xf32>
    %sub3A_2080 = arith.constant 1.500000e+00 : f32
    %sub3A_2081 = vector.broadcast %sub3A_2080 : f32 to vector<16xf32>
    %sub3A_2082 = arith.subf %sub3A_2081, %mul3A_2079 : vector<16xf32>
    %mul3A_2083 = arith.mulf %mul3A_2074, %sub3A_2082 : vector<16xf32>
    %swap3A_2084 = arith.constant 36 : i32
    %swap3A_2085 = arith.index_cast %swap3A_2084 : i32 to index
    %swap3A_2086 = arith.constant 0 : index
    %swap3A_2087 = tpu.vector_load %arg20[%swap3A_2085, %swap3A_2086] {strides = array<i32>} : memref<40x16xf32, #tpu.memory_space<vmem>>, vector<16xf32>,
    tpu.vector_store %arg20[%swap3A_2085, %swap3A_2086], %mul3A_2083 {strides = array<i32>} : memref<40x16xf32, #tpu.memory_space<vmem>>, vector<16xf32>,
    %get3A_2088 = arith.constant 37 : i32
    %get3A_2089 = arith.index_cast %get3A_2088 : i32 to index
    %get3A_2090 = arith.constant 0 : index
    %get3A_2091 = tpu.vector_load %arg19[%get3A_2089, %get3A_2090] {strides = array<i32>} : memref<40x16xf32, #tpu.memory_space<vmem>>, vector<16xf32>,
    %max3A_2092 = arith.constant 1.000000e+00 : f32
    %max3A_2093 = vector.broadcast %max3A_2092 : f32 to vector<16xf32>
    %max3A_2094 = arith.maximumf %get3A_2091, %max3A_2093 : vector<16xf32>
    %bitcast3A_2095 = vector.bitcast %max3A_2094 : vector<16xf32> to vector<16xi32>
    %shift_right_logical3A_2096 = arith.constant 1 : i32
    %shift_right_logical3A_2097 = vector.broadcast %shift_right_logical3A_2096 : i32 to vector<16xi32>
    %shift_right_logical3A_2098 = arith.shrui %bitcast3A_2095, %shift_right_logical3A_2097 : vector<16xi32>
    %sub3A_2099 = arith.constant 1597463007 : i32
    %sub3A_2100 = vector.broadcast %sub3A_2099 : i32 to vector<16xi32>
    %sub3A_2101 = arith.subi %sub3A_2100, %shift_right_logical3A_2098 : vector<16xi32>
    %bitcast3A_2102 = vector.bitcast %sub3A_2101 : vector<16xi32> to vector<16xf32>
    %mul3A_2103 = arith.constant 5.000000e-01 : f32
    %mul3A_2104 = vector.broadcast %mul3A_2103 : f32 to vector<16xf32>
    %mul3A_2105 = arith.mulf %mul3A_2104, %max3A_2094 : vector<16xf32>
    %mul3A_2106 = arith.mulf %mul3A_2105, %bitcast3A_2102 : vector<16xf32>
    %mul3A_2107 = arith.mulf %mul3A_2106, %bitcast3A_2102 : vector<16xf32>
    %sub3A_2108 = arith.constant 1.500000e+00 : f32
    %sub3A_2109 = vector.broadcast %sub3A_2108 : f32 to vector<16xf32>
    %sub3A_2110 = arith.subf %sub3A_2109, %mul3A_2107 : vector<16xf32>
    %mul3A_2111 = arith.mulf %bitcast3A_2102, %sub3A_2110 : vector<16xf32>
    %mul3A_2112 = arith.constant 5.000000e-01 : f32
    %mul3A_2113 = vector.broadcast %mul3A_2112 : f32 to vector<16xf32>
    %mul3A_2114 = arith.mulf %mul3A_2113, %max3A_2094 : vector<16xf32>
    %mul3A_2115 = arith.mulf %mul3A_2114, %mul3A_2111 : vector<16xf32>
    %mul3A_2116 = arith.mulf %mul3A_2115, %mul3A_2111 : vector<16xf32>
    %sub3A_2117 = arith.constant 1.500000e+00 : f32
    %sub3A_2118 = vector.broadcast %sub3A_2117 : f32 to vector<16xf32>
    %sub3A_2119 = arith.subf %sub3A_2118, %mul3A_2116 : vector<16xf32>
    %mul3A_2120 = arith.mulf %mul3A_2111, %sub3A_2119 : vector<16xf32>
    %mul3A_2121 = arith.constant 5.000000e-01 : f32
    %mul3A_2122 = vector.broadcast %mul3A_2121 : f32 to vector<16xf32>
    %mul3A_2123 = arith.mulf %mul3A_2122, %max3A_2094 : vector<16xf32>
    %mul3A_2124 = arith.mulf %mul3A_2123, %mul3A_2120 : vector<16xf32>
    %mul3A_2125 = arith.mulf %mul3A_2124, %mul3A_2120 : vector<16xf32>
    %sub3A_2126 = arith.constant 1.500000e+00 : f32
    %sub3A_2127 = vector.broadcast %sub3A_2126 : f32 to vector<16xf32>
    %sub3A_2128 = arith.subf %sub3A_2127, %mul3A_2125 : vector<16xf32>
    %mul3A_2129 = arith.mulf %mul3A_2120, %sub3A_2128 : vector<16xf32>
    %swap3A_2130 = arith.constant 37 : i32
    %swap3A_2131 = arith.index_cast %swap3A_2130 : i32 to index
    %swap3A_2132 = arith.constant 0 : index
    %swap3A_2133 = tpu.vector_load %arg20[%swap3A_2131, %swap3A_2132] {strides = array<i32>} : memref<40x16xf32, #tpu.memory_space<vmem>>, vector<16xf32>,
    tpu.vector_store %arg20[%swap3A_2131, %swap3A_2132], %mul3A_2129 {strides = array<i32>} : memref<40x16xf32, #tpu.memory_space<vmem>>, vector<16xf32>,
    %get3A_2134 = arith.constant 38 : i32
    %get3A_2135 = arith.index_cast %get3A_2134 : i32 to index
    %get3A_2136 = arith.constant 0 : index
    %get3A_2137 = tpu.vector_load %arg19[%get3A_2135, %get3A_2136] {strides = array<i32>} : memref<40x16xf32, #tpu.memory_space<vmem>>, vector<16xf32>,
    %max3A_2138 = arith.constant 1.000000e+00 : f32
    %max3A_2139 = vector.broadcast %max3A_2138 : f32 to vector<16xf32>
    %max3A_2140 = arith.maximumf %get3A_2137, %max3A_2139 : vector<16xf32>
    %bitcast3A_2141 = vector.bitcast %max3A_2140 : vector<16xf32> to vector<16xi32>
    %shift_right_logical3A_2142 = arith.constant 1 : i32
    %shift_right_logical3A_2143 = vector.broadcast %shift_right_logical3A_2142 : i32 to vector<16xi32>
    %shift_right_logical3A_2144 = arith.shrui %bitcast3A_2141, %shift_right_logical3A_2143 : vector<16xi32>
    %sub3A_2145 = arith.constant 1597463007 : i32
    %sub3A_2146 = vector.broadcast %sub3A_2145 : i32 to vector<16xi32>
    %sub3A_2147 = arith.subi %sub3A_2146, %shift_right_logical3A_2144 : vector<16xi32>
    %bitcast3A_2148 = vector.bitcast %sub3A_2147 : vector<16xi32> to vector<16xf32>
    %mul3A_2149 = arith.constant 5.000000e-01 : f32
    %mul3A_2150 = vector.broadcast %mul3A_2149 : f32 to vector<16xf32>
    %mul3A_2151 = arith.mulf %mul3A_2150, %max3A_2140 : vector<16xf32>
    %mul3A_2152 = arith.mulf %mul3A_2151, %bitcast3A_2148 : vector<16xf32>
    %mul3A_2153 = arith.mulf %mul3A_2152, %bitcast3A_2148 : vector<16xf32>
    %sub3A_2154 = arith.constant 1.500000e+00 : f32
    %sub3A_2155 = vector.broadcast %sub3A_2154 : f32 to vector<16xf32>
    %sub3A_2156 = arith.subf %sub3A_2155, %mul3A_2153 : vector<16xf32>
    %mul3A_2157 = arith.mulf %bitcast3A_2148, %sub3A_2156 : vector<16xf32>
    %mul3A_2158 = arith.constant 5.000000e-01 : f32
    %mul3A_2159 = vector.broadcast %mul3A_2158 : f32 to vector<16xf32>
    %mul3A_2160 = arith.mulf %mul3A_2159, %max3A_2140 : vector<16xf32>
    %mul3A_2161 = arith.mulf %mul3A_2160, %mul3A_2157 : vector<16xf32>
    %mul3A_2162 = arith.mulf %mul3A_2161, %mul3A_2157 : vector<16xf32>
    %sub3A_2163 = arith.constant 1.500000e+00 : f32
    %sub3A_2164 = vector.broadcast %sub3A_2163 : f32 to vector<16xf32>
    %sub3A_2165 = arith.subf %sub3A_2164, %mul3A_2162 : vector<16xf32>
    %mul3A_2166 = arith.mulf %mul3A_2157, %sub3A_2165 : vector<16xf32>
    %mul3A_2167 = arith.constant 5.000000e-01 : f32
    %mul3A_2168 = vector.broadcast %mul3A_2167 : f32 to vector<16xf32>
    %mul3A_2169 = arith.mulf %mul3A_2168, %max3A_2140 : vector<16xf32>
    %mul3A_2170 = arith.mulf %mul3A_2169, %mul3A_2166 : vector<16xf32>
    %mul3A_2171 = arith.mulf %mul3A_2170, %mul3A_2166 : vector<16xf32>
    %sub3A_2172 = arith.constant 1.500000e+00 : f32
    %sub3A_2173 = vector.broadcast %sub3A_2172 : f32 to vector<16xf32>
    %sub3A_2174 = arith.subf %sub3A_2173, %mul3A_2171 : vector<16xf32>
    %mul3A_2175 = arith.mulf %mul3A_2166, %sub3A_2174 : vector<16xf32>
    %swap3A_2176 = arith.constant 38 : i32
    %swap3A_2177 = arith.index_cast %swap3A_2176 : i32 to index
    %swap3A_2178 = arith.constant 0 : index
    %swap3A_2179 = tpu.vector_load %arg20[%swap3A_2177, %swap3A_2178] {strides = array<i32>} : memref<40x16xf32, #tpu.memory_space<vmem>>, vector<16xf32>,
    tpu.vector_store %arg20[%swap3A_2177, %swap3A_2178], %mul3A_2175 {strides = array<i32>} : memref<40x16xf32, #tpu.memory_space<vmem>>, vector<16xf32>,
    %get3A_2180 = arith.constant 39 : i32
    %get3A_2181 = arith.index_cast %get3A_2180 : i32 to index
    %get3A_2182 = arith.constant 0 : index
    %get3A_2183 = tpu.vector_load %arg19[%get3A_2181, %get3A_2182] {strides = array<i32>} : memref<40x16xf32, #tpu.memory_space<vmem>>, vector<16xf32>,
    %max3A_2184 = arith.constant 1.000000e+00 : f32
    %max3A_2185 = vector.broadcast %max3A_2184 : f32 to vector<16xf32>
    %max3A_2186 = arith.maximumf %get3A_2183, %max3A_2185 : vector<16xf32>
    %bitcast3A_2187 = vector.bitcast %max3A_2186 : vector<16xf32> to vector<16xi32>
    %shift_right_logical3A_2188 = arith.constant 1 : i32
    %shift_right_logical3A_2189 = vector.broadcast %shift_right_logical3A_2188 : i32 to vector<16xi32>
    %shift_right_logical3A_2190 = arith.shrui %bitcast3A_2187, %shift_right_logical3A_2189 : vector<16xi32>
    %sub3A_2191 = arith.constant 1597463007 : i32
    %sub3A_2192 = vector.broadcast %sub3A_2191 : i32 to vector<16xi32>
    %sub3A_2193 = arith.subi %sub3A_2192, %shift_right_logical3A_2190 : vector<16xi32>
    %bitcast3A_2194 = vector.bitcast %sub3A_2193 : vector<16xi32> to vector<16xf32>
    %mul3A_2195 = arith.constant 5.000000e-01 : f32
    %mul3A_2196 = vector.broadcast %mul3A_2195 : f32 to vector<16xf32>
    %mul3A_2197 = arith.mulf %mul3A_2196, %max3A_2186 : vector<16xf32>
    %mul3A_2198 = arith.mulf %mul3A_2197, %bitcast3A_2194 : vector<16xf32>
    %mul3A_2199 = arith.mulf %mul3A_2198, %bitcast3A_2194 : vector<16xf32>
    %sub3A_2200 = arith.constant 1.500000e+00 : f32
    %sub3A_2201 = vector.broadcast %sub3A_2200 : f32 to vector<16xf32>
    %sub3A_2202 = arith.subf %sub3A_2201, %mul3A_2199 : vector<16xf32>
    %mul3A_2203 = arith.mulf %bitcast3A_2194, %sub3A_2202 : vector<16xf32>
    %mul3A_2204 = arith.constant 5.000000e-01 : f32
    %mul3A_2205 = vector.broadcast %mul3A_2204 : f32 to vector<16xf32>
    %mul3A_2206 = arith.mulf %mul3A_2205, %max3A_2186 : vector<16xf32>
    %mul3A_2207 = arith.mulf %mul3A_2206, %mul3A_2203 : vector<16xf32>
    %mul3A_2208 = arith.mulf %mul3A_2207, %mul3A_2203 : vector<16xf32>
    %sub3A_2209 = arith.constant 1.500000e+00 : f32
    %sub3A_2210 = vector.broadcast %sub3A_2209 : f32 to vector<16xf32>
    %sub3A_2211 = arith.subf %sub3A_2210, %mul3A_2208 : vector<16xf32>
    %mul3A_2212 = arith.mulf %mul3A_2203, %sub3A_2211 : vector<16xf32>
    %mul3A_2213 = arith.constant 5.000000e-01 : f32
    %mul3A_2214 = vector.broadcast %mul3A_2213 : f32 to vector<16xf32>
    %mul3A_2215 = arith.mulf %mul3A_2214, %max3A_2186 : vector<16xf32>
    %mul3A_2216 = arith.mulf %mul3A_2215, %mul3A_2212 : vector<16xf32>
    %mul3A_2217 = arith.mulf %mul3A_2216, %mul3A_2212 : vector<16xf32>
    %sub3A_2218 = arith.constant 1.500000e+00 : f32
    %sub3A_2219 = vector.broadcast %sub3A_2218 : f32 to vector<16xf32>
    %sub3A_2220 = arith.subf %sub3A_2219, %mul3A_2217 : vector<16xf32>
    %mul3A_2221 = arith.mulf %mul3A_2212, %sub3A_2220 : vector<16xf32>
    %swap3A_2222 = arith.constant 39 : i32
    %swap3A_2223 = arith.index_cast %swap3A_2222 : i32 to index
    %swap3A_2224 = arith.constant 0 : index
    %swap3A_2225 = tpu.vector_load %arg20[%swap3A_2223, %swap3A_2224] {strides = array<i32>} : memref<40x16xf32, #tpu.memory_space<vmem>>, vector<16xf32>,
    tpu.vector_store %arg20[%swap3A_2223, %swap3A_2224], %mul3A_2221 {strides = array<i32>} : memref<40x16xf32, #tpu.memory_space<vmem>>, vector<16xf32>,
    "tpu.region"() ({
      %run_scoped3A_2234 = tpu.sem_alloc : memref<!tpu.dma_semaphore, #tpu.memory_space<semaphore_mem>>
      %dma_start3A_2235 = arith.constant 0 : i32
      %dma_start3A_2236 = tpu.memref_slice %arg11[%arg0, %mul3A_2, %dma_start3A_2235] : memref<2x640x16xf32, #tpu.memory_space<hbm>> -> memref<1x40x16xf32, #tpu.memory_space<hbm>>
      %dma_start3A_2237 = tpu.memref_squeeze %dma_start3A_2236 : memref<1x40x16xf32, #tpu.memory_space<hbm>> -> memref<40x16xf32, #tpu.memory_space<hbm>>
      %dma_start3A_2238 = arith.constant 0 : i32
      %dma_start3A_2239 = tpu.memref_slice %arg24[%mul3A_2, %dma_start3A_2238] : memref<640x16xf32, #tpu.memory_space<vmem_shared>> -> memref<40x16xf32, #tpu.memory_space<vmem_shared>>
      tpu.enqueue_dma source(%dma_start3A_2239 : memref<40x16xf32, #tpu.memory_space<vmem_shared>>) target(%dma_start3A_2237 : memref<40x16xf32, #tpu.memory_space<hbm>>) target_semaphore(%run_scoped3A_2234 : memref<!tpu.dma_semaphore, #tpu.memory_space<semaphore_mem>>)
      %dma_wait3A_2240 = arith.constant 0 : i32
      %dma_wait3A_2241 = tpu.memref_slice %arg11[%arg0, %mul3A_2, %dma_wait3A_2240] : memref<2x640x16xf32, #tpu.memory_space<hbm>> -> memref<1x40x16xf32, #tpu.memory_space<hbm>>
      %dma_wait3A_2242 = tpu.memref_squeeze %dma_wait3A_2241 : memref<1x40x16xf32, #tpu.memory_space<hbm>> -> memref<40x16xf32, #tpu.memory_space<hbm>>
      %dma_wait3A_2243 = arith.constant 0 : i32
      %dma_wait3A_2244 = tpu.memref_slice %arg24[%mul3A_2, %dma_wait3A_2243] : memref<640x16xf32, #tpu.memory_space<vmem_shared>> -> memref<40x16xf32, #tpu.memory_space<vmem_shared>>
      tpu.wait_dma2 semaphore(%run_scoped3A_2234 : memref<!tpu.dma_semaphore, #tpu.memory_space<semaphore_mem>>) src(%dma_wait3A_2244 : memref<40x16xf32, #tpu.memory_space<vmem_shared>>) dst(%dma_wait3A_2242 : memref<40x16xf32, #tpu.memory_space<hbm>>)
      tpu.yield
    }) : () -> ()
    %eq3A = arith.constant 0 : i32
    %eq3A_2226 = arith.cmpi eq, %arg0, %eq3A : i32
    %convert_element_type3A = arith.extui %eq3A_2226 : i1 to i32
    %cond3A = arith.constant 0 : i32
    %cond3A_2227 = arith.cmpi ne, %convert_element_type3A, %cond3A : i32
    scf.if %cond3A_2227 {
      %dma_start3A_2234 = arith.constant 0 : i32
      %dma_start3A_2235 = tpu.memref_slice %arg2[%mul3A_0, %dma_start3A_2234] : memref<10240x64xf32, #tpu.memory_space<hbm>> -> memref<128x64xf32, #tpu.memory_space<hbm>>
      %dma_start3A_2236 = arith.constant 0 : i32
      %dma_start3A_2237 = tpu.memref_slice %arg2[%mul3A_0, %dma_start3A_2236] : memref<10240x64xf32, #tpu.memory_space<hbm>> -> memref<128x64xf32, #tpu.memory_space<hbm>>
      tpu.enqueue_dma source(%dma_start3A_2237 : memref<128x64xf32, #tpu.memory_space<hbm>>) target(%arg14 : memref<128x64xf32, #tpu.memory_space<vmem>>) target_semaphore(%arg25 : memref<!tpu.dma_semaphore, #tpu.memory_space<semaphore_mem>>)
      %add3A_2238 = arith.constant 0 : i32
      %add3A_2239 = arith.addi %mul3A_0, %add3A_2238 : i32
      %dma_wait3A_2240 = arith.constant 0 : i32
      %dma_wait3A_2241 = tpu.memref_slice %arg2[%add3A_2239, %dma_wait3A_2240] : memref<10240x64xf32, #tpu.memory_space<hbm>> -> memref<128x64xf32, #tpu.memory_space<hbm>>
      %dma_wait3A_2242 = arith.constant 0 : i32
      %dma_wait3A_2243 = tpu.memref_slice %arg2[%add3A_2239, %dma_wait3A_2242] : memref<10240x64xf32, #tpu.memory_space<hbm>> -> memref<128x64xf32, #tpu.memory_space<hbm>>
      tpu.wait_dma2 semaphore(%arg25 : memref<!tpu.dma_semaphore, #tpu.memory_space<semaphore_mem>>) src(%dma_wait3A_2243 : memref<128x64xf32, #tpu.memory_space<hbm>>) dst(%arg14 : memref<128x64xf32, #tpu.memory_space<vmem>>)
      %add3A_2244 = arith.constant 128 : i32
      %add3A_2245 = arith.addi %mul3A_0, %add3A_2244 : i32
      %dma_start3A_2246 = arith.constant 0 : i32
      %dma_start3A_2247 = tpu.memref_slice %arg2[%add3A_2245, %dma_start3A_2246] : memref<10240x64xf32, #tpu.memory_space<hbm>> -> memref<128x64xf32, #tpu.memory_space<hbm>>
      %dma_start3A_2248 = arith.constant 0 : i32
      %dma_start3A_2249 = tpu.memref_slice %arg2[%add3A_2245, %dma_start3A_2248] : memref<10240x64xf32, #tpu.memory_space<hbm>> -> memref<128x64xf32, #tpu.memory_space<hbm>>
      tpu.enqueue_dma source(%dma_start3A_2249 : memref<128x64xf32, #tpu.memory_space<hbm>>) target(%arg15 : memref<128x64xf32, #tpu.memory_space<vmem>>) target_semaphore(%arg26 : memref<!tpu.dma_semaphore, #tpu.memory_space<semaphore_mem>>)
      %scan3A_2250 = arith.constant 0 : i32
      %scan3A_2251 = arith.constant 128 : i32
      %scan3A_2252 = arith.addi %scan3A_2250, %scan3A_2251 : i32
      %scan3A_2253 = arith.constant 1 : i32
      scf.for %scan3A_2411 = %scan3A_2250 to %scan3A_2252 step %scan3A_2253  : i32 {
        %mul3A_2412 = arith.constant 1 : i32
        %mul3A_2413 = arith.muli %scan3A_2411, %mul3A_2412 : i32
        %add3A_2414 = arith.constant 0 : i32
        %add3A_2415 = arith.addi %add3A_2414, %mul3A_2413 : i32
        %add3A_2416 = arith.constant 0 : i32
        %add3A_2417 = arith.addi %add3A_2416, %add3A_2415 : i32
        %shift_right_logical3A_2418 = arith.constant 4 : i32
        %shift_right_logical3A_2419 = arith.shrui %add3A_2417, %shift_right_logical3A_2418 : i32
        %broadcast_in_dim3A_2420 = vector.broadcast %shift_right_logical3A_2419 : i32 to vector<16xi32>
        %and3A = arith.constant 15 : i32
        %and3A_2421 = arith.andi %add3A_2417, %and3A : i32
        %broadcast_in_dim3A_2422 = vector.broadcast %and3A_2421 : i32 to vector<16xi32>
        %gather3A = tpu.vector_load_idx %arg20[%broadcast_in_dim3A_2420, %broadcast_in_dim3A_2422] : memref<40x16xf32, #tpu.memory_space<vmem>>[vector<16xi32>, vector<16xi32>], vector<16xf32>,
        %get3A_2423 = arith.index_cast %add3A_2415 : i32 to index
        %get3A_2424 = arith.constant 0 : index
        %get3A_2425 = tpu.vector_load %arg14[%get3A_2423, %get3A_2424] {strides = array<i32>} : memref<128x64xf32, #tpu.memory_space<vmem>>, vector<16xf32>,
        %mul3A_2426 = arith.mulf %get3A_2425, %gather3A : vector<16xf32>
        %swap3A_2427 = arith.index_cast %add3A_2415 : i32 to index
        %swap3A_2428 = arith.constant 0 : index
        %swap3A_2429 = tpu.vector_load %arg14[%swap3A_2427, %swap3A_2428] {strides = array<i32>} : memref<128x64xf32, #tpu.memory_space<vmem>>, vector<16xf32>,
        tpu.vector_store %arg14[%swap3A_2427, %swap3A_2428], %mul3A_2426 {strides = array<i32>} : memref<128x64xf32, #tpu.memory_space<vmem>>, vector<16xf32>,
        %get3A_2430 = arith.index_cast %add3A_2415 : i32 to index
        %get3A_2431 = arith.constant 16 : index
        %get3A_2432 = tpu.vector_load %arg14[%get3A_2430, %get3A_2431] {strides = array<i32>} : memref<128x64xf32, #tpu.memory_space<vmem>>, vector<16xf32>,
        %mul3A_2433 = arith.mulf %get3A_2432, %gather3A : vector<16xf32>
        %swap3A_2434 = arith.index_cast %add3A_2415 : i32 to index
        %swap3A_2435 = arith.constant 16 : index
        %swap3A_2436 = tpu.vector_load %arg14[%swap3A_2434, %swap3A_2435] {strides = array<i32>} : memref<128x64xf32, #tpu.memory_space<vmem>>, vector<16xf32>,
        tpu.vector_store %arg14[%swap3A_2434, %swap3A_2435], %mul3A_2433 {strides = array<i32>} : memref<128x64xf32, #tpu.memory_space<vmem>>, vector<16xf32>,
        %get3A_2437 = arith.index_cast %add3A_2415 : i32 to index
        %get3A_2438 = arith.constant 32 : index
        %get3A_2439 = tpu.vector_load %arg14[%get3A_2437, %get3A_2438] {strides = array<i32>} : memref<128x64xf32, #tpu.memory_space<vmem>>, vector<16xf32>,
        %mul3A_2440 = arith.mulf %get3A_2439, %gather3A : vector<16xf32>
        %swap3A_2441 = arith.index_cast %add3A_2415 : i32 to index
        %swap3A_2442 = arith.constant 32 : index
        %swap3A_2443 = tpu.vector_load %arg14[%swap3A_2441, %swap3A_2442] {strides = array<i32>} : memref<128x64xf32, #tpu.memory_space<vmem>>, vector<16xf32>,
        tpu.vector_store %arg14[%swap3A_2441, %swap3A_2442], %mul3A_2440 {strides = array<i32>} : memref<128x64xf32, #tpu.memory_space<vmem>>, vector<16xf32>,
        %get3A_2444 = arith.index_cast %add3A_2415 : i32 to index
        %get3A_2445 = arith.constant 48 : index
        %get3A_2446 = tpu.vector_load %arg14[%get3A_2444, %get3A_2445] {strides = array<i32>} : memref<128x64xf32, #tpu.memory_space<vmem>>, vector<16xf32>,
        %mul3A_2447 = arith.mulf %get3A_2446, %gather3A : vector<16xf32>
        %swap3A_2448 = arith.index_cast %add3A_2415 : i32 to index
        %swap3A_2449 = arith.constant 48 : index
        %swap3A_2450 = tpu.vector_load %arg14[%swap3A_2448, %swap3A_2449] {strides = array<i32>} : memref<128x64xf32, #tpu.memory_space<vmem>>, vector<16xf32>,
        tpu.vector_store %arg14[%swap3A_2448, %swap3A_2449], %mul3A_2447 {strides = array<i32>} : memref<128x64xf32, #tpu.memory_space<vmem>>, vector<16xf32>,
      }
      %scan3A_2254 = arith.constant 128 : i32
      %add3A_2255 = arith.constant 0 : i32
      %add3A_2256 = arith.addi %mul3A_0, %add3A_2255 : i32
      %dma_start3A_2257 = arith.constant 0 : i32
      %dma_start3A_2258 = tpu.memref_slice %arg9[%add3A_2256, %dma_start3A_2257] : memref<10240x64xf32, #tpu.memory_space<hbm>> -> memref<128x64xf32, #tpu.memory_space<hbm>>
      %dma_start3A_2259 = arith.constant 0 : i32
      %dma_start3A_2260 = tpu.memref_slice %arg9[%add3A_2256, %dma_start3A_2259] : memref<10240x64xf32, #tpu.memory_space<hbm>> -> memref<128x64xf32, #tpu.memory_space<hbm>>
      tpu.enqueue_dma source(%arg14 : memref<128x64xf32, #tpu.memory_space<vmem>>) target(%dma_start3A_2260 : memref<128x64xf32, #tpu.memory_space<hbm>>) target_semaphore(%arg27 : memref<!tpu.dma_semaphore, #tpu.memory_space<semaphore_mem>>)
      %add3A_2261 = arith.constant 128 : i32
      %add3A_2262 = arith.addi %mul3A_0, %add3A_2261 : i32
      %dma_wait3A_2263 = arith.constant 0 : i32
      %dma_wait3A_2264 = tpu.memref_slice %arg2[%add3A_2262, %dma_wait3A_2263] : memref<10240x64xf32, #tpu.memory_space<hbm>> -> memref<128x64xf32, #tpu.memory_space<hbm>>
      %dma_wait3A_2265 = arith.constant 0 : i32
      %dma_wait3A_2266 = tpu.memref_slice %arg2[%add3A_2262, %dma_wait3A_2265] : memref<10240x64xf32, #tpu.memory_space<hbm>> -> memref<128x64xf32, #tpu.memory_space<hbm>>
      tpu.wait_dma2 semaphore(%arg26 : memref<!tpu.dma_semaphore, #tpu.memory_space<semaphore_mem>>) src(%dma_wait3A_2266 : memref<128x64xf32, #tpu.memory_space<hbm>>) dst(%arg15 : memref<128x64xf32, #tpu.memory_space<vmem>>)
      %add3A_2267 = arith.constant 0 : i32
      %add3A_2268 = arith.addi %mul3A_0, %add3A_2267 : i32
      %dma_wait3A_2269 = arith.constant 0 : i32
      %dma_wait3A_2270 = tpu.memref_slice %arg9[%add3A_2268, %dma_wait3A_2269] : memref<10240x64xf32, #tpu.memory_space<hbm>> -> memref<128x64xf32, #tpu.memory_space<hbm>>
      %dma_wait3A_2271 = arith.constant 0 : i32
      %dma_wait3A_2272 = tpu.memref_slice %arg9[%add3A_2268, %dma_wait3A_2271] : memref<10240x64xf32, #tpu.memory_space<hbm>> -> memref<128x64xf32, #tpu.memory_space<hbm>>
      tpu.wait_dma2 semaphore(%arg27 : memref<!tpu.dma_semaphore, #tpu.memory_space<semaphore_mem>>) src(%arg14 : memref<128x64xf32, #tpu.memory_space<vmem>>) dst(%dma_wait3A_2272 : memref<128x64xf32, #tpu.memory_space<hbm>>)
      %add3A_2273 = arith.constant 256 : i32
      %add3A_2274 = arith.addi %mul3A_0, %add3A_2273 : i32
      %dma_start3A_2275 = arith.constant 0 : i32
      %dma_start3A_2276 = tpu.memref_slice %arg2[%add3A_2274, %dma_start3A_2275] : memref<10240x64xf32, #tpu.memory_space<hbm>> -> memref<128x64xf32, #tpu.memory_space<hbm>>
      %dma_start3A_2277 = arith.constant 0 : i32
      %dma_start3A_2278 = tpu.memref_slice %arg2[%add3A_2274, %dma_start3A_2277] : memref<10240x64xf32, #tpu.memory_space<hbm>> -> memref<128x64xf32, #tpu.memory_space<hbm>>
      tpu.enqueue_dma source(%dma_start3A_2278 : memref<128x64xf32, #tpu.memory_space<hbm>>) target(%arg14 : memref<128x64xf32, #tpu.memory_space<vmem>>) target_semaphore(%arg25 : memref<!tpu.dma_semaphore, #tpu.memory_space<semaphore_mem>>)
      %scan3A_2279 = arith.constant 0 : i32
      %scan3A_2280 = arith.constant 128 : i32
      %scan3A_2281 = arith.addi %scan3A_2279, %scan3A_2280 : i32
      %scan3A_2282 = arith.constant 1 : i32
      scf.for %scan3A_2411 = %scan3A_2279 to %scan3A_2281 step %scan3A_2282  : i32 {
        %mul3A_2412 = arith.constant 1 : i32
        %mul3A_2413 = arith.muli %scan3A_2411, %mul3A_2412 : i32
        %add3A_2414 = arith.constant 0 : i32
        %add3A_2415 = arith.addi %add3A_2414, %mul3A_2413 : i32
        %add3A_2416 = arith.constant 128 : i32
        %add3A_2417 = arith.addi %add3A_2416, %add3A_2415 : i32
        %shift_right_logical3A_2418 = arith.constant 4 : i32
        %shift_right_logical3A_2419 = arith.shrui %add3A_2417, %shift_right_logical3A_2418 : i32
        %broadcast_in_dim3A_2420 = vector.broadcast %shift_right_logical3A_2419 : i32 to vector<16xi32>
        %and3A = arith.constant 15 : i32
        %and3A_2421 = arith.andi %add3A_2417, %and3A : i32
        %broadcast_in_dim3A_2422 = vector.broadcast %and3A_2421 : i32 to vector<16xi32>
        %gather3A = tpu.vector_load_idx %arg20[%broadcast_in_dim3A_2420, %broadcast_in_dim3A_2422] : memref<40x16xf32, #tpu.memory_space<vmem>>[vector<16xi32>, vector<16xi32>], vector<16xf32>,
        %get3A_2423 = arith.index_cast %add3A_2415 : i32 to index
        %get3A_2424 = arith.constant 0 : index
        %get3A_2425 = tpu.vector_load %arg15[%get3A_2423, %get3A_2424] {strides = array<i32>} : memref<128x64xf32, #tpu.memory_space<vmem>>, vector<16xf32>,
        %mul3A_2426 = arith.mulf %get3A_2425, %gather3A : vector<16xf32>
        %swap3A_2427 = arith.index_cast %add3A_2415 : i32 to index
        %swap3A_2428 = arith.constant 0 : index
        %swap3A_2429 = tpu.vector_load %arg15[%swap3A_2427, %swap3A_2428] {strides = array<i32>} : memref<128x64xf32, #tpu.memory_space<vmem>>, vector<16xf32>,
        tpu.vector_store %arg15[%swap3A_2427, %swap3A_2428], %mul3A_2426 {strides = array<i32>} : memref<128x64xf32, #tpu.memory_space<vmem>>, vector<16xf32>,
        %get3A_2430 = arith.index_cast %add3A_2415 : i32 to index
        %get3A_2431 = arith.constant 16 : index
        %get3A_2432 = tpu.vector_load %arg15[%get3A_2430, %get3A_2431] {strides = array<i32>} : memref<128x64xf32, #tpu.memory_space<vmem>>, vector<16xf32>,
        %mul3A_2433 = arith.mulf %get3A_2432, %gather3A : vector<16xf32>
        %swap3A_2434 = arith.index_cast %add3A_2415 : i32 to index
        %swap3A_2435 = arith.constant 16 : index
        %swap3A_2436 = tpu.vector_load %arg15[%swap3A_2434, %swap3A_2435] {strides = array<i32>} : memref<128x64xf32, #tpu.memory_space<vmem>>, vector<16xf32>,
        tpu.vector_store %arg15[%swap3A_2434, %swap3A_2435], %mul3A_2433 {strides = array<i32>} : memref<128x64xf32, #tpu.memory_space<vmem>>, vector<16xf32>,
        %get3A_2437 = arith.index_cast %add3A_2415 : i32 to index
        %get3A_2438 = arith.constant 32 : index
        %get3A_2439 = tpu.vector_load %arg15[%get3A_2437, %get3A_2438] {strides = array<i32>} : memref<128x64xf32, #tpu.memory_space<vmem>>, vector<16xf32>,
        %mul3A_2440 = arith.mulf %get3A_2439, %gather3A : vector<16xf32>
        %swap3A_2441 = arith.index_cast %add3A_2415 : i32 to index
        %swap3A_2442 = arith.constant 32 : index
        %swap3A_2443 = tpu.vector_load %arg15[%swap3A_2441, %swap3A_2442] {strides = array<i32>} : memref<128x64xf32, #tpu.memory_space<vmem>>, vector<16xf32>,
        tpu.vector_store %arg15[%swap3A_2441, %swap3A_2442], %mul3A_2440 {strides = array<i32>} : memref<128x64xf32, #tpu.memory_space<vmem>>, vector<16xf32>,
        %get3A_2444 = arith.index_cast %add3A_2415 : i32 to index
        %get3A_2445 = arith.constant 48 : index
        %get3A_2446 = tpu.vector_load %arg15[%get3A_2444, %get3A_2445] {strides = array<i32>} : memref<128x64xf32, #tpu.memory_space<vmem>>, vector<16xf32>,
        %mul3A_2447 = arith.mulf %get3A_2446, %gather3A : vector<16xf32>
        %swap3A_2448 = arith.index_cast %add3A_2415 : i32 to index
        %swap3A_2449 = arith.constant 48 : index
        %swap3A_2450 = tpu.vector_load %arg15[%swap3A_2448, %swap3A_2449] {strides = array<i32>} : memref<128x64xf32, #tpu.memory_space<vmem>>, vector<16xf32>,
        tpu.vector_store %arg15[%swap3A_2448, %swap3A_2449], %mul3A_2447 {strides = array<i32>} : memref<128x64xf32, #tpu.memory_space<vmem>>, vector<16xf32>,
      }
      %scan3A_2283 = arith.constant 128 : i32
      %add3A_2284 = arith.constant 128 : i32
      %add3A_2285 = arith.addi %mul3A_0, %add3A_2284 : i32
      %dma_start3A_2286 = arith.constant 0 : i32
      %dma_start3A_2287 = tpu.memref_slice %arg9[%add3A_2285, %dma_start3A_2286] : memref<10240x64xf32, #tpu.memory_space<hbm>> -> memref<128x64xf32, #tpu.memory_space<hbm>>
      %dma_start3A_2288 = arith.constant 0 : i32
      %dma_start3A_2289 = tpu.memref_slice %arg9[%add3A_2285, %dma_start3A_2288] : memref<10240x64xf32, #tpu.memory_space<hbm>> -> memref<128x64xf32, #tpu.memory_space<hbm>>
      tpu.enqueue_dma source(%arg15 : memref<128x64xf32, #tpu.memory_space<vmem>>) target(%dma_start3A_2289 : memref<128x64xf32, #tpu.memory_space<hbm>>) target_semaphore(%arg28 : memref<!tpu.dma_semaphore, #tpu.memory_space<semaphore_mem>>)
      %add3A_2290 = arith.constant 256 : i32
      %add3A_2291 = arith.addi %mul3A_0, %add3A_2290 : i32
      %dma_wait3A_2292 = arith.constant 0 : i32
      %dma_wait3A_2293 = tpu.memref_slice %arg2[%add3A_2291, %dma_wait3A_2292] : memref<10240x64xf32, #tpu.memory_space<hbm>> -> memref<128x64xf32, #tpu.memory_space<hbm>>
      %dma_wait3A_2294 = arith.constant 0 : i32
      %dma_wait3A_2295 = tpu.memref_slice %arg2[%add3A_2291, %dma_wait3A_2294] : memref<10240x64xf32, #tpu.memory_space<hbm>> -> memref<128x64xf32, #tpu.memory_space<hbm>>
      tpu.wait_dma2 semaphore(%arg25 : memref<!tpu.dma_semaphore, #tpu.memory_space<semaphore_mem>>) src(%dma_wait3A_2295 : memref<128x64xf32, #tpu.memory_space<hbm>>) dst(%arg14 : memref<128x64xf32, #tpu.memory_space<vmem>>)
      %add3A_2296 = arith.constant 128 : i32
      %add3A_2297 = arith.addi %mul3A_0, %add3A_2296 : i32
      %dma_wait3A_2298 = arith.constant 0 : i32
      %dma_wait3A_2299 = tpu.memref_slice %arg9[%add3A_2297, %dma_wait3A_2298] : memref<10240x64xf32, #tpu.memory_space<hbm>> -> memref<128x64xf32, #tpu.memory_space<hbm>>
      %dma_wait3A_2300 = arith.constant 0 : i32
      %dma_wait3A_2301 = tpu.memref_slice %arg9[%add3A_2297, %dma_wait3A_2300] : memref<10240x64xf32, #tpu.memory_space<hbm>> -> memref<128x64xf32, #tpu.memory_space<hbm>>
      tpu.wait_dma2 semaphore(%arg28 : memref<!tpu.dma_semaphore, #tpu.memory_space<semaphore_mem>>) src(%arg15 : memref<128x64xf32, #tpu.memory_space<vmem>>) dst(%dma_wait3A_2301 : memref<128x64xf32, #tpu.memory_space<hbm>>)
      %add3A_2302 = arith.constant 384 : i32
      %add3A_2303 = arith.addi %mul3A_0, %add3A_2302 : i32
      %dma_start3A_2304 = arith.constant 0 : i32
      %dma_start3A_2305 = tpu.memref_slice %arg2[%add3A_2303, %dma_start3A_2304] : memref<10240x64xf32, #tpu.memory_space<hbm>> -> memref<128x64xf32, #tpu.memory_space<hbm>>
      %dma_start3A_2306 = arith.constant 0 : i32
      %dma_start3A_2307 = tpu.memref_slice %arg2[%add3A_2303, %dma_start3A_2306] : memref<10240x64xf32, #tpu.memory_space<hbm>> -> memref<128x64xf32, #tpu.memory_space<hbm>>
      tpu.enqueue_dma source(%dma_start3A_2307 : memref<128x64xf32, #tpu.memory_space<hbm>>) target(%arg15 : memref<128x64xf32, #tpu.memory_space<vmem>>) target_semaphore(%arg26 : memref<!tpu.dma_semaphore, #tpu.memory_space<semaphore_mem>>)
      %scan3A_2308 = arith.constant 0 : i32
      %scan3A_2309 = arith.constant 128 : i32
      %scan3A_2310 = arith.addi %scan3A_2308, %scan3A_2309 : i32
      %scan3A_2311 = arith.constant 1 : i32
      scf.for %scan3A_2411 = %scan3A_2308 to %scan3A_2310 step %scan3A_2311  : i32 {
        %mul3A_2412 = arith.constant 1 : i32
        %mul3A_2413 = arith.muli %scan3A_2411, %mul3A_2412 : i32
        %add3A_2414 = arith.constant 0 : i32
        %add3A_2415 = arith.addi %add3A_2414, %mul3A_2413 : i32
        %add3A_2416 = arith.constant 256 : i32
        %add3A_2417 = arith.addi %add3A_2416, %add3A_2415 : i32
        %shift_right_logical3A_2418 = arith.constant 4 : i32
        %shift_right_logical3A_2419 = arith.shrui %add3A_2417, %shift_right_logical3A_2418 : i32
        %broadcast_in_dim3A_2420 = vector.broadcast %shift_right_logical3A_2419 : i32 to vector<16xi32>
        %and3A = arith.constant 15 : i32
        %and3A_2421 = arith.andi %add3A_2417, %and3A : i32
        %broadcast_in_dim3A_2422 = vector.broadcast %and3A_2421 : i32 to vector<16xi32>
        %gather3A = tpu.vector_load_idx %arg20[%broadcast_in_dim3A_2420, %broadcast_in_dim3A_2422] : memref<40x16xf32, #tpu.memory_space<vmem>>[vector<16xi32>, vector<16xi32>], vector<16xf32>,
        %get3A_2423 = arith.index_cast %add3A_2415 : i32 to index
        %get3A_2424 = arith.constant 0 : index
        %get3A_2425 = tpu.vector_load %arg14[%get3A_2423, %get3A_2424] {strides = array<i32>} : memref<128x64xf32, #tpu.memory_space<vmem>>, vector<16xf32>,
        %mul3A_2426 = arith.mulf %get3A_2425, %gather3A : vector<16xf32>
        %swap3A_2427 = arith.index_cast %add3A_2415 : i32 to index
        %swap3A_2428 = arith.constant 0 : index
        %swap3A_2429 = tpu.vector_load %arg14[%swap3A_2427, %swap3A_2428] {strides = array<i32>} : memref<128x64xf32, #tpu.memory_space<vmem>>, vector<16xf32>,
        tpu.vector_store %arg14[%swap3A_2427, %swap3A_2428], %mul3A_2426 {strides = array<i32>} : memref<128x64xf32, #tpu.memory_space<vmem>>, vector<16xf32>,
        %get3A_2430 = arith.index_cast %add3A_2415 : i32 to index
        %get3A_2431 = arith.constant 16 : index
        %get3A_2432 = tpu.vector_load %arg14[%get3A_2430, %get3A_2431] {strides = array<i32>} : memref<128x64xf32, #tpu.memory_space<vmem>>, vector<16xf32>,
        %mul3A_2433 = arith.mulf %get3A_2432, %gather3A : vector<16xf32>
        %swap3A_2434 = arith.index_cast %add3A_2415 : i32 to index
        %swap3A_2435 = arith.constant 16 : index
        %swap3A_2436 = tpu.vector_load %arg14[%swap3A_2434, %swap3A_2435] {strides = array<i32>} : memref<128x64xf32, #tpu.memory_space<vmem>>, vector<16xf32>,
        tpu.vector_store %arg14[%swap3A_2434, %swap3A_2435], %mul3A_2433 {strides = array<i32>} : memref<128x64xf32, #tpu.memory_space<vmem>>, vector<16xf32>,
        %get3A_2437 = arith.index_cast %add3A_2415 : i32 to index
        %get3A_2438 = arith.constant 32 : index
        %get3A_2439 = tpu.vector_load %arg14[%get3A_2437, %get3A_2438] {strides = array<i32>} : memref<128x64xf32, #tpu.memory_space<vmem>>, vector<16xf32>,
        %mul3A_2440 = arith.mulf %get3A_2439, %gather3A : vector<16xf32>
        %swap3A_2441 = arith.index_cast %add3A_2415 : i32 to index
        %swap3A_2442 = arith.constant 32 : index
        %swap3A_2443 = tpu.vector_load %arg14[%swap3A_2441, %swap3A_2442] {strides = array<i32>} : memref<128x64xf32, #tpu.memory_space<vmem>>, vector<16xf32>,
        tpu.vector_store %arg14[%swap3A_2441, %swap3A_2442], %mul3A_2440 {strides = array<i32>} : memref<128x64xf32, #tpu.memory_space<vmem>>, vector<16xf32>,
        %get3A_2444 = arith.index_cast %add3A_2415 : i32 to index
        %get3A_2445 = arith.constant 48 : index
        %get3A_2446 = tpu.vector_load %arg14[%get3A_2444, %get3A_2445] {strides = array<i32>} : memref<128x64xf32, #tpu.memory_space<vmem>>, vector<16xf32>,
        %mul3A_2447 = arith.mulf %get3A_2446, %gather3A : vector<16xf32>
        %swap3A_2448 = arith.index_cast %add3A_2415 : i32 to index
        %swap3A_2449 = arith.constant 48 : index
        %swap3A_2450 = tpu.vector_load %arg14[%swap3A_2448, %swap3A_2449] {strides = array<i32>} : memref<128x64xf32, #tpu.memory_space<vmem>>, vector<16xf32>,
        tpu.vector_store %arg14[%swap3A_2448, %swap3A_2449], %mul3A_2447 {strides = array<i32>} : memref<128x64xf32, #tpu.memory_space<vmem>>, vector<16xf32>,
      }
      %scan3A_2312 = arith.constant 128 : i32
      %add3A_2313 = arith.constant 256 : i32
      %add3A_2314 = arith.addi %mul3A_0, %add3A_2313 : i32
      %dma_start3A_2315 = arith.constant 0 : i32
      %dma_start3A_2316 = tpu.memref_slice %arg9[%add3A_2314, %dma_start3A_2315] : memref<10240x64xf32, #tpu.memory_space<hbm>> -> memref<128x64xf32, #tpu.memory_space<hbm>>
      %dma_start3A_2317 = arith.constant 0 : i32
      %dma_start3A_2318 = tpu.memref_slice %arg9[%add3A_2314, %dma_start3A_2317] : memref<10240x64xf32, #tpu.memory_space<hbm>> -> memref<128x64xf32, #tpu.memory_space<hbm>>
      tpu.enqueue_dma source(%arg14 : memref<128x64xf32, #tpu.memory_space<vmem>>) target(%dma_start3A_2318 : memref<128x64xf32, #tpu.memory_space<hbm>>) target_semaphore(%arg27 : memref<!tpu.dma_semaphore, #tpu.memory_space<semaphore_mem>>)
      %add3A_2319 = arith.constant 384 : i32
      %add3A_2320 = arith.addi %mul3A_0, %add3A_2319 : i32
      %dma_wait3A_2321 = arith.constant 0 : i32
      %dma_wait3A_2322 = tpu.memref_slice %arg2[%add3A_2320, %dma_wait3A_2321] : memref<10240x64xf32, #tpu.memory_space<hbm>> -> memref<128x64xf32, #tpu.memory_space<hbm>>
      %dma_wait3A_2323 = arith.constant 0 : i32
      %dma_wait3A_2324 = tpu.memref_slice %arg2[%add3A_2320, %dma_wait3A_2323] : memref<10240x64xf32, #tpu.memory_space<hbm>> -> memref<128x64xf32, #tpu.memory_space<hbm>>
      tpu.wait_dma2 semaphore(%arg26 : memref<!tpu.dma_semaphore, #tpu.memory_space<semaphore_mem>>) src(%dma_wait3A_2324 : memref<128x64xf32, #tpu.memory_space<hbm>>) dst(%arg15 : memref<128x64xf32, #tpu.memory_space<vmem>>)
      %add3A_2325 = arith.constant 256 : i32
      %add3A_2326 = arith.addi %mul3A_0, %add3A_2325 : i32
      %dma_wait3A_2327 = arith.constant 0 : i32
      %dma_wait3A_2328 = tpu.memref_slice %arg9[%add3A_2326, %dma_wait3A_2327] : memref<10240x64xf32, #tpu.memory_space<hbm>> -> memref<128x64xf32, #tpu.memory_space<hbm>>
      %dma_wait3A_2329 = arith.constant 0 : i32
      %dma_wait3A_2330 = tpu.memref_slice %arg9[%add3A_2326, %dma_wait3A_2329] : memref<10240x64xf32, #tpu.memory_space<hbm>> -> memref<128x64xf32, #tpu.memory_space<hbm>>
      tpu.wait_dma2 semaphore(%arg27 : memref<!tpu.dma_semaphore, #tpu.memory_space<semaphore_mem>>) src(%arg14 : memref<128x64xf32, #tpu.memory_space<vmem>>) dst(%dma_wait3A_2330 : memref<128x64xf32, #tpu.memory_space<hbm>>)
      %add3A_2331 = arith.constant 512 : i32
      %add3A_2332 = arith.addi %mul3A_0, %add3A_2331 : i32
      %dma_start3A_2333 = arith.constant 0 : i32
      %dma_start3A_2334 = tpu.memref_slice %arg2[%add3A_2332, %dma_start3A_2333] : memref<10240x64xf32, #tpu.memory_space<hbm>> -> memref<128x64xf32, #tpu.memory_space<hbm>>
      %dma_start3A_2335 = arith.constant 0 : i32
      %dma_start3A_2336 = tpu.memref_slice %arg2[%add3A_2332, %dma_start3A_2335] : memref<10240x64xf32, #tpu.memory_space<hbm>> -> memref<128x64xf32, #tpu.memory_space<hbm>>
      tpu.enqueue_dma source(%dma_start3A_2336 : memref<128x64xf32, #tpu.memory_space<hbm>>) target(%arg14 : memref<128x64xf32, #tpu.memory_space<vmem>>) target_semaphore(%arg25 : memref<!tpu.dma_semaphore, #tpu.memory_space<semaphore_mem>>)
      %scan3A_2337 = arith.constant 0 : i32
      %scan3A_2338 = arith.constant 128 : i32
      %scan3A_2339 = arith.addi %scan3A_2337, %scan3A_2338 : i32
      %scan3A_2340 = arith.constant 1 : i32
      scf.for %scan3A_2411 = %scan3A_2337 to %scan3A_2339 step %scan3A_2340  : i32 {
        %mul3A_2412 = arith.constant 1 : i32
        %mul3A_2413 = arith.muli %scan3A_2411, %mul3A_2412 : i32
        %add3A_2414 = arith.constant 0 : i32
        %add3A_2415 = arith.addi %add3A_2414, %mul3A_2413 : i32
        %add3A_2416 = arith.constant 384 : i32
        %add3A_2417 = arith.addi %add3A_2416, %add3A_2415 : i32
        %shift_right_logical3A_2418 = arith.constant 4 : i32
        %shift_right_logical3A_2419 = arith.shrui %add3A_2417, %shift_right_logical3A_2418 : i32
        %broadcast_in_dim3A_2420 = vector.broadcast %shift_right_logical3A_2419 : i32 to vector<16xi32>
        %and3A = arith.constant 15 : i32
        %and3A_2421 = arith.andi %add3A_2417, %and3A : i32
        %broadcast_in_dim3A_2422 = vector.broadcast %and3A_2421 : i32 to vector<16xi32>
        %gather3A = tpu.vector_load_idx %arg20[%broadcast_in_dim3A_2420, %broadcast_in_dim3A_2422] : memref<40x16xf32, #tpu.memory_space<vmem>>[vector<16xi32>, vector<16xi32>], vector<16xf32>,
        %get3A_2423 = arith.index_cast %add3A_2415 : i32 to index
        %get3A_2424 = arith.constant 0 : index
        %get3A_2425 = tpu.vector_load %arg15[%get3A_2423, %get3A_2424] {strides = array<i32>} : memref<128x64xf32, #tpu.memory_space<vmem>>, vector<16xf32>,
        %mul3A_2426 = arith.mulf %get3A_2425, %gather3A : vector<16xf32>
        %swap3A_2427 = arith.index_cast %add3A_2415 : i32 to index
        %swap3A_2428 = arith.constant 0 : index
        %swap3A_2429 = tpu.vector_load %arg15[%swap3A_2427, %swap3A_2428] {strides = array<i32>} : memref<128x64xf32, #tpu.memory_space<vmem>>, vector<16xf32>,
        tpu.vector_store %arg15[%swap3A_2427, %swap3A_2428], %mul3A_2426 {strides = array<i32>} : memref<128x64xf32, #tpu.memory_space<vmem>>, vector<16xf32>,
        %get3A_2430 = arith.index_cast %add3A_2415 : i32 to index
        %get3A_2431 = arith.constant 16 : index
        %get3A_2432 = tpu.vector_load %arg15[%get3A_2430, %get3A_2431] {strides = array<i32>} : memref<128x64xf32, #tpu.memory_space<vmem>>, vector<16xf32>,
        %mul3A_2433 = arith.mulf %get3A_2432, %gather3A : vector<16xf32>
        %swap3A_2434 = arith.index_cast %add3A_2415 : i32 to index
        %swap3A_2435 = arith.constant 16 : index
        %swap3A_2436 = tpu.vector_load %arg15[%swap3A_2434, %swap3A_2435] {strides = array<i32>} : memref<128x64xf32, #tpu.memory_space<vmem>>, vector<16xf32>,
        tpu.vector_store %arg15[%swap3A_2434, %swap3A_2435], %mul3A_2433 {strides = array<i32>} : memref<128x64xf32, #tpu.memory_space<vmem>>, vector<16xf32>,
        %get3A_2437 = arith.index_cast %add3A_2415 : i32 to index
        %get3A_2438 = arith.constant 32 : index
        %get3A_2439 = tpu.vector_load %arg15[%get3A_2437, %get3A_2438] {strides = array<i32>} : memref<128x64xf32, #tpu.memory_space<vmem>>, vector<16xf32>,
        %mul3A_2440 = arith.mulf %get3A_2439, %gather3A : vector<16xf32>
        %swap3A_2441 = arith.index_cast %add3A_2415 : i32 to index
        %swap3A_2442 = arith.constant 32 : index
        %swap3A_2443 = tpu.vector_load %arg15[%swap3A_2441, %swap3A_2442] {strides = array<i32>} : memref<128x64xf32, #tpu.memory_space<vmem>>, vector<16xf32>,
        tpu.vector_store %arg15[%swap3A_2441, %swap3A_2442], %mul3A_2440 {strides = array<i32>} : memref<128x64xf32, #tpu.memory_space<vmem>>, vector<16xf32>,
        %get3A_2444 = arith.index_cast %add3A_2415 : i32 to index
        %get3A_2445 = arith.constant 48 : index
        %get3A_2446 = tpu.vector_load %arg15[%get3A_2444, %get3A_2445] {strides = array<i32>} : memref<128x64xf32, #tpu.memory_space<vmem>>, vector<16xf32>,
        %mul3A_2447 = arith.mulf %get3A_2446, %gather3A : vector<16xf32>
        %swap3A_2448 = arith.index_cast %add3A_2415 : i32 to index
        %swap3A_2449 = arith.constant 48 : index
        %swap3A_2450 = tpu.vector_load %arg15[%swap3A_2448, %swap3A_2449] {strides = array<i32>} : memref<128x64xf32, #tpu.memory_space<vmem>>, vector<16xf32>,
        tpu.vector_store %arg15[%swap3A_2448, %swap3A_2449], %mul3A_2447 {strides = array<i32>} : memref<128x64xf32, #tpu.memory_space<vmem>>, vector<16xf32>,
      }
      %scan3A_2341 = arith.constant 128 : i32
      %add3A_2342 = arith.constant 384 : i32
      %add3A_2343 = arith.addi %mul3A_0, %add3A_2342 : i32
      %dma_start3A_2344 = arith.constant 0 : i32
      %dma_start3A_2345 = tpu.memref_slice %arg9[%add3A_2343, %dma_start3A_2344] : memref<10240x64xf32, #tpu.memory_space<hbm>> -> memref<128x64xf32, #tpu.memory_space<hbm>>
      %dma_start3A_2346 = arith.constant 0 : i32
      %dma_start3A_2347 = tpu.memref_slice %arg9[%add3A_2343, %dma_start3A_2346] : memref<10240x64xf32, #tpu.memory_space<hbm>> -> memref<128x64xf32, #tpu.memory_space<hbm>>
      tpu.enqueue_dma source(%arg15 : memref<128x64xf32, #tpu.memory_space<vmem>>) target(%dma_start3A_2347 : memref<128x64xf32, #tpu.memory_space<hbm>>) target_semaphore(%arg28 : memref<!tpu.dma_semaphore, #tpu.memory_space<semaphore_mem>>)
      %add3A_2348 = arith.constant 512 : i32
      %add3A_2349 = arith.addi %mul3A_0, %add3A_2348 : i32
      %dma_wait3A_2350 = arith.constant 0 : i32
      %dma_wait3A_2351 = tpu.memref_slice %arg2[%add3A_2349, %dma_wait3A_2350] : memref<10240x64xf32, #tpu.memory_space<hbm>> -> memref<128x64xf32, #tpu.memory_space<hbm>>
      %dma_wait3A_2352 = arith.constant 0 : i32
      %dma_wait3A_2353 = tpu.memref_slice %arg2[%add3A_2349, %dma_wait3A_2352] : memref<10240x64xf32, #tpu.memory_space<hbm>> -> memref<128x64xf32, #tpu.memory_space<hbm>>
      tpu.wait_dma2 semaphore(%arg25 : memref<!tpu.dma_semaphore, #tpu.memory_space<semaphore_mem>>) src(%dma_wait3A_2353 : memref<128x64xf32, #tpu.memory_space<hbm>>) dst(%arg14 : memref<128x64xf32, #tpu.memory_space<vmem>>)
      %add3A_2354 = arith.constant 384 : i32
      %add3A_2355 = arith.addi %mul3A_0, %add3A_2354 : i32
      %dma_wait3A_2356 = arith.constant 0 : i32
      %dma_wait3A_2357 = tpu.memref_slice %arg9[%add3A_2355, %dma_wait3A_2356] : memref<10240x64xf32, #tpu.memory_space<hbm>> -> memref<128x64xf32, #tpu.memory_space<hbm>>
      %dma_wait3A_2358 = arith.constant 0 : i32
      %dma_wait3A_2359 = tpu.memref_slice %arg9[%add3A_2355, %dma_wait3A_2358] : memref<10240x64xf32, #tpu.memory_space<hbm>> -> memref<128x64xf32, #tpu.memory_space<hbm>>
      tpu.wait_dma2 semaphore(%arg28 : memref<!tpu.dma_semaphore, #tpu.memory_space<semaphore_mem>>) src(%arg15 : memref<128x64xf32, #tpu.memory_space<vmem>>) dst(%dma_wait3A_2359 : memref<128x64xf32, #tpu.memory_space<hbm>>)
      %scan3A_2360 = arith.constant 0 : i32
      %scan3A_2361 = arith.constant 128 : i32
      %scan3A_2362 = arith.addi %scan3A_2360, %scan3A_2361 : i32
      %scan3A_2363 = arith.constant 1 : i32
      scf.for %scan3A_2411 = %scan3A_2360 to %scan3A_2362 step %scan3A_2363  : i32 {
        %mul3A_2412 = arith.constant 1 : i32
        %mul3A_2413 = arith.muli %scan3A_2411, %mul3A_2412 : i32
        %add3A_2414 = arith.constant 0 : i32
        %add3A_2415 = arith.addi %add3A_2414, %mul3A_2413 : i32
        %add3A_2416 = arith.constant 512 : i32
        %add3A_2417 = arith.addi %add3A_2416, %add3A_2415 : i32
        %shift_right_logical3A_2418 = arith.constant 4 : i32
        %shift_right_logical3A_2419 = arith.shrui %add3A_2417, %shift_right_logical3A_2418 : i32
        %broadcast_in_dim3A_2420 = vector.broadcast %shift_right_logical3A_2419 : i32 to vector<16xi32>
        %and3A = arith.constant 15 : i32
        %and3A_2421 = arith.andi %add3A_2417, %and3A : i32
        %broadcast_in_dim3A_2422 = vector.broadcast %and3A_2421 : i32 to vector<16xi32>
        %gather3A = tpu.vector_load_idx %arg20[%broadcast_in_dim3A_2420, %broadcast_in_dim3A_2422] : memref<40x16xf32, #tpu.memory_space<vmem>>[vector<16xi32>, vector<16xi32>], vector<16xf32>,
        %get3A_2423 = arith.index_cast %add3A_2415 : i32 to index
        %get3A_2424 = arith.constant 0 : index
        %get3A_2425 = tpu.vector_load %arg14[%get3A_2423, %get3A_2424] {strides = array<i32>} : memref<128x64xf32, #tpu.memory_space<vmem>>, vector<16xf32>,
        %mul3A_2426 = arith.mulf %get3A_2425, %gather3A : vector<16xf32>
        %swap3A_2427 = arith.index_cast %add3A_2415 : i32 to index
        %swap3A_2428 = arith.constant 0 : index
        %swap3A_2429 = tpu.vector_load %arg14[%swap3A_2427, %swap3A_2428] {strides = array<i32>} : memref<128x64xf32, #tpu.memory_space<vmem>>, vector<16xf32>,
        tpu.vector_store %arg14[%swap3A_2427, %swap3A_2428], %mul3A_2426 {strides = array<i32>} : memref<128x64xf32, #tpu.memory_space<vmem>>, vector<16xf32>,
        %get3A_2430 = arith.index_cast %add3A_2415 : i32 to index
        %get3A_2431 = arith.constant 16 : index
        %get3A_2432 = tpu.vector_load %arg14[%get3A_2430, %get3A_2431] {strides = array<i32>} : memref<128x64xf32, #tpu.memory_space<vmem>>, vector<16xf32>,
        %mul3A_2433 = arith.mulf %get3A_2432, %gather3A : vector<16xf32>
        %swap3A_2434 = arith.index_cast %add3A_2415 : i32 to index
        %swap3A_2435 = arith.constant 16 : index
        %swap3A_2436 = tpu.vector_load %arg14[%swap3A_2434, %swap3A_2435] {strides = array<i32>} : memref<128x64xf32, #tpu.memory_space<vmem>>, vector<16xf32>,
        tpu.vector_store %arg14[%swap3A_2434, %swap3A_2435], %mul3A_2433 {strides = array<i32>} : memref<128x64xf32, #tpu.memory_space<vmem>>, vector<16xf32>,
        %get3A_2437 = arith.index_cast %add3A_2415 : i32 to index
        %get3A_2438 = arith.constant 32 : index
        %get3A_2439 = tpu.vector_load %arg14[%get3A_2437, %get3A_2438] {strides = array<i32>} : memref<128x64xf32, #tpu.memory_space<vmem>>, vector<16xf32>,
        %mul3A_2440 = arith.mulf %get3A_2439, %gather3A : vector<16xf32>
        %swap3A_2441 = arith.index_cast %add3A_2415 : i32 to index
        %swap3A_2442 = arith.constant 32 : index
        %swap3A_2443 = tpu.vector_load %arg14[%swap3A_2441, %swap3A_2442] {strides = array<i32>} : memref<128x64xf32, #tpu.memory_space<vmem>>, vector<16xf32>,
        tpu.vector_store %arg14[%swap3A_2441, %swap3A_2442], %mul3A_2440 {strides = array<i32>} : memref<128x64xf32, #tpu.memory_space<vmem>>, vector<16xf32>,
        %get3A_2444 = arith.index_cast %add3A_2415 : i32 to index
        %get3A_2445 = arith.constant 48 : index
        %get3A_2446 = tpu.vector_load %arg14[%get3A_2444, %get3A_2445] {strides = array<i32>} : memref<128x64xf32, #tpu.memory_space<vmem>>, vector<16xf32>,
        %mul3A_2447 = arith.mulf %get3A_2446, %gather3A : vector<16xf32>
        %swap3A_2448 = arith.index_cast %add3A_2415 : i32 to index
        %swap3A_2449 = arith.constant 48 : index
        %swap3A_2450 = tpu.vector_load %arg14[%swap3A_2448, %swap3A_2449] {strides = array<i32>} : memref<128x64xf32, #tpu.memory_space<vmem>>, vector<16xf32>,
        tpu.vector_store %arg14[%swap3A_2448, %swap3A_2449], %mul3A_2447 {strides = array<i32>} : memref<128x64xf32, #tpu.memory_space<vmem>>, vector<16xf32>,
      }
      %scan3A_2364 = arith.constant 128 : i32
      %add3A_2365 = arith.constant 512 : i32
      %add3A_2366 = arith.addi %mul3A_0, %add3A_2365 : i32
      %dma_start3A_2367 = arith.constant 0 : i32
      %dma_start3A_2368 = tpu.memref_slice %arg9[%add3A_2366, %dma_start3A_2367] : memref<10240x64xf32, #tpu.memory_space<hbm>> -> memref<128x64xf32, #tpu.memory_space<hbm>>
      %dma_start3A_2369 = arith.constant 0 : i32
      %dma_start3A_2370 = tpu.memref_slice %arg9[%add3A_2366, %dma_start3A_2369] : memref<10240x64xf32, #tpu.memory_space<hbm>> -> memref<128x64xf32, #tpu.memory_space<hbm>>
      tpu.enqueue_dma source(%arg14 : memref<128x64xf32, #tpu.memory_space<vmem>>) target(%dma_start3A_2370 : memref<128x64xf32, #tpu.memory_space<hbm>>) target_semaphore(%arg27 : memref<!tpu.dma_semaphore, #tpu.memory_space<semaphore_mem>>)
      %add3A_2371 = arith.constant 512 : i32
      %add3A_2372 = arith.addi %mul3A_0, %add3A_2371 : i32
      %dma_wait3A_2373 = arith.constant 0 : i32
      %dma_wait3A_2374 = tpu.memref_slice %arg9[%add3A_2372, %dma_wait3A_2373] : memref<10240x64xf32, #tpu.memory_space<hbm>> -> memref<128x64xf32, #tpu.memory_space<hbm>>
      %dma_wait3A_2375 = arith.constant 0 : i32
      %dma_wait3A_2376 = tpu.memref_slice %arg9[%add3A_2372, %dma_wait3A_2375] : memref<10240x64xf32, #tpu.memory_space<hbm>> -> memref<128x64xf32, #tpu.memory_space<hbm>>
      tpu.wait_dma2 semaphore(%arg27 : memref<!tpu.dma_semaphore, #tpu.memory_space<semaphore_mem>>) src(%arg14 : memref<128x64xf32, #tpu.memory_space<vmem>>) dst(%dma_wait3A_2376 : memref<128x64xf32, #tpu.memory_space<hbm>>)
      %barrier3A_2377 = arith.constant 0 : index
      tpu.barrier barrier_id(%barrier3A_2377)
      %dma_start3A_2378 = arith.constant 0 : i32
      %dma_start3A_2379 = arith.constant 0 : i32
      %dma_start3A_2380 = tpu.memref_slice %arg12[%dma_start3A_2378, %dma_start3A_2379] : memref<160x128xi32, #tpu.memory_space<vmem>> -> memref<1x128xi32, #tpu.memory_space<vmem>>
      %dma_start3A_2381 = tpu.memref_squeeze %dma_start3A_2380 : memref<1x128xi32, #tpu.memory_space<vmem>> -> memref<128xi32, #tpu.memory_space<vmem>>
      %dma_start3A_2382 = arith.constant 0 : i32
      %dma_start3A_2383 = arith.constant 0 : i32
      %dma_start3A_2384 = tpu.memref_slice %arg9[%dma_start3A_2382, %dma_start3A_2383] : memref<10240x64xf32, #tpu.memory_space<hbm>> -> memref<10240x64xf32, #tpu.memory_space<hbm>>
      tpu.enqueue_indirect_dma source(%dma_start3A_2384 : memref<10240x64xf32, #tpu.memory_space<hbm>>) target(%arg14 : memref<128x64xf32, #tpu.memory_space<vmem>>) offsets(%dma_start3A_2381 : memref<128xi32, #tpu.memory_space<vmem>>) semaphore(%arg25 : memref<!tpu.dma_semaphore, #tpu.memory_space<semaphore_mem>>)
      %dma_start3A_2385 = arith.constant 1 : i32
      %dma_start3A_2386 = arith.constant 0 : i32
      %dma_start3A_2387 = tpu.memref_slice %arg12[%dma_start3A_2385, %dma_start3A_2386] : memref<160x128xi32, #tpu.memory_space<vmem>> -> memref<1x128xi32, #tpu.memory_space<vmem>>
      %dma_start3A_2388 = tpu.memref_squeeze %dma_start3A_2387 : memref<1x128xi32, #tpu.memory_space<vmem>> -> memref<128xi32, #tpu.memory_space<vmem>>
      %dma_start3A_2389 = arith.constant 0 : i32
      %dma_start3A_2390 = arith.constant 0 : i32
      %dma_start3A_2391 = tpu.memref_slice %arg9[%dma_start3A_2389, %dma_start3A_2390] : memref<10240x64xf32, #tpu.memory_space<hbm>> -> memref<10240x64xf32, #tpu.memory_space<hbm>>
      tpu.enqueue_indirect_dma source(%dma_start3A_2391 : memref<10240x64xf32, #tpu.memory_space<hbm>>) target(%arg15 : memref<128x64xf32, #tpu.memory_space<vmem>>) offsets(%dma_start3A_2388 : memref<128xi32, #tpu.memory_space<vmem>>) semaphore(%arg26 : memref<!tpu.dma_semaphore, #tpu.memory_space<semaphore_mem>>)
      %dma_start3A_2392 = arith.constant 2 : i32
      %dma_start3A_2393 = arith.constant 0 : i32
      %dma_start3A_2394 = tpu.memref_slice %arg12[%dma_start3A_2392, %dma_start3A_2393] : memref<160x128xi32, #tpu.memory_space<vmem>> -> memref<1x128xi32, #tpu.memory_space<vmem>>
      %dma_start3A_2395 = tpu.memref_squeeze %dma_start3A_2394 : memref<1x128xi32, #tpu.memory_space<vmem>> -> memref<128xi32, #tpu.memory_space<vmem>>
      %dma_start3A_2396 = arith.constant 0 : i32
      %dma_start3A_2397 = arith.constant 0 : i32
      %dma_start3A_2398 = tpu.memref_slice %arg9[%dma_start3A_2396, %dma_start3A_2397] : memref<10240x64xf32, #tpu.memory_space<hbm>> -> memref<10240x64xf32, #tpu.memory_space<hbm>>
      tpu.enqueue_indirect_dma source(%dma_start3A_2398 : memref<10240x64xf32, #tpu.memory_space<hbm>>) target(%arg16 : memref<128x64xf32, #tpu.memory_space<vmem>>) offsets(%dma_start3A_2395 : memref<128xi32, #tpu.memory_space<vmem>>) semaphore(%arg27 : memref<!tpu.dma_semaphore, #tpu.memory_space<semaphore_mem>>)
      %dma_start3A_2399 = arith.constant 3 : i32
      %dma_start3A_2400 = arith.constant 0 : i32
      %dma_start3A_2401 = tpu.memref_slice %arg12[%dma_start3A_2399, %dma_start3A_2400] : memref<160x128xi32, #tpu.memory_space<vmem>> -> memref<1x128xi32, #tpu.memory_space<vmem>>
      %dma_start3A_2402 = tpu.memref_squeeze %dma_start3A_2401 : memref<1x128xi32, #tpu.memory_space<vmem>> -> memref<128xi32, #tpu.memory_space<vmem>>
      %dma_start3A_2403 = arith.constant 0 : i32
      %dma_start3A_2404 = arith.constant 0 : i32
      %dma_start3A_2405 = tpu.memref_slice %arg9[%dma_start3A_2403, %dma_start3A_2404] : memref<10240x64xf32, #tpu.memory_space<hbm>> -> memref<10240x64xf32, #tpu.memory_space<hbm>>
      tpu.enqueue_indirect_dma source(%dma_start3A_2405 : memref<10240x64xf32, #tpu.memory_space<hbm>>) target(%arg17 : memref<128x64xf32, #tpu.memory_space<vmem>>) offsets(%dma_start3A_2402 : memref<128xi32, #tpu.memory_space<vmem>>) semaphore(%arg28 : memref<!tpu.dma_semaphore, #tpu.memory_space<semaphore_mem>>)
      %scan3A_2406 = arith.constant 0 : i32
      %scan3A_2407 = arith.constant 40 : i32
      %scan3A_2408 = arith.addi %scan3A_2406, %scan3A_2407 : i32
      %scan3A_2409 = arith.constant 1 : i32
      scf.for %scan3A_2411 = %scan3A_2406 to %scan3A_2408 step %scan3A_2409  : i32 {
        %mul3A_2412 = arith.constant 1 : i32
        %mul3A_2413 = arith.muli %scan3A_2411, %mul3A_2412 : i32
        %add3A_2414 = arith.constant 0 : i32
        %add3A_2415 = arith.addi %add3A_2414, %mul3A_2413 : i32
        %mul3A_2416 = arith.constant 4 : i32
        %mul3A_2417 = arith.muli %add3A_2415, %mul3A_2416 : i32
        %add3A_2418 = arith.constant 0 : i32
        %add3A_2419 = arith.addi %mul3A_2417, %add3A_2418 : i32
        %dma_wait3A_2420 = arith.constant 0 : i32
        %dma_wait3A_2421 = tpu.memref_slice %arg12[%add3A_2419, %dma_wait3A_2420] : memref<160x128xi32, #tpu.memory_space<vmem>> -> memref<1x128xi32, #tpu.memory_space<vmem>>
        %dma_wait3A_2422 = tpu.memref_squeeze %dma_wait3A_2421 : memref<1x128xi32, #tpu.memory_space<vmem>> -> memref<128xi32, #tpu.memory_space<vmem>>
        %dma_wait3A_2423 = arith.constant 0 : i32
        %dma_wait3A_2424 = arith.constant 0 : i32
        %dma_wait3A_2425 = tpu.memref_slice %arg9[%dma_wait3A_2423, %dma_wait3A_2424] : memref<10240x64xf32, #tpu.memory_space<hbm>> -> memref<10240x64xf32, #tpu.memory_space<hbm>>
        tpu.wait_indirect_dma semaphore(%arg25 : memref<!tpu.dma_semaphore, #tpu.memory_space<semaphore_mem>>) src(%dma_wait3A_2425 : memref<10240x64xf32, #tpu.memory_space<hbm>>) dst(%arg14 : memref<128x64xf32, #tpu.memory_space<vmem>>)
        %add3A_2426 = arith.constant 0 : i32
        %add3A_2427 = arith.addi %mul3A_2417, %add3A_2426 : i32
        %dma_start3A_2428 = arith.constant 0 : i32
        %dma_start3A_2429 = tpu.memref_slice %arg13[%add3A_2427, %dma_start3A_2428] : memref<160x128xi32, #tpu.memory_space<vmem>> -> memref<1x128xi32, #tpu.memory_space<vmem>>
        %dma_start3A_2430 = tpu.memref_squeeze %dma_start3A_2429 : memref<1x128xi32, #tpu.memory_space<vmem>> -> memref<128xi32, #tpu.memory_space<vmem>>
        %dma_start3A_2431 = arith.constant 0 : i32
        %dma_start3A_2432 = arith.constant 0 : i32
        %dma_start3A_2433 = tpu.memref_slice %arg22[%dma_start3A_2431, %dma_start3A_2432] : memref<10240x64xf32, #tpu.memory_space<vmem_shared>> -> memref<10240x64xf32, #tpu.memory_space<vmem_shared>>
        tpu.enqueue_indirect_dma source(%arg14 : memref<128x64xf32, #tpu.memory_space<vmem>>) target(%dma_start3A_2433 : memref<10240x64xf32, #tpu.memory_space<vmem_shared>>) offsets(%dma_start3A_2430 : memref<128xi32, #tpu.memory_space<vmem>>) semaphore(%arg25 : memref<!tpu.dma_semaphore, #tpu.memory_space<semaphore_mem>>) {add = true}
        %add3A_2434 = arith.constant 1 : i32
        %add3A_2435 = arith.addi %mul3A_2417, %add3A_2434 : i32
        %dma_wait3A_2436 = arith.constant 0 : i32
        %dma_wait3A_2437 = tpu.memref_slice %arg12[%add3A_2435, %dma_wait3A_2436] : memref<160x128xi32, #tpu.memory_space<vmem>> -> memref<1x128xi32, #tpu.memory_space<vmem>>
        %dma_wait3A_2438 = tpu.memref_squeeze %dma_wait3A_2437 : memref<1x128xi32, #tpu.memory_space<vmem>> -> memref<128xi32, #tpu.memory_space<vmem>>
        %dma_wait3A_2439 = arith.constant 0 : i32
        %dma_wait3A_2440 = arith.constant 0 : i32
        %dma_wait3A_2441 = tpu.memref_slice %arg9[%dma_wait3A_2439, %dma_wait3A_2440] : memref<10240x64xf32, #tpu.memory_space<hbm>> -> memref<10240x64xf32, #tpu.memory_space<hbm>>
        tpu.wait_indirect_dma semaphore(%arg26 : memref<!tpu.dma_semaphore, #tpu.memory_space<semaphore_mem>>) src(%dma_wait3A_2441 : memref<10240x64xf32, #tpu.memory_space<hbm>>) dst(%arg15 : memref<128x64xf32, #tpu.memory_space<vmem>>)
        %add3A_2442 = arith.constant 1 : i32
        %add3A_2443 = arith.addi %mul3A_2417, %add3A_2442 : i32
        %dma_start3A_2444 = arith.constant 0 : i32
        %dma_start3A_2445 = tpu.memref_slice %arg13[%add3A_2443, %dma_start3A_2444] : memref<160x128xi32, #tpu.memory_space<vmem>> -> memref<1x128xi32, #tpu.memory_space<vmem>>
        %dma_start3A_2446 = tpu.memref_squeeze %dma_start3A_2445 : memref<1x128xi32, #tpu.memory_space<vmem>> -> memref<128xi32, #tpu.memory_space<vmem>>
        %dma_start3A_2447 = arith.constant 0 : i32
        %dma_start3A_2448 = arith.constant 0 : i32
        %dma_start3A_2449 = tpu.memref_slice %arg22[%dma_start3A_2447, %dma_start3A_2448] : memref<10240x64xf32, #tpu.memory_space<vmem_shared>> -> memref<10240x64xf32, #tpu.memory_space<vmem_shared>>
        tpu.enqueue_indirect_dma source(%arg15 : memref<128x64xf32, #tpu.memory_space<vmem>>) target(%dma_start3A_2449 : memref<10240x64xf32, #tpu.memory_space<vmem_shared>>) offsets(%dma_start3A_2446 : memref<128xi32, #tpu.memory_space<vmem>>) semaphore(%arg26 : memref<!tpu.dma_semaphore, #tpu.memory_space<semaphore_mem>>) {add = true}
        %add3A_2450 = arith.constant 2 : i32
        %add3A_2451 = arith.addi %mul3A_2417, %add3A_2450 : i32
        %dma_wait3A_2452 = arith.constant 0 : i32
        %dma_wait3A_2453 = tpu.memref_slice %arg12[%add3A_2451, %dma_wait3A_2452] : memref<160x128xi32, #tpu.memory_space<vmem>> -> memref<1x128xi32, #tpu.memory_space<vmem>>
        %dma_wait3A_2454 = tpu.memref_squeeze %dma_wait3A_2453 : memref<1x128xi32, #tpu.memory_space<vmem>> -> memref<128xi32, #tpu.memory_space<vmem>>
        %dma_wait3A_2455 = arith.constant 0 : i32
        %dma_wait3A_2456 = arith.constant 0 : i32
        %dma_wait3A_2457 = tpu.memref_slice %arg9[%dma_wait3A_2455, %dma_wait3A_2456] : memref<10240x64xf32, #tpu.memory_space<hbm>> -> memref<10240x64xf32, #tpu.memory_space<hbm>>
        tpu.wait_indirect_dma semaphore(%arg27 : memref<!tpu.dma_semaphore, #tpu.memory_space<semaphore_mem>>) src(%dma_wait3A_2457 : memref<10240x64xf32, #tpu.memory_space<hbm>>) dst(%arg16 : memref<128x64xf32, #tpu.memory_space<vmem>>)
        %add3A_2458 = arith.constant 2 : i32
        %add3A_2459 = arith.addi %mul3A_2417, %add3A_2458 : i32
        %dma_start3A_2460 = arith.constant 0 : i32
        %dma_start3A_2461 = tpu.memref_slice %arg13[%add3A_2459, %dma_start3A_2460] : memref<160x128xi32, #tpu.memory_space<vmem>> -> memref<1x128xi32, #tpu.memory_space<vmem>>
        %dma_start3A_2462 = tpu.memref_squeeze %dma_start3A_2461 : memref<1x128xi32, #tpu.memory_space<vmem>> -> memref<128xi32, #tpu.memory_space<vmem>>
        %dma_start3A_2463 = arith.constant 0 : i32
        %dma_start3A_2464 = arith.constant 0 : i32
        %dma_start3A_2465 = tpu.memref_slice %arg22[%dma_start3A_2463, %dma_start3A_2464] : memref<10240x64xf32, #tpu.memory_space<vmem_shared>> -> memref<10240x64xf32, #tpu.memory_space<vmem_shared>>
        tpu.enqueue_indirect_dma source(%arg16 : memref<128x64xf32, #tpu.memory_space<vmem>>) target(%dma_start3A_2465 : memref<10240x64xf32, #tpu.memory_space<vmem_shared>>) offsets(%dma_start3A_2462 : memref<128xi32, #tpu.memory_space<vmem>>) semaphore(%arg27 : memref<!tpu.dma_semaphore, #tpu.memory_space<semaphore_mem>>) {add = true}
        %add3A_2466 = arith.constant 3 : i32
        %add3A_2467 = arith.addi %mul3A_2417, %add3A_2466 : i32
        %dma_wait3A_2468 = arith.constant 0 : i32
        %dma_wait3A_2469 = tpu.memref_slice %arg12[%add3A_2467, %dma_wait3A_2468] : memref<160x128xi32, #tpu.memory_space<vmem>> -> memref<1x128xi32, #tpu.memory_space<vmem>>
        %dma_wait3A_2470 = tpu.memref_squeeze %dma_wait3A_2469 : memref<1x128xi32, #tpu.memory_space<vmem>> -> memref<128xi32, #tpu.memory_space<vmem>>
        %dma_wait3A_2471 = arith.constant 0 : i32
        %dma_wait3A_2472 = arith.constant 0 : i32
        %dma_wait3A_2473 = tpu.memref_slice %arg9[%dma_wait3A_2471, %dma_wait3A_2472] : memref<10240x64xf32, #tpu.memory_space<hbm>> -> memref<10240x64xf32, #tpu.memory_space<hbm>>
        tpu.wait_indirect_dma semaphore(%arg28 : memref<!tpu.dma_semaphore, #tpu.memory_space<semaphore_mem>>) src(%dma_wait3A_2473 : memref<10240x64xf32, #tpu.memory_space<hbm>>) dst(%arg17 : memref<128x64xf32, #tpu.memory_space<vmem>>)
        %add3A_2474 = arith.constant 3 : i32
        %add3A_2475 = arith.addi %mul3A_2417, %add3A_2474 : i32
        %dma_start3A_2476 = arith.constant 0 : i32
        %dma_start3A_2477 = tpu.memref_slice %arg13[%add3A_2475, %dma_start3A_2476] : memref<160x128xi32, #tpu.memory_space<vmem>> -> memref<1x128xi32, #tpu.memory_space<vmem>>
        %dma_start3A_2478 = tpu.memref_squeeze %dma_start3A_2477 : memref<1x128xi32, #tpu.memory_space<vmem>> -> memref<128xi32, #tpu.memory_space<vmem>>
        %dma_start3A_2479 = arith.constant 0 : i32
        %dma_start3A_2480 = arith.constant 0 : i32
        %dma_start3A_2481 = tpu.memref_slice %arg22[%dma_start3A_2479, %dma_start3A_2480] : memref<10240x64xf32, #tpu.memory_space<vmem_shared>> -> memref<10240x64xf32, #tpu.memory_space<vmem_shared>>
        tpu.enqueue_indirect_dma source(%arg17 : memref<128x64xf32, #tpu.memory_space<vmem>>) target(%dma_start3A_2481 : memref<10240x64xf32, #tpu.memory_space<vmem_shared>>) offsets(%dma_start3A_2478 : memref<128xi32, #tpu.memory_space<vmem>>) semaphore(%arg28 : memref<!tpu.dma_semaphore, #tpu.memory_space<semaphore_mem>>) {add = true}
        %add3A_2482 = arith.constant 0 : i32
        %add3A_2483 = arith.addi %mul3A_2417, %add3A_2482 : i32
        %dma_wait3A_2484 = arith.constant 0 : i32
        %dma_wait3A_2485 = tpu.memref_slice %arg13[%add3A_2483, %dma_wait3A_2484] : memref<160x128xi32, #tpu.memory_space<vmem>> -> memref<1x128xi32, #tpu.memory_space<vmem>>
        %dma_wait3A_2486 = tpu.memref_squeeze %dma_wait3A_2485 : memref<1x128xi32, #tpu.memory_space<vmem>> -> memref<128xi32, #tpu.memory_space<vmem>>
        %dma_wait3A_2487 = arith.constant 0 : i32
        %dma_wait3A_2488 = arith.constant 0 : i32
        %dma_wait3A_2489 = tpu.memref_slice %arg22[%dma_wait3A_2487, %dma_wait3A_2488] : memref<10240x64xf32, #tpu.memory_space<vmem_shared>> -> memref<10240x64xf32, #tpu.memory_space<vmem_shared>>
        tpu.wait_indirect_dma semaphore(%arg25 : memref<!tpu.dma_semaphore, #tpu.memory_space<semaphore_mem>>) src(%arg14 : memref<128x64xf32, #tpu.memory_space<vmem>>) dst(%dma_wait3A_2489 : memref<10240x64xf32, #tpu.memory_space<vmem_shared>>)
        %add3A_2490 = arith.constant 4 : i32
        %add3A_2491 = arith.addi %mul3A_2417, %add3A_2490 : i32
        %add3A_2492 = arith.constant 0 : i32
        %add3A_2493 = arith.addi %add3A_2491, %add3A_2492 : i32
        %lt3A = arith.constant 160 : i32
        %lt3A_2494 = arith.cmpi slt, %add3A_2493, %lt3A : i32
        %convert_element_type3A_2495 = arith.extui %lt3A_2494 : i1 to i32
        %cond3A_2496 = arith.constant 0 : i32
        %cond3A_2497 = arith.cmpi ne, %convert_element_type3A_2495, %cond3A_2496 : i32
        scf.if %cond3A_2497 {
          %add3A_2549 = arith.constant 4 : i32
          %add3A_2550 = arith.addi %mul3A_2417, %add3A_2549 : i32
          %add3A_2551 = arith.constant 0 : i32
          %add3A_2552 = arith.addi %add3A_2550, %add3A_2551 : i32
          %dma_start3A_2553 = arith.constant 0 : i32
          %dma_start3A_2554 = tpu.memref_slice %arg12[%add3A_2552, %dma_start3A_2553] : memref<160x128xi32, #tpu.memory_space<vmem>> -> memref<1x128xi32, #tpu.memory_space<vmem>>
          %dma_start3A_2555 = tpu.memref_squeeze %dma_start3A_2554 : memref<1x128xi32, #tpu.memory_space<vmem>> -> memref<128xi32, #tpu.memory_space<vmem>>
          %dma_start3A_2556 = arith.constant 0 : i32
          %dma_start3A_2557 = arith.constant 0 : i32
          %dma_start3A_2558 = tpu.memref_slice %arg9[%dma_start3A_2556, %dma_start3A_2557] : memref<10240x64xf32, #tpu.memory_space<hbm>> -> memref<10240x64xf32, #tpu.memory_space<hbm>>
          tpu.enqueue_indirect_dma source(%dma_start3A_2558 : memref<10240x64xf32, #tpu.memory_space<hbm>>) target(%arg14 : memref<128x64xf32, #tpu.memory_space<vmem>>) offsets(%dma_start3A_2555 : memref<128xi32, #tpu.memory_space<vmem>>) semaphore(%arg25 : memref<!tpu.dma_semaphore, #tpu.memory_space<semaphore_mem>>)
        } else {
        }
        %add3A_2498 = arith.constant 1 : i32
        %add3A_2499 = arith.addi %mul3A_2417, %add3A_2498 : i32
        %dma_wait3A_2500 = arith.constant 0 : i32
        %dma_wait3A_2501 = tpu.memref_slice %arg13[%add3A_2499, %dma_wait3A_2500] : memref<160x128xi32, #tpu.memory_space<vmem>> -> memref<1x128xi32, #tpu.memory_space<vmem>>
        %dma_wait3A_2502 = tpu.memref_squeeze %dma_wait3A_2501 : memref<1x128xi32, #tpu.memory_space<vmem>> -> memref<128xi32, #tpu.memory_space<vmem>>
        %dma_wait3A_2503 = arith.constant 0 : i32
        %dma_wait3A_2504 = arith.constant 0 : i32
        %dma_wait3A_2505 = tpu.memref_slice %arg22[%dma_wait3A_2503, %dma_wait3A_2504] : memref<10240x64xf32, #tpu.memory_space<vmem_shared>> -> memref<10240x64xf32, #tpu.memory_space<vmem_shared>>
        tpu.wait_indirect_dma semaphore(%arg26 : memref<!tpu.dma_semaphore, #tpu.memory_space<semaphore_mem>>) src(%arg15 : memref<128x64xf32, #tpu.memory_space<vmem>>) dst(%dma_wait3A_2505 : memref<10240x64xf32, #tpu.memory_space<vmem_shared>>)
        %add3A_2506 = arith.constant 4 : i32
        %add3A_2507 = arith.addi %mul3A_2417, %add3A_2506 : i32
        %add3A_2508 = arith.constant 1 : i32
        %add3A_2509 = arith.addi %add3A_2507, %add3A_2508 : i32
        %lt3A_2510 = arith.constant 160 : i32
        %lt3A_2511 = arith.cmpi slt, %add3A_2509, %lt3A_2510 : i32
        %convert_element_type3A_2512 = arith.extui %lt3A_2511 : i1 to i32
        %cond3A_2513 = arith.constant 0 : i32
        %cond3A_2514 = arith.cmpi ne, %convert_element_type3A_2512, %cond3A_2513 : i32
        scf.if %cond3A_2514 {
          %add3A_2549 = arith.constant 4 : i32
          %add3A_2550 = arith.addi %mul3A_2417, %add3A_2549 : i32
          %add3A_2551 = arith.constant 1 : i32
          %add3A_2552 = arith.addi %add3A_2550, %add3A_2551 : i32
          %dma_start3A_2553 = arith.constant 0 : i32
          %dma_start3A_2554 = tpu.memref_slice %arg12[%add3A_2552, %dma_start3A_2553] : memref<160x128xi32, #tpu.memory_space<vmem>> -> memref<1x128xi32, #tpu.memory_space<vmem>>
          %dma_start3A_2555 = tpu.memref_squeeze %dma_start3A_2554 : memref<1x128xi32, #tpu.memory_space<vmem>> -> memref<128xi32, #tpu.memory_space<vmem>>
          %dma_start3A_2556 = arith.constant 0 : i32
          %dma_start3A_2557 = arith.constant 0 : i32
          %dma_start3A_2558 = tpu.memref_slice %arg9[%dma_start3A_2556, %dma_start3A_2557] : memref<10240x64xf32, #tpu.memory_space<hbm>> -> memref<10240x64xf32, #tpu.memory_space<hbm>>
          tpu.enqueue_indirect_dma source(%dma_start3A_2558 : memref<10240x64xf32, #tpu.memory_space<hbm>>) target(%arg15 : memref<128x64xf32, #tpu.memory_space<vmem>>) offsets(%dma_start3A_2555 : memref<128xi32, #tpu.memory_space<vmem>>) semaphore(%arg26 : memref<!tpu.dma_semaphore, #tpu.memory_space<semaphore_mem>>)
        } else {
        }
        %add3A_2515 = arith.constant 2 : i32
        %add3A_2516 = arith.addi %mul3A_2417, %add3A_2515 : i32
        %dma_wait3A_2517 = arith.constant 0 : i32
        %dma_wait3A_2518 = tpu.memref_slice %arg13[%add3A_2516, %dma_wait3A_2517] : memref<160x128xi32, #tpu.memory_space<vmem>> -> memref<1x128xi32, #tpu.memory_space<vmem>>
        %dma_wait3A_2519 = tpu.memref_squeeze %dma_wait3A_2518 : memref<1x128xi32, #tpu.memory_space<vmem>> -> memref<128xi32, #tpu.memory_space<vmem>>
        %dma_wait3A_2520 = arith.constant 0 : i32
        %dma_wait3A_2521 = arith.constant 0 : i32
        %dma_wait3A_2522 = tpu.memref_slice %arg22[%dma_wait3A_2520, %dma_wait3A_2521] : memref<10240x64xf32, #tpu.memory_space<vmem_shared>> -> memref<10240x64xf32, #tpu.memory_space<vmem_shared>>
        tpu.wait_indirect_dma semaphore(%arg27 : memref<!tpu.dma_semaphore, #tpu.memory_space<semaphore_mem>>) src(%arg16 : memref<128x64xf32, #tpu.memory_space<vmem>>) dst(%dma_wait3A_2522 : memref<10240x64xf32, #tpu.memory_space<vmem_shared>>)
        %add3A_2523 = arith.constant 4 : i32
        %add3A_2524 = arith.addi %mul3A_2417, %add3A_2523 : i32
        %add3A_2525 = arith.constant 2 : i32
        %add3A_2526 = arith.addi %add3A_2524, %add3A_2525 : i32
        %lt3A_2527 = arith.constant 160 : i32
        %lt3A_2528 = arith.cmpi slt, %add3A_2526, %lt3A_2527 : i32
        %convert_element_type3A_2529 = arith.extui %lt3A_2528 : i1 to i32
        %cond3A_2530 = arith.constant 0 : i32
        %cond3A_2531 = arith.cmpi ne, %convert_element_type3A_2529, %cond3A_2530 : i32
        scf.if %cond3A_2531 {
          %add3A_2549 = arith.constant 4 : i32
          %add3A_2550 = arith.addi %mul3A_2417, %add3A_2549 : i32
          %add3A_2551 = arith.constant 2 : i32
          %add3A_2552 = arith.addi %add3A_2550, %add3A_2551 : i32
          %dma_start3A_2553 = arith.constant 0 : i32
          %dma_start3A_2554 = tpu.memref_slice %arg12[%add3A_2552, %dma_start3A_2553] : memref<160x128xi32, #tpu.memory_space<vmem>> -> memref<1x128xi32, #tpu.memory_space<vmem>>
          %dma_start3A_2555 = tpu.memref_squeeze %dma_start3A_2554 : memref<1x128xi32, #tpu.memory_space<vmem>> -> memref<128xi32, #tpu.memory_space<vmem>>
          %dma_start3A_2556 = arith.constant 0 : i32
          %dma_start3A_2557 = arith.constant 0 : i32
          %dma_start3A_2558 = tpu.memref_slice %arg9[%dma_start3A_2556, %dma_start3A_2557] : memref<10240x64xf32, #tpu.memory_space<hbm>> -> memref<10240x64xf32, #tpu.memory_space<hbm>>
          tpu.enqueue_indirect_dma source(%dma_start3A_2558 : memref<10240x64xf32, #tpu.memory_space<hbm>>) target(%arg16 : memref<128x64xf32, #tpu.memory_space<vmem>>) offsets(%dma_start3A_2555 : memref<128xi32, #tpu.memory_space<vmem>>) semaphore(%arg27 : memref<!tpu.dma_semaphore, #tpu.memory_space<semaphore_mem>>)
        } else {
        }
        %add3A_2532 = arith.constant 3 : i32
        %add3A_2533 = arith.addi %mul3A_2417, %add3A_2532 : i32
        %dma_wait3A_2534 = arith.constant 0 : i32
        %dma_wait3A_2535 = tpu.memref_slice %arg13[%add3A_2533, %dma_wait3A_2534] : memref<160x128xi32, #tpu.memory_space<vmem>> -> memref<1x128xi32, #tpu.memory_space<vmem>>
        %dma_wait3A_2536 = tpu.memref_squeeze %dma_wait3A_2535 : memref<1x128xi32, #tpu.memory_space<vmem>> -> memref<128xi32, #tpu.memory_space<vmem>>
        %dma_wait3A_2537 = arith.constant 0 : i32
        %dma_wait3A_2538 = arith.constant 0 : i32
        %dma_wait3A_2539 = tpu.memref_slice %arg22[%dma_wait3A_2537, %dma_wait3A_2538] : memref<10240x64xf32, #tpu.memory_space<vmem_shared>> -> memref<10240x64xf32, #tpu.memory_space<vmem_shared>>
        tpu.wait_indirect_dma semaphore(%arg28 : memref<!tpu.dma_semaphore, #tpu.memory_space<semaphore_mem>>) src(%arg17 : memref<128x64xf32, #tpu.memory_space<vmem>>) dst(%dma_wait3A_2539 : memref<10240x64xf32, #tpu.memory_space<vmem_shared>>)
        %add3A_2540 = arith.constant 4 : i32
        %add3A_2541 = arith.addi %mul3A_2417, %add3A_2540 : i32
        %add3A_2542 = arith.constant 3 : i32
        %add3A_2543 = arith.addi %add3A_2541, %add3A_2542 : i32
        %lt3A_2544 = arith.constant 160 : i32
        %lt3A_2545 = arith.cmpi slt, %add3A_2543, %lt3A_2544 : i32
        %convert_element_type3A_2546 = arith.extui %lt3A_2545 : i1 to i32
        %cond3A_2547 = arith.constant 0 : i32
        %cond3A_2548 = arith.cmpi ne, %convert_element_type3A_2546, %cond3A_2547 : i32
        scf.if %cond3A_2548 {
          %add3A_2549 = arith.constant 4 : i32
          %add3A_2550 = arith.addi %mul3A_2417, %add3A_2549 : i32
          %add3A_2551 = arith.constant 3 : i32
          %add3A_2552 = arith.addi %add3A_2550, %add3A_2551 : i32
          %dma_start3A_2553 = arith.constant 0 : i32
          %dma_start3A_2554 = tpu.memref_slice %arg12[%add3A_2552, %dma_start3A_2553] : memref<160x128xi32, #tpu.memory_space<vmem>> -> memref<1x128xi32, #tpu.memory_space<vmem>>
          %dma_start3A_2555 = tpu.memref_squeeze %dma_start3A_2554 : memref<1x128xi32, #tpu.memory_space<vmem>> -> memref<128xi32, #tpu.memory_space<vmem>>
          %dma_start3A_2556 = arith.constant 0 : i32
          %dma_start3A_2557 = arith.constant 0 : i32
          %dma_start3A_2558 = tpu.memref_slice %arg9[%dma_start3A_2556, %dma_start3A_2557] : memref<10240x64xf32, #tpu.memory_space<hbm>> -> memref<10240x64xf32, #tpu.memory_space<hbm>>
          tpu.enqueue_indirect_dma source(%dma_start3A_2558 : memref<10240x64xf32, #tpu.memory_space<hbm>>) target(%arg17 : memref<128x64xf32, #tpu.memory_space<vmem>>) offsets(%dma_start3A_2555 : memref<128xi32, #tpu.memory_space<vmem>>) semaphore(%arg28 : memref<!tpu.dma_semaphore, #tpu.memory_space<semaphore_mem>>)
        } else {
        }
      }
      %scan3A_2410 = arith.constant 40 : i32
    } else {
    }
    %eq3A_2228 = arith.constant 1 : i32
    %eq3A_2229 = arith.cmpi eq, %arg0, %eq3A_2228 : i32
    %convert_element_type3A_2230 = arith.extui %eq3A_2229 : i1 to i32
    %cond3A_2231 = arith.constant 0 : i32
    %cond3A_2232 = arith.cmpi ne, %convert_element_type3A_2230, %cond3A_2231 : i32
    scf.if %cond3A_2232 {
      %dma_start3A_2234 = arith.constant 0 : i32
      %dma_start3A_2235 = tpu.memref_slice %arg3[%mul3A_0, %dma_start3A_2234] : memref<10240x64xf32, #tpu.memory_space<hbm>> -> memref<128x64xf32, #tpu.memory_space<hbm>>
      %dma_start3A_2236 = arith.constant 0 : i32
      %dma_start3A_2237 = tpu.memref_slice %arg3[%mul3A_0, %dma_start3A_2236] : memref<10240x64xf32, #tpu.memory_space<hbm>> -> memref<128x64xf32, #tpu.memory_space<hbm>>
      tpu.enqueue_dma source(%dma_start3A_2237 : memref<128x64xf32, #tpu.memory_space<hbm>>) target(%arg14 : memref<128x64xf32, #tpu.memory_space<vmem>>) target_semaphore(%arg25 : memref<!tpu.dma_semaphore, #tpu.memory_space<semaphore_mem>>)
      %add3A_2238 = arith.constant 0 : i32
      %add3A_2239 = arith.addi %mul3A_0, %add3A_2238 : i32
      %dma_wait3A_2240 = arith.constant 0 : i32
      %dma_wait3A_2241 = tpu.memref_slice %arg3[%add3A_2239, %dma_wait3A_2240] : memref<10240x64xf32, #tpu.memory_space<hbm>> -> memref<128x64xf32, #tpu.memory_space<hbm>>
      %dma_wait3A_2242 = arith.constant 0 : i32
      %dma_wait3A_2243 = tpu.memref_slice %arg3[%add3A_2239, %dma_wait3A_2242] : memref<10240x64xf32, #tpu.memory_space<hbm>> -> memref<128x64xf32, #tpu.memory_space<hbm>>
      tpu.wait_dma2 semaphore(%arg25 : memref<!tpu.dma_semaphore, #tpu.memory_space<semaphore_mem>>) src(%dma_wait3A_2243 : memref<128x64xf32, #tpu.memory_space<hbm>>) dst(%arg14 : memref<128x64xf32, #tpu.memory_space<vmem>>)
      %add3A_2244 = arith.constant 128 : i32
      %add3A_2245 = arith.addi %mul3A_0, %add3A_2244 : i32
      %dma_start3A_2246 = arith.constant 0 : i32
      %dma_start3A_2247 = tpu.memref_slice %arg3[%add3A_2245, %dma_start3A_2246] : memref<10240x64xf32, #tpu.memory_space<hbm>> -> memref<128x64xf32, #tpu.memory_space<hbm>>
      %dma_start3A_2248 = arith.constant 0 : i32
      %dma_start3A_2249 = tpu.memref_slice %arg3[%add3A_2245, %dma_start3A_2248] : memref<10240x64xf32, #tpu.memory_space<hbm>> -> memref<128x64xf32, #tpu.memory_space<hbm>>
      tpu.enqueue_dma source(%dma_start3A_2249 : memref<128x64xf32, #tpu.memory_space<hbm>>) target(%arg15 : memref<128x64xf32, #tpu.memory_space<vmem>>) target_semaphore(%arg26 : memref<!tpu.dma_semaphore, #tpu.memory_space<semaphore_mem>>)
      %scan3A_2250 = arith.constant 0 : i32
      %scan3A_2251 = arith.constant 128 : i32
      %scan3A_2252 = arith.addi %scan3A_2250, %scan3A_2251 : i32
      %scan3A_2253 = arith.constant 1 : i32
      scf.for %scan3A_2411 = %scan3A_2250 to %scan3A_2252 step %scan3A_2253  : i32 {
        %mul3A_2412 = arith.constant 1 : i32
        %mul3A_2413 = arith.muli %scan3A_2411, %mul3A_2412 : i32
        %add3A_2414 = arith.constant 0 : i32
        %add3A_2415 = arith.addi %add3A_2414, %mul3A_2413 : i32
        %add3A_2416 = arith.constant 0 : i32
        %add3A_2417 = arith.addi %add3A_2416, %add3A_2415 : i32
        %shift_right_logical3A_2418 = arith.constant 4 : i32
        %shift_right_logical3A_2419 = arith.shrui %add3A_2417, %shift_right_logical3A_2418 : i32
        %broadcast_in_dim3A_2420 = vector.broadcast %shift_right_logical3A_2419 : i32 to vector<16xi32>
        %and3A = arith.constant 15 : i32
        %and3A_2421 = arith.andi %add3A_2417, %and3A : i32
        %broadcast_in_dim3A_2422 = vector.broadcast %and3A_2421 : i32 to vector<16xi32>
        %gather3A = tpu.vector_load_idx %arg20[%broadcast_in_dim3A_2420, %broadcast_in_dim3A_2422] : memref<40x16xf32, #tpu.memory_space<vmem>>[vector<16xi32>, vector<16xi32>], vector<16xf32>,
        %get3A_2423 = arith.index_cast %add3A_2415 : i32 to index
        %get3A_2424 = arith.constant 0 : index
        %get3A_2425 = tpu.vector_load %arg14[%get3A_2423, %get3A_2424] {strides = array<i32>} : memref<128x64xf32, #tpu.memory_space<vmem>>, vector<16xf32>,
        %mul3A_2426 = arith.mulf %get3A_2425, %gather3A : vector<16xf32>
        %swap3A_2427 = arith.index_cast %add3A_2415 : i32 to index
        %swap3A_2428 = arith.constant 0 : index
        %swap3A_2429 = tpu.vector_load %arg14[%swap3A_2427, %swap3A_2428] {strides = array<i32>} : memref<128x64xf32, #tpu.memory_space<vmem>>, vector<16xf32>,
        tpu.vector_store %arg14[%swap3A_2427, %swap3A_2428], %mul3A_2426 {strides = array<i32>} : memref<128x64xf32, #tpu.memory_space<vmem>>, vector<16xf32>,
        %get3A_2430 = arith.index_cast %add3A_2415 : i32 to index
        %get3A_2431 = arith.constant 16 : index
        %get3A_2432 = tpu.vector_load %arg14[%get3A_2430, %get3A_2431] {strides = array<i32>} : memref<128x64xf32, #tpu.memory_space<vmem>>, vector<16xf32>,
        %mul3A_2433 = arith.mulf %get3A_2432, %gather3A : vector<16xf32>
        %swap3A_2434 = arith.index_cast %add3A_2415 : i32 to index
        %swap3A_2435 = arith.constant 16 : index
        %swap3A_2436 = tpu.vector_load %arg14[%swap3A_2434, %swap3A_2435] {strides = array<i32>} : memref<128x64xf32, #tpu.memory_space<vmem>>, vector<16xf32>,
        tpu.vector_store %arg14[%swap3A_2434, %swap3A_2435], %mul3A_2433 {strides = array<i32>} : memref<128x64xf32, #tpu.memory_space<vmem>>, vector<16xf32>,
        %get3A_2437 = arith.index_cast %add3A_2415 : i32 to index
        %get3A_2438 = arith.constant 32 : index
        %get3A_2439 = tpu.vector_load %arg14[%get3A_2437, %get3A_2438] {strides = array<i32>} : memref<128x64xf32, #tpu.memory_space<vmem>>, vector<16xf32>,
        %mul3A_2440 = arith.mulf %get3A_2439, %gather3A : vector<16xf32>
        %swap3A_2441 = arith.index_cast %add3A_2415 : i32 to index
        %swap3A_2442 = arith.constant 32 : index
        %swap3A_2443 = tpu.vector_load %arg14[%swap3A_2441, %swap3A_2442] {strides = array<i32>} : memref<128x64xf32, #tpu.memory_space<vmem>>, vector<16xf32>,
        tpu.vector_store %arg14[%swap3A_2441, %swap3A_2442], %mul3A_2440 {strides = array<i32>} : memref<128x64xf32, #tpu.memory_space<vmem>>, vector<16xf32>,
        %get3A_2444 = arith.index_cast %add3A_2415 : i32 to index
        %get3A_2445 = arith.constant 48 : index
        %get3A_2446 = tpu.vector_load %arg14[%get3A_2444, %get3A_2445] {strides = array<i32>} : memref<128x64xf32, #tpu.memory_space<vmem>>, vector<16xf32>,
        %mul3A_2447 = arith.mulf %get3A_2446, %gather3A : vector<16xf32>
        %swap3A_2448 = arith.index_cast %add3A_2415 : i32 to index
        %swap3A_2449 = arith.constant 48 : index
        %swap3A_2450 = tpu.vector_load %arg14[%swap3A_2448, %swap3A_2449] {strides = array<i32>} : memref<128x64xf32, #tpu.memory_space<vmem>>, vector<16xf32>,
        tpu.vector_store %arg14[%swap3A_2448, %swap3A_2449], %mul3A_2447 {strides = array<i32>} : memref<128x64xf32, #tpu.memory_space<vmem>>, vector<16xf32>,
      }
      %scan3A_2254 = arith.constant 128 : i32
      %add3A_2255 = arith.constant 0 : i32
      %add3A_2256 = arith.addi %mul3A_0, %add3A_2255 : i32
      %dma_start3A_2257 = arith.constant 0 : i32
      %dma_start3A_2258 = tpu.memref_slice %arg10[%add3A_2256, %dma_start3A_2257] : memref<10240x64xf32, #tpu.memory_space<hbm>> -> memref<128x64xf32, #tpu.memory_space<hbm>>
      %dma_start3A_2259 = arith.constant 0 : i32
      %dma_start3A_2260 = tpu.memref_slice %arg10[%add3A_2256, %dma_start3A_2259] : memref<10240x64xf32, #tpu.memory_space<hbm>> -> memref<128x64xf32, #tpu.memory_space<hbm>>
      tpu.enqueue_dma source(%arg14 : memref<128x64xf32, #tpu.memory_space<vmem>>) target(%dma_start3A_2260 : memref<128x64xf32, #tpu.memory_space<hbm>>) target_semaphore(%arg27 : memref<!tpu.dma_semaphore, #tpu.memory_space<semaphore_mem>>)
      %add3A_2261 = arith.constant 128 : i32
      %add3A_2262 = arith.addi %mul3A_0, %add3A_2261 : i32
      %dma_wait3A_2263 = arith.constant 0 : i32
      %dma_wait3A_2264 = tpu.memref_slice %arg3[%add3A_2262, %dma_wait3A_2263] : memref<10240x64xf32, #tpu.memory_space<hbm>> -> memref<128x64xf32, #tpu.memory_space<hbm>>
      %dma_wait3A_2265 = arith.constant 0 : i32
      %dma_wait3A_2266 = tpu.memref_slice %arg3[%add3A_2262, %dma_wait3A_2265] : memref<10240x64xf32, #tpu.memory_space<hbm>> -> memref<128x64xf32, #tpu.memory_space<hbm>>
      tpu.wait_dma2 semaphore(%arg26 : memref<!tpu.dma_semaphore, #tpu.memory_space<semaphore_mem>>) src(%dma_wait3A_2266 : memref<128x64xf32, #tpu.memory_space<hbm>>) dst(%arg15 : memref<128x64xf32, #tpu.memory_space<vmem>>)
      %add3A_2267 = arith.constant 0 : i32
      %add3A_2268 = arith.addi %mul3A_0, %add3A_2267 : i32
      %dma_wait3A_2269 = arith.constant 0 : i32
      %dma_wait3A_2270 = tpu.memref_slice %arg10[%add3A_2268, %dma_wait3A_2269] : memref<10240x64xf32, #tpu.memory_space<hbm>> -> memref<128x64xf32, #tpu.memory_space<hbm>>
      %dma_wait3A_2271 = arith.constant 0 : i32
      %dma_wait3A_2272 = tpu.memref_slice %arg10[%add3A_2268, %dma_wait3A_2271] : memref<10240x64xf32, #tpu.memory_space<hbm>> -> memref<128x64xf32, #tpu.memory_space<hbm>>
      tpu.wait_dma2 semaphore(%arg27 : memref<!tpu.dma_semaphore, #tpu.memory_space<semaphore_mem>>) src(%arg14 : memref<128x64xf32, #tpu.memory_space<vmem>>) dst(%dma_wait3A_2272 : memref<128x64xf32, #tpu.memory_space<hbm>>)
      %add3A_2273 = arith.constant 256 : i32
      %add3A_2274 = arith.addi %mul3A_0, %add3A_2273 : i32
      %dma_start3A_2275 = arith.constant 0 : i32
      %dma_start3A_2276 = tpu.memref_slice %arg3[%add3A_2274, %dma_start3A_2275] : memref<10240x64xf32, #tpu.memory_space<hbm>> -> memref<128x64xf32, #tpu.memory_space<hbm>>
      %dma_start3A_2277 = arith.constant 0 : i32
      %dma_start3A_2278 = tpu.memref_slice %arg3[%add3A_2274, %dma_start3A_2277] : memref<10240x64xf32, #tpu.memory_space<hbm>> -> memref<128x64xf32, #tpu.memory_space<hbm>>
      tpu.enqueue_dma source(%dma_start3A_2278 : memref<128x64xf32, #tpu.memory_space<hbm>>) target(%arg14 : memref<128x64xf32, #tpu.memory_space<vmem>>) target_semaphore(%arg25 : memref<!tpu.dma_semaphore, #tpu.memory_space<semaphore_mem>>)
      %scan3A_2279 = arith.constant 0 : i32
      %scan3A_2280 = arith.constant 128 : i32
      %scan3A_2281 = arith.addi %scan3A_2279, %scan3A_2280 : i32
      %scan3A_2282 = arith.constant 1 : i32
      scf.for %scan3A_2411 = %scan3A_2279 to %scan3A_2281 step %scan3A_2282  : i32 {
        %mul3A_2412 = arith.constant 1 : i32
        %mul3A_2413 = arith.muli %scan3A_2411, %mul3A_2412 : i32
        %add3A_2414 = arith.constant 0 : i32
        %add3A_2415 = arith.addi %add3A_2414, %mul3A_2413 : i32
        %add3A_2416 = arith.constant 128 : i32
        %add3A_2417 = arith.addi %add3A_2416, %add3A_2415 : i32
        %shift_right_logical3A_2418 = arith.constant 4 : i32
        %shift_right_logical3A_2419 = arith.shrui %add3A_2417, %shift_right_logical3A_2418 : i32
        %broadcast_in_dim3A_2420 = vector.broadcast %shift_right_logical3A_2419 : i32 to vector<16xi32>
        %and3A = arith.constant 15 : i32
        %and3A_2421 = arith.andi %add3A_2417, %and3A : i32
        %broadcast_in_dim3A_2422 = vector.broadcast %and3A_2421 : i32 to vector<16xi32>
        %gather3A = tpu.vector_load_idx %arg20[%broadcast_in_dim3A_2420, %broadcast_in_dim3A_2422] : memref<40x16xf32, #tpu.memory_space<vmem>>[vector<16xi32>, vector<16xi32>], vector<16xf32>,
        %get3A_2423 = arith.index_cast %add3A_2415 : i32 to index
        %get3A_2424 = arith.constant 0 : index
        %get3A_2425 = tpu.vector_load %arg15[%get3A_2423, %get3A_2424] {strides = array<i32>} : memref<128x64xf32, #tpu.memory_space<vmem>>, vector<16xf32>,
        %mul3A_2426 = arith.mulf %get3A_2425, %gather3A : vector<16xf32>
        %swap3A_2427 = arith.index_cast %add3A_2415 : i32 to index
        %swap3A_2428 = arith.constant 0 : index
        %swap3A_2429 = tpu.vector_load %arg15[%swap3A_2427, %swap3A_2428] {strides = array<i32>} : memref<128x64xf32, #tpu.memory_space<vmem>>, vector<16xf32>,
        tpu.vector_store %arg15[%swap3A_2427, %swap3A_2428], %mul3A_2426 {strides = array<i32>} : memref<128x64xf32, #tpu.memory_space<vmem>>, vector<16xf32>,
        %get3A_2430 = arith.index_cast %add3A_2415 : i32 to index
        %get3A_2431 = arith.constant 16 : index
        %get3A_2432 = tpu.vector_load %arg15[%get3A_2430, %get3A_2431] {strides = array<i32>} : memref<128x64xf32, #tpu.memory_space<vmem>>, vector<16xf32>,
        %mul3A_2433 = arith.mulf %get3A_2432, %gather3A : vector<16xf32>
        %swap3A_2434 = arith.index_cast %add3A_2415 : i32 to index
        %swap3A_2435 = arith.constant 16 : index
        %swap3A_2436 = tpu.vector_load %arg15[%swap3A_2434, %swap3A_2435] {strides = array<i32>} : memref<128x64xf32, #tpu.memory_space<vmem>>, vector<16xf32>,
        tpu.vector_store %arg15[%swap3A_2434, %swap3A_2435], %mul3A_2433 {strides = array<i32>} : memref<128x64xf32, #tpu.memory_space<vmem>>, vector<16xf32>,
        %get3A_2437 = arith.index_cast %add3A_2415 : i32 to index
        %get3A_2438 = arith.constant 32 : index
        %get3A_2439 = tpu.vector_load %arg15[%get3A_2437, %get3A_2438] {strides = array<i32>} : memref<128x64xf32, #tpu.memory_space<vmem>>, vector<16xf32>,
        %mul3A_2440 = arith.mulf %get3A_2439, %gather3A : vector<16xf32>
        %swap3A_2441 = arith.index_cast %add3A_2415 : i32 to index
        %swap3A_2442 = arith.constant 32 : index
        %swap3A_2443 = tpu.vector_load %arg15[%swap3A_2441, %swap3A_2442] {strides = array<i32>} : memref<128x64xf32, #tpu.memory_space<vmem>>, vector<16xf32>,
        tpu.vector_store %arg15[%swap3A_2441, %swap3A_2442], %mul3A_2440 {strides = array<i32>} : memref<128x64xf32, #tpu.memory_space<vmem>>, vector<16xf32>,
        %get3A_2444 = arith.index_cast %add3A_2415 : i32 to index
        %get3A_2445 = arith.constant 48 : index
        %get3A_2446 = tpu.vector_load %arg15[%get3A_2444, %get3A_2445] {strides = array<i32>} : memref<128x64xf32, #tpu.memory_space<vmem>>, vector<16xf32>,
        %mul3A_2447 = arith.mulf %get3A_2446, %gather3A : vector<16xf32>
        %swap3A_2448 = arith.index_cast %add3A_2415 : i32 to index
        %swap3A_2449 = arith.constant 48 : index
        %swap3A_2450 = tpu.vector_load %arg15[%swap3A_2448, %swap3A_2449] {strides = array<i32>} : memref<128x64xf32, #tpu.memory_space<vmem>>, vector<16xf32>,
        tpu.vector_store %arg15[%swap3A_2448, %swap3A_2449], %mul3A_2447 {strides = array<i32>} : memref<128x64xf32, #tpu.memory_space<vmem>>, vector<16xf32>,
      }
      %scan3A_2283 = arith.constant 128 : i32
      %add3A_2284 = arith.constant 128 : i32
      %add3A_2285 = arith.addi %mul3A_0, %add3A_2284 : i32
      %dma_start3A_2286 = arith.constant 0 : i32
      %dma_start3A_2287 = tpu.memref_slice %arg10[%add3A_2285, %dma_start3A_2286] : memref<10240x64xf32, #tpu.memory_space<hbm>> -> memref<128x64xf32, #tpu.memory_space<hbm>>
      %dma_start3A_2288 = arith.constant 0 : i32
      %dma_start3A_2289 = tpu.memref_slice %arg10[%add3A_2285, %dma_start3A_2288] : memref<10240x64xf32, #tpu.memory_space<hbm>> -> memref<128x64xf32, #tpu.memory_space<hbm>>
      tpu.enqueue_dma source(%arg15 : memref<128x64xf32, #tpu.memory_space<vmem>>) target(%dma_start3A_2289 : memref<128x64xf32, #tpu.memory_space<hbm>>) target_semaphore(%arg28 : memref<!tpu.dma_semaphore, #tpu.memory_space<semaphore_mem>>)
      %add3A_2290 = arith.constant 256 : i32
      %add3A_2291 = arith.addi %mul3A_0, %add3A_2290 : i32
      %dma_wait3A_2292 = arith.constant 0 : i32
      %dma_wait3A_2293 = tpu.memref_slice %arg3[%add3A_2291, %dma_wait3A_2292] : memref<10240x64xf32, #tpu.memory_space<hbm>> -> memref<128x64xf32, #tpu.memory_space<hbm>>
      %dma_wait3A_2294 = arith.constant 0 : i32
      %dma_wait3A_2295 = tpu.memref_slice %arg3[%add3A_2291, %dma_wait3A_2294] : memref<10240x64xf32, #tpu.memory_space<hbm>> -> memref<128x64xf32, #tpu.memory_space<hbm>>
      tpu.wait_dma2 semaphore(%arg25 : memref<!tpu.dma_semaphore, #tpu.memory_space<semaphore_mem>>) src(%dma_wait3A_2295 : memref<128x64xf32, #tpu.memory_space<hbm>>) dst(%arg14 : memref<128x64xf32, #tpu.memory_space<vmem>>)
      %add3A_2296 = arith.constant 128 : i32
      %add3A_2297 = arith.addi %mul3A_0, %add3A_2296 : i32
      %dma_wait3A_2298 = arith.constant 0 : i32
      %dma_wait3A_2299 = tpu.memref_slice %arg10[%add3A_2297, %dma_wait3A_2298] : memref<10240x64xf32, #tpu.memory_space<hbm>> -> memref<128x64xf32, #tpu.memory_space<hbm>>
      %dma_wait3A_2300 = arith.constant 0 : i32
      %dma_wait3A_2301 = tpu.memref_slice %arg10[%add3A_2297, %dma_wait3A_2300] : memref<10240x64xf32, #tpu.memory_space<hbm>> -> memref<128x64xf32, #tpu.memory_space<hbm>>
      tpu.wait_dma2 semaphore(%arg28 : memref<!tpu.dma_semaphore, #tpu.memory_space<semaphore_mem>>) src(%arg15 : memref<128x64xf32, #tpu.memory_space<vmem>>) dst(%dma_wait3A_2301 : memref<128x64xf32, #tpu.memory_space<hbm>>)
      %add3A_2302 = arith.constant 384 : i32
      %add3A_2303 = arith.addi %mul3A_0, %add3A_2302 : i32
      %dma_start3A_2304 = arith.constant 0 : i32
      %dma_start3A_2305 = tpu.memref_slice %arg3[%add3A_2303, %dma_start3A_2304] : memref<10240x64xf32, #tpu.memory_space<hbm>> -> memref<128x64xf32, #tpu.memory_space<hbm>>
      %dma_start3A_2306 = arith.constant 0 : i32
      %dma_start3A_2307 = tpu.memref_slice %arg3[%add3A_2303, %dma_start3A_2306] : memref<10240x64xf32, #tpu.memory_space<hbm>> -> memref<128x64xf32, #tpu.memory_space<hbm>>
      tpu.enqueue_dma source(%dma_start3A_2307 : memref<128x64xf32, #tpu.memory_space<hbm>>) target(%arg15 : memref<128x64xf32, #tpu.memory_space<vmem>>) target_semaphore(%arg26 : memref<!tpu.dma_semaphore, #tpu.memory_space<semaphore_mem>>)
      %scan3A_2308 = arith.constant 0 : i32
      %scan3A_2309 = arith.constant 128 : i32
      %scan3A_2310 = arith.addi %scan3A_2308, %scan3A_2309 : i32
      %scan3A_2311 = arith.constant 1 : i32
      scf.for %scan3A_2411 = %scan3A_2308 to %scan3A_2310 step %scan3A_2311  : i32 {
        %mul3A_2412 = arith.constant 1 : i32
        %mul3A_2413 = arith.muli %scan3A_2411, %mul3A_2412 : i32
        %add3A_2414 = arith.constant 0 : i32
        %add3A_2415 = arith.addi %add3A_2414, %mul3A_2413 : i32
        %add3A_2416 = arith.constant 256 : i32
        %add3A_2417 = arith.addi %add3A_2416, %add3A_2415 : i32
        %shift_right_logical3A_2418 = arith.constant 4 : i32
        %shift_right_logical3A_2419 = arith.shrui %add3A_2417, %shift_right_logical3A_2418 : i32
        %broadcast_in_dim3A_2420 = vector.broadcast %shift_right_logical3A_2419 : i32 to vector<16xi32>
        %and3A = arith.constant 15 : i32
        %and3A_2421 = arith.andi %add3A_2417, %and3A : i32
        %broadcast_in_dim3A_2422 = vector.broadcast %and3A_2421 : i32 to vector<16xi32>
        %gather3A = tpu.vector_load_idx %arg20[%broadcast_in_dim3A_2420, %broadcast_in_dim3A_2422] : memref<40x16xf32, #tpu.memory_space<vmem>>[vector<16xi32>, vector<16xi32>], vector<16xf32>,
        %get3A_2423 = arith.index_cast %add3A_2415 : i32 to index
        %get3A_2424 = arith.constant 0 : index
        %get3A_2425 = tpu.vector_load %arg14[%get3A_2423, %get3A_2424] {strides = array<i32>} : memref<128x64xf32, #tpu.memory_space<vmem>>, vector<16xf32>,
        %mul3A_2426 = arith.mulf %get3A_2425, %gather3A : vector<16xf32>
        %swap3A_2427 = arith.index_cast %add3A_2415 : i32 to index
        %swap3A_2428 = arith.constant 0 : index
        %swap3A_2429 = tpu.vector_load %arg14[%swap3A_2427, %swap3A_2428] {strides = array<i32>} : memref<128x64xf32, #tpu.memory_space<vmem>>, vector<16xf32>,
        tpu.vector_store %arg14[%swap3A_2427, %swap3A_2428], %mul3A_2426 {strides = array<i32>} : memref<128x64xf32, #tpu.memory_space<vmem>>, vector<16xf32>,
        %get3A_2430 = arith.index_cast %add3A_2415 : i32 to index
        %get3A_2431 = arith.constant 16 : index
        %get3A_2432 = tpu.vector_load %arg14[%get3A_2430, %get3A_2431] {strides = array<i32>} : memref<128x64xf32, #tpu.memory_space<vmem>>, vector<16xf32>,
        %mul3A_2433 = arith.mulf %get3A_2432, %gather3A : vector<16xf32>
        %swap3A_2434 = arith.index_cast %add3A_2415 : i32 to index
        %swap3A_2435 = arith.constant 16 : index
        %swap3A_2436 = tpu.vector_load %arg14[%swap3A_2434, %swap3A_2435] {strides = array<i32>} : memref<128x64xf32, #tpu.memory_space<vmem>>, vector<16xf32>,
        tpu.vector_store %arg14[%swap3A_2434, %swap3A_2435], %mul3A_2433 {strides = array<i32>} : memref<128x64xf32, #tpu.memory_space<vmem>>, vector<16xf32>,
        %get3A_2437 = arith.index_cast %add3A_2415 : i32 to index
        %get3A_2438 = arith.constant 32 : index
        %get3A_2439 = tpu.vector_load %arg14[%get3A_2437, %get3A_2438] {strides = array<i32>} : memref<128x64xf32, #tpu.memory_space<vmem>>, vector<16xf32>,
        %mul3A_2440 = arith.mulf %get3A_2439, %gather3A : vector<16xf32>
        %swap3A_2441 = arith.index_cast %add3A_2415 : i32 to index
        %swap3A_2442 = arith.constant 32 : index
        %swap3A_2443 = tpu.vector_load %arg14[%swap3A_2441, %swap3A_2442] {strides = array<i32>} : memref<128x64xf32, #tpu.memory_space<vmem>>, vector<16xf32>,
        tpu.vector_store %arg14[%swap3A_2441, %swap3A_2442], %mul3A_2440 {strides = array<i32>} : memref<128x64xf32, #tpu.memory_space<vmem>>, vector<16xf32>,
        %get3A_2444 = arith.index_cast %add3A_2415 : i32 to index
        %get3A_2445 = arith.constant 48 : index
        %get3A_2446 = tpu.vector_load %arg14[%get3A_2444, %get3A_2445] {strides = array<i32>} : memref<128x64xf32, #tpu.memory_space<vmem>>, vector<16xf32>,
        %mul3A_2447 = arith.mulf %get3A_2446, %gather3A : vector<16xf32>
        %swap3A_2448 = arith.index_cast %add3A_2415 : i32 to index
        %swap3A_2449 = arith.constant 48 : index
        %swap3A_2450 = tpu.vector_load %arg14[%swap3A_2448, %swap3A_2449] {strides = array<i32>} : memref<128x64xf32, #tpu.memory_space<vmem>>, vector<16xf32>,
        tpu.vector_store %arg14[%swap3A_2448, %swap3A_2449], %mul3A_2447 {strides = array<i32>} : memref<128x64xf32, #tpu.memory_space<vmem>>, vector<16xf32>,
      }
      %scan3A_2312 = arith.constant 128 : i32
      %add3A_2313 = arith.constant 256 : i32
      %add3A_2314 = arith.addi %mul3A_0, %add3A_2313 : i32
      %dma_start3A_2315 = arith.constant 0 : i32
      %dma_start3A_2316 = tpu.memref_slice %arg10[%add3A_2314, %dma_start3A_2315] : memref<10240x64xf32, #tpu.memory_space<hbm>> -> memref<128x64xf32, #tpu.memory_space<hbm>>
      %dma_start3A_2317 = arith.constant 0 : i32
      %dma_start3A_2318 = tpu.memref_slice %arg10[%add3A_2314, %dma_start3A_2317] : memref<10240x64xf32, #tpu.memory_space<hbm>> -> memref<128x64xf32, #tpu.memory_space<hbm>>
      tpu.enqueue_dma source(%arg14 : memref<128x64xf32, #tpu.memory_space<vmem>>) target(%dma_start3A_2318 : memref<128x64xf32, #tpu.memory_space<hbm>>) target_semaphore(%arg27 : memref<!tpu.dma_semaphore, #tpu.memory_space<semaphore_mem>>)
      %add3A_2319 = arith.constant 384 : i32
      %add3A_2320 = arith.addi %mul3A_0, %add3A_2319 : i32
      %dma_wait3A_2321 = arith.constant 0 : i32
      %dma_wait3A_2322 = tpu.memref_slice %arg3[%add3A_2320, %dma_wait3A_2321] : memref<10240x64xf32, #tpu.memory_space<hbm>> -> memref<128x64xf32, #tpu.memory_space<hbm>>
      %dma_wait3A_2323 = arith.constant 0 : i32
      %dma_wait3A_2324 = tpu.memref_slice %arg3[%add3A_2320, %dma_wait3A_2323] : memref<10240x64xf32, #tpu.memory_space<hbm>> -> memref<128x64xf32, #tpu.memory_space<hbm>>
      tpu.wait_dma2 semaphore(%arg26 : memref<!tpu.dma_semaphore, #tpu.memory_space<semaphore_mem>>) src(%dma_wait3A_2324 : memref<128x64xf32, #tpu.memory_space<hbm>>) dst(%arg15 : memref<128x64xf32, #tpu.memory_space<vmem>>)
      %add3A_2325 = arith.constant 256 : i32
      %add3A_2326 = arith.addi %mul3A_0, %add3A_2325 : i32
      %dma_wait3A_2327 = arith.constant 0 : i32
      %dma_wait3A_2328 = tpu.memref_slice %arg10[%add3A_2326, %dma_wait3A_2327] : memref<10240x64xf32, #tpu.memory_space<hbm>> -> memref<128x64xf32, #tpu.memory_space<hbm>>
      %dma_wait3A_2329 = arith.constant 0 : i32
      %dma_wait3A_2330 = tpu.memref_slice %arg10[%add3A_2326, %dma_wait3A_2329] : memref<10240x64xf32, #tpu.memory_space<hbm>> -> memref<128x64xf32, #tpu.memory_space<hbm>>
      tpu.wait_dma2 semaphore(%arg27 : memref<!tpu.dma_semaphore, #tpu.memory_space<semaphore_mem>>) src(%arg14 : memref<128x64xf32, #tpu.memory_space<vmem>>) dst(%dma_wait3A_2330 : memref<128x64xf32, #tpu.memory_space<hbm>>)
      %add3A_2331 = arith.constant 512 : i32
      %add3A_2332 = arith.addi %mul3A_0, %add3A_2331 : i32
      %dma_start3A_2333 = arith.constant 0 : i32
      %dma_start3A_2334 = tpu.memref_slice %arg3[%add3A_2332, %dma_start3A_2333] : memref<10240x64xf32, #tpu.memory_space<hbm>> -> memref<128x64xf32, #tpu.memory_space<hbm>>
      %dma_start3A_2335 = arith.constant 0 : i32
      %dma_start3A_2336 = tpu.memref_slice %arg3[%add3A_2332, %dma_start3A_2335] : memref<10240x64xf32, #tpu.memory_space<hbm>> -> memref<128x64xf32, #tpu.memory_space<hbm>>
      tpu.enqueue_dma source(%dma_start3A_2336 : memref<128x64xf32, #tpu.memory_space<hbm>>) target(%arg14 : memref<128x64xf32, #tpu.memory_space<vmem>>) target_semaphore(%arg25 : memref<!tpu.dma_semaphore, #tpu.memory_space<semaphore_mem>>)
      %scan3A_2337 = arith.constant 0 : i32
      %scan3A_2338 = arith.constant 128 : i32
      %scan3A_2339 = arith.addi %scan3A_2337, %scan3A_2338 : i32
      %scan3A_2340 = arith.constant 1 : i32
      scf.for %scan3A_2411 = %scan3A_2337 to %scan3A_2339 step %scan3A_2340  : i32 {
        %mul3A_2412 = arith.constant 1 : i32
        %mul3A_2413 = arith.muli %scan3A_2411, %mul3A_2412 : i32
        %add3A_2414 = arith.constant 0 : i32
        %add3A_2415 = arith.addi %add3A_2414, %mul3A_2413 : i32
        %add3A_2416 = arith.constant 384 : i32
        %add3A_2417 = arith.addi %add3A_2416, %add3A_2415 : i32
        %shift_right_logical3A_2418 = arith.constant 4 : i32
        %shift_right_logical3A_2419 = arith.shrui %add3A_2417, %shift_right_logical3A_2418 : i32
        %broadcast_in_dim3A_2420 = vector.broadcast %shift_right_logical3A_2419 : i32 to vector<16xi32>
        %and3A = arith.constant 15 : i32
        %and3A_2421 = arith.andi %add3A_2417, %and3A : i32
        %broadcast_in_dim3A_2422 = vector.broadcast %and3A_2421 : i32 to vector<16xi32>
        %gather3A = tpu.vector_load_idx %arg20[%broadcast_in_dim3A_2420, %broadcast_in_dim3A_2422] : memref<40x16xf32, #tpu.memory_space<vmem>>[vector<16xi32>, vector<16xi32>], vector<16xf32>,
        %get3A_2423 = arith.index_cast %add3A_2415 : i32 to index
        %get3A_2424 = arith.constant 0 : index
        %get3A_2425 = tpu.vector_load %arg15[%get3A_2423, %get3A_2424] {strides = array<i32>} : memref<128x64xf32, #tpu.memory_space<vmem>>, vector<16xf32>,
        %mul3A_2426 = arith.mulf %get3A_2425, %gather3A : vector<16xf32>
        %swap3A_2427 = arith.index_cast %add3A_2415 : i32 to index
        %swap3A_2428 = arith.constant 0 : index
        %swap3A_2429 = tpu.vector_load %arg15[%swap3A_2427, %swap3A_2428] {strides = array<i32>} : memref<128x64xf32, #tpu.memory_space<vmem>>, vector<16xf32>,
        tpu.vector_store %arg15[%swap3A_2427, %swap3A_2428], %mul3A_2426 {strides = array<i32>} : memref<128x64xf32, #tpu.memory_space<vmem>>, vector<16xf32>,
        %get3A_2430 = arith.index_cast %add3A_2415 : i32 to index
        %get3A_2431 = arith.constant 16 : index
        %get3A_2432 = tpu.vector_load %arg15[%get3A_2430, %get3A_2431] {strides = array<i32>} : memref<128x64xf32, #tpu.memory_space<vmem>>, vector<16xf32>,
        %mul3A_2433 = arith.mulf %get3A_2432, %gather3A : vector<16xf32>
        %swap3A_2434 = arith.index_cast %add3A_2415 : i32 to index
        %swap3A_2435 = arith.constant 16 : index
        %swap3A_2436 = tpu.vector_load %arg15[%swap3A_2434, %swap3A_2435] {strides = array<i32>} : memref<128x64xf32, #tpu.memory_space<vmem>>, vector<16xf32>,
        tpu.vector_store %arg15[%swap3A_2434, %swap3A_2435], %mul3A_2433 {strides = array<i32>} : memref<128x64xf32, #tpu.memory_space<vmem>>, vector<16xf32>,
        %get3A_2437 = arith.index_cast %add3A_2415 : i32 to index
        %get3A_2438 = arith.constant 32 : index
        %get3A_2439 = tpu.vector_load %arg15[%get3A_2437, %get3A_2438] {strides = array<i32>} : memref<128x64xf32, #tpu.memory_space<vmem>>, vector<16xf32>,
        %mul3A_2440 = arith.mulf %get3A_2439, %gather3A : vector<16xf32>
        %swap3A_2441 = arith.index_cast %add3A_2415 : i32 to index
        %swap3A_2442 = arith.constant 32 : index
        %swap3A_2443 = tpu.vector_load %arg15[%swap3A_2441, %swap3A_2442] {strides = array<i32>} : memref<128x64xf32, #tpu.memory_space<vmem>>, vector<16xf32>,
        tpu.vector_store %arg15[%swap3A_2441, %swap3A_2442], %mul3A_2440 {strides = array<i32>} : memref<128x64xf32, #tpu.memory_space<vmem>>, vector<16xf32>,
        %get3A_2444 = arith.index_cast %add3A_2415 : i32 to index
        %get3A_2445 = arith.constant 48 : index
        %get3A_2446 = tpu.vector_load %arg15[%get3A_2444, %get3A_2445] {strides = array<i32>} : memref<128x64xf32, #tpu.memory_space<vmem>>, vector<16xf32>,
        %mul3A_2447 = arith.mulf %get3A_2446, %gather3A : vector<16xf32>
        %swap3A_2448 = arith.index_cast %add3A_2415 : i32 to index
        %swap3A_2449 = arith.constant 48 : index
        %swap3A_2450 = tpu.vector_load %arg15[%swap3A_2448, %swap3A_2449] {strides = array<i32>} : memref<128x64xf32, #tpu.memory_space<vmem>>, vector<16xf32>,
        tpu.vector_store %arg15[%swap3A_2448, %swap3A_2449], %mul3A_2447 {strides = array<i32>} : memref<128x64xf32, #tpu.memory_space<vmem>>, vector<16xf32>,
      }
      %scan3A_2341 = arith.constant 128 : i32
      %add3A_2342 = arith.constant 384 : i32
      %add3A_2343 = arith.addi %mul3A_0, %add3A_2342 : i32
      %dma_start3A_2344 = arith.constant 0 : i32
      %dma_start3A_2345 = tpu.memref_slice %arg10[%add3A_2343, %dma_start3A_2344] : memref<10240x64xf32, #tpu.memory_space<hbm>> -> memref<128x64xf32, #tpu.memory_space<hbm>>
      %dma_start3A_2346 = arith.constant 0 : i32
      %dma_start3A_2347 = tpu.memref_slice %arg10[%add3A_2343, %dma_start3A_2346] : memref<10240x64xf32, #tpu.memory_space<hbm>> -> memref<128x64xf32, #tpu.memory_space<hbm>>
      tpu.enqueue_dma source(%arg15 : memref<128x64xf32, #tpu.memory_space<vmem>>) target(%dma_start3A_2347 : memref<128x64xf32, #tpu.memory_space<hbm>>) target_semaphore(%arg28 : memref<!tpu.dma_semaphore, #tpu.memory_space<semaphore_mem>>)
      %add3A_2348 = arith.constant 512 : i32
      %add3A_2349 = arith.addi %mul3A_0, %add3A_2348 : i32
      %dma_wait3A_2350 = arith.constant 0 : i32
      %dma_wait3A_2351 = tpu.memref_slice %arg3[%add3A_2349, %dma_wait3A_2350] : memref<10240x64xf32, #tpu.memory_space<hbm>> -> memref<128x64xf32, #tpu.memory_space<hbm>>
      %dma_wait3A_2352 = arith.constant 0 : i32
      %dma_wait3A_2353 = tpu.memref_slice %arg3[%add3A_2349, %dma_wait3A_2352] : memref<10240x64xf32, #tpu.memory_space<hbm>> -> memref<128x64xf32, #tpu.memory_space<hbm>>
      tpu.wait_dma2 semaphore(%arg25 : memref<!tpu.dma_semaphore, #tpu.memory_space<semaphore_mem>>) src(%dma_wait3A_2353 : memref<128x64xf32, #tpu.memory_space<hbm>>) dst(%arg14 : memref<128x64xf32, #tpu.memory_space<vmem>>)
      %add3A_2354 = arith.constant 384 : i32
      %add3A_2355 = arith.addi %mul3A_0, %add3A_2354 : i32
      %dma_wait3A_2356 = arith.constant 0 : i32
      %dma_wait3A_2357 = tpu.memref_slice %arg10[%add3A_2355, %dma_wait3A_2356] : memref<10240x64xf32, #tpu.memory_space<hbm>> -> memref<128x64xf32, #tpu.memory_space<hbm>>
      %dma_wait3A_2358 = arith.constant 0 : i32
      %dma_wait3A_2359 = tpu.memref_slice %arg10[%add3A_2355, %dma_wait3A_2358] : memref<10240x64xf32, #tpu.memory_space<hbm>> -> memref<128x64xf32, #tpu.memory_space<hbm>>
      tpu.wait_dma2 semaphore(%arg28 : memref<!tpu.dma_semaphore, #tpu.memory_space<semaphore_mem>>) src(%arg15 : memref<128x64xf32, #tpu.memory_space<vmem>>) dst(%dma_wait3A_2359 : memref<128x64xf32, #tpu.memory_space<hbm>>)
      %scan3A_2360 = arith.constant 0 : i32
      %scan3A_2361 = arith.constant 128 : i32
      %scan3A_2362 = arith.addi %scan3A_2360, %scan3A_2361 : i32
      %scan3A_2363 = arith.constant 1 : i32
      scf.for %scan3A_2411 = %scan3A_2360 to %scan3A_2362 step %scan3A_2363  : i32 {
        %mul3A_2412 = arith.constant 1 : i32
        %mul3A_2413 = arith.muli %scan3A_2411, %mul3A_2412 : i32
        %add3A_2414 = arith.constant 0 : i32
        %add3A_2415 = arith.addi %add3A_2414, %mul3A_2413 : i32
        %add3A_2416 = arith.constant 512 : i32
        %add3A_2417 = arith.addi %add3A_2416, %add3A_2415 : i32
        %shift_right_logical3A_2418 = arith.constant 4 : i32
        %shift_right_logical3A_2419 = arith.shrui %add3A_2417, %shift_right_logical3A_2418 : i32
        %broadcast_in_dim3A_2420 = vector.broadcast %shift_right_logical3A_2419 : i32 to vector<16xi32>
        %and3A = arith.constant 15 : i32
        %and3A_2421 = arith.andi %add3A_2417, %and3A : i32
        %broadcast_in_dim3A_2422 = vector.broadcast %and3A_2421 : i32 to vector<16xi32>
        %gather3A = tpu.vector_load_idx %arg20[%broadcast_in_dim3A_2420, %broadcast_in_dim3A_2422] : memref<40x16xf32, #tpu.memory_space<vmem>>[vector<16xi32>, vector<16xi32>], vector<16xf32>,
        %get3A_2423 = arith.index_cast %add3A_2415 : i32 to index
        %get3A_2424 = arith.constant 0 : index
        %get3A_2425 = tpu.vector_load %arg14[%get3A_2423, %get3A_2424] {strides = array<i32>} : memref<128x64xf32, #tpu.memory_space<vmem>>, vector<16xf32>,
        %mul3A_2426 = arith.mulf %get3A_2425, %gather3A : vector<16xf32>
        %swap3A_2427 = arith.index_cast %add3A_2415 : i32 to index
        %swap3A_2428 = arith.constant 0 : index
        %swap3A_2429 = tpu.vector_load %arg14[%swap3A_2427, %swap3A_2428] {strides = array<i32>} : memref<128x64xf32, #tpu.memory_space<vmem>>, vector<16xf32>,
        tpu.vector_store %arg14[%swap3A_2427, %swap3A_2428], %mul3A_2426 {strides = array<i32>} : memref<128x64xf32, #tpu.memory_space<vmem>>, vector<16xf32>,
        %get3A_2430 = arith.index_cast %add3A_2415 : i32 to index
        %get3A_2431 = arith.constant 16 : index
        %get3A_2432 = tpu.vector_load %arg14[%get3A_2430, %get3A_2431] {strides = array<i32>} : memref<128x64xf32, #tpu.memory_space<vmem>>, vector<16xf32>,
        %mul3A_2433 = arith.mulf %get3A_2432, %gather3A : vector<16xf32>
        %swap3A_2434 = arith.index_cast %add3A_2415 : i32 to index
        %swap3A_2435 = arith.constant 16 : index
        %swap3A_2436 = tpu.vector_load %arg14[%swap3A_2434, %swap3A_2435] {strides = array<i32>} : memref<128x64xf32, #tpu.memory_space<vmem>>, vector<16xf32>,
        tpu.vector_store %arg14[%swap3A_2434, %swap3A_2435], %mul3A_2433 {strides = array<i32>} : memref<128x64xf32, #tpu.memory_space<vmem>>, vector<16xf32>,
        %get3A_2437 = arith.index_cast %add3A_2415 : i32 to index
        %get3A_2438 = arith.constant 32 : index
        %get3A_2439 = tpu.vector_load %arg14[%get3A_2437, %get3A_2438] {strides = array<i32>} : memref<128x64xf32, #tpu.memory_space<vmem>>, vector<16xf32>,
        %mul3A_2440 = arith.mulf %get3A_2439, %gather3A : vector<16xf32>
        %swap3A_2441 = arith.index_cast %add3A_2415 : i32 to index
        %swap3A_2442 = arith.constant 32 : index
        %swap3A_2443 = tpu.vector_load %arg14[%swap3A_2441, %swap3A_2442] {strides = array<i32>} : memref<128x64xf32, #tpu.memory_space<vmem>>, vector<16xf32>,
        tpu.vector_store %arg14[%swap3A_2441, %swap3A_2442], %mul3A_2440 {strides = array<i32>} : memref<128x64xf32, #tpu.memory_space<vmem>>, vector<16xf32>,
        %get3A_2444 = arith.index_cast %add3A_2415 : i32 to index
        %get3A_2445 = arith.constant 48 : index
        %get3A_2446 = tpu.vector_load %arg14[%get3A_2444, %get3A_2445] {strides = array<i32>} : memref<128x64xf32, #tpu.memory_space<vmem>>, vector<16xf32>,
        %mul3A_2447 = arith.mulf %get3A_2446, %gather3A : vector<16xf32>
        %swap3A_2448 = arith.index_cast %add3A_2415 : i32 to index
        %swap3A_2449 = arith.constant 48 : index
        %swap3A_2450 = tpu.vector_load %arg14[%swap3A_2448, %swap3A_2449] {strides = array<i32>} : memref<128x64xf32, #tpu.memory_space<vmem>>, vector<16xf32>,
        tpu.vector_store %arg14[%swap3A_2448, %swap3A_2449], %mul3A_2447 {strides = array<i32>} : memref<128x64xf32, #tpu.memory_space<vmem>>, vector<16xf32>,
      }
      %scan3A_2364 = arith.constant 128 : i32
      %add3A_2365 = arith.constant 512 : i32
      %add3A_2366 = arith.addi %mul3A_0, %add3A_2365 : i32
      %dma_start3A_2367 = arith.constant 0 : i32
      %dma_start3A_2368 = tpu.memref_slice %arg10[%add3A_2366, %dma_start3A_2367] : memref<10240x64xf32, #tpu.memory_space<hbm>> -> memref<128x64xf32, #tpu.memory_space<hbm>>
      %dma_start3A_2369 = arith.constant 0 : i32
      %dma_start3A_2370 = tpu.memref_slice %arg10[%add3A_2366, %dma_start3A_2369] : memref<10240x64xf32, #tpu.memory_space<hbm>> -> memref<128x64xf32, #tpu.memory_space<hbm>>
      tpu.enqueue_dma source(%arg14 : memref<128x64xf32, #tpu.memory_space<vmem>>) target(%dma_start3A_2370 : memref<128x64xf32, #tpu.memory_space<hbm>>) target_semaphore(%arg27 : memref<!tpu.dma_semaphore, #tpu.memory_space<semaphore_mem>>)
      %add3A_2371 = arith.constant 512 : i32
      %add3A_2372 = arith.addi %mul3A_0, %add3A_2371 : i32
      %dma_wait3A_2373 = arith.constant 0 : i32
      %dma_wait3A_2374 = tpu.memref_slice %arg10[%add3A_2372, %dma_wait3A_2373] : memref<10240x64xf32, #tpu.memory_space<hbm>> -> memref<128x64xf32, #tpu.memory_space<hbm>>
      %dma_wait3A_2375 = arith.constant 0 : i32
      %dma_wait3A_2376 = tpu.memref_slice %arg10[%add3A_2372, %dma_wait3A_2375] : memref<10240x64xf32, #tpu.memory_space<hbm>> -> memref<128x64xf32, #tpu.memory_space<hbm>>
      tpu.wait_dma2 semaphore(%arg27 : memref<!tpu.dma_semaphore, #tpu.memory_space<semaphore_mem>>) src(%arg14 : memref<128x64xf32, #tpu.memory_space<vmem>>) dst(%dma_wait3A_2376 : memref<128x64xf32, #tpu.memory_space<hbm>>)
      %barrier3A_2377 = arith.constant 0 : index
      tpu.barrier barrier_id(%barrier3A_2377)
      %dma_start3A_2378 = arith.constant 0 : i32
      %dma_start3A_2379 = arith.constant 0 : i32
      %dma_start3A_2380 = tpu.memref_slice %arg12[%dma_start3A_2378, %dma_start3A_2379] : memref<160x128xi32, #tpu.memory_space<vmem>> -> memref<1x128xi32, #tpu.memory_space<vmem>>
      %dma_start3A_2381 = tpu.memref_squeeze %dma_start3A_2380 : memref<1x128xi32, #tpu.memory_space<vmem>> -> memref<128xi32, #tpu.memory_space<vmem>>
      %dma_start3A_2382 = arith.constant 0 : i32
      %dma_start3A_2383 = arith.constant 0 : i32
      %dma_start3A_2384 = tpu.memref_slice %arg10[%dma_start3A_2382, %dma_start3A_2383] : memref<10240x64xf32, #tpu.memory_space<hbm>> -> memref<10240x64xf32, #tpu.memory_space<hbm>>
      tpu.enqueue_indirect_dma source(%dma_start3A_2384 : memref<10240x64xf32, #tpu.memory_space<hbm>>) target(%arg14 : memref<128x64xf32, #tpu.memory_space<vmem>>) offsets(%dma_start3A_2381 : memref<128xi32, #tpu.memory_space<vmem>>) semaphore(%arg25 : memref<!tpu.dma_semaphore, #tpu.memory_space<semaphore_mem>>)
      %dma_start3A_2385 = arith.constant 1 : i32
      %dma_start3A_2386 = arith.constant 0 : i32
      %dma_start3A_2387 = tpu.memref_slice %arg12[%dma_start3A_2385, %dma_start3A_2386] : memref<160x128xi32, #tpu.memory_space<vmem>> -> memref<1x128xi32, #tpu.memory_space<vmem>>
      %dma_start3A_2388 = tpu.memref_squeeze %dma_start3A_2387 : memref<1x128xi32, #tpu.memory_space<vmem>> -> memref<128xi32, #tpu.memory_space<vmem>>
      %dma_start3A_2389 = arith.constant 0 : i32
      %dma_start3A_2390 = arith.constant 0 : i32
      %dma_start3A_2391 = tpu.memref_slice %arg10[%dma_start3A_2389, %dma_start3A_2390] : memref<10240x64xf32, #tpu.memory_space<hbm>> -> memref<10240x64xf32, #tpu.memory_space<hbm>>
      tpu.enqueue_indirect_dma source(%dma_start3A_2391 : memref<10240x64xf32, #tpu.memory_space<hbm>>) target(%arg15 : memref<128x64xf32, #tpu.memory_space<vmem>>) offsets(%dma_start3A_2388 : memref<128xi32, #tpu.memory_space<vmem>>) semaphore(%arg26 : memref<!tpu.dma_semaphore, #tpu.memory_space<semaphore_mem>>)
      %dma_start3A_2392 = arith.constant 2 : i32
      %dma_start3A_2393 = arith.constant 0 : i32
      %dma_start3A_2394 = tpu.memref_slice %arg12[%dma_start3A_2392, %dma_start3A_2393] : memref<160x128xi32, #tpu.memory_space<vmem>> -> memref<1x128xi32, #tpu.memory_space<vmem>>
      %dma_start3A_2395 = tpu.memref_squeeze %dma_start3A_2394 : memref<1x128xi32, #tpu.memory_space<vmem>> -> memref<128xi32, #tpu.memory_space<vmem>>
      %dma_start3A_2396 = arith.constant 0 : i32
      %dma_start3A_2397 = arith.constant 0 : i32
      %dma_start3A_2398 = tpu.memref_slice %arg10[%dma_start3A_2396, %dma_start3A_2397] : memref<10240x64xf32, #tpu.memory_space<hbm>> -> memref<10240x64xf32, #tpu.memory_space<hbm>>
      tpu.enqueue_indirect_dma source(%dma_start3A_2398 : memref<10240x64xf32, #tpu.memory_space<hbm>>) target(%arg16 : memref<128x64xf32, #tpu.memory_space<vmem>>) offsets(%dma_start3A_2395 : memref<128xi32, #tpu.memory_space<vmem>>) semaphore(%arg27 : memref<!tpu.dma_semaphore, #tpu.memory_space<semaphore_mem>>)
      %dma_start3A_2399 = arith.constant 3 : i32
      %dma_start3A_2400 = arith.constant 0 : i32
      %dma_start3A_2401 = tpu.memref_slice %arg12[%dma_start3A_2399, %dma_start3A_2400] : memref<160x128xi32, #tpu.memory_space<vmem>> -> memref<1x128xi32, #tpu.memory_space<vmem>>
      %dma_start3A_2402 = tpu.memref_squeeze %dma_start3A_2401 : memref<1x128xi32, #tpu.memory_space<vmem>> -> memref<128xi32, #tpu.memory_space<vmem>>
      %dma_start3A_2403 = arith.constant 0 : i32
      %dma_start3A_2404 = arith.constant 0 : i32
      %dma_start3A_2405 = tpu.memref_slice %arg10[%dma_start3A_2403, %dma_start3A_2404] : memref<10240x64xf32, #tpu.memory_space<hbm>> -> memref<10240x64xf32, #tpu.memory_space<hbm>>
      tpu.enqueue_indirect_dma source(%dma_start3A_2405 : memref<10240x64xf32, #tpu.memory_space<hbm>>) target(%arg17 : memref<128x64xf32, #tpu.memory_space<vmem>>) offsets(%dma_start3A_2402 : memref<128xi32, #tpu.memory_space<vmem>>) semaphore(%arg28 : memref<!tpu.dma_semaphore, #tpu.memory_space<semaphore_mem>>)
      %scan3A_2406 = arith.constant 0 : i32
      %scan3A_2407 = arith.constant 40 : i32
      %scan3A_2408 = arith.addi %scan3A_2406, %scan3A_2407 : i32
      %scan3A_2409 = arith.constant 1 : i32
      scf.for %scan3A_2411 = %scan3A_2406 to %scan3A_2408 step %scan3A_2409  : i32 {
        %mul3A_2412 = arith.constant 1 : i32
        %mul3A_2413 = arith.muli %scan3A_2411, %mul3A_2412 : i32
        %add3A_2414 = arith.constant 0 : i32
        %add3A_2415 = arith.addi %add3A_2414, %mul3A_2413 : i32
        %mul3A_2416 = arith.constant 4 : i32
        %mul3A_2417 = arith.muli %add3A_2415, %mul3A_2416 : i32
        %add3A_2418 = arith.constant 0 : i32
        %add3A_2419 = arith.addi %mul3A_2417, %add3A_2418 : i32
        %dma_wait3A_2420 = arith.constant 0 : i32
        %dma_wait3A_2421 = tpu.memref_slice %arg12[%add3A_2419, %dma_wait3A_2420] : memref<160x128xi32, #tpu.memory_space<vmem>> -> memref<1x128xi32, #tpu.memory_space<vmem>>
        %dma_wait3A_2422 = tpu.memref_squeeze %dma_wait3A_2421 : memref<1x128xi32, #tpu.memory_space<vmem>> -> memref<128xi32, #tpu.memory_space<vmem>>
        %dma_wait3A_2423 = arith.constant 0 : i32
        %dma_wait3A_2424 = arith.constant 0 : i32
        %dma_wait3A_2425 = tpu.memref_slice %arg10[%dma_wait3A_2423, %dma_wait3A_2424] : memref<10240x64xf32, #tpu.memory_space<hbm>> -> memref<10240x64xf32, #tpu.memory_space<hbm>>
        tpu.wait_indirect_dma semaphore(%arg25 : memref<!tpu.dma_semaphore, #tpu.memory_space<semaphore_mem>>) src(%dma_wait3A_2425 : memref<10240x64xf32, #tpu.memory_space<hbm>>) dst(%arg14 : memref<128x64xf32, #tpu.memory_space<vmem>>)
        %add3A_2426 = arith.constant 0 : i32
        %add3A_2427 = arith.addi %mul3A_2417, %add3A_2426 : i32
        %dma_start3A_2428 = arith.constant 0 : i32
        %dma_start3A_2429 = tpu.memref_slice %arg13[%add3A_2427, %dma_start3A_2428] : memref<160x128xi32, #tpu.memory_space<vmem>> -> memref<1x128xi32, #tpu.memory_space<vmem>>
        %dma_start3A_2430 = tpu.memref_squeeze %dma_start3A_2429 : memref<1x128xi32, #tpu.memory_space<vmem>> -> memref<128xi32, #tpu.memory_space<vmem>>
        %dma_start3A_2431 = arith.constant 0 : i32
        %dma_start3A_2432 = arith.constant 0 : i32
        %dma_start3A_2433 = tpu.memref_slice %arg22[%dma_start3A_2431, %dma_start3A_2432] : memref<10240x64xf32, #tpu.memory_space<vmem_shared>> -> memref<10240x64xf32, #tpu.memory_space<vmem_shared>>
        tpu.enqueue_indirect_dma source(%arg14 : memref<128x64xf32, #tpu.memory_space<vmem>>) target(%dma_start3A_2433 : memref<10240x64xf32, #tpu.memory_space<vmem_shared>>) offsets(%dma_start3A_2430 : memref<128xi32, #tpu.memory_space<vmem>>) semaphore(%arg25 : memref<!tpu.dma_semaphore, #tpu.memory_space<semaphore_mem>>) {add = true}
        %add3A_2434 = arith.constant 1 : i32
        %add3A_2435 = arith.addi %mul3A_2417, %add3A_2434 : i32
        %dma_wait3A_2436 = arith.constant 0 : i32
        %dma_wait3A_2437 = tpu.memref_slice %arg12[%add3A_2435, %dma_wait3A_2436] : memref<160x128xi32, #tpu.memory_space<vmem>> -> memref<1x128xi32, #tpu.memory_space<vmem>>
        %dma_wait3A_2438 = tpu.memref_squeeze %dma_wait3A_2437 : memref<1x128xi32, #tpu.memory_space<vmem>> -> memref<128xi32, #tpu.memory_space<vmem>>
        %dma_wait3A_2439 = arith.constant 0 : i32
        %dma_wait3A_2440 = arith.constant 0 : i32
        %dma_wait3A_2441 = tpu.memref_slice %arg10[%dma_wait3A_2439, %dma_wait3A_2440] : memref<10240x64xf32, #tpu.memory_space<hbm>> -> memref<10240x64xf32, #tpu.memory_space<hbm>>
        tpu.wait_indirect_dma semaphore(%arg26 : memref<!tpu.dma_semaphore, #tpu.memory_space<semaphore_mem>>) src(%dma_wait3A_2441 : memref<10240x64xf32, #tpu.memory_space<hbm>>) dst(%arg15 : memref<128x64xf32, #tpu.memory_space<vmem>>)
        %add3A_2442 = arith.constant 1 : i32
        %add3A_2443 = arith.addi %mul3A_2417, %add3A_2442 : i32
        %dma_start3A_2444 = arith.constant 0 : i32
        %dma_start3A_2445 = tpu.memref_slice %arg13[%add3A_2443, %dma_start3A_2444] : memref<160x128xi32, #tpu.memory_space<vmem>> -> memref<1x128xi32, #tpu.memory_space<vmem>>
        %dma_start3A_2446 = tpu.memref_squeeze %dma_start3A_2445 : memref<1x128xi32, #tpu.memory_space<vmem>> -> memref<128xi32, #tpu.memory_space<vmem>>
        %dma_start3A_2447 = arith.constant 0 : i32
        %dma_start3A_2448 = arith.constant 0 : i32
        %dma_start3A_2449 = tpu.memref_slice %arg22[%dma_start3A_2447, %dma_start3A_2448] : memref<10240x64xf32, #tpu.memory_space<vmem_shared>> -> memref<10240x64xf32, #tpu.memory_space<vmem_shared>>
        tpu.enqueue_indirect_dma source(%arg15 : memref<128x64xf32, #tpu.memory_space<vmem>>) target(%dma_start3A_2449 : memref<10240x64xf32, #tpu.memory_space<vmem_shared>>) offsets(%dma_start3A_2446 : memref<128xi32, #tpu.memory_space<vmem>>) semaphore(%arg26 : memref<!tpu.dma_semaphore, #tpu.memory_space<semaphore_mem>>) {add = true}
        %add3A_2450 = arith.constant 2 : i32
        %add3A_2451 = arith.addi %mul3A_2417, %add3A_2450 : i32
        %dma_wait3A_2452 = arith.constant 0 : i32
        %dma_wait3A_2453 = tpu.memref_slice %arg12[%add3A_2451, %dma_wait3A_2452] : memref<160x128xi32, #tpu.memory_space<vmem>> -> memref<1x128xi32, #tpu.memory_space<vmem>>
        %dma_wait3A_2454 = tpu.memref_squeeze %dma_wait3A_2453 : memref<1x128xi32, #tpu.memory_space<vmem>> -> memref<128xi32, #tpu.memory_space<vmem>>
        %dma_wait3A_2455 = arith.constant 0 : i32
        %dma_wait3A_2456 = arith.constant 0 : i32
        %dma_wait3A_2457 = tpu.memref_slice %arg10[%dma_wait3A_2455, %dma_wait3A_2456] : memref<10240x64xf32, #tpu.memory_space<hbm>> -> memref<10240x64xf32, #tpu.memory_space<hbm>>
        tpu.wait_indirect_dma semaphore(%arg27 : memref<!tpu.dma_semaphore, #tpu.memory_space<semaphore_mem>>) src(%dma_wait3A_2457 : memref<10240x64xf32, #tpu.memory_space<hbm>>) dst(%arg16 : memref<128x64xf32, #tpu.memory_space<vmem>>)
        %add3A_2458 = arith.constant 2 : i32
        %add3A_2459 = arith.addi %mul3A_2417, %add3A_2458 : i32
        %dma_start3A_2460 = arith.constant 0 : i32
        %dma_start3A_2461 = tpu.memref_slice %arg13[%add3A_2459, %dma_start3A_2460] : memref<160x128xi32, #tpu.memory_space<vmem>> -> memref<1x128xi32, #tpu.memory_space<vmem>>
        %dma_start3A_2462 = tpu.memref_squeeze %dma_start3A_2461 : memref<1x128xi32, #tpu.memory_space<vmem>> -> memref<128xi32, #tpu.memory_space<vmem>>
        %dma_start3A_2463 = arith.constant 0 : i32
        %dma_start3A_2464 = arith.constant 0 : i32
        %dma_start3A_2465 = tpu.memref_slice %arg22[%dma_start3A_2463, %dma_start3A_2464] : memref<10240x64xf32, #tpu.memory_space<vmem_shared>> -> memref<10240x64xf32, #tpu.memory_space<vmem_shared>>
        tpu.enqueue_indirect_dma source(%arg16 : memref<128x64xf32, #tpu.memory_space<vmem>>) target(%dma_start3A_2465 : memref<10240x64xf32, #tpu.memory_space<vmem_shared>>) offsets(%dma_start3A_2462 : memref<128xi32, #tpu.memory_space<vmem>>) semaphore(%arg27 : memref<!tpu.dma_semaphore, #tpu.memory_space<semaphore_mem>>) {add = true}
        %add3A_2466 = arith.constant 3 : i32
        %add3A_2467 = arith.addi %mul3A_2417, %add3A_2466 : i32
        %dma_wait3A_2468 = arith.constant 0 : i32
        %dma_wait3A_2469 = tpu.memref_slice %arg12[%add3A_2467, %dma_wait3A_2468] : memref<160x128xi32, #tpu.memory_space<vmem>> -> memref<1x128xi32, #tpu.memory_space<vmem>>
        %dma_wait3A_2470 = tpu.memref_squeeze %dma_wait3A_2469 : memref<1x128xi32, #tpu.memory_space<vmem>> -> memref<128xi32, #tpu.memory_space<vmem>>
        %dma_wait3A_2471 = arith.constant 0 : i32
        %dma_wait3A_2472 = arith.constant 0 : i32
        %dma_wait3A_2473 = tpu.memref_slice %arg10[%dma_wait3A_2471, %dma_wait3A_2472] : memref<10240x64xf32, #tpu.memory_space<hbm>> -> memref<10240x64xf32, #tpu.memory_space<hbm>>
        tpu.wait_indirect_dma semaphore(%arg28 : memref<!tpu.dma_semaphore, #tpu.memory_space<semaphore_mem>>) src(%dma_wait3A_2473 : memref<10240x64xf32, #tpu.memory_space<hbm>>) dst(%arg17 : memref<128x64xf32, #tpu.memory_space<vmem>>)
        %add3A_2474 = arith.constant 3 : i32
        %add3A_2475 = arith.addi %mul3A_2417, %add3A_2474 : i32
        %dma_start3A_2476 = arith.constant 0 : i32
        %dma_start3A_2477 = tpu.memref_slice %arg13[%add3A_2475, %dma_start3A_2476] : memref<160x128xi32, #tpu.memory_space<vmem>> -> memref<1x128xi32, #tpu.memory_space<vmem>>
        %dma_start3A_2478 = tpu.memref_squeeze %dma_start3A_2477 : memref<1x128xi32, #tpu.memory_space<vmem>> -> memref<128xi32, #tpu.memory_space<vmem>>
        %dma_start3A_2479 = arith.constant 0 : i32
        %dma_start3A_2480 = arith.constant 0 : i32
        %dma_start3A_2481 = tpu.memref_slice %arg22[%dma_start3A_2479, %dma_start3A_2480] : memref<10240x64xf32, #tpu.memory_space<vmem_shared>> -> memref<10240x64xf32, #tpu.memory_space<vmem_shared>>
        tpu.enqueue_indirect_dma source(%arg17 : memref<128x64xf32, #tpu.memory_space<vmem>>) target(%dma_start3A_2481 : memref<10240x64xf32, #tpu.memory_space<vmem_shared>>) offsets(%dma_start3A_2478 : memref<128xi32, #tpu.memory_space<vmem>>) semaphore(%arg28 : memref<!tpu.dma_semaphore, #tpu.memory_space<semaphore_mem>>) {add = true}
        %add3A_2482 = arith.constant 0 : i32
        %add3A_2483 = arith.addi %mul3A_2417, %add3A_2482 : i32
        %dma_wait3A_2484 = arith.constant 0 : i32
        %dma_wait3A_2485 = tpu.memref_slice %arg13[%add3A_2483, %dma_wait3A_2484] : memref<160x128xi32, #tpu.memory_space<vmem>> -> memref<1x128xi32, #tpu.memory_space<vmem>>
        %dma_wait3A_2486 = tpu.memref_squeeze %dma_wait3A_2485 : memref<1x128xi32, #tpu.memory_space<vmem>> -> memref<128xi32, #tpu.memory_space<vmem>>
        %dma_wait3A_2487 = arith.constant 0 : i32
        %dma_wait3A_2488 = arith.constant 0 : i32
        %dma_wait3A_2489 = tpu.memref_slice %arg22[%dma_wait3A_2487, %dma_wait3A_2488] : memref<10240x64xf32, #tpu.memory_space<vmem_shared>> -> memref<10240x64xf32, #tpu.memory_space<vmem_shared>>
        tpu.wait_indirect_dma semaphore(%arg25 : memref<!tpu.dma_semaphore, #tpu.memory_space<semaphore_mem>>) src(%arg14 : memref<128x64xf32, #tpu.memory_space<vmem>>) dst(%dma_wait3A_2489 : memref<10240x64xf32, #tpu.memory_space<vmem_shared>>)
        %add3A_2490 = arith.constant 4 : i32
        %add3A_2491 = arith.addi %mul3A_2417, %add3A_2490 : i32
        %add3A_2492 = arith.constant 0 : i32
        %add3A_2493 = arith.addi %add3A_2491, %add3A_2492 : i32
        %lt3A = arith.constant 160 : i32
        %lt3A_2494 = arith.cmpi slt, %add3A_2493, %lt3A : i32
        %convert_element_type3A_2495 = arith.extui %lt3A_2494 : i1 to i32
        %cond3A_2496 = arith.constant 0 : i32
        %cond3A_2497 = arith.cmpi ne, %convert_element_type3A_2495, %cond3A_2496 : i32
        scf.if %cond3A_2497 {
          %add3A_2549 = arith.constant 4 : i32
          %add3A_2550 = arith.addi %mul3A_2417, %add3A_2549 : i32
          %add3A_2551 = arith.constant 0 : i32
          %add3A_2552 = arith.addi %add3A_2550, %add3A_2551 : i32
          %dma_start3A_2553 = arith.constant 0 : i32
          %dma_start3A_2554 = tpu.memref_slice %arg12[%add3A_2552, %dma_start3A_2553] : memref<160x128xi32, #tpu.memory_space<vmem>> -> memref<1x128xi32, #tpu.memory_space<vmem>>
          %dma_start3A_2555 = tpu.memref_squeeze %dma_start3A_2554 : memref<1x128xi32, #tpu.memory_space<vmem>> -> memref<128xi32, #tpu.memory_space<vmem>>
          %dma_start3A_2556 = arith.constant 0 : i32
          %dma_start3A_2557 = arith.constant 0 : i32
          %dma_start3A_2558 = tpu.memref_slice %arg10[%dma_start3A_2556, %dma_start3A_2557] : memref<10240x64xf32, #tpu.memory_space<hbm>> -> memref<10240x64xf32, #tpu.memory_space<hbm>>
          tpu.enqueue_indirect_dma source(%dma_start3A_2558 : memref<10240x64xf32, #tpu.memory_space<hbm>>) target(%arg14 : memref<128x64xf32, #tpu.memory_space<vmem>>) offsets(%dma_start3A_2555 : memref<128xi32, #tpu.memory_space<vmem>>) semaphore(%arg25 : memref<!tpu.dma_semaphore, #tpu.memory_space<semaphore_mem>>)
        } else {
        }
        %add3A_2498 = arith.constant 1 : i32
        %add3A_2499 = arith.addi %mul3A_2417, %add3A_2498 : i32
        %dma_wait3A_2500 = arith.constant 0 : i32
        %dma_wait3A_2501 = tpu.memref_slice %arg13[%add3A_2499, %dma_wait3A_2500] : memref<160x128xi32, #tpu.memory_space<vmem>> -> memref<1x128xi32, #tpu.memory_space<vmem>>
        %dma_wait3A_2502 = tpu.memref_squeeze %dma_wait3A_2501 : memref<1x128xi32, #tpu.memory_space<vmem>> -> memref<128xi32, #tpu.memory_space<vmem>>
        %dma_wait3A_2503 = arith.constant 0 : i32
        %dma_wait3A_2504 = arith.constant 0 : i32
        %dma_wait3A_2505 = tpu.memref_slice %arg22[%dma_wait3A_2503, %dma_wait3A_2504] : memref<10240x64xf32, #tpu.memory_space<vmem_shared>> -> memref<10240x64xf32, #tpu.memory_space<vmem_shared>>
        tpu.wait_indirect_dma semaphore(%arg26 : memref<!tpu.dma_semaphore, #tpu.memory_space<semaphore_mem>>) src(%arg15 : memref<128x64xf32, #tpu.memory_space<vmem>>) dst(%dma_wait3A_2505 : memref<10240x64xf32, #tpu.memory_space<vmem_shared>>)
        %add3A_2506 = arith.constant 4 : i32
        %add3A_2507 = arith.addi %mul3A_2417, %add3A_2506 : i32
        %add3A_2508 = arith.constant 1 : i32
        %add3A_2509 = arith.addi %add3A_2507, %add3A_2508 : i32
        %lt3A_2510 = arith.constant 160 : i32
        %lt3A_2511 = arith.cmpi slt, %add3A_2509, %lt3A_2510 : i32
        %convert_element_type3A_2512 = arith.extui %lt3A_2511 : i1 to i32
        %cond3A_2513 = arith.constant 0 : i32
        %cond3A_2514 = arith.cmpi ne, %convert_element_type3A_2512, %cond3A_2513 : i32
        scf.if %cond3A_2514 {
          %add3A_2549 = arith.constant 4 : i32
          %add3A_2550 = arith.addi %mul3A_2417, %add3A_2549 : i32
          %add3A_2551 = arith.constant 1 : i32
          %add3A_2552 = arith.addi %add3A_2550, %add3A_2551 : i32
          %dma_start3A_2553 = arith.constant 0 : i32
          %dma_start3A_2554 = tpu.memref_slice %arg12[%add3A_2552, %dma_start3A_2553] : memref<160x128xi32, #tpu.memory_space<vmem>> -> memref<1x128xi32, #tpu.memory_space<vmem>>
          %dma_start3A_2555 = tpu.memref_squeeze %dma_start3A_2554 : memref<1x128xi32, #tpu.memory_space<vmem>> -> memref<128xi32, #tpu.memory_space<vmem>>
          %dma_start3A_2556 = arith.constant 0 : i32
          %dma_start3A_2557 = arith.constant 0 : i32
          %dma_start3A_2558 = tpu.memref_slice %arg10[%dma_start3A_2556, %dma_start3A_2557] : memref<10240x64xf32, #tpu.memory_space<hbm>> -> memref<10240x64xf32, #tpu.memory_space<hbm>>
          tpu.enqueue_indirect_dma source(%dma_start3A_2558 : memref<10240x64xf32, #tpu.memory_space<hbm>>) target(%arg15 : memref<128x64xf32, #tpu.memory_space<vmem>>) offsets(%dma_start3A_2555 : memref<128xi32, #tpu.memory_space<vmem>>) semaphore(%arg26 : memref<!tpu.dma_semaphore, #tpu.memory_space<semaphore_mem>>)
        } else {
        }
        %add3A_2515 = arith.constant 2 : i32
        %add3A_2516 = arith.addi %mul3A_2417, %add3A_2515 : i32
        %dma_wait3A_2517 = arith.constant 0 : i32
        %dma_wait3A_2518 = tpu.memref_slice %arg13[%add3A_2516, %dma_wait3A_2517] : memref<160x128xi32, #tpu.memory_space<vmem>> -> memref<1x128xi32, #tpu.memory_space<vmem>>
        %dma_wait3A_2519 = tpu.memref_squeeze %dma_wait3A_2518 : memref<1x128xi32, #tpu.memory_space<vmem>> -> memref<128xi32, #tpu.memory_space<vmem>>
        %dma_wait3A_2520 = arith.constant 0 : i32
        %dma_wait3A_2521 = arith.constant 0 : i32
        %dma_wait3A_2522 = tpu.memref_slice %arg22[%dma_wait3A_2520, %dma_wait3A_2521] : memref<10240x64xf32, #tpu.memory_space<vmem_shared>> -> memref<10240x64xf32, #tpu.memory_space<vmem_shared>>
        tpu.wait_indirect_dma semaphore(%arg27 : memref<!tpu.dma_semaphore, #tpu.memory_space<semaphore_mem>>) src(%arg16 : memref<128x64xf32, #tpu.memory_space<vmem>>) dst(%dma_wait3A_2522 : memref<10240x64xf32, #tpu.memory_space<vmem_shared>>)
        %add3A_2523 = arith.constant 4 : i32
        %add3A_2524 = arith.addi %mul3A_2417, %add3A_2523 : i32
        %add3A_2525 = arith.constant 2 : i32
        %add3A_2526 = arith.addi %add3A_2524, %add3A_2525 : i32
        %lt3A_2527 = arith.constant 160 : i32
        %lt3A_2528 = arith.cmpi slt, %add3A_2526, %lt3A_2527 : i32
        %convert_element_type3A_2529 = arith.extui %lt3A_2528 : i1 to i32
        %cond3A_2530 = arith.constant 0 : i32
        %cond3A_2531 = arith.cmpi ne, %convert_element_type3A_2529, %cond3A_2530 : i32
        scf.if %cond3A_2531 {
          %add3A_2549 = arith.constant 4 : i32
          %add3A_2550 = arith.addi %mul3A_2417, %add3A_2549 : i32
          %add3A_2551 = arith.constant 2 : i32
          %add3A_2552 = arith.addi %add3A_2550, %add3A_2551 : i32
          %dma_start3A_2553 = arith.constant 0 : i32
          %dma_start3A_2554 = tpu.memref_slice %arg12[%add3A_2552, %dma_start3A_2553] : memref<160x128xi32, #tpu.memory_space<vmem>> -> memref<1x128xi32, #tpu.memory_space<vmem>>
          %dma_start3A_2555 = tpu.memref_squeeze %dma_start3A_2554 : memref<1x128xi32, #tpu.memory_space<vmem>> -> memref<128xi32, #tpu.memory_space<vmem>>
          %dma_start3A_2556 = arith.constant 0 : i32
          %dma_start3A_2557 = arith.constant 0 : i32
          %dma_start3A_2558 = tpu.memref_slice %arg10[%dma_start3A_2556, %dma_start3A_2557] : memref<10240x64xf32, #tpu.memory_space<hbm>> -> memref<10240x64xf32, #tpu.memory_space<hbm>>
          tpu.enqueue_indirect_dma source(%dma_start3A_2558 : memref<10240x64xf32, #tpu.memory_space<hbm>>) target(%arg16 : memref<128x64xf32, #tpu.memory_space<vmem>>) offsets(%dma_start3A_2555 : memref<128xi32, #tpu.memory_space<vmem>>) semaphore(%arg27 : memref<!tpu.dma_semaphore, #tpu.memory_space<semaphore_mem>>)
        } else {
        }
        %add3A_2532 = arith.constant 3 : i32
        %add3A_2533 = arith.addi %mul3A_2417, %add3A_2532 : i32
        %dma_wait3A_2534 = arith.constant 0 : i32
        %dma_wait3A_2535 = tpu.memref_slice %arg13[%add3A_2533, %dma_wait3A_2534] : memref<160x128xi32, #tpu.memory_space<vmem>> -> memref<1x128xi32, #tpu.memory_space<vmem>>
        %dma_wait3A_2536 = tpu.memref_squeeze %dma_wait3A_2535 : memref<1x128xi32, #tpu.memory_space<vmem>> -> memref<128xi32, #tpu.memory_space<vmem>>
        %dma_wait3A_2537 = arith.constant 0 : i32
        %dma_wait3A_2538 = arith.constant 0 : i32
        %dma_wait3A_2539 = tpu.memref_slice %arg22[%dma_wait3A_2537, %dma_wait3A_2538] : memref<10240x64xf32, #tpu.memory_space<vmem_shared>> -> memref<10240x64xf32, #tpu.memory_space<vmem_shared>>
        tpu.wait_indirect_dma semaphore(%arg28 : memref<!tpu.dma_semaphore, #tpu.memory_space<semaphore_mem>>) src(%arg17 : memref<128x64xf32, #tpu.memory_space<vmem>>) dst(%dma_wait3A_2539 : memref<10240x64xf32, #tpu.memory_space<vmem_shared>>)
        %add3A_2540 = arith.constant 4 : i32
        %add3A_2541 = arith.addi %mul3A_2417, %add3A_2540 : i32
        %add3A_2542 = arith.constant 3 : i32
        %add3A_2543 = arith.addi %add3A_2541, %add3A_2542 : i32
        %lt3A_2544 = arith.constant 160 : i32
        %lt3A_2545 = arith.cmpi slt, %add3A_2543, %lt3A_2544 : i32
        %convert_element_type3A_2546 = arith.extui %lt3A_2545 : i1 to i32
        %cond3A_2547 = arith.constant 0 : i32
        %cond3A_2548 = arith.cmpi ne, %convert_element_type3A_2546, %cond3A_2547 : i32
        scf.if %cond3A_2548 {
          %add3A_2549 = arith.constant 4 : i32
          %add3A_2550 = arith.addi %mul3A_2417, %add3A_2549 : i32
          %add3A_2551 = arith.constant 3 : i32
          %add3A_2552 = arith.addi %add3A_2550, %add3A_2551 : i32
          %dma_start3A_2553 = arith.constant 0 : i32
          %dma_start3A_2554 = tpu.memref_slice %arg12[%add3A_2552, %dma_start3A_2553] : memref<160x128xi32, #tpu.memory_space<vmem>> -> memref<1x128xi32, #tpu.memory_space<vmem>>
          %dma_start3A_2555 = tpu.memref_squeeze %dma_start3A_2554 : memref<1x128xi32, #tpu.memory_space<vmem>> -> memref<128xi32, #tpu.memory_space<vmem>>
          %dma_start3A_2556 = arith.constant 0 : i32
          %dma_start3A_2557 = arith.constant 0 : i32
          %dma_start3A_2558 = tpu.memref_slice %arg10[%dma_start3A_2556, %dma_start3A_2557] : memref<10240x64xf32, #tpu.memory_space<hbm>> -> memref<10240x64xf32, #tpu.memory_space<hbm>>
          tpu.enqueue_indirect_dma source(%dma_start3A_2558 : memref<10240x64xf32, #tpu.memory_space<hbm>>) target(%arg17 : memref<128x64xf32, #tpu.memory_space<vmem>>) offsets(%dma_start3A_2555 : memref<128xi32, #tpu.memory_space<vmem>>) semaphore(%arg28 : memref<!tpu.dma_semaphore, #tpu.memory_space<semaphore_mem>>)
        } else {
        }
      }
      %scan3A_2410 = arith.constant 40 : i32
    } else {
    }
    %barrier3A_2233 = arith.constant 0 : index
    tpu.barrier barrier_id(%barrier3A_2233)
    "tpu.region"() ({
      %run_scoped3A_2234 = tpu.sem_alloc : memref<!tpu.dma_semaphore, #tpu.memory_space<semaphore_mem>>
      %dma_start3A_2235 = arith.constant 0 : i32
      %dma_start3A_2236 = tpu.memref_slice %arg8[%arg0, %mul3A_0, %dma_start3A_2235] : memref<2x10240x64xf32, #tpu.memory_space<hbm>> -> memref<1x640x64xf32, #tpu.memory_space<hbm>>
      %dma_start3A_2237 = tpu.memref_squeeze %dma_start3A_2236 : memref<1x640x64xf32, #tpu.memory_space<hbm>> -> memref<640x64xf32, #tpu.memory_space<hbm>>
      %dma_start3A_2238 = arith.constant 0 : i32
      %dma_start3A_2239 = tpu.memref_slice %arg22[%mul3A_0, %dma_start3A_2238] : memref<10240x64xf32, #tpu.memory_space<vmem_shared>> -> memref<640x64xf32, #tpu.memory_space<vmem_shared>>
      tpu.enqueue_dma source(%dma_start3A_2239 : memref<640x64xf32, #tpu.memory_space<vmem_shared>>) target(%dma_start3A_2237 : memref<640x64xf32, #tpu.memory_space<hbm>>) target_semaphore(%run_scoped3A_2234 : memref<!tpu.dma_semaphore, #tpu.memory_space<semaphore_mem>>)
      %dma_wait3A_2240 = arith.constant 0 : i32
      %dma_wait3A_2241 = tpu.memref_slice %arg8[%arg0, %mul3A_0, %dma_wait3A_2240] : memref<2x10240x64xf32, #tpu.memory_space<hbm>> -> memref<1x640x64xf32, #tpu.memory_space<hbm>>
      %dma_wait3A_2242 = tpu.memref_squeeze %dma_wait3A_2241 : memref<1x640x64xf32, #tpu.memory_space<hbm>> -> memref<640x64xf32, #tpu.memory_space<hbm>>
      %dma_wait3A_2243 = arith.constant 0 : i32
      %dma_wait3A_2244 = tpu.memref_slice %arg22[%mul3A_0, %dma_wait3A_2243] : memref<10240x64xf32, #tpu.memory_space<vmem_shared>> -> memref<640x64xf32, #tpu.memory_space<vmem_shared>>
      tpu.wait_dma2 semaphore(%run_scoped3A_2234 : memref<!tpu.dma_semaphore, #tpu.memory_space<semaphore_mem>>) src(%dma_wait3A_2244 : memref<640x64xf32, #tpu.memory_space<vmem_shared>>) dst(%dma_wait3A_2242 : memref<640x64xf32, #tpu.memory_space<hbm>>)
      tpu.yield
    }) : () -> ()
    return
  }
}

module attributes {stable_mosaic.version = 14 : i64} {
  func.func @_final_body(%arg0: i32, %arg1: memref<2x1024x64xf32, #tpu.memory_space<vmem>>, %arg2: memref<2x1024xf32, #tpu.memory_space<vmem>>, %arg3: memref<128x128xf32, #tpu.memory_space<vmem>>, %arg4: memref<1x128xf32, #tpu.memory_space<vmem>>, %arg5: memref<1024x128xf32, #tpu.memory_space<vmem>>) attributes {dimension_semantics = [#tpu.dimension_semantics<arbitrary>], iteration_bounds = array<i64: 10>, scalar_prefetch = 0 : i64, scratch_operands = 0 : i64, tpu.core_type = #tpu.core_type<tc>, window_params = [{transform_indices = @transform_0, window_bounds = array<i64: 2, 1024, 64>}, {transform_indices = @transform_1, window_bounds = array<i64: 2, 1024>}, {pipeline_mode = #tpu.pipeline_mode<synchronous>, transform_indices = @transform_2, window_bounds = array<i64: 128, 128>}, {pipeline_mode = #tpu.pipeline_mode<synchronous>, transform_indices = @transform_3, window_bounds = array<i64: 1, 128>}, {transform_indices = @transform_4, window_bounds = array<i64: 1024, 128>}]} {
    %get3A = arith.constant 0 : index
    %get3A_0 = arith.constant 0 : index
    %get3A_1 = arith.constant 0 : index
    %get3A_2 = vector.load %arg1[%get3A, %get3A_0, %get3A_1] : memref<2x1024x64xf32, #tpu.memory_space<vmem>>, vector<1x1024x64xf32>
    %get3A_3 = vector.shape_cast %get3A_2 : vector<1x1024x64xf32> to vector<1024x64xf32>
    %get3A_4 = arith.constant 1 : index
    %get3A_5 = arith.constant 0 : index
    %get3A_6 = arith.constant 0 : index
    %get3A_7 = vector.load %arg1[%get3A_4, %get3A_5, %get3A_6] : memref<2x1024x64xf32, #tpu.memory_space<vmem>>, vector<1x1024x64xf32>
    %get3A_8 = vector.shape_cast %get3A_7 : vector<1x1024x64xf32> to vector<1024x64xf32>
    %concatenate3A = tpu.concatenate %get3A_3, %get3A_8 in 1 : vector<1024x64xf32>, vector<1024x64xf32> -> vector<1024x128xf32>
    %get3A_9 = arith.constant 0 : index
    %get3A_10 = arith.constant 0 : index
    %get3A_11 = vector.load %arg2[%get3A_9, %get3A_10] : memref<2x1024xf32, #tpu.memory_space<vmem>>, vector<1x1024xf32>
    %get3A_12 = vector.shape_cast %get3A_11 : vector<1x1024xf32> to vector<1024xf32>
    %get3A_13 = arith.constant 1 : index
    %get3A_14 = arith.constant 0 : index
    %get3A_15 = vector.load %arg2[%get3A_13, %get3A_14] : memref<2x1024xf32, #tpu.memory_space<vmem>>, vector<1x1024xf32>
    %get3A_16 = vector.shape_cast %get3A_15 : vector<1x1024xf32> to vector<1024xf32>
    %add3A = arith.addf %get3A_12, %get3A_16 : vector<1024xf32>
    %max3A = arith.constant 1.000000e+00 : f32
    %max3A_17 = vector.broadcast %max3A : f32 to vector<1024xf32>
    %max3A_18 = arith.maximumf %add3A, %max3A_17 : vector<1024xf32>
    %rsqrt3A = math.rsqrt %max3A_18 : vector<1024xf32>
    %get3A_19 = arith.constant 0 : index
    %get3A_20 = arith.constant 0 : index
    %get3A_21 = vector.load %arg3[%get3A_19, %get3A_20] : memref<128x128xf32, #tpu.memory_space<vmem>>, vector<128x128xf32>
    %dot_general3A = arith.constant dense<0.000000e+00> : vector<1024x128xf32>
    %dot_general3A_22 = tpu.matmul %concatenate3A, %get3A_21, %dot_general3A {dimension_numbers = #tpu.dot_dimension_numbers<[1], [0], [0], [1], [0, 0, 1, 1], [], []>, precision = #tpu.contract_precision<fp32>, transpose_lhs_hint = false} : vector<1024x128xf32>, vector<128x128xf32>, vector<1024x128xf32> -> vector<1024x128xf32>
    %broadcast_in_dim3A = vector.shape_cast %rsqrt3A : vector<1024xf32> to vector<1024x1xf32>
    %mul3A = vector.broadcast %broadcast_in_dim3A : vector<1024x1xf32> to vector<1024x128xf32>
    %mul3A_23 = arith.mulf %dot_general3A_22, %mul3A : vector<1024x128xf32>
    %get3A_24 = arith.constant 0 : index
    %get3A_25 = arith.constant 0 : index
    %get3A_26 = vector.load %arg4[%get3A_24, %get3A_25] : memref<1x128xf32, #tpu.memory_space<vmem>>, vector<1x128xf32>
    %get3A_27 = vector.shape_cast %get3A_26 : vector<1x128xf32> to vector<128xf32>
    %broadcast_in_dim3A_28 = vector.shape_cast %get3A_27 : vector<128xf32> to vector<1x128xf32>
    %add3A_29 = vector.broadcast %broadcast_in_dim3A_28 : vector<1x128xf32> to vector<1024x128xf32>
    %add3A_30 = arith.addf %mul3A_23, %add3A_29 : vector<1024x128xf32>
    %swap3A = arith.constant 0 : index
    %swap3A_31 = arith.constant 0 : index
    %swap3A_32 = vector.load %arg5[%swap3A, %swap3A_31] : memref<1024x128xf32, #tpu.memory_space<vmem>>, vector<1024x128xf32>
    tpu.vector_store %arg5[%swap3A, %swap3A_31], %add3A_30 {strides = array<i32>} : memref<1024x128xf32, #tpu.memory_space<vmem>>, vector<1024x128xf32>,
    return
  }
  func.func @transform_0(%arg0: i32) -> (i32, i32, i32) {
    %c0_i32 = arith.constant 0 : i32
    %c0_i32_0 = arith.constant 0 : i32
    %c0_i32_1 = arith.constant 0 : i32
    return %c0_i32, %arg0, %c0_i32_0 : i32, i32, i32
  }
  func.func @transform_1(%arg0: i32) -> (i32, i32) {
    %c0_i32 = arith.constant 0 : i32
    %c0_i32_0 = arith.constant 0 : i32
    return %c0_i32, %arg0 : i32, i32
  }
  func.func @transform_2(%arg0: i32) -> (i32, i32) {
    %c0_i32 = arith.constant 0 : i32
    %c0_i32_0 = arith.constant 0 : i32
    %c0_i32_1 = arith.constant 0 : i32
    return %c0_i32, %c0_i32_0 : i32, i32
  }
  func.func @transform_3(%arg0: i32) -> (i32, i32) {
    %c0_i32 = arith.constant 0 : i32
    %c0_i32_0 = arith.constant 0 : i32
    %c0_i32_1 = arith.constant 0 : i32
    return %c0_i32, %c0_i32_0 : i32, i32
  }
  func.func @transform_4(%arg0: i32) -> (i32, i32) {
    %c0_i32 = arith.constant 0 : i32
    %c0_i32_0 = arith.constant 0 : i32
    return %arg0, %c0_i32 : i32, i32
  }
}

</mosaic_0001>

<sc_bundles>
// kernel: kernel.4.cloned.1.call-start
scs
__scs_entry_jumppad:
0x0: {  	(pc) =	sbr.rel $0x88, $3  }
0x1: {  	(tag) =	ssettag $0x0;
	lr =	simm.s32 $0x1  }
0x2: {  	[smem:$0x3F9D] =	sst lr;
	_ =	strace $0xD0000000  }
0x3: {  	_ = 	snop  }
0x4: {  	_ = 	snop  }
0x5: {  	_ = 	snop  }
0x6: {  	_ = 	snop  }
0x7: {  	_ = 	snop  }
__scs_overlays_trampoline_lowered:
0x8: {  	[smem:$0x3FAC] =	sst s0  }
0x9: {  	[smem:$0x3FAD] =	sst s1  }
0xa: {  	[smem:$0x3FAE] =	sst s2  }
0xb: {  	[smem:$0x3FAF] =	sst s3  }
0xc: {  	[smem:$0x3FB0] =	sst s4  }
0xd: {  	[smem:$0x3FB1] =	sst s5  }
0xe: {  	[smem:$0x3FB2] =	sst s6  }
0xf: {  	[smem:$0x3FB3] =	sst s7  }
0x10: {  	[smem:$0x3FB4] =	sst s8  }
0x11: {  	[smem:$0x3FB5] =	sst s9;
	s0 =	simm.s32 @!p0 $0x0  }
0x12: {  	s1 =	sld [smem:$0x3F9B];
	s0 =	simm.s32 @p0 $0x1  }
0x13: {  	[smem:$0x3FB6] =	sst s0;
	s0 =	simm.s32 @!p1 $0x0  }
0x14: {  	s2 =	sld [smem:$0x3F9A];
	s0 =	simm.s32 @p1 $0x1  }
0x15: {  	[smem:$0x3FB7] =	sst s0;
	s0 =	simm.s32 @!p2 $0x0  }
0x16: {  	s3 =	sld [smem:$0x3FDB];
	s0 =	simm.s32 @p2 $0x1  }
0x17: {  	s4 =	simm.s32 $0x1BF5;
	[smem:$0x3FB9] =	sst s0  }
0x18: {  	s0 =	sld [smem:$0x3F9C];
	_ =	swait.ge [sflag:s4], $0x0  }
0x19: {  	s7 =	sld [smem:$0x3F9D]  }
0x1a: {  	s8 =	sadd.s32 $0xFFFFE003, lr  }
0x1b: {  	s9 =	sadd.s32 $0xFFFFFEF7, lr;
	s5 =	simm.s32 $0xFFFFFFFF;
	p2 =	slt.u32 s8, $0xFFFFF086  }
0x1c: {  	p1 =	slt.u32 s9, $0xF7A;
	s5 =	simm.s32 @!p2 $0x0  }
0x1d: {  	s5 =	simm.s32 @p1 $0x1;
	p0 =	seq.s32 s7, s2  }
0x1e: {  	s7 =	smul.u32 @!p0 $0xF7A, s2;
	p2 =	seq.s32 @!p0 s5, $0x0  }
0x1f: {  	s9 =	smul.u32 $0xF7A, s1;
	s8 =	simm.s32 @!p0 $0x1BF5;
	p2 =	por !p2, p0  }
0x20: {  	[sflag:s8] =	ssyncset.s32 @!p0 $0xFFFFF086;
	s6 =	sadd.s32 @!p0 s3, s7;
	s7 =	simm.s32 @!p0 $0x108  }
0x21: {  	s3 =	sadd.s32 s3, s9;
	s6 =	sadd.s32 @!p0 $0x88, s6;
	s7 =	simm.s32 @p2 $0x1082  }
0x22: {  	[simem:s7], [sflag:s8] =	dma.local @!p0 [hbm:s6], $0xF7A  }
0x23: {  	s9 =	sor.u32 $0xD0000000, s2;
	s6 =	simm.s32 $0x108;
	_ =	swait.ge @!p0 [sflag:s8], $0x0  }
0x24: {  	s3 =	sadd.s32 $0x88, s3;
	s6 =	simm.s32 @!p1 $0x1082;
	[sflag:s4] =	ssyncset.s32 $0xFFFFF086  }
0x25: {  	[simem:s6], [sflag:s4] =	dma.local [hbm:s3], $0xF7A  }
0x26: {  	[smem:$0x3F9D] =	sst s1;
	(tag) =	ssettag s2;
	_ =	strace s9  }
0x27: {  	s1 =	sld [smem:$0x3FAD]  }
0x28: {  	s2 =	sld [smem:$0x3FAE]  }
0x29: {  	s4 =	sld [smem:$0x3FB0]  }
0x2a: {  	p0 =	seq.s32 s5, $0x0;
	s5 =	sld [smem:$0x3FB1]  }
0x2b: {  	s6 =	sld [smem:$0x3FB2]  }
0x2c: {  	s7 =	sld [smem:$0x3FB3]  }
0x2d: {  	s3 =	simm.s32 $0x108;
	s8 =	sld [smem:$0x3FB4]  }
0x2e: {  	s3 =	simm.s32 @!p0 $0x1082;
	s9 =	sld [smem:$0x3FB5]  }
0x2f: {  	lr =	sadd.s32 s0, s3;
	s0 =	sld [smem:$0x3FAC]  }
0x30: {  	s3 =	sld [smem:$0x3FAF]  }
0x31: {  	[smem:$0x3FB8] =	sst s10  }
0x32: {  	s10 =	sld [smem:$0x3FB6];
	_ =	sdelay $0x3  }
0x33: {  	p0 =	seq.s32 s10, $0x1;
	s10 =	sld [smem:$0x3FB8];
	_ =	sdelay $0x3  }
0x34: {  	[smem:$0x3FB8] =	sst s10  }
0x35: {  	s10 =	sld [smem:$0x3FB7];
	_ =	sdelay $0x3  }
0x36: {  	p1 =	seq.s32 s10, $0x1;
	s10 =	sld [smem:$0x3FB8];
	_ =	sdelay $0x3  }
0x37: {  	[smem:$0x3FB8] =	sst s10  }
0x38: {  	s10 =	sld [smem:$0x3FB9]  }
0x39: {  	_ = 	snop;
	(pc) =	sbr.ind lr, $3  }
0x3a: {  	_ = 	snop  }
0x3b: {  	_ = 	snop  }
0x3c: {  	p2 =	seq.s32 s10, $0x1;
	s10 =	sld [smem:$0x3FB8]  }
0x3d: {  	_ =	shalt  }
0x3e: {  	_ =	shalt  }
0x3f: {  	_ =	shalt  }
0x40: {  	_ =	shalt  }
0x41: {  	_ =	shalt  }
0x42: {  	_ =	shalt  }
0x43: {  	_ =	shalt  }
0x44: {  	_ =	shalt  }
0x45: {  	_ =	shalt  }
0x46: {  	_ =	shalt  }
0x47: {  	_ =	shalt  }
0x48: {  	_ =	shalt  }
0x49: {  	_ =	shalt  }
0x4a: {  	_ =	shalt  }
0x4b: {  	_ =	shalt  }
0x4c: {  	_ =	shalt  }
0x4d: {  	_ =	shalt  }
0x4e: {  	_ =	shalt  }
0x4f: {  	_ =	shalt  }
0x50: {  	_ =	shalt  }
0x51: {  	_ =	shalt  }
0x52: {  	_ =	shalt  }
0x53: {  	_ =	shalt  }
0x54: {  	_ =	shalt  }
0x55: {  	_ =	shalt  }
0x56: {  	_ =	shalt  }
0x57: {  	_ =	shalt  }
0x58: {  	_ =	shalt  }
0x59: {  	_ =	shalt  }
0x5a: {  	_ =	shalt  }
0x5b: {  	_ =	shalt  }
0x5c: {  	_ =	shalt  }
0x5d: {  	_ =	shalt  }
0x5e: {  	_ =	shalt  }
0x5f: {  	_ =	shalt  }
0x60: {  	_ =	shalt  }
0x61: {  	_ =	shalt  }
0x62: {  	_ =	shalt  }
0x63: {  	_ =	shalt  }
0x64: {  	_ =	shalt  }
0x65: {  	_ =	shalt  }
0x66: {  	_ =	shalt  }
0x67: {  	_ =	shalt  }
0x68: {  	_ =	shalt  }
0x69: {  	_ =	shalt  }
0x6a: {  	_ =	shalt  }
0x6b: {  	_ =	shalt  }
0x6c: {  	_ =	shalt  }
0x6d: {  	_ =	shalt  }
0x6e: {  	_ =	shalt  }
0x6f: {  	_ =	shalt  }
0x70: {  	_ =	shalt  }
0x71: {  	_ =	shalt  }
0x72: {  	_ =	shalt  }
0x73: {  	_ =	shalt  }
0x74: {  	_ =	shalt  }
0x75: {  	_ =	shalt  }
0x76: {  	_ =	shalt  }
0x77: {  	_ =	shalt  }
0x78: {  	_ =	shalt  }
0x79: {  	_ =	shalt  }
0x7a: {  	_ =	shalt  }
0x7b: {  	_ =	shalt  }
0x7c: {  	_ =	shalt  }
0x7d: {  	_ =	shalt  }
0x7e: {  	_ =	shalt  }
0x7f: {  	_ =	shalt  }
0x80: {  	_ =	shalt  }
0x81: {  	_ =	shalt  }
0x82: {  	_ =	shalt  }
0x83: {  	_ =	shalt  }
0x84: {  	_ =	shalt  }
0x85: {  	_ =	shalt  }
0x86: {  	_ =	shalt  }
0x87: {  	_ =	shalt  }
.Lfunc_end0:
.L_simem_size_0:
called_computation_lowered:
.L_overlay_start_0:
0x88: {  	s2 =	sld [smem:$0x3FD9]  }
0x89: {  	s3 =	sld [smem:$0x3FFE];
	_ =	sdelay $0x1  }
0x8a: {  	s1 =	srdreg.scid  }
0x8b: {  	s0 =	sand.u32 $0x1, s1  }
0x8c: {  	s17 =	sshll.u32 s0, $0xA;
	s2 =	sadd.s32 s3, s2  }
0x8d: {  	s2 =	sadd.s32 s2, s17  }
0x8e: {  	[smem:$0x3FC4] =	sst s2  }
0x8f: {  	_ = 	snop  }
0x90: {  	s2 =	sld [smem:$0x3FD0];
	(tm) =	ssettm $0x1  }
0x91: {  	s18 =	sld [smem:$0x3FFB];
	_ =	sdelay $0x3  }
0x92: {  	_ =	strace s18  }
0x93: {  	s3 =	sld [smem:$0x3FFC];
	_ =	sdelay $0x3  }
0x94: {  	_ =	strace s3  }
0x95: {  	s3 =	sld [smem:$0x3FFD];
	_ =	sdelay $0x3  }
0x96: {  	_ =	strace s3  }
0x97: {  	_ =	strace $0x8FFFFFFF  }
0x98: {  	s19 =	sld [smem:$0x3FDB];
	_ =	sdelay $0x1  }
0x99: {  	s4 =	simm.s32 $_scs_section_size  }
0x9a: {  	s5 =	simm.s32 $_size__tile_overlayer_lowered;
	s6 =	simm.s32 $_tile_overlayer_lowered  }
0x9b: {  	s22 =	simm.s32 $0x1BFF;
	s21 =	sshll.u32 s6, $0x1;
	s3 =	sadd.s32 s4, s19  }
0x9c: {  	s7 =	simm.s32 $0x0;
	s20 =	sshll.u32 s5, $0x1;
	s5 =	sadd.s32 s21, s3  }
0x9d: {  	[timem:s7], [sflag:s22] =	dma.local [hbm:s5], s20  }
0x9e: {  	_ =	swait.ge [sflag:s22], s20  }
0x9f: {  	s4 =	ssub.s32 $0x0, s20;
	[sflag:s22] =	ssyncset.done $0x0  }
0xa0: {  	[sflag:s22] =	ssyncadd.s32 s4;
	_ =	sdelay $0x1  }
0xa1: {  	s23 =	simm.s32 $0x1B8B  }
0xa2: {  	_ =	swait.ge [sflag:s23], $0x1  }
0xa3: {  	[sflag:s23] =	ssyncset.done $0x0  }
0xa4: {  	s25 =	simm.s32 $0x1B8E;
	s24 =	sld [smem:$0x3FFE];
	[sflag:s23] =	ssyncadd.s32 $0xFFFFFFFF  }
0xa5: {  	s26 =	simm.s32 $execute0_lowered;
	[smem:$0x3FD2] =	sst s25  }
0xa6: {  	s5 =	sshll.u32 s26, $0x1;
	_ =	strace $0x80000046;
	[dreg:$0x1] =	wrdreg $0xFFFFFFFF  }
0xa7: {  	s28 =	simm.s32 $_size_execute0_lowered;
	s3 =	sadd.s32 s3, s5;
	[dreg:$0x0] =	wrdreg $0x0  }
0xa8: {  	s5 =	sshll.u32 s28, $0x1;
	[dreg:$0x2] =	wrdreg s3  }
0xa9: {  	[dreg:$0x3] =	wrdreg s5  }
0xaa: {  	[dreg:$0x4] =	wrdreg $0xC0  }
0xab: {  	_ =	task [dreg:s7], $0x5FFFF  }
0xac: {  	[dreg:$0x1] =	wrdreg $0xFFFFFFFF  }
0xad: {  	[dreg:$0x0] =	wrdreg $0x60  }
0xae: {  	[dreg:$0x2] =	wrdreg s2  }
0xaf: {  	[dreg:$0x3] =	wrdreg s24  }
0xb0: {  	[dreg:$0x4] =	wrdreg $0x14F800  }
0xb1: {  	[dreg:$0x5] =	wrdreg $0x1EF800  }
0xb2: {  	[dreg:$0x6] =	wrdreg $0x1F2000  }
0xb3: {  	[dreg:$0x7] =	wrdreg $0x9  }
0xb4: {  	_ =	task.clear_ibuf [dreg:s7], $0x8FFFF;
	_ =	strace $0x90000046  }
0xb5: {  	s29 =	simm.s32 $0x9;
	_ =	strace $0x80000048  }
0xb6: {  	_ =	swait.ge [sflag:s29], $0x1  }
0xb7: {  	[sflag:s29] =	ssyncadd.s32 $0xFFFFFFFF  }
0xb8: {  	_ =	strace $0x90000048  }
0xb9: {  	_ =	sfence  }
0xba: {  	s30 =	sld [smem:$0x0];
	_ =	sdelay $0x2  }
0xbb: {  	s31 =	sshll.u32 s1, $0xD;
	s1 =	sshrl.u32 s1, $0x2  }
0xbc: {  	s3 =	sand.u32 $0x4000, s31;
	s1 =	sadd.s32 s1, s30  }
0xbd: {  	s0 =	sor.u32 s3, s0;
	s1 =	sshll.u32 s1, $0x11  }
0xbe: {  	s0 =	sor.u32 s1, s0  }
0xbf: {  	s0 =	sadd.s32 $0x8F2B, s0  }
0xc0: {  	[sflag:s0] =	ssyncadd.remote.s32 $0x1  }
0xc1: {  	_ =	sfence.sel $0xFFFF  }
0xc2: {  	[dreg:$0x0] =	wrdreg $0xFFFFFFFF;
	(pc) =	sbr.abs _section_cstart, $3  }
0xc3: {  	[dreg:$0x1] =	wrdreg $0xFFFFFFFF  }
0xc4: {  	_ =	task.clear_ibuf [dreg:s7], $0x2FFFF;
	_ =	strace $0x9FFFFFFF  }
0xc5: {  	(tm) =	ssettm $0x7FFFFFFF  }
tec
execute0_lowered:
.L_overlay_start_1:
0x0: {  	(tag) =	ssettag $0x1  }
0x1: {  	s0 =	rddreg [dreg:$0x0]  }
0x2: {  	s1 =	rddreg [dreg:$0x1]  }
0x3: {  	s2 =	rddreg [dreg:$0x2]  }
0x4: {  	s3 =	rddreg [dreg:$0x3];
	s19 =	stileid.u32  }
0x5: {  	s4 =	rddreg [dreg:$0x4];
	s6 =	smul.u32 $0xA00, s19  }
0x6: {  	s7 =	srdreg.scid;
	s5 =	simm.s32 $0x0;
	s10 =	smul.u32 $0xA000, s19  }
0x7: {  	s28 =	simm.s32 $0x1;
	s7 =	sand.u32 $0x1, s7;
	s11 =	smul.u32 $0x280, s19  }
0x8: {  	[smem:$0x7FF] =	sst s5;
	s12 =	sadd.s32 $0x14800, s1;
	s8 =	smul.u32 $0xA0000, s7  }
0x9: {  	s14 =	sadd.s32 $0x28E00, s1;
	_ =	strace $0x80000047;
	s9 =	smul.u32 $0x2800, s7  }
0xa: {  	[dreg:$0x6] =	wrdreg s14;
	s16 =	ssub.s32 $0x2, s7;
	s13 =	sadd.s32 s6, s1  }
0xb: {  	s6 =	sadd.s32 $0x28800, s1;
	s22 =	sshrl.u32 s16, $0x1;
	s23 =	sadd.s32 s10, s2  }
0xc: {  	s25 =	sshrl.u32 s11, $0x3;
	s8 =	sadd.s32 s10, s8;
	s9 =	sadd.s32 s11, s9  }
0xd: {  	[dreg:$0x7] =	wrdreg s23;
	s24 =	sadd.s32 $0xA800, s13;
	s13 =	sadd.s32 $0x800, s13  }
0xe: {  	s10 =	sshrl.u32 s10, $0x3;
	s8 =	sshrl.u32 s8, $0x3;
	[dreg:$0x8] =	wrdreg s24  }
0xf: {  	s21 =	sshrl.u32 s9, $0x3;
	s9 =	sadd.s32 $0x3E200, s1;
	[dreg:$0x9] =	wrdreg s13  }
0x10: {  	s13 =	sadd.s32 s11, s3;
	s11 =	sadd.s32 s11, s4;
	s26 =	sadd.s32 $0x400, s10  }
0x11: {  	s17 =	sadd.s32 s0, s10;
	s15 =	sadd.s32 s8, s1;
	[dreg:$0xa] =	wrdreg s11  }
0x12: {  	s8 =	sadd.s32 $0x2A200, s1;
	[dreg:$0xc] =	wrdreg s17;
	s18 =	sadd.s32 s0, s26  }
0x13: {  	s1 =	sadd.s32 s21, s1;
	s21 =	sadd.s32 s12, s10;
	[dreg:$0xd] =	wrdreg s18  }
0x14: {  	v0 =	vlaneseq.u32;
	s16 =	ssub.s32 s16, s22;
	s22 =	sadd.s32 s9, s10;
	[dreg:$0x12] =	wrdreg s21  }
0x15: {  	s29 =	simm.s32 $0x2;
	v1 =	vor.u32 $0x10, v0;
	s24 =	sadd.s32 s12, s26;
	[dreg:$0x13] =	wrdreg s22  }
0x16: {  	[tilespmem:$0x1FEB0] =	vst v1;
	v1 =	vor.u32 $0x20, v0;
	s14 =	sadd.s32 s6, s25;
	s25 =	sadd.s32 s9, s26;
	[dreg:$0x15] =	wrdreg s24  }
0x17: {  	[tilespmem:$0x1FEC0] =	vst v1;
	v1 =	vor.u32 $0x30, v0;
	s11 =	sadd.s32 $0x800, s10;
	s1 =	sadd.s32 $0x52200, s1;
	[dreg:$0x16] =	wrdreg s25  }
0x18: {  	s30 =	simm.s32 $0x3;
	[tilespmem:$0x1FED0] =	vst v1;
	v1 =	vor.u32 $0x40, v0;
	s17 =	sadd.s32 s0, s11;
	[dreg:$0xb] =	wrdreg s1  }
0x19: {  	s31 =	simm.s32 $0x4;
	[tilespmem:$0x1FEE0] =	vst v1;
	v1 =	vor.u32 $0x50, v0;
	s23 =	sadd.s32 s8, s26;
	[dreg:$0xe] =	wrdreg s17  }
0x1a: {  	p0 =	seq.s32 s7, $0x1;
	[tilespmem:$0x1FEF0] =	vst v1;
	v1 =	vor.u32 $0x60, v0;
	s26 =	sadd.s32 s8, s11;
	[dreg:$0x14] =	wrdreg s23  }
0x1b: {  	s18 =	sadd.s32 $0x1000, s10;
	s25 =	sadd.s32 $0x52C00, s15;
	[tilespmem:$0x1FF00] =	vst v1;
	v1 =	vor.u32 $0x70, v0;
	[dreg:$0x17] =	wrdreg s26  }
0x1c: {  	s15 =	simm.s32 $0x14D00;
	s1 =	sadd.s32 s12, s11;
	[smem:$0x7FB] =	sst s25;
	[tilespmem:$0x1FF10] =	vst v1;
	v1 =	vor.u32 $0x80, v0  }
0x1d: {  	s17 =	sadd.s32 $0xC00, s10;
	s23 =	sadd.s32 s8, s18;
	[dreg:$0x18] =	wrdreg s1;
	[tilespmem:$0x1FF20] =	vst v1;
	v1 =	vor.u32 $0x90, v0  }
0x1e: {  	s24 =	sadd.s32 s9, s18;
	s26 =	smax.u32 s16, $0x1;
	[dreg:$0x1e] =	wrdreg s23;
	[tilespmem:$0x1FF30] =	vst v1;
	v1 =	vor.u32 $0xA0, v0  }
0x1f: {  	s16 =	simm.s32 $0xA000;
	s20 =	sadd.s32 s0, s17;
	[dreg:$0x1f] =	wrdreg s24;
	[tilespmem:$0x1FF40] =	vst v1;
	v1 =	vor.u32 $0xB0, v0  }
0x20: {  	s0 =	sadd.s32 s0, s18;
	s21 =	sadd.s32 s8, s17;
	[smem:$0x7FC] =	sst s26;
	[tilespmem:$0x1FF50] =	vst v1;
	v1 =	vor.u32 $0xC0, v0  }
0x21: {  	s22 =	sadd.s32 s9, s17;
	s26 =	simm.s32 $0x12000;
	[dreg:$0xf] =	wrdreg s20;
	[tilespmem:$0x1FF60] =	vst v1;
	v1 =	vor.u32 $0xD0, v0  }
0x22: {  	v40 =	vimm.f32 $1.000000000e+00;
	v22 =	vor.u32 $0x160, v0;
	s23 =	simm.s32 $0x14D80;
	s24 =	simm.s32 $0x12800;
	[dreg:$0x10] =	wrdreg s0;
	[tilespmem:$0x1FF70] =	vst v1;
	v1 =	vor.u32 $0xE0, v0  }
0x23: {  	v23 =	vor.u32 $0x170, v0;
	v24 =	vor.u32 $0x180, v0;
	s1 =	simm.s32 $0xC000;
	s20 =	sadd.s32 s8, s10;
	[dreg:$0x1c] =	wrdreg s21;
	[tilespmem:$0x1FF80] =	vst v1;
	v1 =	vor.u32 $0xF0, v0  }
0x24: {  	v25 =	vor.u32 $0x190, v0;
	v26 =	vor.u32 $0x1A0, v0;
	s10 =	sadd.s32 s9, s11;
	s11 =	sadd.s32 s12, s17;
	[dreg:$0x1d] =	wrdreg s22;
	[tilespmem:$0x1FF90] =	vst v1;
	v1 =	vor.u32 $0x100, v0  }
0x25: {  	v27 =	vor.u32 $0x1B0, v0;
	v28 =	vor.u32 $0x1C0, v0;
	s12 =	sadd.s32 s12, s18;
	[dreg:$0x11] =	wrdreg s20;
	s20 =	smul.u32 $0xA000, s7;
	[tilespmem:$0x1FFA0] =	vst v1;
	v1 =	vor.u32 $0x110, v0  }
.Ltmp0:
0x26: {  	v29 =	vor.u32 $0x1D0, v0;
	v30 =	vor.u32 $0x1E0, v0;
	s22 =	sshll.u32 s19, $0x6;
	s17 =	simm.s32 $0x5;
	[tilespmem:$0x1FFB0] =	vst v1;
	v1 =	vor.u32 $0x120, v0;
	(pc) =	sbr.rel .LBB2_1-.Ltmp0, $4  }
0x27: {  	v31 =	vor.u32 $0x1F0, v0;
	v32 =	vor.u32 $0x200, v0;
	s18 =	simm.s32 $0x14A80;
	s21 =	simm.s32 $0xE000;
	[dreg:$0x19] =	wrdreg s10;
	[tilespmem:$0x1FFC0] =	vst v1;
	v1 =	vor.u32 $0x130, v0  }
0x28: {  	v33 =	vor.u32 $0x210, v0;
	v34 =	vor.u32 $0x220, v0;
	s19 =	simm.s32 $0x10000;
	[dreg:$0x1a] =	wrdreg s11;
	s0 =	sshrl.u32 s20, $0x2;
	[tilespmem:$0x1FFD0] =	vst v1;
	v1 =	vor.u32 $0x140, v0  }
0x29: {  	v35 =	vor.u32 $0x230, v0;
	v36 =	vor.u32 $0x240, v0;
	[dreg:$0x1b] =	wrdreg s12;
	s25 =	sor.u32 $0x1C01, s22;
	s0 =	sadd.s32 $0x5040, s0;
	[tilespmem:$0x1FFE0] =	vst v1;
	v1 =	vor.u32 $0x150, v0  }
0x2a: {  	v37 =	vor.u32 $0x250, v0;
	v38 =	vor.u32 $0x260, v0;
	v39 =	vor.u32 $0x270, v0;
	s20 =	simm.s32 $0x0;
	[smem:$0x7FD] =	sst s0;
	s0 =	simm.s32 $0x80;
	[tilespmem:$0x1FFF0] =	vst v1  }
.LBB2_31:
0x2b: {  	[tilespmem:s19], [sflag:$0x4] =	stream.indirect.gather [hbm4b:s9+s0], $0x40, s11, s0, $0xb8;
	[tilespmem:$0x1F480] =	vst v63  }
0x2c: {  	s15 =	simm.s32 $0x14D00;
	s24 =	simm.s32 $0x12800  }
.LBB2_32:
0x2d: {  	_ =	swait.ge [sflag:s28], $0x2000  }
0x2e: {  	[sflag:s28] =	ssyncset.done $0x0  }
0x2f: {  	s10 =	simm.s32 $0x9E00;
	[sflag:s28] =	ssyncadd.s32 $0xFFFFE000  }
0x30: {  	[spmem:s2] =	stream.indirect.scatter.add.f32 [tilespmem:s16], [sflag:$0x1], $0x40, s10, s0, $0xb8;
	[tilespmem:$0x1F480] =	vst v63  }
0x31: {  	_ =	swait.ge [sflag:s29], $0x2000  }
0x32: {  	[sflag:s29] =	ssyncset.done $0x0  }
0x33: {  	s11 =	simm.s32 $0x9E80;
	[sflag:s29] =	ssyncadd.s32 $0xFFFFE000  }
0x34: {  	[spmem:s2] =	stream.indirect.scatter.add.f32 [tilespmem:s1], [sflag:$0x2], $0x40, s11, s0, $0xb8;
	[tilespmem:$0x1F480] =	vst v63  }
0x35: {  	_ =	swait.ge [sflag:s30], $0x2000  }
0x36: {  	[sflag:s30] =	ssyncset.done $0x0  }
0x37: {  	s12 =	simm.s32 $0x9F00;
	[sflag:s30] =	ssyncadd.s32 $0xFFFFE000  }
0x38: {  	[spmem:s2] =	stream.indirect.scatter.add.f32 [tilespmem:s21], [sflag:$0x3], $0x40, s12, s0, $0xb8;
	[tilespmem:$0x1F480] =	vst v63  }
0x39: {  	_ =	swait.ge [sflag:s31], $0x2000  }
0x3a: {  	[sflag:s31] =	ssyncset.done $0x0  }
0x3b: {  	s11 =	simm.s32 $0x9F80;
	[sflag:s31] =	ssyncadd.s32 $0xFFFFE000  }
0x3c: {  	[spmem:s2] =	stream.indirect.scatter.add.f32 [tilespmem:s19], [sflag:$0x4], $0x40, s11, s0, $0xb8;
	[tilespmem:$0x1F480] =	vst v63  }
0x3d: {  	_ =	swait.ge [sflag:s28], $0x2000  }
0x3e: {  	[sflag:s28] =	ssyncset.done $0x0  }
0x3f: {  	[sflag:s28] =	ssyncadd.s32 $0xFFFFE000  }
0x40: {  	_ =	swait.ge [sflag:s29], $0x2000  }
0x41: {  	[sflag:s29] =	ssyncset.done $0x0  }
0x42: {  	[sflag:s29] =	ssyncadd.s32 $0xFFFFE000  }
0x43: {  	_ =	swait.ge [sflag:s30], $0x2000  }
0x44: {  	[sflag:s30] =	ssyncset.done $0x0  }
0x45: {  	[sflag:s30] =	ssyncadd.s32 $0xFFFFE000  }
0x46: {  	_ =	swait.ge [sflag:s31], $0x2000  }
0x47: {  	[sflag:s31] =	ssyncset.done $0x0  }
0x48: {  	[sflag:s31] =	ssyncadd.s32 $0xFFFFE000  }
0x49: {  	[bflag:$0x0] =	sbarrier.arrive $0xFFFF  }
0x4a: {  	s12 =	sld [smem:$0x7FB];
	_ =	sdelay $0x2  }
0x4b: {  	[hbm:s12], [sflag:s23] =	dma.local [spmem:s7], $0x1400  }
0x4c: {  	_ =	swait.ge [sflag:s17], $0x1400  }
0x4d: {  	s23 =	sld [smem:$0x7FC];
	_ =	sdelay $0x1  }
0x4e: {  	s20 =	sadd.s32 $0x1, s20  }
0x4f: {  	p1 =	sne.s32 s20, s23  }
.Ltmp1:
0x50: {  	_ = 	snop;
	(pc) =	sbr.rel @!p1 .LBB2_33-.Ltmp1, $3  }
0x51: {  	_ =	sdelay $0x1  }
0x52: {  	[sflag:s17] =	ssyncset.done $0x0  }
0x53: {  	[sflag:s17] =	ssyncadd.s32 $0xFFFFEC00;
	s23 =	simm.s32 $0x14D80  }
.LBB2_1:
0x54: {  	s7 =	rddreg [dreg:$0x7]  }
0x55: {  	s10 =	rddreg [dreg:$0x6];
	s7 =	sshrl.u32 s7, $0x3  }
0x56: {  	[spmem:s7], [sflag:s25] =	dma.local [hbm:s10], $0x1400  }
0x57: {  	s10 =	rddreg [dreg:$0x8]  }
0x58: {  	[tilespmem:s5], [sflag:$0x2] =	stream.linear.gather [hbm4b:s10+s5], $0x5000, $0x38;
	[tilespmem:$0x1F480] =	vst v63  }
0x59: {  	s11 =	simm.s32 $0x5000;
	s12 =	rddreg [dreg:$0x9]  }
0x5a: {  	[tilespmem:s11], [sflag:$0x3] =	stream.linear.gather [hbm4b:s12+s5], $0x5000, $0x38;
	[tilespmem:$0x1F480] =	vst v63  }
0x5b: {  	s11 =	sshrl.u32 s13, $0x3  }
0x5c: {  	[tilespmem:s26], [sflag:$0x4] =	stream.linear.gather [hbm4b:s6+s5], $0x2800, $0x38;
	[tilespmem:$0x1F480] =	vst v63  }
0x5d: {  	[spmem:s11], [sflag:s25] =	dma.local [hbm:s14], $0x50  }
0x5e: {  	s10 =	rddreg [dreg:$0xa]  }
0x5f: {  	s12 =	sor.u32 $0x1C02, s22;
	s10 =	sshrl.u32 s10, $0x3  }
0x60: {  	[spmem:s10], [sflag:s12] =	dma.local [hbm:s14], $0x50  }
0x61: {  	v1 =	vld [tilespmem:$0x1FEB0];
	_ =	sdelay $0x4  }
0x62: {  	[tilespmem:$0x14D10] =	vst v1;
	v1 =	vld [tilespmem:$0x1FEC0];
	_ =	sdelay $0x4  }
0x63: {  	[tilespmem:$0x14D20] =	vst v1;
	v1 =	vld [tilespmem:$0x1FED0];
	_ =	sdelay $0x4  }
0x64: {  	[tilespmem:$0x14D30] =	vst v1;
	v1 =	vld [tilespmem:$0x1FEE0];
	_ =	sdelay $0x4  }
0x65: {  	[tilespmem:$0x14D40] =	vst v1;
	v1 =	vld [tilespmem:$0x1FEF0];
	_ =	sdelay $0x4  }
0x66: {  	[tilespmem:$0x14D50] =	vst v1;
	v1 =	vld [tilespmem:$0x1FF00];
	_ =	sdelay $0x4  }
0x67: {  	[tilespmem:$0x14D60] =	vst v1;
	v1 =	vld [tilespmem:$0x1FF10];
	_ =	sdelay $0x4  }
0x68: {  	[tilespmem:$0x14D70] =	vst v1;
	v1 =	vld [tilespmem:$0x1FF20];
	_ =	sdelay $0x4  }
0x69: {  	[tilespmem:$0x14D80] =	vst v1;
	v1 =	vld [tilespmem:$0x1FF30];
	_ =	sdelay $0x4  }
0x6a: {  	[tilespmem:$0x14D90] =	vst v1;
	v1 =	vld [tilespmem:$0x1FF40];
	_ =	sdelay $0x4  }
0x6b: {  	[tilespmem:$0x14DA0] =	vst v1;
	v1 =	vld [tilespmem:$0x1FF50];
	_ =	sdelay $0x4  }
0x6c: {  	[tilespmem:$0x14DB0] =	vst v1;
	v1 =	vld [tilespmem:$0x1FF60];
	_ =	sdelay $0x4  }
0x6d: {  	[tilespmem:$0x14DC0] =	vst v1;
	v1 =	vld [tilespmem:$0x1FF70];
	_ =	sdelay $0x4  }
0x6e: {  	[tilespmem:$0x14DD0] =	vst v1;
	v1 =	vld [tilespmem:$0x1FF80];
	_ =	sdelay $0x4  }
0x6f: {  	[tilespmem:$0x14DE0] =	vst v1;
	v1 =	vld [tilespmem:$0x1FF90];
	_ =	sdelay $0x4  }
0x70: {  	[tilespmem:$0x14DF0] =	vst v1;
	v1 =	vld [tilespmem:$0x1FFA0];
	_ =	sdelay $0x4  }
0x71: {  	[tilespmem:$0x14E00] =	vst v1;
	v1 =	vld [tilespmem:$0x1FFB0];
	_ =	sdelay $0x1  }
0x72: {  	[tilespmem:$0x14D00] =	vst v0  }
0x73: {  	[tilespmem:$0x14E60] =	vst v22  }
0x74: {  	[tilespmem:$0x14E70] =	vst v23  }
0x75: {  	[tilespmem:$0x14E10] =	vst v1;
	v1 =	vld [tilespmem:$0x1FFC0]  }
0x76: {  	[tilespmem:$0x14E80] =	vst v24  }
0x77: {  	[tilespmem:$0x14E90] =	vst v25  }
0x78: {  	[tilespmem:$0x14EA0] =	vst v26  }
0x79: {  	[tilespmem:$0x14EB0] =	vst v27  }
0x7a: {  	[tilespmem:$0x14E20] =	vst v1;
	v1 =	vld [tilespmem:$0x1FFD0]  }
0x7b: {  	[tilespmem:$0x14EC0] =	vst v28  }
0x7c: {  	[tilespmem:$0x14ED0] =	vst v29  }
0x7d: {  	[tilespmem:$0x14EE0] =	vst v30  }
0x7e: {  	[tilespmem:$0x14EF0] =	vst v31  }
0x7f: {  	[tilespmem:$0x14E30] =	vst v1;
	v1 =	vld [tilespmem:$0x1FFE0]  }
0x80: {  	[tilespmem:$0x14F00] =	vst v32  }
0x81: {  	[tilespmem:$0x14F10] =	vst v33  }
0x82: {  	[tilespmem:$0x14F20] =	vst v34  }
0x83: {  	[tilespmem:$0x14F30] =	vst v35  }
0x84: {  	[tilespmem:$0x14E40] =	vst v1;
	v1 =	vld [tilespmem:$0x1FFF0]  }
0x85: {  	[tilespmem:$0x14F40] =	vst v36  }
0x86: {  	[tilespmem:$0x14F50] =	vst v37  }
0x87: {  	[tilespmem:$0x14F60] =	vst v38  }
0x88: {  	[tilespmem:$0x14F70] =	vst v39  }
0x89: {  	[tilespmem:$0x14E50] =	vst v1  }
0x8a: {  	_ =	swait.ge [sflag:s28], $0x1400  }
0x8b: {  	[sflag:s28] =	ssyncset.done $0x0  }
0x8c: {  	[sflag:s28] =	ssyncadd.s32 $0xFFFFEC00  }
0x8d: {  	_ =	swait.ge [sflag:s29], $0x5000  }
0x8e: {  	[sflag:s29] =	ssyncset.done $0x0  }
0x8f: {  	[sflag:s29] =	ssyncadd.s32 $0xFFFFB000  }
0x90: {  	_ =	swait.ge [sflag:s30], $0x5000  }
0x91: {  	[sflag:s30] =	ssyncset.done $0x0  }
0x92: {  	[sflag:s30] =	ssyncadd.s32 $0xFFFFB000  }
0x93: {  	_ =	swait.ge [sflag:s31], $0x2800  }
0x94: {  	[sflag:s31] =	ssyncset.done $0x0  }
0x95: {  	[sflag:s31] =	ssyncadd.s32 $0xFFFFD800  }
0x96: {  	_ =	swait.ge [sflag:s28], $0x50  }
0x97: {  	[sflag:s28] =	ssyncset.done $0x0  }
0x98: {  	[sflag:s28] =	ssyncadd.s32 $0xFFFFFFB0  }
0x99: {  	_ =	swait.ge [sflag:s29], $0x50  }
0x9a: {  	[sflag:s29] =	ssyncset.done $0x0  }
0x9b: {  	s11 =	simm.s32 $0xFFFFFFF8;
	s12 =	simm.s32 $0x40;
	[sflag:s29] =	ssyncadd.s32 $0xFFFFFFB0  }
.LBB2_2:
0x9c: {  	v1 =	vld [tilespmem:s12+$0xFFFFFFC0];
	_ =	sdelay $0x7  }
0x9d: {  	[tilespmem:v1+s26+$0x0] =	vst.idx.add.f32.msk $0xffff, v40  }
0x9e: {  	v1 =	vld [tilespmem:s12+$0xFFFFFFD0];
	_ =	sdelay $0x7  }
0x9f: {  	[tilespmem:v1+s26+$0x0] =	vst.idx.add.f32.msk $0xffff, v40  }
0xa0: {  	v1 =	vld [tilespmem:s12+$0xFFFFFFE0];
	_ =	sdelay $0x7  }
0xa1: {  	[tilespmem:v1+s26+$0x0] =	vst.idx.add.f32.msk $0xffff, v40  }
0xa2: {  	v1 =	vld [tilespmem:s12+$0xFFFFFFF0];
	_ =	sdelay $0x7  }
0xa3: {  	[tilespmem:v1+s26+$0x0] =	vst.idx.add.f32.msk $0xffff, v40  }
0xa4: {  	v1 =	vld [tilespmem:s12+$0x0];
	_ =	sdelay $0x7  }
0xa5: {  	[tilespmem:v1+s26+$0x0] =	vst.idx.add.f32.msk $0xffff, v40  }
0xa6: {  	v1 =	vld [tilespmem:s12+$0x10];
	_ =	sdelay $0x7  }
0xa7: {  	[tilespmem:v1+s26+$0x0] =	vst.idx.add.f32.msk $0xffff, v40  }
0xa8: {  	v1 =	vld [tilespmem:s12+$0x20];
	_ =	sdelay $0x7  }
0xa9: {  	[tilespmem:v1+s26+$0x0] =	vst.idx.add.f32.msk $0xffff, v40  }
0xaa: {  	v1 =	vld [tilespmem:s12+$0x30];
	_ =	sdelay $0x1  }
0xab: {  	s11 =	sadd.s32 $0x8, s11  }
0xac: {  	p1 =	slt.u32 s11, $0x4F8  }
.Ltmp2:
0xad: {  	_ = 	snop;
	(pc) =	sbr.rel @p1 .LBB2_2-.Ltmp2, $2  }
0xae: {  	_ =	sdelay $0x2  }
0xaf: {  	s12 =	sadd.s32 $0x80, s12;
	[tilespmem:v1+s26+$0x0] =	vst.idx.add.f32.msk $0xffff, v40  }
0xb0: {  	[bflag:$0x0] =	sbarrier.arrive $0xFFFF  }
0xb1: {  	[spmem:s3] =	stream.indirect.scatter.add.f32 [tilespmem:s26], [sflag:$0x5], $0x10, s15, s0, $0xb8;
	[tilespmem:$0x1F480] =	vst v63  }
0xb2: {  	_ =	swait.ge [sflag:s17], $0x800  }
0xb3: {  	[sflag:s17] =	ssyncset.done $0x0  }
0xb4: {  	[sflag:s17] =	ssyncadd.s32 $0xFFFFF800  }
0xb5: {  	[spmem:s3] =	stream.indirect.scatter.add.f32 [tilespmem:s24], [sflag:$0x5], $0x10, s23, s0, $0xb8;
	[tilespmem:$0x1F480] =	vst v63  }
0xb6: {  	_ =	swait.ge [sflag:s17], $0x800  }
0xb7: {  	[sflag:s17] =	ssyncset.done $0x0  }
0xb8: {  	s11 =	simm.s32 $0x14E00;
	s12 =	simm.s32 $0x13000;
	[sflag:s17] =	ssyncadd.s32 $0xFFFFF800  }
0xb9: {  	[spmem:s3] =	stream.indirect.scatter.add.f32 [tilespmem:s12], [sflag:$0x5], $0x10, s11, s0, $0xb8;
	[tilespmem:$0x1F480] =	vst v63  }
0xba: {  	_ =	swait.ge [sflag:s17], $0x800  }
0xbb: {  	[sflag:s17] =	ssyncset.done $0x0  }
0xbc: {  	s11 =	simm.s32 $0x14E80;
	s12 =	simm.s32 $0x13800;
	[sflag:s17] =	ssyncadd.s32 $0xFFFFF800  }
0xbd: {  	[spmem:s3] =	stream.indirect.scatter.add.f32 [tilespmem:s12], [sflag:$0x5], $0x10, s11, s0, $0xb8;
	[tilespmem:$0x1F480] =	vst v63  }
0xbe: {  	_ =	swait.ge [sflag:s17], $0x800  }
0xbf: {  	[sflag:s17] =	ssyncset.done $0x0  }
0xc0: {  	s11 =	simm.s32 $0x14F00;
	s12 =	simm.s32 $0x14000;
	[sflag:s17] =	ssyncadd.s32 $0xFFFFF800  }
0xc1: {  	[spmem:s3] =	stream.indirect.scatter.add.f32 [tilespmem:s12], [sflag:$0x5], $0x10, s11, s0, $0xb8;
	[tilespmem:$0x1F480] =	vst v63  }
0xc2: {  	_ =	swait.ge [sflag:s17], $0x800  }
0xc3: {  	[sflag:s17] =	ssyncset.done $0x0  }
0xc4: {  	[sflag:s17] =	ssyncadd.s32 $0xFFFFF800  }
0xc5: {  	[tilespmem:s26], [sflag:$0x5] =	stream.linear.gather [hbm4b:s6+s5], $0x2800, $0x38;
	[tilespmem:$0x1F480] =	vst v63  }
0xc6: {  	_ =	swait.ge [sflag:s17], $0x2800  }
0xc7: {  	s12 =	sld [smem:$0x7FD]  }
0xc8: {  	[sflag:s17] =	ssyncset.done $0x0  }
0xc9: {  	s11 =	simm.s32 $0xFFFFFFF8;
	[sflag:s17] =	ssyncadd.s32 $0xFFFFD800  }
.LBB2_4:
0xca: {  	v1 =	vld [tilespmem:s12+$0xFFFFFFC0];
	_ =	sdelay $0x7  }
0xcb: {  	[tilespmem:v1+s26+$0x0] =	vst.idx.add.f32.msk $0xffff, v40  }
0xcc: {  	v1 =	vld [tilespmem:s12+$0xFFFFFFD0];
	_ =	sdelay $0x7  }
0xcd: {  	[tilespmem:v1+s26+$0x0] =	vst.idx.add.f32.msk $0xffff, v40  }
0xce: {  	v1 =	vld [tilespmem:s12+$0xFFFFFFE0];
	_ =	sdelay $0x7  }
0xcf: {  	[tilespmem:v1+s26+$0x0] =	vst.idx.add.f32.msk $0xffff, v40  }
0xd0: {  	v1 =	vld [tilespmem:s12+$0xFFFFFFF0];
	_ =	sdelay $0x7  }
0xd1: {  	[tilespmem:v1+s26+$0x0] =	vst.idx.add.f32.msk $0xffff, v40  }
0xd2: {  	v1 =	vld [tilespmem:s12+$0x0];
	_ =	sdelay $0x7  }
0xd3: {  	[tilespmem:v1+s26+$0x0] =	vst.idx.add.f32.msk $0xffff, v40  }
0xd4: {  	v1 =	vld [tilespmem:s12+$0x10];
	_ =	sdelay $0x7  }
0xd5: {  	[tilespmem:v1+s26+$0x0] =	vst.idx.add.f32.msk $0xffff, v40  }
0xd6: {  	v1 =	vld [tilespmem:s12+$0x20];
	_ =	sdelay $0x7  }
0xd7: {  	[tilespmem:v1+s26+$0x0] =	vst.idx.add.f32.msk $0xffff, v40  }
0xd8: {  	v1 =	vld [tilespmem:s12+$0x30];
	_ =	sdelay $0x1  }
0xd9: {  	s11 =	sadd.s32 $0x8, s11  }
0xda: {  	p1 =	slt.u32 s11, $0x278  }
.Ltmp3:
0xdb: {  	_ = 	snop;
	(pc) =	sbr.rel @p1 .LBB2_4-.Ltmp3, $2  }
0xdc: {  	_ =	sdelay $0x2  }
0xdd: {  	s12 =	sadd.s32 $0x80, s12;
	[tilespmem:v1+s26+$0x0] =	vst.idx.add.f32.msk $0xffff, v40  }
0xde: {  	[bflag:$0x0] =	sbarrier.arrive $0xFFFF  }
0xdf: {  	[spmem:s4] =	stream.indirect.scatter.add.f32 [tilespmem:s26], [sflag:$0x5], $0x10, s15, s0, $0xb8;
	[tilespmem:$0x1F480] =	vst v63  }
0xe0: {  	_ =	swait.ge [sflag:s17], $0x800  }
0xe1: {  	[sflag:s17] =	ssyncset.done $0x0  }
0xe2: {  	[sflag:s17] =	ssyncadd.s32 $0xFFFFF800  }
0xe3: {  	[spmem:s4] =	stream.indirect.scatter.add.f32 [tilespmem:s24], [sflag:$0x5], $0x10, s23, s0, $0xb8;
	[tilespmem:$0x1F480] =	vst v63  }
0xe4: {  	_ =	swait.ge [sflag:s17], $0x800  }
0xe5: {  	[sflag:s17] =	ssyncset.done $0x0  }
0xe6: {  	s11 =	simm.s32 $0x14E00;
	s12 =	simm.s32 $0x13000;
	[sflag:s17] =	ssyncadd.s32 $0xFFFFF800  }
0xe7: {  	[spmem:s4] =	stream.indirect.scatter.add.f32 [tilespmem:s12], [sflag:$0x5], $0x10, s11, s0, $0xb8;
	[tilespmem:$0x1F480] =	vst v63  }
0xe8: {  	_ =	swait.ge [sflag:s17], $0x800  }
0xe9: {  	[sflag:s17] =	ssyncset.done $0x0  }
0xea: {  	s23 =	simm.s32 $0x14E80;
	s24 =	simm.s32 $0x13800;
	[sflag:s17] =	ssyncadd.s32 $0xFFFFF800  }
0xeb: {  	[spmem:s4] =	stream.indirect.scatter.add.f32 [tilespmem:s24], [sflag:$0x5], $0x10, s23, s0, $0xb8;
	[tilespmem:$0x1F480] =	vst v63  }
0xec: {  	_ =	swait.ge [sflag:s17], $0x800  }
0xed: {  	[sflag:s17] =	ssyncset.done $0x0  }
0xee: {  	s15 =	simm.s32 $0x14000;
	s12 =	simm.s32 $0x14F00;
	[sflag:s17] =	ssyncadd.s32 $0xFFFFF800  }
0xef: {  	[spmem:s4] =	stream.indirect.scatter.add.f32 [tilespmem:s15], [sflag:$0x5], $0x10, s12, s0, $0xb8;
	[tilespmem:$0x1F480] =	vst v63  }
0xf0: {  	_ =	swait.ge [sflag:s17], $0x800  }
0xf1: {  	[sflag:s17] =	ssyncset.done $0x0  }
0xf2: {  	[sflag:s17] =	ssyncadd.s32 $0xFFFFF800  }
0xf3: {  	s23 =	simm.s32 $0x14800;
	[bflag:$0x0] =	sbarrier.arrive $0xFFFF  }
0xf4: {  	[tilespmem:s23], [sflag:$0x5] =	stream.linear.gather [spmem:s13], $0x280, $0x38;
	[tilespmem:$0x1F480] =	vst v63  }
0xf5: {  	_ =	swait.ge [sflag:s17], $0x280  }
0xf6: {  	[sflag:s17] =	ssyncset.done $0x0  }
0xf7: {  	[sflag:s17] =	ssyncadd.s32 $0xFFFFFD80  }
0xf8: {  	v1 =	vld [tilespmem:$0x14800];
	_ =	sdelay $0x4  }
0xf9: {  	v1 =	vmax.f32 v1, $1.000000000e+00  }
0xfa: {  	v2 =	vshrl.u32 v1, $0x1;
	v1 =	vmul.f32 $5.000000000e-01, v1  }
0xfb: {  	v2 =	vsub.s32 $0x5F3759DF, v2  }
0xfc: {  	v3 =	vmul.f32 v2, v1  }
0xfd: {  	v4 =	vld [tilespmem:$0x14810]  }
0xfe: {  	v3 =	vmul.f32 v2, v3;
	_ =	sdelay $0x1  }
0xff: {  	v41 =	vld [tilespmem:$0x14820];
	v3 =	vsub.f32 $1.500000000e+00, v3  }
0x100: {  	v43 =	vld [tilespmem:$0x14830]  }
0x101: {  	v2 =	vmul.f32 v2, v3;
	v3 =	vmax.f32 v4, $1.000000000e+00  }
0x102: {  	v48 =	vld [tilespmem:$0x14850];
	v4 =	vshrl.u32 v3, $0x1;
	v3 =	vmul.f32 $5.000000000e-01, v3  }
0x103: {  	v57 =	vld [tilespmem:$0x14860];
	v5 =	vmul.f32 v2, v1;
	v4 =	vsub.s32 $0x5F3759DF, v4  }
0x104: {  	v42 =	vmul.f32 v4, v3  }
0x105: {  	v41 =	vmax.f32 v41, $1.000000000e+00;
	v43 =	vmax.f32 v43, $1.000000000e+00;
	v5 =	vmul.f32 v5, v2  }
0x106: {  	v51 =	vld [tilespmem:$0x14840];
	v46 =	vshrl.u32 v43, $0x1;
	v43 =	vmul.f32 $5.000000000e-01, v43;
	v42 =	vmul.f32 v4, v42  }
0x107: {  	v56 =	vmax.f32 v48, $1.000000000e+00;
	v46 =	vsub.s32 $0x5F3759DF, v46;
	v5 =	vsub.f32 $1.500000000e+00, v5  }
0x108: {  	v48 =	vmax.f32 v57, $1.000000000e+00;
	v47 =	vmul.f32 v46, v43;
	v42 =	vsub.f32 $1.500000000e+00, v42  }
0x109: {  	v50 =	vshrl.u32 v41, $0x1;
	v44 =	vmul.f32 $5.000000000e-01, v41;
	v2 =	vmul.f32 v5, v2  }
0x10a: {  	v53 =	vmul.f32 v46, v47;
	v5 =	vsub.s32 $0x5F3759DF, v50;
	v4 =	vmul.f32 v4, v42  }
0x10b: {  	v41 =	vmul.f32 v5, v44;
	v42 =	vmax.f32 v51, $1.000000000e+00;
	v1 =	vmul.f32 v2, v1  }
0x10c: {  	v51 =	vshrl.u32 v48, $0x1;
	v48 =	vmul.f32 $5.000000000e-01, v48;
	v45 =	vmul.f32 v4, v3  }
0x10d: {  	v52 =	vshrl.u32 v42, $0x1;
	v41 =	vmul.f32 v5, v41;
	v1 =	vmul.f32 v1, v2  }
0x10e: {  	v42 =	vmul.f32 $5.000000000e-01, v42;
	v8 =	vsub.s32 $0x5F3759DF, v51;
	v45 =	vmul.f32 v45, v4  }
0x10f: {  	v54 =	vsub.s32 $0x5F3759DF, v52;
	v41 =	vsub.f32 $1.500000000e+00, v41;
	v1 =	vsub.f32 $1.500000000e+00, v1  }
0x110: {  	v51 =	vmul.f32 v8, v48;
	v50 =	vmul.f32 v54, v42;
	v45 =	vsub.f32 $1.500000000e+00, v45  }
0x111: {  	v5 =	vmul.f32 v5, v41;
	v41 =	vmul.f32 v1, v2;
	v2 =	vsub.f32 $1.500000000e+00, v53  }
0x112: {  	v55 =	vmul.f32 v54, v50;
	v4 =	vmul.f32 v45, v4  }
0x113: {  	v59 =	vshrl.u32 v56, $0x1;
	v49 =	vmul.f32 v5, v44;
	v2 =	vmul.f32 v46, v2  }
0x114: {  	v13 =	vld [tilespmem:$0x14880];
	v45 =	vsub.f32 $1.500000000e+00, v55;
	v46 =	vmul.f32 $5.000000000e-01, v56;
	v1 =	vmul.f32 v4, v3  }
0x115: {  	v61 =	vsub.s32 $0x5F3759DF, v59;
	v3 =	vmul.f32 v49, v5;
	v58 =	vmul.f32 v2, v43  }
0x116: {  	v60 =	vmul.f32 v54, v45;
	v63 =	vmul.f32 v61, v46  }
0x117: {  	v10 =	vmul.f32 v8, v51;
	v3 =	vsub.f32 $1.500000000e+00, v3;
	v62 =	vmul.f32 v58, v2  }
0x118: {  	v9 =	vld [tilespmem:$0x14870];
	v6 =	vmul.f32 v60, v42;
	v49 =	vmul.f32 v61, v63  }
0x119: {  	v57 =	vmax.f32 v13, $1.000000000e+00;
	v3 =	vmul.f32 v3, v5;
	v47 =	vsub.f32 $1.500000000e+00, v62  }
0x11a: {  	v12 =	vsub.f32 $1.500000000e+00, v10;
	v50 =	vmul.f32 v6, v60;
	v7 =	vsub.f32 $1.500000000e+00, v49  }
0x11b: {  	v53 =	vshrl.u32 v57, $0x1;
	v44 =	vmul.f32 v3, v44;
	v2 =	vmul.f32 v47, v2  }
0x11c: {  	v1 =	vmul.f32 v1, v4;
	v50 =	vsub.f32 $1.500000000e+00, v50;
	v45 =	vmul.f32 v61, v7  }
0x11d: {  	v47 =	vmax.f32 v9, $1.000000000e+00;
	v44 =	vmul.f32 v44, v3;
	v43 =	vmul.f32 v2, v43  }
0x11e: {  	v1 =	vsub.f32 $1.500000000e+00, v1;
	v5 =	vmul.f32 v50, v60;
	v16 =	vmul.f32 $5.000000000e-01, v47  }
0x11f: {  	v15 =	vshrl.u32 v47, $0x1;
	v52 =	vmul.f32 v45, v46;
	v11 =	vmul.f32 v43, v2  }
0x120: {  	v44 =	vsub.f32 $1.500000000e+00, v44;
	v43 =	vmul.f32 v1, v4;
	v1 =	vmul.f32 v5, v42  }
0x121: {  	v49 =	vsub.s32 $0x5F3759DF, v15;
	v14 =	vmul.f32 v52, v45;
	v4 =	vmul.f32 v8, v12  }
0x122: {  	v53 =	vsub.s32 $0x5F3759DF, v53;
	v19 =	vmul.f32 v49, v16;
	v42 =	vmul.f32 v44, v3  }
0x123: {  	v58 =	vld [tilespmem:$0x14890];
	v1 =	vmul.f32 v1, v5;
	v44 =	vsub.f32 $1.500000000e+00, v14;
	v17 =	vmul.f32 v4, v48  }
0x124: {  	v54 =	vmul.f32 $5.000000000e-01, v57;
	v55 =	vmul.f32 v49, v19;
	v3 =	vsub.f32 $1.500000000e+00, v11  }
0x125: {  	v1 =	vsub.f32 $1.500000000e+00, v1;
	v18 =	vmul.f32 v44, v45;
	v47 =	vmul.f32 v17, v4  }
0x126: {  	v59 =	vsub.f32 $1.500000000e+00, v55;
	v45 =	vmul.f32 v3, v2;
	v3 =	vmul.f32 v53, v54  }
0x127: {  	v6 =	vld [tilespmem:$0x148A0];
	v46 =	vmul.f32 v18, v46;
	v2 =	vsub.f32 $1.500000000e+00, v47;
	v44 =	vmul.f32 v1, v5  }
0x128: {  	v60 =	vmax.f32 v58, $1.000000000e+00;
	v3 =	vmul.f32 v53, v3;
	v5 =	vmul.f32 v49, v59  }
0x129: {  	v61 =	vshrl.u32 v60, $0x1;
	v2 =	vmul.f32 v2, v4;
	v4 =	vmul.f32 $5.000000000e-01, v60  }
0x12a: {  	v63 =	vsub.s32 $0x5F3759DF, v61;
	v1 =	vmul.f32 v46, v18;
	v3 =	vsub.f32 $1.500000000e+00, v3  }
0x12b: {  	v7 =	vmul.f32 v5, v16;
	v8 =	vmul.f32 v63, v4  }
0x12c: {  	v49 =	vmax.f32 v6, $1.000000000e+00;
	v62 =	vmul.f32 v2, v48;
	v3 =	vmul.f32 v53, v3  }
0x12d: {  	v14 =	vshrl.u32 v49, $0x1;
	v9 =	vmul.f32 v7, v5;
	v50 =	vmul.f32 v63, v8  }
0x12e: {  	v1 =	vsub.f32 $1.500000000e+00, v1;
	v47 =	vmul.f32 v62, v2;
	v10 =	vmul.f32 v3, v54  }
0x12f: {  	v12 =	vld [tilespmem:$0x148B0];
	v56 =	vmul.f32 $5.000000000e-01, v49;
	v11 =	vsub.f32 $1.500000000e+00, v9;
	v50 =	vsub.f32 $1.500000000e+00, v50  }
0x130: {  	v46 =	vmul.f32 v1, v18;
	v1 =	vsub.f32 $1.500000000e+00, v47;
	v13 =	vmul.f32 v10, v3  }
0x131: {  	v15 =	vsub.s32 $0x5F3759DF, v14;
	v5 =	vmul.f32 v11, v5;
	v48 =	vmul.f32 v63, v50  }
0x132: {  	v57 =	vld [tilespmem:$0x148C0];
	v47 =	vmul.f32 v1, v2;
	v1 =	vsub.f32 $1.500000000e+00, v13;
	v2 =	vmul.f32 v15, v56  }
0x133: {  	v16 =	vmul.f32 v5, v16;
	v63 =	vld [tilespmem:$0x148D0];
	v17 =	vmul.f32 v48, v4  }
0x134: {  	v13 =	vld [tilespmem:$0x148E0];
	v1 =	vmul.f32 v1, v3;
	v2 =	vmul.f32 v15, v2;
	v3 =	vmax.f32 v12, $1.000000000e+00  }
0x135: {  	v50 =	vmul.f32 v16, v5;
	v18 =	vshrl.u32 v3, $0x1;
	v3 =	vmul.f32 $5.000000000e-01, v3  }
0x136: {  	v51 =	vmul.f32 v17, v48;
	v19 =	vmul.f32 v1, v54;
	v2 =	vsub.f32 $1.500000000e+00, v2  }
0x137: {  	v52 =	vsub.s32 $0x5F3759DF, v18;
	v60 =	vsub.f32 $1.500000000e+00, v50;
	v54 =	vmax.f32 v57, $1.000000000e+00  }
0x138: {  	v58 =	vmul.f32 v52, v3;
	v57 =	vshrl.u32 v54, $0x1;
	v54 =	vmul.f32 $5.000000000e-01, v54  }
0x139: {  	v12 =	vmax.f32 v63, $1.000000000e+00;
	v16 =	vmax.f32 v13, $1.000000000e+00;
	v51 =	vsub.f32 $1.500000000e+00, v51  }
0x13a: {  	v53 =	vmul.f32 v19, v1;
	v2 =	vmul.f32 v15, v2;
	v57 =	vsub.s32 $0x5F3759DF, v57  }
0x13b: {  	v49 =	vmul.f32 v60, v5;
	v55 =	vshrl.u32 v12, $0x1;
	v59 =	vmul.f32 v52, v58  }
0x13c: {  	v9 =	vmul.f32 v57, v54;
	v58 =	vmul.f32 $5.000000000e-01, v12;
	v55 =	vsub.s32 $0x5F3759DF, v55  }
0x13d: {  	v51 =	vmul.f32 v51, v48;
	v62 =	vmul.f32 v2, v56;
	v48 =	vsub.f32 $1.500000000e+00, v59  }
0x13e: {  	v18 =	vshrl.u32 v16, $0x1;
	v11 =	vmul.f32 v57, v9;
	v14 =	vmul.f32 v55, v58  }
0x13f: {  	v61 =	vsub.f32 $1.500000000e+00, v53;
	v4 =	vmul.f32 v51, v4;
	v52 =	vmul.f32 v52, v48  }
0x140: {  	v59 =	vmul.f32 $5.000000000e-01, v16;
	v53 =	vmul.f32 v62, v2;
	v5 =	vsub.f32 $1.500000000e+00, v11  }
0x141: {  	v19 =	vsub.s32 $0x5F3759DF, v18;
	v4 =	vmul.f32 v4, v51;
	v10 =	vmul.f32 v52, v3  }
0x142: {  	v15 =	vld [tilespmem:$0x148F0];
	v48 =	vmul.f32 v61, v1;
	v8 =	vsub.f32 $1.500000000e+00, v53;
	v5 =	vmul.f32 v57, v5  }
0x143: {  	v57 =	vmul.f32 v19, v59;
	v1 =	vsub.f32 $1.500000000e+00, v4;
	v4 =	vmul.f32 v10, v52  }
0x144: {  	v2 =	vmul.f32 v8, v2;
	v17 =	vmul.f32 v5, v54  }
0x145: {  	v50 =	vmul.f32 v1, v51;
	v1 =	vsub.f32 $1.500000000e+00, v4;
	v4 =	vmul.f32 v55, v14  }
0x146: {  	v9 =	vmul.f32 v19, v57;
	v56 =	vmul.f32 v2, v56  }
0x147: {  	v51 =	vmax.f32 v15, $1.000000000e+00;
	v53 =	vmul.f32 v17, v5;
	v4 =	vsub.f32 $1.500000000e+00, v4  }
0x148: {  	v60 =	vmul.f32 $5.000000000e-01, v51;
	v11 =	vsub.f32 $1.500000000e+00, v9;
	v56 =	vmul.f32 v56, v2  }
0x149: {  	v7 =	vshrl.u32 v51, $0x1;
	v1 =	vmul.f32 v1, v52;
	v4 =	vmul.f32 v55, v4  }
0x14a: {  	v8 =	vsub.f32 $1.500000000e+00, v53;
	v15 =	vmul.f32 v19, v11;
	v55 =	vsub.s32 $0x5F3759DF, v7  }
0x14b: {  	v61 =	vmul.f32 v55, v60;
	v10 =	vmul.f32 v4, v58  }
0x14c: {  	v3 =	vmul.f32 v1, v3;
	v5 =	vmul.f32 v8, v5  }
0x14d: {  	v62 =	vld [tilespmem:$0x14900];
	v12 =	vsub.f32 $1.500000000e+00, v56;
	v14 =	vmul.f32 v55, v61;
	v13 =	vmul.f32 v10, v4  }
0x14e: {  	v3 =	vmul.f32 v3, v1;
	v54 =	vmul.f32 v5, v54  }
0x14f: {  	v51 =	vmul.f32 v12, v2;
	v16 =	vsub.f32 $1.500000000e+00, v14;
	v2 =	vsub.f32 $1.500000000e+00, v13  }
0x150: {  	v18 =	vmul.f32 v15, v59;
	v3 =	vsub.f32 $1.500000000e+00, v3;
	v17 =	vmul.f32 v54, v5  }
0x151: {  	v19 =	vmul.f32 v55, v16;
	v2 =	vmul.f32 v2, v4  }
0x152: {  	v9 =	vmax.f32 v62, $1.000000000e+00;
	v52 =	vmul.f32 v3, v1;
	v3 =	vmul.f32 v18, v15  }
0x153: {  	v10 =	vshrl.u32 v9, $0x1;
	v8 =	vmul.f32 v19, v60;
	v7 =	vmul.f32 v2, v58  }
0x154: {  	v57 =	vmul.f32 $5.000000000e-01, v9;
	v56 =	vsub.s32 $0x5F3759DF, v10;
	v3 =	vsub.f32 $1.500000000e+00, v3  }
0x155: {  	v12 =	vld [tilespmem:$0x14910];
	v1 =	vsub.f32 $1.500000000e+00, v17;
	v54 =	vmul.f32 v8, v19;
	v11 =	vmul.f32 v7, v2  }
0x156: {  	v13 =	vmul.f32 v56, v57;
	v3 =	vmul.f32 v3, v15  }
0x157: {  	v53 =	vmul.f32 v1, v5;
	v14 =	vsub.f32 $1.500000000e+00, v54;
	v1 =	vsub.f32 $1.500000000e+00, v11  }
0x158: {  	v16 =	vmul.f32 v56, v13;
	v15 =	vmul.f32 v3, v59  }
0x159: {  	v54 =	vmul.f32 v1, v2;
	v1 =	vmul.f32 v14, v19  }
0x15a: {  	v18 =	vmax.f32 v12, $1.000000000e+00;
	v17 =	vsub.f32 $1.500000000e+00, v16;
	v11 =	vld [tilespmem:$0x14930];
	v2 =	vmul.f32 v15, v3  }
0x15b: {  	v5 =	vmul.f32 $5.000000000e-01, v18;
	v8 =	vshrl.u32 v18, $0x1;
	v19 =	vld [tilespmem:$0x14920];
	v63 =	vmul.f32 v1, v60  }
0x15c: {  	v4 =	vmul.f32 v56, v17;
	v59 =	vsub.s32 $0x5F3759DF, v8;
	v2 =	vsub.f32 $1.500000000e+00, v2  }
0x15d: {  	v10 =	vmul.f32 v59, v5;
	v9 =	vmul.f32 v63, v1  }
0x15e: {  	v55 =	vmul.f32 v2, v3;
	v2 =	vmul.f32 v4, v57  }
0x15f: {  	v60 =	vmul.f32 v59, v10;
	v3 =	vsub.f32 $1.500000000e+00, v9  }
0x160: {  	v13 =	vmax.f32 v11, $1.000000000e+00;
	v63 =	vld [tilespmem:$0x14940];
	v12 =	vmax.f32 v19, $1.000000000e+00;
	v2 =	vmul.f32 v2, v4  }
0x161: {  	v58 =	vshrl.u32 v12, $0x1;
	v62 =	vmul.f32 $5.000000000e-01, v12;
	v56 =	vmul.f32 v3, v1  }
0x162: {  	v1 =	vsub.f32 $1.500000000e+00, v60;
	v3 =	vsub.s32 $0x5F3759DF, v58;
	v2 =	vsub.f32 $1.500000000e+00, v2  }
0x163: {  	v14 =	vshrl.u32 v13, $0x1;
	v60 =	vmul.f32 $5.000000000e-01, v13;
	v58 =	vmul.f32 v3, v62  }
0x164: {  	v16 =	vsub.s32 $0x5F3759DF, v14;
	v1 =	vmul.f32 v59, v1;
	v2 =	vmul.f32 v2, v4  }
0x165: {  	v63 =	vmax.f32 v63, $1.000000000e+00;
	v18 =	vmul.f32 v16, v60;
	v15 =	vmul.f32 v3, v58  }
0x166: {  	v7 =	vld [tilespmem:$0x14950];
	v6 =	vshrl.u32 v63, $0x1;
	v63 =	vmul.f32 $5.000000000e-01, v63;
	v17 =	vmul.f32 v1, v5  }
0x167: {  	v6 =	vsub.s32 $0x5F3759DF, v6;
	v61 =	vmul.f32 v16, v18;
	v4 =	vsub.f32 $1.500000000e+00, v15  }
0x168: {  	v19 =	vmul.f32 v6, v63;
	v59 =	vmul.f32 v17, v1  }
0x169: {  	v61 =	vsub.f32 $1.500000000e+00, v61;
	v3 =	vmul.f32 v3, v4  }
0x16a: {  	v57 =	vmul.f32 v2, v57;
	v4 =	vmul.f32 v6, v19;
	v59 =	vsub.f32 $1.500000000e+00, v59  }
0x16b: {  	v13 =	vmax.f32 v7, $1.000000000e+00;
	v58 =	vmul.f32 v16, v61;
	v8 =	vmul.f32 v3, v62  }
0x16c: {  	v57 =	vmul.f32 v57, v2;
	v4 =	vsub.f32 $1.500000000e+00, v4;
	v1 =	vmul.f32 v59, v1  }
0x16d: {  	v15 =	vshrl.u32 v13, $0x1;
	v12 =	vmul.f32 v58, v60;
	v8 =	vmul.f32 v8, v3  }
0x16e: {  	v57 =	vsub.f32 $1.500000000e+00, v57;
	v4 =	vmul.f32 v6, v4;
	v6 =	vmul.f32 $5.000000000e-01, v13  }
0x16f: {  	v59 =	vsub.s32 $0x5F3759DF, v15;
	v13 =	vld [tilespmem:$0x14970];
	v5 =	vmul.f32 v1, v5;
	v14 =	vmul.f32 v12, v58  }
0x170: {  	v57 =	vmul.f32 v57, v2;
	v8 =	vsub.f32 $1.500000000e+00, v8;
	v16 =	vmul.f32 v4, v63  }
0x171: {  	v17 =	vmul.f32 v59, v6;
	v5 =	vmul.f32 v5, v1;
	v7 =	vsub.f32 $1.500000000e+00, v14  }
0x172: {  	v9 =	vld [tilespmem:$0x14960];
	v3 =	vmul.f32 v8, v3;
	v8 =	vmul.f32 v16, v4  }
0x173: {  	v18 =	vmul.f32 v59, v17;
	v7 =	vmul.f32 v7, v58;
	v5 =	vsub.f32 $1.500000000e+00, v5  }
0x174: {  	v17 =	vmax.f32 v13, $1.000000000e+00;
	v62 =	vmul.f32 v3, v62;
	v8 =	vsub.f32 $1.500000000e+00, v8  }
0x175: {  	v12 =	vsub.f32 $1.500000000e+00, v18;
	v11 =	vmul.f32 $5.000000000e-01, v17;
	v2 =	vmul.f32 v7, v60  }
0x176: {  	v58 =	vmul.f32 v5, v1;
	v19 =	vmul.f32 v62, v3  }
0x177: {  	v14 =	vmax.f32 v9, $1.000000000e+00;
	v4 =	vmul.f32 v8, v4;
	v5 =	vmul.f32 v59, v12  }
0x178: {  	v16 =	vshrl.u32 v14, $0x1;
	v18 =	vld [tilespmem:$0x14980];
	v8 =	vmul.f32 $5.000000000e-01, v14;
	v2 =	vmul.f32 v2, v7  }
0x179: {  	v15 =	vmul.f32 v4, v63;
	v60 =	vmul.f32 v5, v6;
	v63 =	vsub.s32 $0x5F3759DF, v16  }
0x17a: {  	v1 =	vsub.f32 $1.500000000e+00, v19;
	v19 =	vshrl.u32 v17, $0x1;
	v59 =	vmul.f32 v63, v8  }
0x17b: {  	v13 =	vsub.s32 $0x5F3759DF, v19;
	v9 =	vmul.f32 v15, v4;
	v10 =	vmul.f32 v60, v5  }
0x17c: {  	v16 =	vld [tilespmem:$0x14990];
	v2 =	vsub.f32 $1.500000000e+00, v2;
	v60 =	vmul.f32 v1, v3;
	v3 =	vmul.f32 v13, v11  }
0x17d: {  	v15 =	vmax.f32 v18, $1.000000000e+00;
	v12 =	vmul.f32 v63, v59;
	v9 =	vsub.f32 $1.500000000e+00, v9  }
0x17e: {  	v61 =	vmul.f32 v2, v7;
	v17 =	vshrl.u32 v15, $0x1;
	v1 =	vsub.f32 $1.500000000e+00, v10  }
0x17f: {  	v3 =	vmul.f32 v13, v3;
	v2 =	vsub.f32 $1.500000000e+00, v12;
	v59 =	vmul.f32 v9, v4  }
0x180: {  	v7 =	vsub.s32 $0x5F3759DF, v17;
	v1 =	vmul.f32 v1, v5;
	v4 =	vmul.f32 $5.000000000e-01, v15  }
0x181: {  	v3 =	vsub.f32 $1.500000000e+00, v3;
	v5 =	vmax.f32 v16, $1.000000000e+00;
	v2 =	vmul.f32 v63, v2  }
0x182: {  	v63 =	vshrl.u32 v5, $0x1;
	v5 =	vmul.f32 $5.000000000e-01, v5;
	v19 =	vmul.f32 v7, v4  }
0x183: {  	v3 =	vmul.f32 v13, v3;
	v13 =	vsub.s32 $0x5F3759DF, v63;
	v18 =	vmul.f32 v2, v8  }
0x184: {  	v6 =	vmul.f32 v1, v6;
	v16 =	vmul.f32 v13, v5  }
0x185: {  	v10 =	vmul.f32 v7, v19;
	v9 =	vmul.f32 v18, v2  }
0x186: {  	v6 =	vmul.f32 v6, v1;
	v62 =	vmul.f32 v3, v11  }
0x187: {  	v10 =	vsub.f32 $1.500000000e+00, v10;
	v9 =	vsub.f32 $1.500000000e+00, v9  }
0x188: {  	v18 =	vmul.f32 v13, v16;
	v12 =	vmul.f32 v62, v3;
	v6 =	vsub.f32 $1.500000000e+00, v6  }
0x189: {  	v7 =	vmul.f32 v7, v10;
	v2 =	vmul.f32 v9, v2;
	v9 =	vld [tilespmem:$0x149A0]  }
0x18a: {  	v14 =	vld [tilespmem:$0x149B0];
	v17 =	vsub.f32 $1.500000000e+00, v12;
	v62 =	vmul.f32 v6, v1;
	v1 =	vsub.f32 $1.500000000e+00, v18  }
0x18b: {  	v19 =	vmul.f32 v7, v4  }
0x18c: {  	v3 =	vmul.f32 v17, v3;
	v1 =	vmul.f32 v13, v1  }
0x18d: {  	v8 =	vmul.f32 v2, v8;
	v16 =	vmul.f32 v19, v7  }
0x18e: {  	v10 =	vmul.f32 v3, v11;
	v18 =	vmul.f32 v1, v5;
	v9 =	vmax.f32 v9, $1.000000000e+00  }
0x18f: {  	v19 =	vmax.f32 v14, $1.000000000e+00;
	v17 =	vshrl.u32 v9, $0x1;
	v9 =	vmul.f32 $5.000000000e-01, v9  }
0x190: {  	v6 =	vmul.f32 v8, v2;
	v8 =	vsub.f32 $1.500000000e+00, v16;
	v11 =	vsub.s32 $0x5F3759DF, v17  }
0x191: {  	v13 =	vmul.f32 $5.000000000e-01, v19;
	v17 =	vshrl.u32 v19, $0x1;
	v16 =	vmul.f32 v11, v9  }
0x192: {  	v18 =	vmul.f32 v18, v1;
	v7 =	vmul.f32 v8, v7;
	v19 =	vsub.s32 $0x5F3759DF, v17  }
0x193: {  	v63 =	vmul.f32 v19, v13;
	v14 =	vmul.f32 v11, v16  }
0x194: {  	v15 =	vld [tilespmem:$0x149C0];
	v10 =	vmul.f32 v10, v3;
	v8 =	vsub.f32 $1.500000000e+00, v18;
	v4 =	vmul.f32 v7, v4  }
0x195: {  	v6 =	vsub.f32 $1.500000000e+00, v6;
	v63 =	vmul.f32 v19, v63;
	v14 =	vsub.f32 $1.500000000e+00, v14  }
0x196: {  	v10 =	vsub.f32 $1.500000000e+00, v10;
	v8 =	vmul.f32 v8, v1;
	v4 =	vmul.f32 v4, v7  }
0x197: {  	v1 =	vmul.f32 v6, v2;
	v2 =	vsub.f32 $1.500000000e+00, v63;
	v6 =	vmul.f32 v11, v14  }
0x198: {  	v16 =	vmul.f32 v8, v5;
	v5 =	vld [tilespmem:$0x149D0];
	v63 =	vmul.f32 v10, v3;
	v3 =	vsub.f32 $1.500000000e+00, v4  }
0x199: {  	v11 =	vmul.f32 v19, v2;
	v2 =	vmax.f32 v15, $1.000000000e+00;
	v17 =	vmul.f32 v6, v9  }
0x19a: {  	v4 =	vmul.f32 v16, v8;
	v18 =	vshrl.u32 v2, $0x1;
	v14 =	vmul.f32 $5.000000000e-01, v2  }
0x19b: {  	v19 =	vmul.f32 v11, v13;
	v12 =	vsub.s32 $0x5F3759DF, v18;
	v10 =	vmul.f32 v17, v6  }
0x19c: {  	v2 =	vmul.f32 v3, v7;
	v3 =	vsub.f32 $1.500000000e+00, v4;
	v17 =	vmul.f32 v12, v14  }
0x19d: {  	v5 =	vmax.f32 v5, $1.000000000e+00;
	v7 =	vsub.f32 $1.500000000e+00, v10;
	v10 =	vmul.f32 v19, v11  }
0x19e: {  	v15 =	vshrl.u32 v5, $0x1;
	v16 =	vmul.f32 $5.000000000e-01, v5;
	v4 =	vmul.f32 v12, v17;
	v19 =	vld [tilespmem:$0x149E0]  }
0x19f: {  	v5 =	vmul.f32 v7, v6;
	v18 =	vsub.f32 $1.500000000e+00, v10;
	v7 =	vsub.s32 $0x5F3759DF, v15  }
0x1a0: {  	v3 =	vmul.f32 v3, v8;
	v4 =	vsub.f32 $1.500000000e+00, v4;
	v17 =	vmul.f32 v7, v16  }
0x1a1: {  	v9 =	vmul.f32 v5, v9;
	v6 =	vmul.f32 v18, v11  }
0x1a2: {  	v4 =	vmul.f32 v12, v4;
	v12 =	vld [tilespmem:$0x149F0];
	v8 =	vmul.f32 v7, v17  }
0x1a3: {  	v10 =	vmax.f32 v19, $1.000000000e+00;
	v11 =	vmul.f32 v6, v13  }
0x1a4: {  	v9 =	vmul.f32 v9, v5;
	v18 =	vmul.f32 v4, v14;
	v8 =	vsub.f32 $1.500000000e+00, v8  }
0x1a5: {  	v19 =	vshrl.u32 v10, $0x1;
	v10 =	vmul.f32 $5.000000000e-01, v10;
	v11 =	vmul.f32 v11, v6  }
0x1a6: {  	v13 =	vmul.f32 v18, v4;
	v7 =	vmul.f32 v7, v8;
	v8 =	vsub.s32 $0x5F3759DF, v19  }
0x1a7: {  	v9 =	vsub.f32 $1.500000000e+00, v9;
	v18 =	vld [tilespmem:$0x14A00];
	v12 =	vmax.f32 v12, $1.000000000e+00;
	v15 =	vmul.f32 v8, v10  }
0x1a8: {  	v13 =	vsub.f32 $1.500000000e+00, v13;
	v19 =	vshrl.u32 v12, $0x1;
	v12 =	vmul.f32 $5.000000000e-01, v12  }
0x1a9: {  	v20 =	vld [tilespmem:$0x14A10];
	v11 =	vsub.f32 $1.500000000e+00, v11;
	v17 =	vmul.f32 v7, v16;
	v15 =	vmul.f32 v8, v15  }
0x1aa: {  	v13 =	vmul.f32 v13, v4;
	v4 =	vmul.f32 v9, v5  }
0x1ab: {  	v19 =	vsub.s32 $0x5F3759DF, v19;
	v5 =	vmul.f32 v11, v6;
	v17 =	vmul.f32 v17, v7  }
0x1ac: {  	v18 =	vmax.f32 v18, $1.000000000e+00;
	v9 =	vsub.f32 $1.500000000e+00, v15;
	v15 =	vmul.f32 v19, v12  }
0x1ad: {  	v6 =	vmul.f32 v13, v14;
	v14 =	vmul.f32 $5.000000000e-01, v18;
	v11 =	vsub.f32 $1.500000000e+00, v17  }
0x1ae: {  	v17 =	vmax.f32 v20, $1.000000000e+00;
	v8 =	vmul.f32 v8, v9;
	v9 =	vmul.f32 v19, v15  }
0x1af: {  	v15 =	vshrl.u32 v18, $0x1;
	v18 =	vshrl.u32 v17, $0x1;
	v17 =	vmul.f32 $5.000000000e-01, v17  }
0x1b0: {  	v15 =	vsub.s32 $0x5F3759DF, v15;
	v18 =	vsub.s32 $0x5F3759DF, v18;
	v20 =	vmul.f32 v8, v10  }
0x1b1: {  	v7 =	vmul.f32 v11, v7;
	v21 =	vmul.f32 v15, v14;
	v9 =	vsub.f32 $1.500000000e+00, v9  }
0x1b2: {  	v11 =	vmul.f32 v18, v17;
	v20 =	vmul.f32 v20, v8  }
0x1b3: {  	v21 =	vmul.f32 v15, v21;
	v9 =	vmul.f32 v19, v9  }
0x1b4: {  	v11 =	vmul.f32 v18, v11;
	v19 =	vsub.f32 $1.500000000e+00, v20  }
0x1b5: {  	v6 =	vmul.f32 v6, v13;
	v20 =	vsub.f32 $1.500000000e+00, v21;
	v21 =	vmul.f32 v9, v12  }
0x1b6: {  	v16 =	vmul.f32 v7, v16;
	v11 =	vsub.f32 $1.500000000e+00, v11;
	v8 =	vmul.f32 v19, v8  }
0x1b7: {  	v15 =	vmul.f32 v15, v20;
	v19 =	vmul.f32 v21, v9  }
0x1b8: {  	v11 =	vmul.f32 v18, v11;
	v10 =	vmul.f32 v8, v10  }
0x1b9: {  	v16 =	vmul.f32 v16, v7;
	v18 =	vmul.f32 v15, v14;
	v19 =	vsub.f32 $1.500000000e+00, v19  }
0x1ba: {  	v21 =	vld [tilespmem:$0x14A20];
	v20 =	vmul.f32 v11, v17;
	v10 =	vmul.f32 v10, v8  }
0x1bb: {  	v6 =	vsub.f32 $1.500000000e+00, v6;
	v18 =	vmul.f32 v18, v15;
	v9 =	vmul.f32 v19, v9  }
0x1bc: {  	v16 =	vsub.f32 $1.500000000e+00, v16;
	v19 =	vmul.f32 v20, v11;
	v10 =	vsub.f32 $1.500000000e+00, v10  }
0x1bd: {  	v6 =	vmul.f32 v6, v13;
	v13 =	vsub.f32 $1.500000000e+00, v18;
	v12 =	vmul.f32 v9, v12  }
0x1be: {  	v7 =	vmul.f32 v16, v7;
	v16 =	vsub.f32 $1.500000000e+00, v19;
	v19 =	vld [tilespmem:$0x14A40];
	v8 =	vmul.f32 v10, v8  }
0x1bf: {  	[tilespmem:$0x14A80] =	vst v41;
	v41 =	vld [tilespmem:$0x14A50];
	v10 =	vmul.f32 v13, v15;
	v12 =	vmul.f32 v12, v9;
	v13 =	vmax.f32 v21, $1.000000000e+00  }
0x1c0: {  	v11 =	vmul.f32 v16, v11;
	v15 =	vld [tilespmem:$0x14A30];
	v16 =	vshrl.u32 v13, $0x1;
	v13 =	vmul.f32 $5.000000000e-01, v13  }
0x1c1: {  	v14 =	vmul.f32 v10, v14;
	v12 =	vsub.f32 $1.500000000e+00, v12;
	v16 =	vsub.s32 $0x5F3759DF, v16  }
0x1c2: {  	v17 =	vmul.f32 v11, v17;
	v18 =	vmul.f32 v16, v13  }
0x1c3: {  	[tilespmem:$0x14A90] =	vst v43;
	v19 =	vmax.f32 v19, $1.000000000e+00;
	v14 =	vmul.f32 v14, v10;
	v9 =	vmul.f32 v12, v9  }
0x1c4: {  	[tilespmem:$0x14AB0] =	vst v45;
	v12 =	vmul.f32 v17, v11;
	v45 =	vshrl.u32 v19, $0x1;
	v19 =	vmul.f32 $5.000000000e-01, v19  }
0x1c5: {  	[tilespmem:$0x14AA0] =	vst v42;
	v43 =	vmul.f32 v16, v18;
	v15 =	vmax.f32 v15, $1.000000000e+00;
	v18 =	vmax.f32 v41, $1.000000000e+00  }
0x1c6: {  	[tilespmem:$0x14AC0] =	vst v44;
	v21 =	vld [tilespmem:$0x14A70];
	v14 =	vsub.f32 $1.500000000e+00, v14;
	v12 =	vsub.f32 $1.500000000e+00, v12;
	v20 =	vshrl.u32 v15, $0x1  }
0x1c7: {  	[tilespmem:$0x14AE0] =	vst v47;
	v15 =	vmul.f32 $5.000000000e-01, v15;
	v47 =	vshrl.u32 v18, $0x1;
	v18 =	vmul.f32 $5.000000000e-01, v18  }
0x1c8: {  	[tilespmem:$0x14AD0] =	vst v46;
	v43 =	vsub.f32 $1.500000000e+00, v43;
	v17 =	vsub.s32 $0x5F3759DF, v20;
	v10 =	vmul.f32 v14, v10  }
0x1c9: {  	[tilespmem:$0x14AF0] =	vst v49;
	v20 =	vld [tilespmem:$0x14A60];
	v42 =	vsub.s32 $0x5F3759DF, v47;
	v11 =	vmul.f32 v12, v11;
	v44 =	vmul.f32 v17, v15  }
0x1ca: {  	[tilespmem:$0x14B00] =	vst v48;
	v48 =	vmul.f32 v42, v18;
	v14 =	vmul.f32 v16, v43;
	v16 =	vsub.s32 $0x5F3759DF, v45  }
0x1cb: {  	[tilespmem:$0x14B10] =	vst v50;
	v21 =	vmax.f32 v21, $1.000000000e+00;
	v12 =	vmul.f32 v17, v44;
	v46 =	vmul.f32 v16, v19  }
0x1cc: {  	[tilespmem:$0x14B20] =	vst v51;
	v50 =	vshrl.u32 v21, $0x1;
	v21 =	vmul.f32 $5.000000000e-01, v21;
	v44 =	vmul.f32 v42, v48  }
0x1cd: {  	[tilespmem:$0x14B30] =	vst v52;
	v43 =	vmul.f32 v14, v13;
	v12 =	vsub.f32 $1.500000000e+00, v12;
	v41 =	vmul.f32 v16, v46  }
0x1ce: {  	[tilespmem:$0x14B40] =	vst v53;
	v20 =	vmax.f32 v20, $1.000000000e+00;
	v46 =	vsub.s32 $0x5F3759DF, v50;
	v44 =	vsub.f32 $1.500000000e+00, v44  }
0x1cf: {  	[tilespmem:$0x14B50] =	vst v54;
	v49 =	vshrl.u32 v20, $0x1;
	v20 =	vmul.f32 $5.000000000e-01, v20;
	v52 =	vmul.f32 v46, v21  }
0x1d0: {  	[tilespmem:$0x14B60] =	vst v55;
	v43 =	vmul.f32 v43, v14;
	v45 =	vsub.s32 $0x5F3759DF, v49;
	v12 =	vmul.f32 v17, v12  }
0x1d1: {  	[tilespmem:$0x14B70] =	vst v56;
	v41 =	vsub.f32 $1.500000000e+00, v41;
	v54 =	vmul.f32 v42, v44;
	v51 =	vmul.f32 v45, v20  }
0x1d2: {  	[tilespmem:$0x14BE0] =	vst v1;
	v17 =	vmul.f32 v46, v52;
	v1 =	vsub.f32 $1.500000000e+00, v43;
	v53 =	vmul.f32 v12, v15  }
0x1d3: {  	[tilespmem:$0x14B80] =	vst v57;
	v16 =	vmul.f32 v16, v41;
	v47 =	vmul.f32 v45, v51  }
0x1d4: {  	[tilespmem:$0x14B90] =	vst v58;
	v58 =	vmul.f32 v54, v18;
	v17 =	vsub.f32 $1.500000000e+00, v17;
	v1 =	vmul.f32 v1, v14  }
0x1d5: {  	[tilespmem:$0x14BA0] =	vst v60;
	v56 =	vmul.f32 v53, v12;
	v57 =	vmul.f32 v16, v19;
	v55 =	vsub.f32 $1.500000000e+00, v47  }
0x1d6: {  	[tilespmem:$0x14BB0] =	vst v61;
	v17 =	vmul.f32 v46, v17;
	v46 =	vmul.f32 v58, v54  }
0x1d7: {  	[tilespmem:$0x14BC0] =	vst v59;
	v48 =	vmul.f32 v1, v13;
	v61 =	vsub.f32 $1.500000000e+00, v56;
	v42 =	vmul.f32 v45, v55  }
0x1d8: {  	[tilespmem:$0x14BD0] =	vst v62;
	v45 =	vmul.f32 v57, v16;
	v60 =	vmul.f32 v17, v21  }
0x1d9: {  	[tilespmem:$0x14C00] =	vst v2;
	v2 =	vmul.f32 v61, v12;
	v59 =	vmul.f32 v42, v20  }
0x1da: {  	[tilespmem:$0x14BF0] =	vst v63;
	v46 =	vsub.f32 $1.500000000e+00, v46;
	v45 =	vsub.f32 $1.500000000e+00, v45;
	v63 =	vmul.f32 v60, v17  }
0x1db: {  	[tilespmem:$0x14C10] =	vst v3;
	v50 =	vmul.f32 v2, v15;
	v62 =	vmul.f32 v59, v42  }
0x1dc: {  	[tilespmem:$0x14C20] =	vst v4;
	v3 =	vmul.f32 v45, v16;
	v45 =	vmul.f32 v46, v54;
	v46 =	vsub.f32 $1.500000000e+00, v63  }
0x1dd: {  	[tilespmem:$0x14C30] =	vst v5;
	v51 =	vmul.f32 v48, v1;
	v53 =	vmul.f32 v50, v2;
	v44 =	vsub.f32 $1.500000000e+00, v62  }
0x1de: {  	[tilespmem:$0x14C40] =	vst v6;
	v49 =	vmul.f32 v46, v17;
	v54 =	vmul.f32 v45, v18  }
0x1df: {  	[tilespmem:$0x14C50] =	vst v7;
	v52 =	vmul.f32 v3, v19;
	v47 =	vmul.f32 v44, v42  }
0x1e0: {  	[tilespmem:$0x14C60] =	vst v8;
	v7 =	vsub.f32 $1.500000000e+00, v53;
	v57 =	vmul.f32 v54, v45;
	v58 =	vmul.f32 v49, v21  }
0x1e1: {  	[tilespmem:$0x14C70] =	vst v9;
	v6 =	vsub.f32 $1.500000000e+00, v51;
	v55 =	vmul.f32 v52, v3;
	v56 =	vmul.f32 v47, v20  }
0x1e2: {  	[tilespmem:$0x14C80] =	vst v10;
	v2 =	vmul.f32 v7, v2;
	v61 =	vsub.f32 $1.500000000e+00, v57;
	v62 =	vmul.f32 v58, v49  }
0x1e3: {  	[tilespmem:$0x14C90] =	vst v11;
	v1 =	vmul.f32 v6, v1;
	v59 =	vsub.f32 $1.500000000e+00, v55;
	v60 =	vmul.f32 v56, v47  }
0x1e4: {  	[tilespmem:$0x14CB0] =	vst v2;
	v2 =	vmul.f32 v61, v45;
	v63 =	vsub.f32 $1.500000000e+00, v62  }
0x1e5: {  	[tilespmem:$0x14CA0] =	vst v1;
	v1 =	vmul.f32 v59, v3;
	v3 =	vsub.f32 $1.500000000e+00, v60  }
0x1e6: {  	[tilespmem:$0x14CD0] =	vst v2;
	v2 =	vmul.f32 v63, v49  }
0x1e7: {  	[tilespmem:$0x14CC0] =	vst v1;
	v1 =	vmul.f32 v3, v47  }
0x1e8: {  	[tilespmem:$0x14CF0] =	vst v2  }
.Ltmp4:
0x1e9: {  	s23 =	sor.u32 $0x1C05, s22;
	s24 =	rddreg [dreg:$0xb];
	[tilespmem:$0x14CE0] =	vst v1;
	(pc) =	sbr.rel @!p0 .LBB2_6-.Ltmp4, $4  }
0x1ea: {  	[hbm:s24], [sflag:s23] =	dma.local [spmem:s10], $0x50  }
0x1eb: {  	s10 =	simm.s32 $0x0;
	_ =	swait.ge [sflag:s17], $0x50  }
0x1ec: {  	v1 =	vmov s10;
	[sflag:s17] =	ssyncset.done $0x0  }
0x1ed: {  	s11 =	sand.u32 $0xFFFFFFF0, s10;
	v1 =	vand.u32 $0xF, v1;
	[sflag:s17] =	ssyncadd.s32 $0xFFFFFFB0  }
0x1ee: {  	s12 =	rddreg [dreg:$0x12]  }
0x1ef: {  	v1 =	vor.u32 s11, v1;
	[tilespmem:s16], [sflag:$0x1] =	stream.linear.gather [hbm4b:s12+s10], $0x2000, $0x38;
	[tilespmem:$0x1F480] =	vst v63  }
0x1f0: {  	v1 =	vbroadcast v1, $0x0;
	_ =	swait.ge [sflag:s28], $0x2000  }
0x1f1: {  	[sflag:s28] =	ssyncset.done $0x0  }
0x1f2: {  	s15 =	rddreg [dreg:$0x15];
	[sflag:s28] =	ssyncadd.s32 $0xFFFFE000  }
0x1f3: {  	[tilespmem:s1], [sflag:$0x2] =	stream.linear.gather [hbm4b:s15+s10], $0x2000, $0x38;
	[tilespmem:$0x1F480] =	vst v63  }
0x1f4: {  	s10 =	simm.s32 $0xA020  }
0x1f5: {  	v3 =	vld [tilespmem:s10+$0x10]  }
0x1f6: {  	v1 =	vld.idx.msk [tilespmem:v1+s18+$0x0], $0xffff;
	_ =	sdelay $0x1  }
0x1f7: {  	v4 =	vld [tilespmem:s10+$0xFFFFFFF0]  }
0x1f8: {  	s24 =	simm.s32 $0x1;
	v5 =	vld [tilespmem:s10+$0xFFFFFFE0]  }
0x1f9: {  	v2 =	vmov s24  }
0x1fa: {  	s11 =	sand.u32 $0xFFFFFFF0, s24;
	v2 =	vand.u32 $0xF, v2;
	v41 =	vmul.f32 v3, v1;
	v3 =	vld [tilespmem:s10+$0x0]  }
0x1fb: {  	v2 =	vor.u32 s11, v2  }
0x1fc: {  	v2 =	vbroadcast v2, $0x0  }
0x1fd: {  	s12 =	simm.s32 $0x2;
	s11 =	simm.s32 $0xA020;
	v5 =	vmul.f32 v5, v1;
	v4 =	vmul.f32 v4, v1  }
.LBB2_20:
0x1fe: {  	p1 =	sne.s32 s12, $0x7F  }
0x1ff: {  	v1 =	vmul.f32 v3, v1;
	[tilespmem:s10+$0x10] =	vst v41;
	s11 =	sadd.s32 $0x40, s11;
	s15 =	smov.u32 s12;
	s12 =	sadd.s32 $0x1, s12  }
0x200: {  	[tilespmem:s10+$0xFFFFFFE0] =	vst v5  }
0x201: {  	[tilespmem:s10+$0xFFFFFFF0] =	vst v4  }
0x202: {  	v4 =	vld [tilespmem:s11+$0xFFFFFFF0];
	[tilespmem:s10+$0x0] =	vst v1;
	s10 =	smov.u32 s11  }
0x203: {  	v1 =	vld.idx.msk [tilespmem:v2+s18+$0x0], $0xffff  }
0x204: {  	v5 =	vld [tilespmem:s11+$0x10]  }
0x205: {  	v6 =	vld [tilespmem:s11+$0xFFFFFFE0]  }
.Ltmp5:
0x206: {  	v2 =	vmov s15;
	v3 =	vld [tilespmem:s11+$0x0];
	(pc) =	sbr.rel @p1 .LBB2_20-.Ltmp5, $4  }
0x207: {  	s15 =	sand.u32 $0xFFFFFFF0, s15;
	v2 =	vand.u32 $0xF, v2  }
0x208: {  	v2 =	vor.u32 s15, v2  }
0x209: {  	v2 =	vbroadcast v2, $0x0;
	v41 =	vmul.f32 v5, v1  }
0x20a: {  	v4 =	vmul.f32 v4, v1;
	v5 =	vmul.f32 v6, v1  }
0x20b: {  	[tilespmem:s10+$0x10] =	vst v41  }
0x20c: {  	v1 =	vmul.f32 v3, v1;
	[tilespmem:s10+$0xFFFFFFE0] =	vst v5  }
0x20d: {  	s11 =	sadd.s32 $0x40, s11;
	[tilespmem:s10+$0xFFFFFFF0] =	vst v4  }
0x20e: {  	v3 =	vld [tilespmem:s11+$0xFFFFFFF0];
	[tilespmem:s10+$0x0] =	vst v1  }
0x20f: {  	v1 =	vld.idx.msk [tilespmem:v2+s18+$0x0], $0xffff  }
0x210: {  	v2 =	vld [tilespmem:s11+$0x10]  }
0x211: {  	v4 =	vld [tilespmem:s11+$0xFFFFFFE0];
	_ =	sdelay $0x1  }
0x212: {  	v5 =	vld [tilespmem:s11+$0x0];
	_ =	sdelay $0x1  }
0x213: {  	v2 =	vmul.f32 v2, v1  }
0x214: {  	v4 =	vmul.f32 v4, v1  }
0x215: {  	v3 =	vmul.f32 v3, v1;
	[tilespmem:s11+$0x10] =	vst v2  }
0x216: {  	s10 =	simm.s32 $0x0;
	v1 =	vmul.f32 v5, v1;
	[tilespmem:s11+$0xFFFFFFE0] =	vst v4  }
0x217: {  	s24 =	sor.u32 $0x80, s10;
	[tilespmem:s11+$0xFFFFFFF0] =	vst v3  }
0x218: {  	s15 =	rddreg [dreg:$0x13];
	[tilespmem:s11+$0x0] =	vst v1;
	v1 =	vmov s10;
	s11 =	sand.u32 $0xFFFFFFF0, s24  }
0x219: {  	[hbm4b:s15+s10] =	stream.linear.scatter [tilespmem:s16], [sflag:$0x3], $0x2000, $0x38;
	v1 =	vand.u32 $0xF, v1;
	[tilespmem:$0x1F480] =	vst v63  }
0x21a: {  	_ =	swait.ge [sflag:s29], $0x2000;
	v1 =	vor.u32 s11, v1  }
0x21b: {  	[sflag:s29] =	ssyncset.done $0x0;
	v1 =	vbroadcast v1, $0x0  }
0x21c: {  	[sflag:s29] =	ssyncadd.s32 $0xFFFFE000  }
0x21d: {  	_ =	swait.ge [sflag:s30], $0x2000  }
0x21e: {  	[sflag:s30] =	ssyncset.done $0x0  }
0x21f: {  	s12 =	rddreg [dreg:$0x18];
	[sflag:s30] =	ssyncadd.s32 $0xFFFFE000  }
0x220: {  	[tilespmem:s16], [sflag:$0x1] =	stream.linear.gather [hbm4b:s12+s10], $0x2000, $0x38;
	[tilespmem:$0x1F480] =	vst v63  }
0x221: {  	s10 =	simm.s32 $0xC020;
	v1 =	vld.idx.msk [tilespmem:v1+s18+$0x0], $0xffff  }
0x222: {  	v4 =	vld [tilespmem:s10+$0x10];
	_ =	sdelay $0x1  }
0x223: {  	v3 =	vld [tilespmem:s10+$0xFFFFFFF0]  }
0x224: {  	s15 =	simm.s32 $0x1;
	v6 =	vld [tilespmem:s10+$0x0]  }
0x225: {  	v2 =	vmov s15;
	s12 =	sor.u32 $0x80, s15  }
0x226: {  	v2 =	vand.u32 $0xF, v2;
	s24 =	sand.u32 $0xFFFFFFF0, s12;
	v5 =	vmul.f32 v4, v1;
	v4 =	vld [tilespmem:s10+$0xFFFFFFE0]  }
0x227: {  	v2 =	vor.u32 s24, v2  }
0x228: {  	v2 =	vbroadcast v2, $0x0  }
0x229: {  	s11 =	simm.s32 $0xC020;
	s12 =	simm.s32 $0x2;
	v3 =	vmul.f32 v3, v1;
	v41 =	vmul.f32 v6, v1  }
.LBB2_22:
0x22a: {  	p1 =	sne.s32 s12, $0x7F  }
0x22b: {  	v1 =	vmul.f32 v4, v1;
	[tilespmem:s10+$0x10] =	vst v5;
	s11 =	sadd.s32 $0x40, s11;
	s15 =	smov.u32 s12;
	s12 =	sadd.s32 $0x1, s12  }
0x22c: {  	[tilespmem:s10+$0x0] =	vst v41  }
0x22d: {  	[tilespmem:s10+$0xFFFFFFE0] =	vst v1  }
0x22e: {  	v6 =	vld [tilespmem:s11+$0xFFFFFFF0];
	[tilespmem:s10+$0xFFFFFFF0] =	vst v3;
	s10 =	smov.u32 s11  }
0x22f: {  	v1 =	vld.idx.msk [tilespmem:v2+s18+$0x0], $0xffff  }
0x230: {  	v3 =	vld [tilespmem:s11+$0x10]  }
0x231: {  	v7 =	vld [tilespmem:s11+$0x0]  }
.Ltmp6:
0x232: {  	s24 =	sor.u32 $0x80, s15;
	v2 =	vmov s15;
	v4 =	vld [tilespmem:s11+$0xFFFFFFE0];
	(pc) =	sbr.rel @p1 .LBB2_22-.Ltmp6, $4  }
0x233: {  	s15 =	sand.u32 $0xFFFFFFF0, s24;
	v2 =	vand.u32 $0xF, v2  }
0x234: {  	v2 =	vor.u32 s15, v2  }
0x235: {  	v2 =	vbroadcast v2, $0x0;
	v5 =	vmul.f32 v3, v1  }
0x236: {  	v3 =	vmul.f32 v6, v1;
	v41 =	vmul.f32 v7, v1  }
0x237: {  	v1 =	vmul.f32 v4, v1;
	[tilespmem:s10+$0x10] =	vst v5  }
0x238: {  	[tilespmem:s10+$0x0] =	vst v41  }
0x239: {  	s11 =	sadd.s32 $0x40, s11;
	[tilespmem:s10+$0xFFFFFFE0] =	vst v1  }
0x23a: {  	v1 =	vld [tilespmem:s11+$0xFFFFFFF0];
	[tilespmem:s10+$0xFFFFFFF0] =	vst v3  }
0x23b: {  	v2 =	vld.idx.msk [tilespmem:v2+s18+$0x0], $0xffff  }
0x23c: {  	v3 =	vld [tilespmem:s11+$0x10]  }
0x23d: {  	v4 =	vld [tilespmem:s11+$0x0]  }
0x23e: {  	v5 =	vld [tilespmem:s11+$0xFFFFFFE0];
	_ =	sdelay $0x2  }
0x23f: {  	v3 =	vmul.f32 v3, v2  }
0x240: {  	v4 =	vmul.f32 v4, v2  }
0x241: {  	v5 =	vmul.f32 v5, v2;
	[tilespmem:s11+$0x10] =	vst v3  }
0x242: {  	s10 =	simm.s32 $0x0;
	v1 =	vmul.f32 v1, v2;
	[tilespmem:s11+$0x0] =	vst v4  }
0x243: {  	s24 =	sor.u32 $0x100, s10;
	[tilespmem:s11+$0xFFFFFFE0] =	vst v5  }
0x244: {  	s15 =	rddreg [dreg:$0x16];
	[tilespmem:s11+$0xFFFFFFF0] =	vst v1;
	v1 =	vmov s10;
	s11 =	sand.u32 $0xFFFFFFF0, s24  }
0x245: {  	[hbm4b:s15+s10] =	stream.linear.scatter [tilespmem:s1], [sflag:$0x4], $0x2000, $0x38;
	v1 =	vand.u32 $0xF, v1;
	[tilespmem:$0x1F480] =	vst v63  }
0x246: {  	_ =	swait.ge [sflag:s28], $0x2000;
	v1 =	vor.u32 s11, v1  }
0x247: {  	[sflag:s28] =	ssyncset.done $0x0;
	v1 =	vbroadcast v1, $0x0  }
0x248: {  	[sflag:s28] =	ssyncadd.s32 $0xFFFFE000  }
0x249: {  	_ =	swait.ge [sflag:s31], $0x2000  }
0x24a: {  	[sflag:s31] =	ssyncset.done $0x0  }
0x24b: {  	s12 =	rddreg [dreg:$0x1a];
	[sflag:s31] =	ssyncadd.s32 $0xFFFFE000  }
0x24c: {  	[tilespmem:s1], [sflag:$0x2] =	stream.linear.gather [hbm4b:s12+s10], $0x2000, $0x38;
	[tilespmem:$0x1F480] =	vst v63  }
0x24d: {  	s10 =	simm.s32 $0xA020;
	v1 =	vld.idx.msk [tilespmem:v1+s18+$0x0], $0xffff  }
0x24e: {  	v4 =	vld [tilespmem:s10+$0x10];
	_ =	sdelay $0x1  }
0x24f: {  	v3 =	vld [tilespmem:s10+$0xFFFFFFF0]  }
0x250: {  	s15 =	simm.s32 $0x1;
	v6 =	vld [tilespmem:s10+$0x0]  }
0x251: {  	v2 =	vmov s15;
	s12 =	sor.u32 $0x100, s15  }
0x252: {  	v2 =	vand.u32 $0xF, v2;
	s24 =	sand.u32 $0xFFFFFFF0, s12;
	v5 =	vmul.f32 v4, v1;
	v4 =	vld [tilespmem:s10+$0xFFFFFFE0]  }
0x253: {  	v2 =	vor.u32 s24, v2  }
0x254: {  	v2 =	vbroadcast v2, $0x0  }
0x255: {  	s11 =	simm.s32 $0xA020;
	s12 =	simm.s32 $0x2;
	v3 =	vmul.f32 v3, v1;
	v41 =	vmul.f32 v6, v1  }
.LBB2_24:
0x256: {  	p1 =	sne.s32 s12, $0x7F  }
0x257: {  	v1 =	vmul.f32 v4, v1;
	[tilespmem:s10+$0x10] =	vst v5;
	s11 =	sadd.s32 $0x40, s11;
	s15 =	smov.u32 s12;
	s12 =	sadd.s32 $0x1, s12  }
0x258: {  	[tilespmem:s10+$0x0] =	vst v41  }
0x259: {  	[tilespmem:s10+$0xFFFFFFE0] =	vst v1  }
0x25a: {  	v6 =	vld [tilespmem:s11+$0xFFFFFFF0];
	[tilespmem:s10+$0xFFFFFFF0] =	vst v3;
	s10 =	smov.u32 s11  }
0x25b: {  	v1 =	vld.idx.msk [tilespmem:v2+s18+$0x0], $0xffff  }
0x25c: {  	v3 =	vld [tilespmem:s11+$0x10]  }
0x25d: {  	v7 =	vld [tilespmem:s11+$0x0]  }
.Ltmp7:
0x25e: {  	s24 =	sor.u32 $0x100, s15;
	v2 =	vmov s15;
	v4 =	vld [tilespmem:s11+$0xFFFFFFE0];
	(pc) =	sbr.rel @p1 .LBB2_24-.Ltmp7, $4  }
0x25f: {  	s15 =	sand.u32 $0xFFFFFFF0, s24;
	v2 =	vand.u32 $0xF, v2  }
0x260: {  	v2 =	vor.u32 s15, v2  }
0x261: {  	v2 =	vbroadcast v2, $0x0;
	v5 =	vmul.f32 v3, v1  }
0x262: {  	v3 =	vmul.f32 v6, v1;
	v41 =	vmul.f32 v7, v1  }
0x263: {  	v1 =	vmul.f32 v4, v1;
	[tilespmem:s10+$0x10] =	vst v5  }
0x264: {  	[tilespmem:s10+$0x0] =	vst v41  }
0x265: {  	s11 =	sadd.s32 $0x40, s11;
	[tilespmem:s10+$0xFFFFFFE0] =	vst v1  }
0x266: {  	v1 =	vld [tilespmem:s11+$0xFFFFFFF0];
	[tilespmem:s10+$0xFFFFFFF0] =	vst v3  }
0x267: {  	v2 =	vld.idx.msk [tilespmem:v2+s18+$0x0], $0xffff  }
0x268: {  	v3 =	vld [tilespmem:s11+$0x10]  }
0x269: {  	v4 =	vld [tilespmem:s11+$0x0]  }
0x26a: {  	v5 =	vld [tilespmem:s11+$0xFFFFFFE0];
	_ =	sdelay $0x2  }
0x26b: {  	v3 =	vmul.f32 v3, v2  }
0x26c: {  	v4 =	vmul.f32 v4, v2  }
0x26d: {  	v5 =	vmul.f32 v5, v2;
	[tilespmem:s11+$0x10] =	vst v3  }
0x26e: {  	s10 =	simm.s32 $0x0;
	v1 =	vmul.f32 v1, v2;
	[tilespmem:s11+$0x0] =	vst v4  }
0x26f: {  	s24 =	sor.u32 $0x180, s10;
	[tilespmem:s11+$0xFFFFFFE0] =	vst v5  }
0x270: {  	s15 =	rddreg [dreg:$0x19];
	[tilespmem:s11+$0xFFFFFFF0] =	vst v1;
	v1 =	vmov s10;
	s11 =	sand.u32 $0xFFFFFFF0, s24  }
0x271: {  	[hbm4b:s15+s10] =	stream.linear.scatter [tilespmem:s16], [sflag:$0x3], $0x2000, $0x38;
	v1 =	vand.u32 $0xF, v1;
	[tilespmem:$0x1F480] =	vst v63  }
0x272: {  	_ =	swait.ge [sflag:s29], $0x2000;
	v1 =	vor.u32 s11, v1  }
0x273: {  	[sflag:s29] =	ssyncset.done $0x0;
	v1 =	vbroadcast v1, $0x0  }
0x274: {  	[sflag:s29] =	ssyncadd.s32 $0xFFFFE000  }
0x275: {  	_ =	swait.ge [sflag:s30], $0x2000  }
0x276: {  	[sflag:s30] =	ssyncset.done $0x0  }
0x277: {  	s12 =	rddreg [dreg:$0x1b];
	[sflag:s30] =	ssyncadd.s32 $0xFFFFE000  }
0x278: {  	[tilespmem:s16], [sflag:$0x1] =	stream.linear.gather [hbm4b:s12+s10], $0x2000, $0x38;
	[tilespmem:$0x1F480] =	vst v63  }
0x279: {  	s10 =	simm.s32 $0xC020;
	v1 =	vld.idx.msk [tilespmem:v1+s18+$0x0], $0xffff  }
0x27a: {  	v4 =	vld [tilespmem:s10+$0x10];
	_ =	sdelay $0x1  }
0x27b: {  	v3 =	vld [tilespmem:s10+$0xFFFFFFF0]  }
0x27c: {  	s15 =	simm.s32 $0x1;
	v6 =	vld [tilespmem:s10+$0x0]  }
0x27d: {  	v2 =	vmov s15;
	s12 =	sor.u32 $0x180, s15  }
0x27e: {  	v2 =	vand.u32 $0xF, v2;
	s24 =	sand.u32 $0xFFFFFFF0, s12;
	v5 =	vmul.f32 v4, v1;
	v4 =	vld [tilespmem:s10+$0xFFFFFFE0]  }
0x27f: {  	v2 =	vor.u32 s24, v2  }
0x280: {  	v2 =	vbroadcast v2, $0x0  }
0x281: {  	s11 =	simm.s32 $0xC020;
	s12 =	simm.s32 $0x2;
	v3 =	vmul.f32 v3, v1;
	v41 =	vmul.f32 v6, v1  }
.LBB2_26:
0x282: {  	p1 =	sne.s32 s12, $0x7F  }
0x283: {  	v1 =	vmul.f32 v4, v1;
	[tilespmem:s10+$0x10] =	vst v5;
	s11 =	sadd.s32 $0x40, s11;
	s15 =	smov.u32 s12;
	s12 =	sadd.s32 $0x1, s12  }
0x284: {  	[tilespmem:s10+$0x0] =	vst v41  }
0x285: {  	[tilespmem:s10+$0xFFFFFFE0] =	vst v1  }
0x286: {  	v6 =	vld [tilespmem:s11+$0xFFFFFFF0];
	[tilespmem:s10+$0xFFFFFFF0] =	vst v3;
	s10 =	smov.u32 s11  }
0x287: {  	v1 =	vld.idx.msk [tilespmem:v2+s18+$0x0], $0xffff  }
0x288: {  	v3 =	vld [tilespmem:s11+$0x10]  }
0x289: {  	v7 =	vld [tilespmem:s11+$0x0]  }
.Ltmp8:
0x28a: {  	s24 =	sor.u32 $0x180, s15;
	v2 =	vmov s15;
	v4 =	vld [tilespmem:s11+$0xFFFFFFE0];
	(pc) =	sbr.rel @p1 .LBB2_26-.Ltmp8, $4  }
0x28b: {  	s15 =	sand.u32 $0xFFFFFFF0, s24;
	v2 =	vand.u32 $0xF, v2  }
0x28c: {  	v2 =	vor.u32 s15, v2  }
0x28d: {  	v2 =	vbroadcast v2, $0x0;
	v5 =	vmul.f32 v3, v1  }
0x28e: {  	v3 =	vmul.f32 v6, v1;
	v41 =	vmul.f32 v7, v1  }
0x28f: {  	v1 =	vmul.f32 v4, v1;
	[tilespmem:s10+$0x10] =	vst v5  }
0x290: {  	[tilespmem:s10+$0x0] =	vst v41  }
0x291: {  	s11 =	sadd.s32 $0x40, s11;
	[tilespmem:s10+$0xFFFFFFE0] =	vst v1  }
0x292: {  	v1 =	vld [tilespmem:s11+$0xFFFFFFF0];
	[tilespmem:s10+$0xFFFFFFF0] =	vst v3  }
0x293: {  	v2 =	vld.idx.msk [tilespmem:v2+s18+$0x0], $0xffff  }
0x294: {  	v3 =	vld [tilespmem:s11+$0x10]  }
0x295: {  	v4 =	vld [tilespmem:s11+$0x0]  }
0x296: {  	v5 =	vld [tilespmem:s11+$0xFFFFFFE0];
	_ =	sdelay $0x2  }
0x297: {  	v3 =	vmul.f32 v3, v2  }
0x298: {  	v4 =	vmul.f32 v4, v2  }
0x299: {  	v5 =	vmul.f32 v5, v2;
	[tilespmem:s11+$0x10] =	vst v3  }
0x29a: {  	v1 =	vmul.f32 v1, v2;
	[tilespmem:s11+$0x0] =	vst v4  }
0x29b: {  	s12 =	simm.s32 $0x0;
	[tilespmem:s11+$0xFFFFFFE0] =	vst v5  }
0x29c: {  	s15 =	rddreg [dreg:$0x1d];
	s24 =	sor.u32 $0x200, s12;
	[tilespmem:s11+$0xFFFFFFF0] =	vst v1  }
0x29d: {  	v1 =	vmov s12;
	[hbm4b:s15+s12] =	stream.linear.scatter [tilespmem:s1], [sflag:$0x4], $0x2000, $0x38;
	[tilespmem:$0x1F480] =	vst v63  }
0x29e: {  	s12 =	sand.u32 $0xFFFFFFF0, s24;
	v1 =	vand.u32 $0xF, v1  }
0x29f: {  	_ =	swait.ge [sflag:s28], $0x2000;
	v1 =	vor.u32 s12, v1  }
0x2a0: {  	[sflag:s28] =	ssyncset.done $0x0;
	v1 =	vbroadcast v1, $0x0  }
0x2a1: {  	[sflag:s28] =	ssyncadd.s32 $0xFFFFE000  }
0x2a2: {  	_ =	swait.ge [sflag:s31], $0x2000  }
0x2a3: {  	[sflag:s31] =	ssyncset.done $0x0  }
0x2a4: {  	s10 =	simm.s32 $0xA020;
	[sflag:s31] =	ssyncadd.s32 $0xFFFFE000  }
0x2a5: {  	v4 =	vld [tilespmem:s10+$0x10]  }
0x2a6: {  	v1 =	vld.idx.msk [tilespmem:v1+s18+$0x0], $0xffff;
	_ =	sdelay $0x1  }
0x2a7: {  	v3 =	vld [tilespmem:s10+$0xFFFFFFF0]  }
0x2a8: {  	s15 =	simm.s32 $0x1;
	v6 =	vld [tilespmem:s10+$0x0]  }
0x2a9: {  	s12 =	sor.u32 $0x200, s15;
	v2 =	vmov s15  }
0x2aa: {  	s24 =	sand.u32 $0xFFFFFFF0, s12;
	v2 =	vand.u32 $0xF, v2;
	v5 =	vmul.f32 v4, v1;
	v4 =	vld [tilespmem:s10+$0xFFFFFFE0]  }
0x2ab: {  	v2 =	vor.u32 s24, v2  }
0x2ac: {  	v2 =	vbroadcast v2, $0x0  }
0x2ad: {  	s11 =	simm.s32 $0xA020;
	s12 =	simm.s32 $0x2;
	v3 =	vmul.f32 v3, v1;
	v41 =	vmul.f32 v6, v1  }
.LBB2_28:
0x2ae: {  	p1 =	sne.s32 s12, $0x7F  }
0x2af: {  	v1 =	vmul.f32 v4, v1;
	[tilespmem:s10+$0x10] =	vst v5;
	s11 =	sadd.s32 $0x40, s11;
	s15 =	smov.u32 s12;
	s12 =	sadd.s32 $0x1, s12  }
0x2b0: {  	[tilespmem:s10+$0x0] =	vst v41  }
0x2b1: {  	[tilespmem:s10+$0xFFFFFFE0] =	vst v1  }
0x2b2: {  	v6 =	vld [tilespmem:s11+$0xFFFFFFF0];
	[tilespmem:s10+$0xFFFFFFF0] =	vst v3;
	s10 =	smov.u32 s11  }
0x2b3: {  	v1 =	vld.idx.msk [tilespmem:v2+s18+$0x0], $0xffff  }
0x2b4: {  	v3 =	vld [tilespmem:s11+$0x10]  }
0x2b5: {  	v7 =	vld [tilespmem:s11+$0x0]  }
.Ltmp9:
0x2b6: {  	s24 =	sor.u32 $0x200, s15;
	v2 =	vmov s15;
	v4 =	vld [tilespmem:s11+$0xFFFFFFE0];
	(pc) =	sbr.rel @p1 .LBB2_28-.Ltmp9, $4  }
0x2b7: {  	s15 =	sand.u32 $0xFFFFFFF0, s24;
	v2 =	vand.u32 $0xF, v2  }
0x2b8: {  	v2 =	vor.u32 s15, v2  }
0x2b9: {  	v2 =	vbroadcast v2, $0x0;
	v5 =	vmul.f32 v3, v1  }
0x2ba: {  	v3 =	vmul.f32 v6, v1;
	v41 =	vmul.f32 v7, v1  }
0x2bb: {  	v1 =	vmul.f32 v4, v1;
	[tilespmem:s10+$0x10] =	vst v5  }
0x2bc: {  	[tilespmem:s10+$0x0] =	vst v41  }
0x2bd: {  	s11 =	sadd.s32 $0x40, s11;
	[tilespmem:s10+$0xFFFFFFE0] =	vst v1  }
0x2be: {  	v1 =	vld [tilespmem:s11+$0xFFFFFFF0];
	[tilespmem:s10+$0xFFFFFFF0] =	vst v3  }
0x2bf: {  	v2 =	vld.idx.msk [tilespmem:v2+s18+$0x0], $0xffff  }
0x2c0: {  	v3 =	vld [tilespmem:s11+$0x10]  }
0x2c1: {  	v63 =	vld [tilespmem:s11+$0x0]  }
0x2c2: {  	v5 =	vld [tilespmem:s11+$0xFFFFFFE0];
	_ =	sdelay $0x2  }
0x2c3: {  	v3 =	vmul.f32 v3, v2  }
0x2c4: {  	v4 =	vmul.f32 v63, v2  }
0x2c5: {  	v5 =	vmul.f32 v5, v2;
	[tilespmem:s11+$0x10] =	vst v3  }
0x2c6: {  	v1 =	vmul.f32 v1, v2;
	[tilespmem:s11+$0x0] =	vst v4  }
0x2c7: {  	[tilespmem:s11+$0xFFFFFFE0] =	vst v5  }
0x2c8: {  	s12 =	simm.s32 $0x0;
	s15 =	rddreg [dreg:$0x1f];
	[tilespmem:s11+$0xFFFFFFF0] =	vst v1  }
0x2c9: {  	[hbm4b:s15+s12] =	stream.linear.scatter [tilespmem:s16], [sflag:$0x3], $0x2000, $0x38;
	[tilespmem:$0x1F480] =	vst v63  }
0x2ca: {  	_ =	swait.ge [sflag:s30], $0x2000  }
0x2cb: {  	[sflag:s30] =	ssyncset.done $0x0  }
0x2cc: {  	[sflag:s30] =	ssyncadd.s32 $0xFFFFE000  }
0x2cd: {  	[bflag:$0x0] =	sbarrier.arrive $0xFFFF  }
0x2ce: {  	[tilespmem:s16], [sflag:$0x1] =	stream.indirect.gather [hbm4b:s9+s0], $0x40, s12, s0, $0xb8;
	[tilespmem:$0x1F480] =	vst v63  }
0x2cf: {  	_ = 	snop  }
0x2d0: {  	[tilespmem:s1], [sflag:$0x2] =	stream.indirect.gather [hbm4b:s9+s0], $0x40, s0, s0, $0xb8;
	[tilespmem:$0x1F480] =	vst v63  }
0x2d1: {  	s24 =	simm.s32 $0x100  }
0x2d2: {  	[tilespmem:s21], [sflag:$0x3] =	stream.indirect.gather [hbm4b:s9+s0], $0x40, s24, s0, $0xb8;
	[tilespmem:$0x1F480] =	vst v63  }
0x2d3: {  	s11 =	simm.s32 $0x180  }
0x2d4: {  	[tilespmem:s19], [sflag:$0x4] =	stream.indirect.gather [hbm4b:s9+s0], $0x40, s11, s0, $0xb8;
	[tilespmem:$0x1F480] =	vst v63  }
0x2d5: {  	_ =	swait.ge [sflag:s28], $0x2000  }
0x2d6: {  	[sflag:s28] =	ssyncset.done $0x0  }
0x2d7: {  	s12 =	simm.s32 $0x5000;
	[sflag:s28] =	ssyncadd.s32 $0xFFFFE000  }
0x2d8: {  	[spmem:s2] =	stream.indirect.scatter.add.f32 [tilespmem:s16], [sflag:$0x1], $0x40, s12, s0, $0xb8;
	[tilespmem:$0x1F480] =	vst v63  }
0x2d9: {  	_ =	swait.ge [sflag:s29], $0x2000  }
0x2da: {  	[sflag:s29] =	ssyncset.done $0x0  }
0x2db: {  	s15 =	simm.s32 $0x5080;
	[sflag:s29] =	ssyncadd.s32 $0xFFFFE000  }
0x2dc: {  	[spmem:s2] =	stream.indirect.scatter.add.f32 [tilespmem:s1], [sflag:$0x2], $0x40, s15, s0, $0xb8;
	[tilespmem:$0x1F480] =	vst v63  }
0x2dd: {  	_ =	swait.ge [sflag:s30], $0x2000  }
0x2de: {  	[sflag:s30] =	ssyncset.done $0x0  }
0x2df: {  	s24 =	simm.s32 $0x5100;
	[sflag:s30] =	ssyncadd.s32 $0xFFFFE000  }
0x2e0: {  	[spmem:s2] =	stream.indirect.scatter.add.f32 [tilespmem:s21], [sflag:$0x3], $0x40, s24, s0, $0xb8;
	[tilespmem:$0x1F480] =	vst v63  }
0x2e1: {  	_ =	swait.ge [sflag:s31], $0x2000  }
0x2e2: {  	[sflag:s31] =	ssyncset.done $0x0  }
0x2e3: {  	s11 =	simm.s32 $0x5180;
	[sflag:s31] =	ssyncadd.s32 $0xFFFFE000  }
0x2e4: {  	[spmem:s2] =	stream.indirect.scatter.add.f32 [tilespmem:s19], [sflag:$0x4], $0x40, s11, s0, $0xb8;
	[tilespmem:$0x1F480] =	vst v63  }
0x2e5: {  	_ =	swait.ge [sflag:s28], $0x2000  }
0x2e6: {  	[sflag:s28] =	ssyncset.done $0x0  }
0x2e7: {  	s12 =	simm.s32 $0x200;
	[sflag:s28] =	ssyncadd.s32 $0xFFFFE000  }
0x2e8: {  	[tilespmem:s16], [sflag:$0x1] =	stream.indirect.gather [hbm4b:s9+s0], $0x40, s12, s0, $0xb8;
	[tilespmem:$0x1F480] =	vst v63  }
0x2e9: {  	_ =	swait.ge [sflag:s29], $0x2000  }
0x2ea: {  	[sflag:s29] =	ssyncset.done $0x0  }
0x2eb: {  	s15 =	simm.s32 $0x280;
	[sflag:s29] =	ssyncadd.s32 $0xFFFFE000  }
0x2ec: {  	[tilespmem:s1], [sflag:$0x2] =	stream.indirect.gather [hbm4b:s9+s0], $0x40, s15, s0, $0xb8;
	[tilespmem:$0x1F480] =	vst v63  }
0x2ed: {  	_ =	swait.ge [sflag:s30], $0x2000  }
0x2ee: {  	[sflag:s30] =	ssyncset.done $0x0  }
0x2ef: {  	s24 =	simm.s32 $0x300;
	[sflag:s30] =	ssyncadd.s32 $0xFFFFE000  }
0x2f0: {  	[tilespmem:s21], [sflag:$0x3] =	stream.indirect.gather [hbm4b:s9+s0], $0x40, s24, s0, $0xb8;
	[tilespmem:$0x1F480] =	vst v63  }
0x2f1: {  	_ =	swait.ge [sflag:s31], $0x2000  }
0x2f2: {  	[sflag:s31] =	ssyncset.done $0x0  }
0x2f3: {  	s10 =	simm.s32 $0x800;
	s11 =	simm.s32 $0x380;
	[sflag:s31] =	ssyncadd.s32 $0xFFFFE000  }
.LBB2_30:
0x2f4: {  	[tilespmem:s19], [sflag:$0x4] =	stream.indirect.gather [hbm4b:s9+s0], $0x40, s11, s0, $0xb8;
	[tilespmem:$0x1F480] =	vst v63  }
0x2f5: {  	s11 =	smov.u32 s10  }
0x2f6: {  	p1 =	sne.s32 s10, $0x13000;
	s10 =	sadd.s32 $0x800, s10;
	_ =	swait.ge [sflag:s28], $0x2000  }
0x2f7: {  	s11 =	sshra.s32 s11, $0x2;
	[sflag:s28] =	ssyncset.done $0x0  }
0x2f8: {  	s12 =	sadd.s32 $0x5000, s11;
	[sflag:s28] =	ssyncadd.s32 $0xFFFFE000  }
0x2f9: {  	[spmem:s2] =	stream.indirect.scatter.add.f32 [tilespmem:s16], [sflag:$0x1], $0x40, s12, s0, $0xb8;
	[tilespmem:$0x1F480] =	vst v63  }
0x2fa: {  	_ =	swait.ge [sflag:s29], $0x2000  }
0x2fb: {  	[sflag:s29] =	ssyncset.done $0x0  }
0x2fc: {  	s12 =	sadd.s32 $0x5080, s11;
	[sflag:s29] =	ssyncadd.s32 $0xFFFFE000  }
0x2fd: {  	[spmem:s2] =	stream.indirect.scatter.add.f32 [tilespmem:s1], [sflag:$0x2], $0x40, s12, s0, $0xb8;
	[tilespmem:$0x1F480] =	vst v63  }
0x2fe: {  	_ =	swait.ge [sflag:s30], $0x2000  }
0x2ff: {  	[sflag:s30] =	ssyncset.done $0x0  }
0x300: {  	s12 =	sadd.s32 $0x5100, s11;
	[sflag:s30] =	ssyncadd.s32 $0xFFFFE000  }
0x301: {  	[spmem:s2] =	stream.indirect.scatter.add.f32 [tilespmem:s21], [sflag:$0x3], $0x40, s12, s0, $0xb8;
	[tilespmem:$0x1F480] =	vst v63  }
0x302: {  	_ =	swait.ge [sflag:s31], $0x2000  }
0x303: {  	[sflag:s31] =	ssyncset.done $0x0  }
0x304: {  	s12 =	sadd.s32 $0x5180, s11;
	[sflag:s31] =	ssyncadd.s32 $0xFFFFE000  }
0x305: {  	[spmem:s2] =	stream.indirect.scatter.add.f32 [tilespmem:s19], [sflag:$0x4], $0x40, s12, s0, $0xb8;
	[tilespmem:$0x1F480] =	vst v63  }
0x306: {  	_ =	swait.ge [sflag:s28], $0x2000  }
0x307: {  	[sflag:s28] =	ssyncset.done $0x0  }
0x308: {  	s12 =	sadd.s32 $0x200, s11;
	[sflag:s28] =	ssyncadd.s32 $0xFFFFE000  }
0x309: {  	[tilespmem:s16], [sflag:$0x1] =	stream.indirect.gather [hbm4b:s9+s0], $0x40, s12, s0, $0xb8;
	[tilespmem:$0x1F480] =	vst v63  }
0x30a: {  	_ =	swait.ge [sflag:s29], $0x2000  }
0x30b: {  	[sflag:s29] =	ssyncset.done $0x0  }
0x30c: {  	s12 =	sadd.s32 $0x280, s11;
	[sflag:s29] =	ssyncadd.s32 $0xFFFFE000  }
0x30d: {  	[tilespmem:s1], [sflag:$0x2] =	stream.indirect.gather [hbm4b:s9+s0], $0x40, s12, s0, $0xb8;
	[tilespmem:$0x1F480] =	vst v63  }
0x30e: {  	_ =	swait.ge [sflag:s30], $0x2000  }
0x30f: {  	[sflag:s30] =	ssyncset.done $0x0  }
.Ltmp10:
0x310: {  	s12 =	sadd.s32 $0x300, s11;
	[sflag:s30] =	ssyncadd.s32 $0xFFFFE000;
	(pc) =	sbr.rel @p1 .LBB2_30-.Ltmp10, $4  }
0x311: {  	[tilespmem:s21], [sflag:$0x3] =	stream.indirect.gather [hbm4b:s9+s0], $0x40, s12, s0, $0xb8;
	[tilespmem:$0x1F480] =	vst v63  }
0x312: {  	_ =	swait.ge [sflag:s31], $0x2000  }
0x313: {  	[sflag:s31] =	ssyncset.done $0x0  }
0x314: {  	s11 =	sadd.s32 $0x380, s11;
	[sflag:s31] =	ssyncadd.s32 $0xFFFFE000  }
.Ltmp11:
0x315: {  	_ = 	snop;
	(pc) =	sbr.rel .LBB2_31-.Ltmp11, $1  }
0x316: {  	_ =	sdelay $0x3  }
.LBB2_6:
0x317: {  	s12 =	rddreg [dreg:$0xc]  }
0x318: {  	v1 =	vor.u32 s11, v1;
	[tilespmem:s16], [sflag:$0x1] =	stream.linear.gather [hbm4b:s12+s10], $0x2000, $0x38;
	[tilespmem:$0x1F480] =	vst v63  }
0x319: {  	v1 =	vbroadcast v1, $0x0;
	_ =	swait.ge [sflag:s28], $0x2000  }
0x31a: {  	[sflag:s28] =	ssyncset.done $0x0  }
0x31b: {  	s15 =	rddreg [dreg:$0xd];
	[sflag:s28] =	ssyncadd.s32 $0xFFFFE000  }
0x31c: {  	[tilespmem:s1], [sflag:$0x2] =	stream.linear.gather [hbm4b:s15+s10], $0x2000, $0x38;
	[tilespmem:$0x1F480] =	vst v63  }
0x31d: {  	s10 =	simm.s32 $0xA020  }
0x31e: {  	v3 =	vld [tilespmem:s10+$0x10]  }
0x31f: {  	v1 =	vld.idx.msk [tilespmem:v1+s18+$0x0], $0xffff;
	_ =	sdelay $0x1  }
0x320: {  	v4 =	vld [tilespmem:s10+$0xFFFFFFF0]  }
0x321: {  	s24 =	simm.s32 $0x1;
	v5 =	vld [tilespmem:s10+$0xFFFFFFE0]  }
0x322: {  	v2 =	vmov s24  }
0x323: {  	s11 =	sand.u32 $0xFFFFFFF0, s24;
	v2 =	vand.u32 $0xF, v2;
	v41 =	vmul.f32 v3, v1;
	v3 =	vld [tilespmem:s10+$0x0]  }
0x324: {  	v2 =	vor.u32 s11, v2  }
0x325: {  	v2 =	vbroadcast v2, $0x0  }
0x326: {  	s12 =	simm.s32 $0x2;
	s11 =	simm.s32 $0xA020;
	v5 =	vmul.f32 v5, v1;
	v4 =	vmul.f32 v4, v1  }
.LBB2_7:
0x327: {  	p1 =	sne.s32 s12, $0x7F  }
0x328: {  	v1 =	vmul.f32 v3, v1;
	[tilespmem:s10+$0x10] =	vst v41;
	s11 =	sadd.s32 $0x40, s11;
	s15 =	smov.u32 s12;
	s12 =	sadd.s32 $0x1, s12  }
0x329: {  	[tilespmem:s10+$0xFFFFFFE0] =	vst v5  }
0x32a: {  	[tilespmem:s10+$0xFFFFFFF0] =	vst v4  }
0x32b: {  	v4 =	vld [tilespmem:s11+$0xFFFFFFF0];
	[tilespmem:s10+$0x0] =	vst v1;
	s10 =	smov.u32 s11  }
0x32c: {  	v1 =	vld.idx.msk [tilespmem:v2+s18+$0x0], $0xffff  }
0x32d: {  	v5 =	vld [tilespmem:s11+$0x10]  }
0x32e: {  	v6 =	vld [tilespmem:s11+$0xFFFFFFE0]  }
.Ltmp12:
0x32f: {  	v2 =	vmov s15;
	v3 =	vld [tilespmem:s11+$0x0];
	(pc) =	sbr.rel @p1 .LBB2_7-.Ltmp12, $4  }
0x330: {  	s15 =	sand.u32 $0xFFFFFFF0, s15;
	v2 =	vand.u32 $0xF, v2  }
0x331: {  	v2 =	vor.u32 s15, v2  }
0x332: {  	v2 =	vbroadcast v2, $0x0;
	v41 =	vmul.f32 v5, v1  }
0x333: {  	v4 =	vmul.f32 v4, v1;
	v5 =	vmul.f32 v6, v1  }
0x334: {  	[tilespmem:s10+$0x10] =	vst v41  }
0x335: {  	v1 =	vmul.f32 v3, v1;
	[tilespmem:s10+$0xFFFFFFE0] =	vst v5  }
0x336: {  	s11 =	sadd.s32 $0x40, s11;
	[tilespmem:s10+$0xFFFFFFF0] =	vst v4  }
0x337: {  	v3 =	vld [tilespmem:s11+$0xFFFFFFF0];
	[tilespmem:s10+$0x0] =	vst v1  }
0x338: {  	v1 =	vld.idx.msk [tilespmem:v2+s18+$0x0], $0xffff  }
0x339: {  	v2 =	vld [tilespmem:s11+$0x10]  }
0x33a: {  	v4 =	vld [tilespmem:s11+$0xFFFFFFE0];
	_ =	sdelay $0x1  }
0x33b: {  	v5 =	vld [tilespmem:s11+$0x0];
	_ =	sdelay $0x1  }
0x33c: {  	v2 =	vmul.f32 v2, v1  }
0x33d: {  	v4 =	vmul.f32 v4, v1  }
0x33e: {  	v3 =	vmul.f32 v3, v1;
	[tilespmem:s11+$0x10] =	vst v2  }
0x33f: {  	s10 =	simm.s32 $0x0;
	v1 =	vmul.f32 v5, v1;
	[tilespmem:s11+$0xFFFFFFE0] =	vst v4  }
0x340: {  	s24 =	sor.u32 $0x80, s10;
	[tilespmem:s11+$0xFFFFFFF0] =	vst v3  }
0x341: {  	s15 =	rddreg [dreg:$0x11];
	[tilespmem:s11+$0x0] =	vst v1;
	v1 =	vmov s10;
	s11 =	sand.u32 $0xFFFFFFF0, s24  }
0x342: {  	[hbm4b:s15+s10] =	stream.linear.scatter [tilespmem:s16], [sflag:$0x3], $0x2000, $0x38;
	v1 =	vand.u32 $0xF, v1;
	[tilespmem:$0x1F480] =	vst v63  }
0x343: {  	_ =	swait.ge [sflag:s29], $0x2000;
	v1 =	vor.u32 s11, v1  }
0x344: {  	[sflag:s29] =	ssyncset.done $0x0;
	v1 =	vbroadcast v1, $0x0  }
0x345: {  	[sflag:s29] =	ssyncadd.s32 $0xFFFFE000  }
0x346: {  	_ =	swait.ge [sflag:s30], $0x2000  }
0x347: {  	[sflag:s30] =	ssyncset.done $0x0  }
0x348: {  	s12 =	rddreg [dreg:$0xe];
	[sflag:s30] =	ssyncadd.s32 $0xFFFFE000  }
0x349: {  	[tilespmem:s16], [sflag:$0x1] =	stream.linear.gather [hbm4b:s12+s10], $0x2000, $0x38;
	[tilespmem:$0x1F480] =	vst v63  }
0x34a: {  	s10 =	simm.s32 $0xC020;
	v1 =	vld.idx.msk [tilespmem:v1+s18+$0x0], $0xffff  }
0x34b: {  	v4 =	vld [tilespmem:s10+$0x10];
	_ =	sdelay $0x1  }
0x34c: {  	v3 =	vld [tilespmem:s10+$0xFFFFFFF0]  }
0x34d: {  	s15 =	simm.s32 $0x1;
	v6 =	vld [tilespmem:s10+$0x0]  }
0x34e: {  	v2 =	vmov s15;
	s12 =	sor.u32 $0x80, s15  }
0x34f: {  	v2 =	vand.u32 $0xF, v2;
	s24 =	sand.u32 $0xFFFFFFF0, s12;
	v5 =	vmul.f32 v4, v1;
	v4 =	vld [tilespmem:s10+$0xFFFFFFE0]  }
0x350: {  	v2 =	vor.u32 s24, v2  }
0x351: {  	v2 =	vbroadcast v2, $0x0  }
0x352: {  	s11 =	simm.s32 $0xC020;
	s12 =	simm.s32 $0x2;
	v3 =	vmul.f32 v3, v1;
	v41 =	vmul.f32 v6, v1  }
.LBB2_9:
0x353: {  	p1 =	sne.s32 s12, $0x7F  }
0x354: {  	v1 =	vmul.f32 v4, v1;
	[tilespmem:s10+$0x10] =	vst v5;
	s11 =	sadd.s32 $0x40, s11;
	s15 =	smov.u32 s12;
	s12 =	sadd.s32 $0x1, s12  }
0x355: {  	[tilespmem:s10+$0x0] =	vst v41  }
0x356: {  	[tilespmem:s10+$0xFFFFFFE0] =	vst v1  }
0x357: {  	v6 =	vld [tilespmem:s11+$0xFFFFFFF0];
	[tilespmem:s10+$0xFFFFFFF0] =	vst v3;
	s10 =	smov.u32 s11  }
0x358: {  	v1 =	vld.idx.msk [tilespmem:v2+s18+$0x0], $0xffff  }
0x359: {  	v3 =	vld [tilespmem:s11+$0x10]  }
0x35a: {  	v7 =	vld [tilespmem:s11+$0x0]  }
.Ltmp13:
0x35b: {  	s24 =	sor.u32 $0x80, s15;
	v2 =	vmov s15;
	v4 =	vld [tilespmem:s11+$0xFFFFFFE0];
	(pc) =	sbr.rel @p1 .LBB2_9-.Ltmp13, $4  }
0x35c: {  	s15 =	sand.u32 $0xFFFFFFF0, s24;
	v2 =	vand.u32 $0xF, v2  }
0x35d: {  	v2 =	vor.u32 s15, v2  }
0x35e: {  	v2 =	vbroadcast v2, $0x0;
	v5 =	vmul.f32 v3, v1  }
0x35f: {  	v3 =	vmul.f32 v6, v1;
	v41 =	vmul.f32 v7, v1  }
0x360: {  	v1 =	vmul.f32 v4, v1;
	[tilespmem:s10+$0x10] =	vst v5  }
0x361: {  	[tilespmem:s10+$0x0] =	vst v41  }
0x362: {  	s11 =	sadd.s32 $0x40, s11;
	[tilespmem:s10+$0xFFFFFFE0] =	vst v1  }
0x363: {  	v1 =	vld [tilespmem:s11+$0xFFFFFFF0];
	[tilespmem:s10+$0xFFFFFFF0] =	vst v3  }
0x364: {  	v2 =	vld.idx.msk [tilespmem:v2+s18+$0x0], $0xffff  }
0x365: {  	v3 =	vld [tilespmem:s11+$0x10]  }
0x366: {  	v4 =	vld [tilespmem:s11+$0x0]  }
0x367: {  	v5 =	vld [tilespmem:s11+$0xFFFFFFE0];
	_ =	sdelay $0x2  }
0x368: {  	v3 =	vmul.f32 v3, v2  }
0x369: {  	v4 =	vmul.f32 v4, v2  }
0x36a: {  	v5 =	vmul.f32 v5, v2;
	[tilespmem:s11+$0x10] =	vst v3  }
0x36b: {  	s10 =	simm.s32 $0x0;
	v1 =	vmul.f32 v1, v2;
	[tilespmem:s11+$0x0] =	vst v4  }
0x36c: {  	s24 =	sor.u32 $0x100, s10;
	[tilespmem:s11+$0xFFFFFFE0] =	vst v5  }
0x36d: {  	s15 =	rddreg [dreg:$0x14];
	[tilespmem:s11+$0xFFFFFFF0] =	vst v1;
	v1 =	vmov s10;
	s11 =	sand.u32 $0xFFFFFFF0, s24  }
0x36e: {  	[hbm4b:s15+s10] =	stream.linear.scatter [tilespmem:s1], [sflag:$0x4], $0x2000, $0x38;
	v1 =	vand.u32 $0xF, v1;
	[tilespmem:$0x1F480] =	vst v63  }
0x36f: {  	_ =	swait.ge [sflag:s28], $0x2000;
	v1 =	vor.u32 s11, v1  }
0x370: {  	[sflag:s28] =	ssyncset.done $0x0;
	v1 =	vbroadcast v1, $0x0  }
0x371: {  	[sflag:s28] =	ssyncadd.s32 $0xFFFFE000  }
0x372: {  	_ =	swait.ge [sflag:s31], $0x2000  }
0x373: {  	[sflag:s31] =	ssyncset.done $0x0  }
0x374: {  	s12 =	rddreg [dreg:$0xf];
	[sflag:s31] =	ssyncadd.s32 $0xFFFFE000  }
0x375: {  	[tilespmem:s1], [sflag:$0x2] =	stream.linear.gather [hbm4b:s12+s10], $0x2000, $0x38;
	[tilespmem:$0x1F480] =	vst v63  }
0x376: {  	s10 =	simm.s32 $0xA020;
	v1 =	vld.idx.msk [tilespmem:v1+s18+$0x0], $0xffff  }
0x377: {  	v4 =	vld [tilespmem:s10+$0x10];
	_ =	sdelay $0x1  }
0x378: {  	v3 =	vld [tilespmem:s10+$0xFFFFFFF0]  }
0x379: {  	s15 =	simm.s32 $0x1;
	v6 =	vld [tilespmem:s10+$0x0]  }
0x37a: {  	v2 =	vmov s15;
	s12 =	sor.u32 $0x100, s15  }
0x37b: {  	v2 =	vand.u32 $0xF, v2;
	s24 =	sand.u32 $0xFFFFFFF0, s12;
	v5 =	vmul.f32 v4, v1;
	v4 =	vld [tilespmem:s10+$0xFFFFFFE0]  }
0x37c: {  	v2 =	vor.u32 s24, v2  }
0x37d: {  	v2 =	vbroadcast v2, $0x0  }
0x37e: {  	s11 =	simm.s32 $0xA020;
	s12 =	simm.s32 $0x2;
	v3 =	vmul.f32 v3, v1;
	v41 =	vmul.f32 v6, v1  }
.LBB2_11:
0x37f: {  	p1 =	sne.s32 s12, $0x7F  }
0x380: {  	v1 =	vmul.f32 v4, v1;
	[tilespmem:s10+$0x10] =	vst v5;
	s11 =	sadd.s32 $0x40, s11;
	s15 =	smov.u32 s12;
	s12 =	sadd.s32 $0x1, s12  }
0x381: {  	[tilespmem:s10+$0x0] =	vst v41  }
0x382: {  	[tilespmem:s10+$0xFFFFFFE0] =	vst v1  }
0x383: {  	v6 =	vld [tilespmem:s11+$0xFFFFFFF0];
	[tilespmem:s10+$0xFFFFFFF0] =	vst v3;
	s10 =	smov.u32 s11  }
0x384: {  	v1 =	vld.idx.msk [tilespmem:v2+s18+$0x0], $0xffff  }
0x385: {  	v3 =	vld [tilespmem:s11+$0x10]  }
0x386: {  	v7 =	vld [tilespmem:s11+$0x0]  }
.Ltmp14:
0x387: {  	s24 =	sor.u32 $0x100, s15;
	v2 =	vmov s15;
	v4 =	vld [tilespmem:s11+$0xFFFFFFE0];
	(pc) =	sbr.rel @p1 .LBB2_11-.Ltmp14, $4  }
0x388: {  	s15 =	sand.u32 $0xFFFFFFF0, s24;
	v2 =	vand.u32 $0xF, v2  }
0x389: {  	v2 =	vor.u32 s15, v2  }
0x38a: {  	v2 =	vbroadcast v2, $0x0;
	v5 =	vmul.f32 v3, v1  }
0x38b: {  	v3 =	vmul.f32 v6, v1;
	v41 =	vmul.f32 v7, v1  }
0x38c: {  	v1 =	vmul.f32 v4, v1;
	[tilespmem:s10+$0x10] =	vst v5  }
0x38d: {  	[tilespmem:s10+$0x0] =	vst v41  }
0x38e: {  	s11 =	sadd.s32 $0x40, s11;
	[tilespmem:s10+$0xFFFFFFE0] =	vst v1  }
0x38f: {  	v1 =	vld [tilespmem:s11+$0xFFFFFFF0];
	[tilespmem:s10+$0xFFFFFFF0] =	vst v3  }
0x390: {  	v2 =	vld.idx.msk [tilespmem:v2+s18+$0x0], $0xffff  }
0x391: {  	v3 =	vld [tilespmem:s11+$0x10]  }
0x392: {  	v4 =	vld [tilespmem:s11+$0x0]  }
0x393: {  	v5 =	vld [tilespmem:s11+$0xFFFFFFE0];
	_ =	sdelay $0x2  }
0x394: {  	v3 =	vmul.f32 v3, v2  }
0x395: {  	v4 =	vmul.f32 v4, v2  }
0x396: {  	v5 =	vmul.f32 v5, v2;
	[tilespmem:s11+$0x10] =	vst v3  }
0x397: {  	s10 =	simm.s32 $0x0;
	v1 =	vmul.f32 v1, v2;
	[tilespmem:s11+$0x0] =	vst v4  }
0x398: {  	s24 =	sor.u32 $0x180, s10;
	[tilespmem:s11+$0xFFFFFFE0] =	vst v5  }
0x399: {  	s15 =	rddreg [dreg:$0x17];
	[tilespmem:s11+$0xFFFFFFF0] =	vst v1;
	v1 =	vmov s10;
	s11 =	sand.u32 $0xFFFFFFF0, s24  }
0x39a: {  	[hbm4b:s15+s10] =	stream.linear.scatter [tilespmem:s16], [sflag:$0x3], $0x2000, $0x38;
	v1 =	vand.u32 $0xF, v1;
	[tilespmem:$0x1F480] =	vst v63  }
0x39b: {  	_ =	swait.ge [sflag:s29], $0x2000;
	v1 =	vor.u32 s11, v1  }
0x39c: {  	[sflag:s29] =	ssyncset.done $0x0;
	v1 =	vbroadcast v1, $0x0  }
0x39d: {  	[sflag:s29] =	ssyncadd.s32 $0xFFFFE000  }
0x39e: {  	_ =	swait.ge [sflag:s30], $0x2000  }
0x39f: {  	[sflag:s30] =	ssyncset.done $0x0  }
0x3a0: {  	s12 =	rddreg [dreg:$0x10];
	[sflag:s30] =	ssyncadd.s32 $0xFFFFE000  }
0x3a1: {  	[tilespmem:s16], [sflag:$0x1] =	stream.linear.gather [hbm4b:s12+s10], $0x2000, $0x38;
	[tilespmem:$0x1F480] =	vst v63  }
0x3a2: {  	s10 =	simm.s32 $0xC020;
	v1 =	vld.idx.msk [tilespmem:v1+s18+$0x0], $0xffff  }
0x3a3: {  	v4 =	vld [tilespmem:s10+$0x10];
	_ =	sdelay $0x1  }
0x3a4: {  	v3 =	vld [tilespmem:s10+$0xFFFFFFF0]  }
0x3a5: {  	s15 =	simm.s32 $0x1;
	v6 =	vld [tilespmem:s10+$0x0]  }
0x3a6: {  	v2 =	vmov s15;
	s12 =	sor.u32 $0x180, s15  }
0x3a7: {  	v2 =	vand.u32 $0xF, v2;
	s24 =	sand.u32 $0xFFFFFFF0, s12;
	v5 =	vmul.f32 v4, v1;
	v4 =	vld [tilespmem:s10+$0xFFFFFFE0]  }
0x3a8: {  	v2 =	vor.u32 s24, v2  }
0x3a9: {  	v2 =	vbroadcast v2, $0x0  }
0x3aa: {  	s11 =	simm.s32 $0xC020;
	s12 =	simm.s32 $0x2;
	v3 =	vmul.f32 v3, v1;
	v41 =	vmul.f32 v6, v1  }
.LBB2_13:
0x3ab: {  	p1 =	sne.s32 s12, $0x7F  }
0x3ac: {  	v1 =	vmul.f32 v4, v1;
	[tilespmem:s10+$0x10] =	vst v5;
	s11 =	sadd.s32 $0x40, s11;
	s15 =	smov.u32 s12;
	s12 =	sadd.s32 $0x1, s12  }
0x3ad: {  	[tilespmem:s10+$0x0] =	vst v41  }
0x3ae: {  	[tilespmem:s10+$0xFFFFFFE0] =	vst v1  }
0x3af: {  	v6 =	vld [tilespmem:s11+$0xFFFFFFF0];
	[tilespmem:s10+$0xFFFFFFF0] =	vst v3;
	s10 =	smov.u32 s11  }
0x3b0: {  	v1 =	vld.idx.msk [tilespmem:v2+s18+$0x0], $0xffff  }
0x3b1: {  	v3 =	vld [tilespmem:s11+$0x10]  }
0x3b2: {  	v7 =	vld [tilespmem:s11+$0x0]  }
.Ltmp15:
0x3b3: {  	s24 =	sor.u32 $0x180, s15;
	v2 =	vmov s15;
	v4 =	vld [tilespmem:s11+$0xFFFFFFE0];
	(pc) =	sbr.rel @p1 .LBB2_13-.Ltmp15, $4  }
0x3b4: {  	s15 =	sand.u32 $0xFFFFFFF0, s24;
	v2 =	vand.u32 $0xF, v2  }
0x3b5: {  	v2 =	vor.u32 s15, v2  }
0x3b6: {  	v2 =	vbroadcast v2, $0x0;
	v5 =	vmul.f32 v3, v1  }
0x3b7: {  	v3 =	vmul.f32 v6, v1;
	v41 =	vmul.f32 v7, v1  }
0x3b8: {  	v1 =	vmul.f32 v4, v1;
	[tilespmem:s10+$0x10] =	vst v5  }
0x3b9: {  	[tilespmem:s10+$0x0] =	vst v41  }
0x3ba: {  	s11 =	sadd.s32 $0x40, s11;
	[tilespmem:s10+$0xFFFFFFE0] =	vst v1  }
0x3bb: {  	v1 =	vld [tilespmem:s11+$0xFFFFFFF0];
	[tilespmem:s10+$0xFFFFFFF0] =	vst v3  }
0x3bc: {  	v2 =	vld.idx.msk [tilespmem:v2+s18+$0x0], $0xffff  }
0x3bd: {  	v3 =	vld [tilespmem:s11+$0x10]  }
0x3be: {  	v4 =	vld [tilespmem:s11+$0x0]  }
0x3bf: {  	v5 =	vld [tilespmem:s11+$0xFFFFFFE0];
	_ =	sdelay $0x2  }
0x3c0: {  	v3 =	vmul.f32 v3, v2  }
0x3c1: {  	v4 =	vmul.f32 v4, v2  }
0x3c2: {  	v5 =	vmul.f32 v5, v2;
	[tilespmem:s11+$0x10] =	vst v3  }
0x3c3: {  	v1 =	vmul.f32 v1, v2;
	[tilespmem:s11+$0x0] =	vst v4  }
0x3c4: {  	s12 =	simm.s32 $0x0;
	[tilespmem:s11+$0xFFFFFFE0] =	vst v5  }
0x3c5: {  	s15 =	rddreg [dreg:$0x1c];
	s24 =	sor.u32 $0x200, s12;
	[tilespmem:s11+$0xFFFFFFF0] =	vst v1  }
0x3c6: {  	v1 =	vmov s12;
	[hbm4b:s15+s12] =	stream.linear.scatter [tilespmem:s1], [sflag:$0x4], $0x2000, $0x38;
	[tilespmem:$0x1F480] =	vst v63  }
0x3c7: {  	s12 =	sand.u32 $0xFFFFFFF0, s24;
	v1 =	vand.u32 $0xF, v1  }
0x3c8: {  	_ =	swait.ge [sflag:s28], $0x2000;
	v1 =	vor.u32 s12, v1  }
0x3c9: {  	[sflag:s28] =	ssyncset.done $0x0;
	v1 =	vbroadcast v1, $0x0  }
0x3ca: {  	[sflag:s28] =	ssyncadd.s32 $0xFFFFE000  }
0x3cb: {  	_ =	swait.ge [sflag:s31], $0x2000  }
0x3cc: {  	[sflag:s31] =	ssyncset.done $0x0  }
0x3cd: {  	s10 =	simm.s32 $0xA020;
	[sflag:s31] =	ssyncadd.s32 $0xFFFFE000  }
0x3ce: {  	v4 =	vld [tilespmem:s10+$0x10]  }
0x3cf: {  	v1 =	vld.idx.msk [tilespmem:v1+s18+$0x0], $0xffff;
	_ =	sdelay $0x1  }
0x3d0: {  	v3 =	vld [tilespmem:s10+$0xFFFFFFF0]  }
0x3d1: {  	s15 =	simm.s32 $0x1;
	v6 =	vld [tilespmem:s10+$0x0]  }
0x3d2: {  	s12 =	sor.u32 $0x200, s15;
	v2 =	vmov s15  }
0x3d3: {  	s24 =	sand.u32 $0xFFFFFFF0, s12;
	v2 =	vand.u32 $0xF, v2;
	v5 =	vmul.f32 v4, v1;
	v4 =	vld [tilespmem:s10+$0xFFFFFFE0]  }
0x3d4: {  	v2 =	vor.u32 s24, v2  }
0x3d5: {  	v2 =	vbroadcast v2, $0x0  }
0x3d6: {  	s11 =	simm.s32 $0xA020;
	s12 =	simm.s32 $0x2;
	v3 =	vmul.f32 v3, v1;
	v41 =	vmul.f32 v6, v1  }
.LBB2_15:
0x3d7: {  	p1 =	sne.s32 s12, $0x7F  }
0x3d8: {  	v1 =	vmul.f32 v4, v1;
	[tilespmem:s10+$0x10] =	vst v5;
	s11 =	sadd.s32 $0x40, s11;
	s15 =	smov.u32 s12;
	s12 =	sadd.s32 $0x1, s12  }
0x3d9: {  	[tilespmem:s10+$0x0] =	vst v41  }
0x3da: {  	[tilespmem:s10+$0xFFFFFFE0] =	vst v1  }
0x3db: {  	v6 =	vld [tilespmem:s11+$0xFFFFFFF0];
	[tilespmem:s10+$0xFFFFFFF0] =	vst v3;
	s10 =	smov.u32 s11  }
0x3dc: {  	v1 =	vld.idx.msk [tilespmem:v2+s18+$0x0], $0xffff  }
0x3dd: {  	v3 =	vld [tilespmem:s11+$0x10]  }
0x3de: {  	v7 =	vld [tilespmem:s11+$0x0]  }
.Ltmp16:
0x3df: {  	s24 =	sor.u32 $0x200, s15;
	v2 =	vmov s15;
	v4 =	vld [tilespmem:s11+$0xFFFFFFE0];
	(pc) =	sbr.rel @p1 .LBB2_15-.Ltmp16, $4  }
0x3e0: {  	s15 =	sand.u32 $0xFFFFFFF0, s24;
	v2 =	vand.u32 $0xF, v2  }
0x3e1: {  	v2 =	vor.u32 s15, v2  }
0x3e2: {  	v2 =	vbroadcast v2, $0x0;
	v5 =	vmul.f32 v3, v1  }
0x3e3: {  	v3 =	vmul.f32 v6, v1;
	v41 =	vmul.f32 v7, v1  }
0x3e4: {  	v1 =	vmul.f32 v4, v1;
	[tilespmem:s10+$0x10] =	vst v5  }
0x3e5: {  	[tilespmem:s10+$0x0] =	vst v41  }
0x3e6: {  	s11 =	sadd.s32 $0x40, s11;
	[tilespmem:s10+$0xFFFFFFE0] =	vst v1  }
0x3e7: {  	v1 =	vld [tilespmem:s11+$0xFFFFFFF0];
	[tilespmem:s10+$0xFFFFFFF0] =	vst v3  }
0x3e8: {  	v2 =	vld.idx.msk [tilespmem:v2+s18+$0x0], $0xffff  }
0x3e9: {  	v3 =	vld [tilespmem:s11+$0x10]  }
0x3ea: {  	v63 =	vld [tilespmem:s11+$0x0]  }
0x3eb: {  	v5 =	vld [tilespmem:s11+$0xFFFFFFE0];
	_ =	sdelay $0x2  }
0x3ec: {  	v3 =	vmul.f32 v3, v2  }
0x3ed: {  	v4 =	vmul.f32 v63, v2  }
0x3ee: {  	v5 =	vmul.f32 v5, v2;
	[tilespmem:s11+$0x10] =	vst v3  }
0x3ef: {  	v1 =	vmul.f32 v1, v2;
	[tilespmem:s11+$0x0] =	vst v4  }
0x3f0: {  	[tilespmem:s11+$0xFFFFFFE0] =	vst v5  }
0x3f1: {  	s12 =	simm.s32 $0x0;
	s15 =	rddreg [dreg:$0x1e];
	[tilespmem:s11+$0xFFFFFFF0] =	vst v1  }
0x3f2: {  	[hbm4b:s15+s12] =	stream.linear.scatter [tilespmem:s16], [sflag:$0x3], $0x2000, $0x38;
	[tilespmem:$0x1F480] =	vst v63  }
0x3f3: {  	_ =	swait.ge [sflag:s30], $0x2000  }
0x3f4: {  	[sflag:s30] =	ssyncset.done $0x0  }
0x3f5: {  	[sflag:s30] =	ssyncadd.s32 $0xFFFFE000  }
0x3f6: {  	[bflag:$0x0] =	sbarrier.arrive $0xFFFF  }
0x3f7: {  	[tilespmem:s16], [sflag:$0x1] =	stream.indirect.gather [hbm4b:s8+s0], $0x40, s12, s0, $0xb8;
	[tilespmem:$0x1F480] =	vst v63  }
0x3f8: {  	_ = 	snop  }
0x3f9: {  	[tilespmem:s1], [sflag:$0x2] =	stream.indirect.gather [hbm4b:s8+s0], $0x40, s0, s0, $0xb8;
	[tilespmem:$0x1F480] =	vst v63  }
0x3fa: {  	s24 =	simm.s32 $0x100  }
0x3fb: {  	[tilespmem:s21], [sflag:$0x3] =	stream.indirect.gather [hbm4b:s8+s0], $0x40, s24, s0, $0xb8;
	[tilespmem:$0x1F480] =	vst v63  }
0x3fc: {  	s11 =	simm.s32 $0x180  }
0x3fd: {  	[tilespmem:s19], [sflag:$0x4] =	stream.indirect.gather [hbm4b:s8+s0], $0x40, s11, s0, $0xb8;
	[tilespmem:$0x1F480] =	vst v63  }
0x3fe: {  	_ =	swait.ge [sflag:s28], $0x2000  }
0x3ff: {  	[sflag:s28] =	ssyncset.done $0x0  }
0x400: {  	s12 =	simm.s32 $0x5000;
	[sflag:s28] =	ssyncadd.s32 $0xFFFFE000  }
0x401: {  	[spmem:s2] =	stream.indirect.scatter.add.f32 [tilespmem:s16], [sflag:$0x1], $0x40, s12, s0, $0xb8;
	[tilespmem:$0x1F480] =	vst v63  }
0x402: {  	_ =	swait.ge [sflag:s29], $0x2000  }
0x403: {  	[sflag:s29] =	ssyncset.done $0x0  }
0x404: {  	s15 =	simm.s32 $0x5080;
	[sflag:s29] =	ssyncadd.s32 $0xFFFFE000  }
0x405: {  	[spmem:s2] =	stream.indirect.scatter.add.f32 [tilespmem:s1], [sflag:$0x2], $0x40, s15, s0, $0xb8;
	[tilespmem:$0x1F480] =	vst v63  }
0x406: {  	_ =	swait.ge [sflag:s30], $0x2000  }
0x407: {  	[sflag:s30] =	ssyncset.done $0x0  }
0x408: {  	s24 =	simm.s32 $0x5100;
	[sflag:s30] =	ssyncadd.s32 $0xFFFFE000  }
0x409: {  	[spmem:s2] =	stream.indirect.scatter.add.f32 [tilespmem:s21], [sflag:$0x3], $0x40, s24, s0, $0xb8;
	[tilespmem:$0x1F480] =	vst v63  }
0x40a: {  	_ =	swait.ge [sflag:s31], $0x2000  }
0x40b: {  	[sflag:s31] =	ssyncset.done $0x0  }
0x40c: {  	s11 =	simm.s32 $0x5180;
	[sflag:s31] =	ssyncadd.s32 $0xFFFFE000  }
0x40d: {  	[spmem:s2] =	stream.indirect.scatter.add.f32 [tilespmem:s19], [sflag:$0x4], $0x40, s11, s0, $0xb8;
	[tilespmem:$0x1F480] =	vst v63  }
0x40e: {  	_ =	swait.ge [sflag:s28], $0x2000  }
0x40f: {  	[sflag:s28] =	ssyncset.done $0x0  }
0x410: {  	s12 =	simm.s32 $0x200;
	[sflag:s28] =	ssyncadd.s32 $0xFFFFE000  }
0x411: {  	[tilespmem:s16], [sflag:$0x1] =	stream.indirect.gather [hbm4b:s8+s0], $0x40, s12, s0, $0xb8;
	[tilespmem:$0x1F480] =	vst v63  }
0x412: {  	_ =	swait.ge [sflag:s29], $0x2000  }
0x413: {  	[sflag:s29] =	ssyncset.done $0x0  }
0x414: {  	s15 =	simm.s32 $0x280;
	[sflag:s29] =	ssyncadd.s32 $0xFFFFE000  }
0x415: {  	[tilespmem:s1], [sflag:$0x2] =	stream.indirect.gather [hbm4b:s8+s0], $0x40, s15, s0, $0xb8;
	[tilespmem:$0x1F480] =	vst v63  }
0x416: {  	_ =	swait.ge [sflag:s30], $0x2000  }
0x417: {  	[sflag:s30] =	ssyncset.done $0x0  }
0x418: {  	s24 =	simm.s32 $0x300;
	[sflag:s30] =	ssyncadd.s32 $0xFFFFE000  }
0x419: {  	[tilespmem:s21], [sflag:$0x3] =	stream.indirect.gather [hbm4b:s8+s0], $0x40, s24, s0, $0xb8;
	[tilespmem:$0x1F480] =	vst v63  }
0x41a: {  	_ =	swait.ge [sflag:s31], $0x2000  }
0x41b: {  	[sflag:s31] =	ssyncset.done $0x0  }
0x41c: {  	s10 =	simm.s32 $0x800;
	s11 =	simm.s32 $0x380;
	[sflag:s31] =	ssyncadd.s32 $0xFFFFE000  }
.LBB2_17:
0x41d: {  	[tilespmem:s19], [sflag:$0x4] =	stream.indirect.gather [hbm4b:s8+s0], $0x40, s11, s0, $0xb8;
	[tilespmem:$0x1F480] =	vst v63  }
0x41e: {  	s11 =	smov.u32 s10  }
0x41f: {  	p1 =	seq.s32 s10, $0x13000;
	s10 =	sadd.s32 $0x800, s10;
	_ =	swait.ge [sflag:s28], $0x2000  }
0x420: {  	s11 =	sshra.s32 s11, $0x2;
	[sflag:s28] =	ssyncset.done $0x0  }
0x421: {  	s12 =	sadd.s32 $0x5000, s11;
	[sflag:s28] =	ssyncadd.s32 $0xFFFFE000  }
0x422: {  	[spmem:s2] =	stream.indirect.scatter.add.f32 [tilespmem:s16], [sflag:$0x1], $0x40, s12, s0, $0xb8;
	[tilespmem:$0x1F480] =	vst v63  }
0x423: {  	_ =	swait.ge [sflag:s29], $0x2000  }
0x424: {  	[sflag:s29] =	ssyncset.done $0x0  }
0x425: {  	s12 =	sadd.s32 $0x5080, s11;
	[sflag:s29] =	ssyncadd.s32 $0xFFFFE000  }
0x426: {  	[spmem:s2] =	stream.indirect.scatter.add.f32 [tilespmem:s1], [sflag:$0x2], $0x40, s12, s0, $0xb8;
	[tilespmem:$0x1F480] =	vst v63  }
0x427: {  	_ =	swait.ge [sflag:s30], $0x2000  }
0x428: {  	[sflag:s30] =	ssyncset.done $0x0  }
0x429: {  	s12 =	sadd.s32 $0x5100, s11;
	[sflag:s30] =	ssyncadd.s32 $0xFFFFE000  }
0x42a: {  	[spmem:s2] =	stream.indirect.scatter.add.f32 [tilespmem:s21], [sflag:$0x3], $0x40, s12, s0, $0xb8;
	[tilespmem:$0x1F480] =	vst v63  }
0x42b: {  	_ =	swait.ge [sflag:s31], $0x2000  }
0x42c: {  	[sflag:s31] =	ssyncset.done $0x0  }
0x42d: {  	s12 =	sadd.s32 $0x5180, s11;
	[sflag:s31] =	ssyncadd.s32 $0xFFFFE000  }
0x42e: {  	[spmem:s2] =	stream.indirect.scatter.add.f32 [tilespmem:s19], [sflag:$0x4], $0x40, s12, s0, $0xb8;
	[tilespmem:$0x1F480] =	vst v63  }
0x42f: {  	_ =	swait.ge [sflag:s28], $0x2000  }
0x430: {  	[sflag:s28] =	ssyncset.done $0x0  }
0x431: {  	s12 =	sadd.s32 $0x200, s11;
	[sflag:s28] =	ssyncadd.s32 $0xFFFFE000  }
0x432: {  	[tilespmem:s16], [sflag:$0x1] =	stream.indirect.gather [hbm4b:s8+s0], $0x40, s12, s0, $0xb8;
	[tilespmem:$0x1F480] =	vst v63  }
0x433: {  	_ =	swait.ge [sflag:s29], $0x2000  }
0x434: {  	[sflag:s29] =	ssyncset.done $0x0  }
0x435: {  	s12 =	sadd.s32 $0x280, s11;
	[sflag:s29] =	ssyncadd.s32 $0xFFFFE000  }
0x436: {  	[tilespmem:s1], [sflag:$0x2] =	stream.indirect.gather [hbm4b:s8+s0], $0x40, s12, s0, $0xb8;
	[tilespmem:$0x1F480] =	vst v63  }
0x437: {  	_ =	swait.ge [sflag:s30], $0x2000  }
0x438: {  	[sflag:s30] =	ssyncset.done $0x0  }
.Ltmp17:
0x439: {  	s12 =	sadd.s32 $0x300, s11;
	[sflag:s30] =	ssyncadd.s32 $0xFFFFE000;
	(pc) =	sbr.rel @!p1 .LBB2_17-.Ltmp17, $4  }
0x43a: {  	[tilespmem:s21], [sflag:$0x3] =	stream.indirect.gather [hbm4b:s8+s0], $0x40, s12, s0, $0xb8;
	[tilespmem:$0x1F480] =	vst v63  }
0x43b: {  	_ =	swait.ge [sflag:s31], $0x2000  }
0x43c: {  	[sflag:s31] =	ssyncset.done $0x0  }
0x43d: {  	s11 =	sadd.s32 $0x380, s11;
	[sflag:s31] =	ssyncadd.s32 $0xFFFFE000  }
.Ltmp18:
0x43e: {  	(pc) =	sbr.rel .LBB2_32-.Ltmp18, $3  }
0x43f: {  	_ =	sdelay $0x1  }
0x440: {  	[tilespmem:s19], [sflag:$0x4] =	stream.indirect.gather [hbm4b:s8+s0], $0x40, s11, s0, $0xb8;
	[tilespmem:$0x1F480] =	vst v63  }
0x441: {  	s15 =	simm.s32 $0x14D00;
	s24 =	simm.s32 $0x12800  }
.LBB2_33:
0x442: {  	_ =	sfence.sel $0x180000  }
0x443: {  	[bflag:$0x0] =	sbarrier.arrive $0xFFFF  }
0x444: {  	_ =	strace $0x90000047  }
0x445: {  	s0 =	stileid.u32;
	[bflag:$0x2] =	sbarrier.arrive $0xFFFF  }
0x446: {  	p0 =	sne.s32 s0, $0x0;
	s0 =	rddreg [dreg:$0x5]  }
0x447: {  	s0 =	sadd.s32 @!p0 $0x100000, s0  }
0x448: {  	[sflag:s0] =	ssyncadd.tile.s32 @!p0 $0x1;
	_ =	shalt  }
.Lfunc_end2:
_tile_overlayer_lowered:
.L_overlay_start_2:
0x449: {  	(tag) =	ssettag $0x2  }
0x44a: {  	s0 =	rddreg [dreg:$0x0];
	s2 =	stileid.u32  }
0x44b: {  	s1 =	rddreg [dreg:$0x1];
	p0 =	sne.s32 s2, $0x0  }
0x44c: {  	s3 =	rddreg [dreg:$0x2];
	[bflag:$0x3] =	sbarrier.arrive $0xFFFF;
	s2 =	simm.s32 @!p0 $0x1C05  }
0x44d: {  	[timem:s3], [sflag:s2] =	dma.local @!p0 [hbm:s0], s1  }
0x44e: {  	s0 =	simm.s32 @!p0 $0x5  }
0x44f: {  	_ =	swait.ge @!p0 [sflag:s0], s1  }
0x450: {  	s1 =	ssub.s32 @!p0 $0x0, s1;
	[sflag:s0] =	ssyncset.done @!p0 $0x0  }
0x451: {  	[sflag:s0] =	ssyncadd.s32 @!p0 s1  }
0x452: {  	[bflag:$0x3] =	sbarrier.arrive $0xFFFF  }
0x453: {  	_ =	shalt  }

</sc_bundles>
